<compile_context>
chip_gen: v7x
topology: tpu7x:2x2x1
jax: 0.10.2.dev20260603
libtpu: 0.0.44.dev20260713+nightly
codegen_flags: <defaults>
</compile_context>

<pallas_src>
import functools

import jax
import jax.numpy as jnp
from jax import lax
from jax.experimental import pallas as pl
from jax.experimental.pallas import tpu as pltpu
from jax.experimental.pallas import tpu_sc as plsc

B = 128
V = 100000
L = 16
NG = B // L
NC, NS = 2, 16
NW = NC * NS
RPW = 4
VR = 344
NCH = 9
TAILR = 32
NEG = -3.0e38
LN2 = 0.6931471805599453


def _allreduce16(x, t, op):
    for k in (8, 4, 2, 1):
        t[pl.ds(0, L)] = x
        t[pl.ds(L, L)] = x
        x = op(x, t[pl.ds(k, L)])
    return x


def _log16(x):
    b = lax.bitcast_convert_type(x, jnp.int32)
    e = ((b >> 23) & 0xFF) - 127
    f = lax.bitcast_convert_type((b & 0x7FFFFF) | 0x3F800000, jnp.float32)
    u = f - 1.0
    y = e.astype(jnp.float32) * LN2 + u * (1.0 - 0.5 * u)
    for _ in range(3):
        y = y + x * jnp.exp(-y) - 1.0
    return y


def _reduce_body(lt_hbm, value_hbm, part_hbm, buf0, buf1, tbuf, gbuf,
                 st_v, red_t, val_v, val_sh, val_s,
                 sem0, sem1, semt, semg):
    wid = lax.axis_index("s") * NC + lax.axis_index("c")
    v0 = wid * 3120 + 8 * jnp.minimum(wid, 20)
    vlen = 3120 + 8 * jnp.where(wid < 20, 1, 0)
    iota = lax.iota(jnp.int32, L)
    g0 = wid // 4

    pltpu.sync_copy(value_hbm, val_v)
    pltpu.sync_copy(val_v, val_sh)
    pltpu.sync_copy(val_sh, val_s)
    vrow = []
    for rr in range(RPW):
        v = val_s[RPW * wid + rr]
        a8 = (v // 8) * 8
        pltpu.make_async_copy(
            lt_hbm.at[pl.ds(a8, 8), :], gbuf.at[pl.ds(rr * 8, 8), :],
            semg).start()
        vrow.append((v, a8))

    for j in range(NG):
        st_v[pl.ds(j * L, L)] = jnp.full((L,), NEG, jnp.float32)
        st_v[pl.ds((NG + j) * L, L)] = jnp.zeros((L,), jnp.float32)

    def issue(row, buf, sem, nrows):
        h = (nrows // 16) * 8
        pltpu.make_async_copy(
            lt_hbm.at[pl.ds(row, h), :], buf.at[pl.ds(0, h), :], sem).start()
        pltpu.make_async_copy(
            lt_hbm.at[pl.ds(row + h, nrows - h), :],
            buf.at[pl.ds(h, nrows - h), :], sem).start()

    def wait(buf, sem, nrows):
        h = (nrows // 16) * 8
        pltpu.make_async_copy(
            lt_hbm.at[pl.ds(0, h), :], buf.at[pl.ds(0, h), :], sem).wait()
        pltpu.make_async_copy(
            lt_hbm.at[pl.ds(0, nrows - h), :],
            buf.at[pl.ds(h, nrows - h), :], sem).wait()

    def process(buf, lo, hi):
        m = [st_v[pl.ds(j * L, L)] for j in range(NG)]
        s = [st_v[pl.ds((NG + j) * L, L)] for j in range(NG)]

        @plsc.parallel_loop(lo, hi, step=16, carry=tuple(m))
        def new_m(i, acc):
            acc = list(acc)
            rb = i // NG
            for g in range(NG):
                x0 = buf[rb, pl.ds(g * L, L)]
                x1 = buf[rb + 1, pl.ds(g * L, L)]
                acc[g] = jnp.maximum(acc[g], jnp.maximum(x0, x1))
            return tuple(acc)

        s = [s[j] * jnp.exp(m[j] - new_m[j]) for j in range(NG)]

        @plsc.parallel_loop(lo, hi, step=16, carry=tuple(s))
        def new_s(i, acc):
            acc = list(acc)
            rb = i // NG
            for g in range(NG):
                e = [jnp.exp(buf[rb + r, pl.ds(g * L, L)] - new_m[g])
                     for r in range(2)]
                acc[g] = acc[g] + (e[0] + e[1])
            return tuple(acc)

        for j in range(NG):
            st_v[pl.ds(j * L, L)] = new_m[j]
            st_v[pl.ds((NG + j) * L, L)] = new_s[j]

    tstart = jnp.minimum(v0 + NCH * VR, V - TAILR)
    tlo = (v0 + NCH * VR - tstart) * NG
    thi = tlo + (vlen - NCH * VR) * NG

    issue(v0, buf0, sem0, VR)
    issue(v0 + VR, buf1, sem1, VR)
    issue(tstart, tbuf, semt, TAILR)

    def pair(i, _):
        wait(buf0, sem0, VR)
        process(buf0, 0, VR * NG)

        @pl.when(i < 4)
        def _i0():
            issue(v0 + (2 * i + 2) * VR, buf0, sem0, VR)

        wait(buf1, sem1, VR)
        process(buf1, 0, VR * NG)

        @pl.when(i < 3)
        def _i1():
            issue(v0 + (2 * i + 3) * VR, buf1, sem1, VR)

        return _

    lax.fori_loop(0, 4, pair, None)
    wait(buf0, sem0, VR)
    process(buf0, 0, VR * NG)
    wait(tbuf, semt, TAILR)
    process(tbuf, tlo, thi)

    for rr in range(RPW):
        pltpu.make_async_copy(
            lt_hbm.at[pl.ds(0, 8), :], gbuf.at[pl.ds(rr * 8, 8), :],
            semg).wait()
    vlog = jnp.zeros((L,), jnp.float32)
    for rr in range(RPW):
        lane = (RPW * wid + rr) % L
        v, a8 = vrow[rr]
        xg = gbuf[rr * 8 + (v - a8), pl.ds(g0 * L, L)]
        vl = _allreduce16(jnp.where(iota == lane, xg, 0.0), red_t, jnp.add)
        vlog = jnp.where(iota == rr, vl, vlog)
    st_v[pl.ds(2 * NG * L, L)] = vlog

    pltpu.sync_copy(st_v, part_hbm.at[wid])


def _combine_body(part_hbm, out_hbm, part_v, out_v, red_t):
    wid = lax.axis_index("s") * NC + lax.axis_index("c")
    g0 = wid // 4
    iota = lax.iota(jnp.int32, L)

    pltpu.sync_copy(part_hbm, part_v)

    mt = [part_v[t, pl.ds(g0 * L, L)] for t in range(NW)]
    m_tot = mt[0]
    for t in range(1, NW):
        m_tot = jnp.maximum(m_tot, mt[t])
    s_tot = jnp.zeros((L,), jnp.float32)
    for t in range(NW):
        st = part_v[t, pl.ds((NG + g0) * L, L)]
        s_tot = s_tot + st * jnp.exp(mt[t] - m_tot)

    vlog = part_v[wid, pl.ds(2 * NG * L, L)]
    gv = jnp.zeros((L,), jnp.float32)
    sv = jnp.ones((L,), jnp.float32)
    for rr in range(RPW):
        lane = (RPW * wid + rr) % L
        mr = _allreduce16(jnp.where(iota == lane, m_tot, 0.0), red_t, jnp.add)
        sr = _allreduce16(jnp.where(iota == lane, s_tot, 0.0), red_t, jnp.add)
        gv = jnp.where(iota == rr, mr, gv)
        sv = jnp.where(iota == rr, sr, sv)
    out_v[...] = vlog - gv - _log16(sv)
    pltpu.sync_copy(out_v, out_hbm.at[wid])


@jax.jit
def kernel(logits, value):
    mesh = plsc.VectorSubcoreMesh(
        core_axis_name="c", subcore_axis_name="s",
        num_cores=NC, num_subcores=NS)
    lt = logits.T
    reduce_run = functools.partial(
        pl.kernel,
        out_type=jax.ShapeDtypeStruct((NW, (2 * NG + 1) * L), jnp.float32),
        mesh=mesh,
        scratch_types=[
            pltpu.VMEM((VR, B), jnp.float32),
            pltpu.VMEM((VR, B), jnp.float32),
            pltpu.VMEM((TAILR, B), jnp.float32),
            pltpu.VMEM((RPW * 8, B), jnp.float32),
            pltpu.VMEM(((2 * NG + 1) * L,), jnp.float32),
            pltpu.VMEM((2 * L,), jnp.float32),
            pltpu.VMEM((B,), jnp.int32),
            pltpu.VMEM_SHARED((B,), jnp.int32),
            pltpu.SMEM((B,), jnp.int32),
            pltpu.SemaphoreType.DMA,
            pltpu.SemaphoreType.DMA,
            pltpu.SemaphoreType.DMA,
            pltpu.SemaphoreType.DMA,
        ],
    )(_reduce_body)
    combine_run = functools.partial(
        pl.kernel,
        out_type=jax.ShapeDtypeStruct((NW, L), jnp.float32),
        mesh=mesh,
        scratch_types=[
            pltpu.VMEM((NW, (2 * NG + 1) * L), jnp.float32),
            pltpu.VMEM((L,), jnp.float32),
            pltpu.VMEM((2 * L,), jnp.float32),
        ],
    )(_combine_body)
    vi = value.astype(jnp.int32)
    part = reduce_run(lt, vi)
    out2d = combine_run(part)
    return out2d[:, :RPW].reshape(B)

# --- scband reference (transcript-rebuilt; emitter-appended) ---
"""Pipeline reference for scband-categorical-module-84207128805661 (READ-ONLY COPY).

The authoritative reference and input builder live on the scoring server;
editing this copy changes nothing except your own understanding.
"""

import jax, jax.numpy as jnp
import numpy as np

BATCH = 128
VOCAB = 100000
TEMPERATURE = 1.0


def setup_inputs(seed: int = 0) -> dict:
    key = jax.random.key(seed)
    k_logits, k_value = jax.random.split(key)
    logits = jax.random.normal(k_logits, (BATCH, VOCAB), dtype=jnp.float32)
    value = jax.random.randint(k_value, (BATCH,), 0, VOCAB, dtype=jnp.int64 if jax.config.jax_enable_x64 else jnp.int32)
    return {"logits": logits, "value": value}


def reference(logits, value):
    # CategoricalModule.log_prob: params = LogitsMap([logits / temperature]) -> Categorical(logits=...)
    scaled = logits / TEMPERATURE
    # torch Categorical normalizes logits via log_softmax over the last dim
    logp = jax.nn.log_softmax(scaled, axis=-1)
    # log_prob(value): gather per-row log-probability at the sampled index
    out = jnp.take_along_axis(logp, value[:, None].astype(jnp.int32), axis=-1).squeeze(-1)
    return out

if __name__ == "__main__":
    import jax
    _d = setup_inputs()
    print(jax.jit(kernel)(*tuple(_d.values())))

</pallas_src>

<mosaic_0001>
#map = affine_map<(d0, d1) -> (0, 0)>
module attributes {stable_mosaic.version = 14 : i64} {
  func.func @_combine_body(%arg0: i32, %arg1: i32, %arg2: memref<32x272xf32, #tpu.memory_space<hbm>>, %arg3: memref<32x16xf32, #tpu.memory_space<hbm>>, %arg4: memref<32x272xf32, #tpu.memory_space<vmem>>, %arg5: memref<16xf32, #tpu.memory_space<vmem>>, %arg6: memref<32xf32, #tpu.memory_space<vmem>>) attributes {dimension_semantics = [#tpu.dimension_semantics<core_parallel>, #tpu.dimension_semantics<subcore_parallel>], iteration_bounds = array<i64: 2, 16>, scalar_prefetch = 0 : i64, scratch_operands = 3 : i64, tpu.core_type = #tpu.core_type<sc_vector_subcore>, window_params = [{transform_indices = #map}, {transform_indices = #map}]} {
    %mul3A = arith.constant 2 : i32
    %mul3A_0 = arith.muli %arg1, %mul3A : i32
    %add3A = arith.addi %mul3A_0, %arg0 : i32
    %jit3A = arith.constant 4 : i32
    %div3A = arith.divsi %add3A, %jit3A : i32
    %sign3A = arith.constant 0 : i32
    %sign3A_1 = arith.cmpi sgt, %add3A, %sign3A : i32
    %sign3A_2 = arith.extui %sign3A_1 : i1 to i32
    %sign3A_3 = arith.constant 0 : i32
    %sign3A_4 = arith.cmpi slt, %add3A, %sign3A_3 : i32
    %sign3A_5 = arith.extui %sign3A_4 : i1 to i32
    %sign3A_6 = arith.subi %sign3A_2, %sign3A_5 : i32
    %sign3A_7 = arith.constant 0 : i32
    %sign3A_8 = arith.cmpi sgt, %jit3A, %sign3A_7 : i32
    %sign3A_9 = arith.extui %sign3A_8 : i1 to i32
    %sign3A_10 = arith.constant 0 : i32
    %sign3A_11 = arith.cmpi slt, %jit3A, %sign3A_10 : i32
    %sign3A_12 = arith.extui %sign3A_11 : i1 to i32
    %sign3A_13 = arith.subi %sign3A_9, %sign3A_12 : i32
    %ne3A = arith.cmpi ne, %sign3A_6, %sign3A_13 : i32
    %rem3A = arith.remsi %add3A, %jit3A : i32
    %ne3A_14 = arith.constant 0 : i32
    %ne3A_15 = arith.cmpi ne, %rem3A, %ne3A_14 : i32
    %and3A = arith.andi %ne3A, %ne3A_15 : i1
    %sub3A = arith.constant 1 : i32
    %sub3A_16 = arith.subi %div3A, %sub3A : i32
    %select_n3A = arith.select %and3A, %sub3A_16, %div3A : i32
    %iota3A = tpu.iota {dimensions = array<i32: 0>} : vector<16xi32>
    "tpu.region"() ({
      %run_scoped3A = tpu.sem_alloc : memref<!tpu.dma_semaphore, #tpu.memory_space<semaphore_mem>>
      tpu.enqueue_dma source(%arg2 : memref<32x272xf32, #tpu.memory_space<hbm>>) target(%arg4 : memref<32x272xf32, #tpu.memory_space<vmem>>) target_semaphore(%run_scoped3A : memref<!tpu.dma_semaphore, #tpu.memory_space<semaphore_mem>>)
      tpu.wait_dma2 semaphore(%run_scoped3A : memref<!tpu.dma_semaphore, #tpu.memory_space<semaphore_mem>>) src(%arg2 : memref<32x272xf32, #tpu.memory_space<hbm>>) dst(%arg4 : memref<32x272xf32, #tpu.memory_space<vmem>>)
      tpu.yield
    }) : () -> ()
    %mul3A_17 = arith.constant 16 : i32
    %mul3A_18 = arith.muli %select_n3A, %mul3A_17 : i32
    %get3A = arith.constant 0 : i32
    %get3A_19 = arith.index_cast %get3A : i32 to index
    %get3A_20 = arith.index_cast %mul3A_18 : i32 to index
    %get3A_21 = tpu.vector_load %arg4[%get3A_19, %get3A_20] {strides = array<i32>} : memref<32x272xf32, #tpu.memory_space<vmem>>, vector<1x16xf32>,
    %get3A_22 = vector.shape_cast %get3A_21 : vector<1x16xf32> to vector<16xf32>
    %mul3A_23 = arith.constant 16 : i32
    %mul3A_24 = arith.muli %select_n3A, %mul3A_23 : i32
    %get3A_25 = arith.constant 1 : i32
    %get3A_26 = arith.index_cast %get3A_25 : i32 to index
    %get3A_27 = arith.index_cast %mul3A_24 : i32 to index
    %get3A_28 = tpu.vector_load %arg4[%get3A_26, %get3A_27] {strides = array<i32>} : memref<32x272xf32, #tpu.memory_space<vmem>>, vector<1x16xf32>,
    %get3A_29 = vector.shape_cast %get3A_28 : vector<1x16xf32> to vector<16xf32>
    %mul3A_30 = arith.constant 16 : i32
    %mul3A_31 = arith.muli %select_n3A, %mul3A_30 : i32
    %get3A_32 = arith.constant 2 : i32
    %get3A_33 = arith.index_cast %get3A_32 : i32 to index
    %get3A_34 = arith.index_cast %mul3A_31 : i32 to index
    %get3A_35 = tpu.vector_load %arg4[%get3A_33, %get3A_34] {strides = array<i32>} : memref<32x272xf32, #tpu.memory_space<vmem>>, vector<1x16xf32>,
    %get3A_36 = vector.shape_cast %get3A_35 : vector<1x16xf32> to vector<16xf32>
    %mul3A_37 = arith.constant 16 : i32
    %mul3A_38 = arith.muli %select_n3A, %mul3A_37 : i32
    %get3A_39 = arith.constant 3 : i32
    %get3A_40 = arith.index_cast %get3A_39 : i32 to index
    %get3A_41 = arith.index_cast %mul3A_38 : i32 to index
    %get3A_42 = tpu.vector_load %arg4[%get3A_40, %get3A_41] {strides = array<i32>} : memref<32x272xf32, #tpu.memory_space<vmem>>, vector<1x16xf32>,
    %get3A_43 = vector.shape_cast %get3A_42 : vector<1x16xf32> to vector<16xf32>
    %mul3A_44 = arith.constant 16 : i32
    %mul3A_45 = arith.muli %select_n3A, %mul3A_44 : i32
    %get3A_46 = arith.constant 4 : i32
    %get3A_47 = arith.index_cast %get3A_46 : i32 to index
    %get3A_48 = arith.index_cast %mul3A_45 : i32 to index
    %get3A_49 = tpu.vector_load %arg4[%get3A_47, %get3A_48] {strides = array<i32>} : memref<32x272xf32, #tpu.memory_space<vmem>>, vector<1x16xf32>,
    %get3A_50 = vector.shape_cast %get3A_49 : vector<1x16xf32> to vector<16xf32>
    %mul3A_51 = arith.constant 16 : i32
    %mul3A_52 = arith.muli %select_n3A, %mul3A_51 : i32
    %get3A_53 = arith.constant 5 : i32
    %get3A_54 = arith.index_cast %get3A_53 : i32 to index
    %get3A_55 = arith.index_cast %mul3A_52 : i32 to index
    %get3A_56 = tpu.vector_load %arg4[%get3A_54, %get3A_55] {strides = array<i32>} : memref<32x272xf32, #tpu.memory_space<vmem>>, vector<1x16xf32>,
    %get3A_57 = vector.shape_cast %get3A_56 : vector<1x16xf32> to vector<16xf32>
    %mul3A_58 = arith.constant 16 : i32
    %mul3A_59 = arith.muli %select_n3A, %mul3A_58 : i32
    %get3A_60 = arith.constant 6 : i32
    %get3A_61 = arith.index_cast %get3A_60 : i32 to index
    %get3A_62 = arith.index_cast %mul3A_59 : i32 to index
    %get3A_63 = tpu.vector_load %arg4[%get3A_61, %get3A_62] {strides = array<i32>} : memref<32x272xf32, #tpu.memory_space<vmem>>, vector<1x16xf32>,
    %get3A_64 = vector.shape_cast %get3A_63 : vector<1x16xf32> to vector<16xf32>
    %mul3A_65 = arith.constant 16 : i32
    %mul3A_66 = arith.muli %select_n3A, %mul3A_65 : i32
    %get3A_67 = arith.constant 7 : i32
    %get3A_68 = arith.index_cast %get3A_67 : i32 to index
    %get3A_69 = arith.index_cast %mul3A_66 : i32 to index
    %get3A_70 = tpu.vector_load %arg4[%get3A_68, %get3A_69] {strides = array<i32>} : memref<32x272xf32, #tpu.memory_space<vmem>>, vector<1x16xf32>,
    %get3A_71 = vector.shape_cast %get3A_70 : vector<1x16xf32> to vector<16xf32>
    %mul3A_72 = arith.constant 16 : i32
    %mul3A_73 = arith.muli %select_n3A, %mul3A_72 : i32
    %get3A_74 = arith.constant 8 : i32
    %get3A_75 = arith.index_cast %get3A_74 : i32 to index
    %get3A_76 = arith.index_cast %mul3A_73 : i32 to index
    %get3A_77 = tpu.vector_load %arg4[%get3A_75, %get3A_76] {strides = array<i32>} : memref<32x272xf32, #tpu.memory_space<vmem>>, vector<1x16xf32>,
    %get3A_78 = vector.shape_cast %get3A_77 : vector<1x16xf32> to vector<16xf32>
    %mul3A_79 = arith.constant 16 : i32
    %mul3A_80 = arith.muli %select_n3A, %mul3A_79 : i32
    %get3A_81 = arith.constant 9 : i32
    %get3A_82 = arith.index_cast %get3A_81 : i32 to index
    %get3A_83 = arith.index_cast %mul3A_80 : i32 to index
    %get3A_84 = tpu.vector_load %arg4[%get3A_82, %get3A_83] {strides = array<i32>} : memref<32x272xf32, #tpu.memory_space<vmem>>, vector<1x16xf32>,
    %get3A_85 = vector.shape_cast %get3A_84 : vector<1x16xf32> to vector<16xf32>
    %mul3A_86 = arith.constant 16 : i32
    %mul3A_87 = arith.muli %select_n3A, %mul3A_86 : i32
    %get3A_88 = arith.constant 10 : i32
    %get3A_89 = arith.index_cast %get3A_88 : i32 to index
    %get3A_90 = arith.index_cast %mul3A_87 : i32 to index
    %get3A_91 = tpu.vector_load %arg4[%get3A_89, %get3A_90] {strides = array<i32>} : memref<32x272xf32, #tpu.memory_space<vmem>>, vector<1x16xf32>,
    %get3A_92 = vector.shape_cast %get3A_91 : vector<1x16xf32> to vector<16xf32>
    %mul3A_93 = arith.constant 16 : i32
    %mul3A_94 = arith.muli %select_n3A, %mul3A_93 : i32
    %get3A_95 = arith.constant 11 : i32
    %get3A_96 = arith.index_cast %get3A_95 : i32 to index
    %get3A_97 = arith.index_cast %mul3A_94 : i32 to index
    %get3A_98 = tpu.vector_load %arg4[%get3A_96, %get3A_97] {strides = array<i32>} : memref<32x272xf32, #tpu.memory_space<vmem>>, vector<1x16xf32>,
    %get3A_99 = vector.shape_cast %get3A_98 : vector<1x16xf32> to vector<16xf32>
    %mul3A_100 = arith.constant 16 : i32
    %mul3A_101 = arith.muli %select_n3A, %mul3A_100 : i32
    %get3A_102 = arith.constant 12 : i32
    %get3A_103 = arith.index_cast %get3A_102 : i32 to index
    %get3A_104 = arith.index_cast %mul3A_101 : i32 to index
    %get3A_105 = tpu.vector_load %arg4[%get3A_103, %get3A_104] {strides = array<i32>} : memref<32x272xf32, #tpu.memory_space<vmem>>, vector<1x16xf32>,
    %get3A_106 = vector.shape_cast %get3A_105 : vector<1x16xf32> to vector<16xf32>
    %mul3A_107 = arith.constant 16 : i32
    %mul3A_108 = arith.muli %select_n3A, %mul3A_107 : i32
    %get3A_109 = arith.constant 13 : i32
    %get3A_110 = arith.index_cast %get3A_109 : i32 to index
    %get3A_111 = arith.index_cast %mul3A_108 : i32 to index
    %get3A_112 = tpu.vector_load %arg4[%get3A_110, %get3A_111] {strides = array<i32>} : memref<32x272xf32, #tpu.memory_space<vmem>>, vector<1x16xf32>,
    %get3A_113 = vector.shape_cast %get3A_112 : vector<1x16xf32> to vector<16xf32>
    %mul3A_114 = arith.constant 16 : i32
    %mul3A_115 = arith.muli %select_n3A, %mul3A_114 : i32
    %get3A_116 = arith.constant 14 : i32
    %get3A_117 = arith.index_cast %get3A_116 : i32 to index
    %get3A_118 = arith.index_cast %mul3A_115 : i32 to index
    %get3A_119 = tpu.vector_load %arg4[%get3A_117, %get3A_118] {strides = array<i32>} : memref<32x272xf32, #tpu.memory_space<vmem>>, vector<1x16xf32>,
    %get3A_120 = vector.shape_cast %get3A_119 : vector<1x16xf32> to vector<16xf32>
    %mul3A_121 = arith.constant 16 : i32
    %mul3A_122 = arith.muli %select_n3A, %mul3A_121 : i32
    %get3A_123 = arith.constant 15 : i32
    %get3A_124 = arith.index_cast %get3A_123 : i32 to index
    %get3A_125 = arith.index_cast %mul3A_122 : i32 to index
    %get3A_126 = tpu.vector_load %arg4[%get3A_124, %get3A_125] {strides = array<i32>} : memref<32x272xf32, #tpu.memory_space<vmem>>, vector<1x16xf32>,
    %get3A_127 = vector.shape_cast %get3A_126 : vector<1x16xf32> to vector<16xf32>
    %mul3A_128 = arith.constant 16 : i32
    %mul3A_129 = arith.muli %select_n3A, %mul3A_128 : i32
    %get3A_130 = arith.constant 16 : i32
    %get3A_131 = arith.index_cast %get3A_130 : i32 to index
    %get3A_132 = arith.index_cast %mul3A_129 : i32 to index
    %get3A_133 = tpu.vector_load %arg4[%get3A_131, %get3A_132] {strides = array<i32>} : memref<32x272xf32, #tpu.memory_space<vmem>>, vector<1x16xf32>,
    %get3A_134 = vector.shape_cast %get3A_133 : vector<1x16xf32> to vector<16xf32>
    %mul3A_135 = arith.constant 16 : i32
    %mul3A_136 = arith.muli %select_n3A, %mul3A_135 : i32
    %get3A_137 = arith.constant 17 : i32
    %get3A_138 = arith.index_cast %get3A_137 : i32 to index
    %get3A_139 = arith.index_cast %mul3A_136 : i32 to index
    %get3A_140 = tpu.vector_load %arg4[%get3A_138, %get3A_139] {strides = array<i32>} : memref<32x272xf32, #tpu.memory_space<vmem>>, vector<1x16xf32>,
    %get3A_141 = vector.shape_cast %get3A_140 : vector<1x16xf32> to vector<16xf32>
    %mul3A_142 = arith.constant 16 : i32
    %mul3A_143 = arith.muli %select_n3A, %mul3A_142 : i32
    %get3A_144 = arith.constant 18 : i32
    %get3A_145 = arith.index_cast %get3A_144 : i32 to index
    %get3A_146 = arith.index_cast %mul3A_143 : i32 to index
    %get3A_147 = tpu.vector_load %arg4[%get3A_145, %get3A_146] {strides = array<i32>} : memref<32x272xf32, #tpu.memory_space<vmem>>, vector<1x16xf32>,
    %get3A_148 = vector.shape_cast %get3A_147 : vector<1x16xf32> to vector<16xf32>
    %mul3A_149 = arith.constant 16 : i32
    %mul3A_150 = arith.muli %select_n3A, %mul3A_149 : i32
    %get3A_151 = arith.constant 19 : i32
    %get3A_152 = arith.index_cast %get3A_151 : i32 to index
    %get3A_153 = arith.index_cast %mul3A_150 : i32 to index
    %get3A_154 = tpu.vector_load %arg4[%get3A_152, %get3A_153] {strides = array<i32>} : memref<32x272xf32, #tpu.memory_space<vmem>>, vector<1x16xf32>,
    %get3A_155 = vector.shape_cast %get3A_154 : vector<1x16xf32> to vector<16xf32>
    %mul3A_156 = arith.constant 16 : i32
    %mul3A_157 = arith.muli %select_n3A, %mul3A_156 : i32
    %get3A_158 = arith.constant 20 : i32
    %get3A_159 = arith.index_cast %get3A_158 : i32 to index
    %get3A_160 = arith.index_cast %mul3A_157 : i32 to index
    %get3A_161 = tpu.vector_load %arg4[%get3A_159, %get3A_160] {strides = array<i32>} : memref<32x272xf32, #tpu.memory_space<vmem>>, vector<1x16xf32>,
    %get3A_162 = vector.shape_cast %get3A_161 : vector<1x16xf32> to vector<16xf32>
    %mul3A_163 = arith.constant 16 : i32
    %mul3A_164 = arith.muli %select_n3A, %mul3A_163 : i32
    %get3A_165 = arith.constant 21 : i32
    %get3A_166 = arith.index_cast %get3A_165 : i32 to index
    %get3A_167 = arith.index_cast %mul3A_164 : i32 to index
    %get3A_168 = tpu.vector_load %arg4[%get3A_166, %get3A_167] {strides = array<i32>} : memref<32x272xf32, #tpu.memory_space<vmem>>, vector<1x16xf32>,
    %get3A_169 = vector.shape_cast %get3A_168 : vector<1x16xf32> to vector<16xf32>
    %mul3A_170 = arith.constant 16 : i32
    %mul3A_171 = arith.muli %select_n3A, %mul3A_170 : i32
    %get3A_172 = arith.constant 22 : i32
    %get3A_173 = arith.index_cast %get3A_172 : i32 to index
    %get3A_174 = arith.index_cast %mul3A_171 : i32 to index
    %get3A_175 = tpu.vector_load %arg4[%get3A_173, %get3A_174] {strides = array<i32>} : memref<32x272xf32, #tpu.memory_space<vmem>>, vector<1x16xf32>,
    %get3A_176 = vector.shape_cast %get3A_175 : vector<1x16xf32> to vector<16xf32>
    %mul3A_177 = arith.constant 16 : i32
    %mul3A_178 = arith.muli %select_n3A, %mul3A_177 : i32
    %get3A_179 = arith.constant 23 : i32
    %get3A_180 = arith.index_cast %get3A_179 : i32 to index
    %get3A_181 = arith.index_cast %mul3A_178 : i32 to index
    %get3A_182 = tpu.vector_load %arg4[%get3A_180, %get3A_181] {strides = array<i32>} : memref<32x272xf32, #tpu.memory_space<vmem>>, vector<1x16xf32>,
    %get3A_183 = vector.shape_cast %get3A_182 : vector<1x16xf32> to vector<16xf32>
    %mul3A_184 = arith.constant 16 : i32
    %mul3A_185 = arith.muli %select_n3A, %mul3A_184 : i32
    %get3A_186 = arith.constant 24 : i32
    %get3A_187 = arith.index_cast %get3A_186 : i32 to index
    %get3A_188 = arith.index_cast %mul3A_185 : i32 to index
    %get3A_189 = tpu.vector_load %arg4[%get3A_187, %get3A_188] {strides = array<i32>} : memref<32x272xf32, #tpu.memory_space<vmem>>, vector<1x16xf32>,
    %get3A_190 = vector.shape_cast %get3A_189 : vector<1x16xf32> to vector<16xf32>
    %mul3A_191 = arith.constant 16 : i32
    %mul3A_192 = arith.muli %select_n3A, %mul3A_191 : i32
    %get3A_193 = arith.constant 25 : i32
    %get3A_194 = arith.index_cast %get3A_193 : i32 to index
    %get3A_195 = arith.index_cast %mul3A_192 : i32 to index
    %get3A_196 = tpu.vector_load %arg4[%get3A_194, %get3A_195] {strides = array<i32>} : memref<32x272xf32, #tpu.memory_space<vmem>>, vector<1x16xf32>,
    %get3A_197 = vector.shape_cast %get3A_196 : vector<1x16xf32> to vector<16xf32>
    %mul3A_198 = arith.constant 16 : i32
    %mul3A_199 = arith.muli %select_n3A, %mul3A_198 : i32
    %get3A_200 = arith.constant 26 : i32
    %get3A_201 = arith.index_cast %get3A_200 : i32 to index
    %get3A_202 = arith.index_cast %mul3A_199 : i32 to index
    %get3A_203 = tpu.vector_load %arg4[%get3A_201, %get3A_202] {strides = array<i32>} : memref<32x272xf32, #tpu.memory_space<vmem>>, vector<1x16xf32>,
    %get3A_204 = vector.shape_cast %get3A_203 : vector<1x16xf32> to vector<16xf32>
    %mul3A_205 = arith.constant 16 : i32
    %mul3A_206 = arith.muli %select_n3A, %mul3A_205 : i32
    %get3A_207 = arith.constant 27 : i32
    %get3A_208 = arith.index_cast %get3A_207 : i32 to index
    %get3A_209 = arith.index_cast %mul3A_206 : i32 to index
    %get3A_210 = tpu.vector_load %arg4[%get3A_208, %get3A_209] {strides = array<i32>} : memref<32x272xf32, #tpu.memory_space<vmem>>, vector<1x16xf32>,
    %get3A_211 = vector.shape_cast %get3A_210 : vector<1x16xf32> to vector<16xf32>
    %mul3A_212 = arith.constant 16 : i32
    %mul3A_213 = arith.muli %select_n3A, %mul3A_212 : i32
    %get3A_214 = arith.constant 28 : i32
    %get3A_215 = arith.index_cast %get3A_214 : i32 to index
    %get3A_216 = arith.index_cast %mul3A_213 : i32 to index
    %get3A_217 = tpu.vector_load %arg4[%get3A_215, %get3A_216] {strides = array<i32>} : memref<32x272xf32, #tpu.memory_space<vmem>>, vector<1x16xf32>,
    %get3A_218 = vector.shape_cast %get3A_217 : vector<1x16xf32> to vector<16xf32>
    %mul3A_219 = arith.constant 16 : i32
    %mul3A_220 = arith.muli %select_n3A, %mul3A_219 : i32
    %get3A_221 = arith.constant 29 : i32
    %get3A_222 = arith.index_cast %get3A_221 : i32 to index
    %get3A_223 = arith.index_cast %mul3A_220 : i32 to index
    %get3A_224 = tpu.vector_load %arg4[%get3A_222, %get3A_223] {strides = array<i32>} : memref<32x272xf32, #tpu.memory_space<vmem>>, vector<1x16xf32>,
    %get3A_225 = vector.shape_cast %get3A_224 : vector<1x16xf32> to vector<16xf32>
    %mul3A_226 = arith.constant 16 : i32
    %mul3A_227 = arith.muli %select_n3A, %mul3A_226 : i32
    %get3A_228 = arith.constant 30 : i32
    %get3A_229 = arith.index_cast %get3A_228 : i32 to index
    %get3A_230 = arith.index_cast %mul3A_227 : i32 to index
    %get3A_231 = tpu.vector_load %arg4[%get3A_229, %get3A_230] {strides = array<i32>} : memref<32x272xf32, #tpu.memory_space<vmem>>, vector<1x16xf32>,
    %get3A_232 = vector.shape_cast %get3A_231 : vector<1x16xf32> to vector<16xf32>
    %mul3A_233 = arith.constant 16 : i32
    %mul3A_234 = arith.muli %select_n3A, %mul3A_233 : i32
    %get3A_235 = arith.constant 31 : i32
    %get3A_236 = arith.index_cast %get3A_235 : i32 to index
    %get3A_237 = arith.index_cast %mul3A_234 : i32 to index
    %get3A_238 = tpu.vector_load %arg4[%get3A_236, %get3A_237] {strides = array<i32>} : memref<32x272xf32, #tpu.memory_space<vmem>>, vector<1x16xf32>,
    %get3A_239 = vector.shape_cast %get3A_238 : vector<1x16xf32> to vector<16xf32>
    %max3A = arith.maximumf %get3A_22, %get3A_29 : vector<16xf32>
    %max3A_240 = arith.maximumf %max3A, %get3A_36 : vector<16xf32>
    %max3A_241 = arith.maximumf %max3A_240, %get3A_43 : vector<16xf32>
    %max3A_242 = arith.maximumf %max3A_241, %get3A_50 : vector<16xf32>
    %max3A_243 = arith.maximumf %max3A_242, %get3A_57 : vector<16xf32>
    %max3A_244 = arith.maximumf %max3A_243, %get3A_64 : vector<16xf32>
    %max3A_245 = arith.maximumf %max3A_244, %get3A_71 : vector<16xf32>
    %max3A_246 = arith.maximumf %max3A_245, %get3A_78 : vector<16xf32>
    %max3A_247 = arith.maximumf %max3A_246, %get3A_85 : vector<16xf32>
    %max3A_248 = arith.maximumf %max3A_247, %get3A_92 : vector<16xf32>
    %max3A_249 = arith.maximumf %max3A_248, %get3A_99 : vector<16xf32>
    %max3A_250 = arith.maximumf %max3A_249, %get3A_106 : vector<16xf32>
    %max3A_251 = arith.maximumf %max3A_250, %get3A_113 : vector<16xf32>
    %max3A_252 = arith.maximumf %max3A_251, %get3A_120 : vector<16xf32>
    %max3A_253 = arith.maximumf %max3A_252, %get3A_127 : vector<16xf32>
    %max3A_254 = arith.maximumf %max3A_253, %get3A_134 : vector<16xf32>
    %max3A_255 = arith.maximumf %max3A_254, %get3A_141 : vector<16xf32>
    %max3A_256 = arith.maximumf %max3A_255, %get3A_148 : vector<16xf32>
    %max3A_257 = arith.maximumf %max3A_256, %get3A_155 : vector<16xf32>
    %max3A_258 = arith.maximumf %max3A_257, %get3A_162 : vector<16xf32>
    %max3A_259 = arith.maximumf %max3A_258, %get3A_169 : vector<16xf32>
    %max3A_260 = arith.maximumf %max3A_259, %get3A_176 : vector<16xf32>
    %max3A_261 = arith.maximumf %max3A_260, %get3A_183 : vector<16xf32>
    %max3A_262 = arith.maximumf %max3A_261, %get3A_190 : vector<16xf32>
    %max3A_263 = arith.maximumf %max3A_262, %get3A_197 : vector<16xf32>
    %max3A_264 = arith.maximumf %max3A_263, %get3A_204 : vector<16xf32>
    %max3A_265 = arith.maximumf %max3A_264, %get3A_211 : vector<16xf32>
    %max3A_266 = arith.maximumf %max3A_265, %get3A_218 : vector<16xf32>
    %max3A_267 = arith.maximumf %max3A_266, %get3A_225 : vector<16xf32>
    %max3A_268 = arith.maximumf %max3A_267, %get3A_232 : vector<16xf32>
    %max3A_269 = arith.maximumf %max3A_268, %get3A_239 : vector<16xf32>
    %broadcast_in_dim3A = arith.constant 0.000000e+00 : f32
    %broadcast_in_dim3A_270 = vector.broadcast %broadcast_in_dim3A : f32 to vector<16xf32>
    %add3A_271 = arith.constant 8 : i32
    %add3A_272 = arith.addi %add3A_271, %select_n3A : i32
    %mul3A_273 = arith.constant 16 : i32
    %mul3A_274 = arith.muli %add3A_272, %mul3A_273 : i32
    %get3A_275 = arith.constant 0 : i32
    %get3A_276 = arith.index_cast %get3A_275 : i32 to index
    %get3A_277 = arith.index_cast %mul3A_274 : i32 to index
    %get3A_278 = tpu.vector_load %arg4[%get3A_276, %get3A_277] {strides = array<i32>} : memref<32x272xf32, #tpu.memory_space<vmem>>, vector<1x16xf32>,
    %get3A_279 = vector.shape_cast %get3A_278 : vector<1x16xf32> to vector<16xf32>
    %sub3A_280 = arith.subf %get3A_22, %max3A_269 : vector<16xf32>
    %exp3A = math.exp %sub3A_280 : vector<16xf32>
    %mul3A_281 = arith.mulf %get3A_279, %exp3A : vector<16xf32>
    %add3A_282 = arith.addf %broadcast_in_dim3A_270, %mul3A_281 : vector<16xf32>
    %add3A_283 = arith.constant 8 : i32
    %add3A_284 = arith.addi %add3A_283, %select_n3A : i32
    %mul3A_285 = arith.constant 16 : i32
    %mul3A_286 = arith.muli %add3A_284, %mul3A_285 : i32
    %get3A_287 = arith.constant 1 : i32
    %get3A_288 = arith.index_cast %get3A_287 : i32 to index
    %get3A_289 = arith.index_cast %mul3A_286 : i32 to index
    %get3A_290 = tpu.vector_load %arg4[%get3A_288, %get3A_289] {strides = array<i32>} : memref<32x272xf32, #tpu.memory_space<vmem>>, vector<1x16xf32>,
    %get3A_291 = vector.shape_cast %get3A_290 : vector<1x16xf32> to vector<16xf32>
    %sub3A_292 = arith.subf %get3A_29, %max3A_269 : vector<16xf32>
    %exp3A_293 = math.exp %sub3A_292 : vector<16xf32>
    %mul3A_294 = arith.mulf %get3A_291, %exp3A_293 : vector<16xf32>
    %add3A_295 = arith.addf %add3A_282, %mul3A_294 : vector<16xf32>
    %add3A_296 = arith.constant 8 : i32
    %add3A_297 = arith.addi %add3A_296, %select_n3A : i32
    %mul3A_298 = arith.constant 16 : i32
    %mul3A_299 = arith.muli %add3A_297, %mul3A_298 : i32
    %get3A_300 = arith.constant 2 : i32
    %get3A_301 = arith.index_cast %get3A_300 : i32 to index
    %get3A_302 = arith.index_cast %mul3A_299 : i32 to index
    %get3A_303 = tpu.vector_load %arg4[%get3A_301, %get3A_302] {strides = array<i32>} : memref<32x272xf32, #tpu.memory_space<vmem>>, vector<1x16xf32>,
    %get3A_304 = vector.shape_cast %get3A_303 : vector<1x16xf32> to vector<16xf32>
    %sub3A_305 = arith.subf %get3A_36, %max3A_269 : vector<16xf32>
    %exp3A_306 = math.exp %sub3A_305 : vector<16xf32>
    %mul3A_307 = arith.mulf %get3A_304, %exp3A_306 : vector<16xf32>
    %add3A_308 = arith.addf %add3A_295, %mul3A_307 : vector<16xf32>
    %add3A_309 = arith.constant 8 : i32
    %add3A_310 = arith.addi %add3A_309, %select_n3A : i32
    %mul3A_311 = arith.constant 16 : i32
    %mul3A_312 = arith.muli %add3A_310, %mul3A_311 : i32
    %get3A_313 = arith.constant 3 : i32
    %get3A_314 = arith.index_cast %get3A_313 : i32 to index
    %get3A_315 = arith.index_cast %mul3A_312 : i32 to index
    %get3A_316 = tpu.vector_load %arg4[%get3A_314, %get3A_315] {strides = array<i32>} : memref<32x272xf32, #tpu.memory_space<vmem>>, vector<1x16xf32>,
    %get3A_317 = vector.shape_cast %get3A_316 : vector<1x16xf32> to vector<16xf32>
    %sub3A_318 = arith.subf %get3A_43, %max3A_269 : vector<16xf32>
    %exp3A_319 = math.exp %sub3A_318 : vector<16xf32>
    %mul3A_320 = arith.mulf %get3A_317, %exp3A_319 : vector<16xf32>
    %add3A_321 = arith.addf %add3A_308, %mul3A_320 : vector<16xf32>
    %add3A_322 = arith.constant 8 : i32
    %add3A_323 = arith.addi %add3A_322, %select_n3A : i32
    %mul3A_324 = arith.constant 16 : i32
    %mul3A_325 = arith.muli %add3A_323, %mul3A_324 : i32
    %get3A_326 = arith.constant 4 : i32
    %get3A_327 = arith.index_cast %get3A_326 : i32 to index
    %get3A_328 = arith.index_cast %mul3A_325 : i32 to index
    %get3A_329 = tpu.vector_load %arg4[%get3A_327, %get3A_328] {strides = array<i32>} : memref<32x272xf32, #tpu.memory_space<vmem>>, vector<1x16xf32>,
    %get3A_330 = vector.shape_cast %get3A_329 : vector<1x16xf32> to vector<16xf32>
    %sub3A_331 = arith.subf %get3A_50, %max3A_269 : vector<16xf32>
    %exp3A_332 = math.exp %sub3A_331 : vector<16xf32>
    %mul3A_333 = arith.mulf %get3A_330, %exp3A_332 : vector<16xf32>
    %add3A_334 = arith.addf %add3A_321, %mul3A_333 : vector<16xf32>
    %add3A_335 = arith.constant 8 : i32
    %add3A_336 = arith.addi %add3A_335, %select_n3A : i32
    %mul3A_337 = arith.constant 16 : i32
    %mul3A_338 = arith.muli %add3A_336, %mul3A_337 : i32
    %get3A_339 = arith.constant 5 : i32
    %get3A_340 = arith.index_cast %get3A_339 : i32 to index
    %get3A_341 = arith.index_cast %mul3A_338 : i32 to index
    %get3A_342 = tpu.vector_load %arg4[%get3A_340, %get3A_341] {strides = array<i32>} : memref<32x272xf32, #tpu.memory_space<vmem>>, vector<1x16xf32>,
    %get3A_343 = vector.shape_cast %get3A_342 : vector<1x16xf32> to vector<16xf32>
    %sub3A_344 = arith.subf %get3A_57, %max3A_269 : vector<16xf32>
    %exp3A_345 = math.exp %sub3A_344 : vector<16xf32>
    %mul3A_346 = arith.mulf %get3A_343, %exp3A_345 : vector<16xf32>
    %add3A_347 = arith.addf %add3A_334, %mul3A_346 : vector<16xf32>
    %add3A_348 = arith.constant 8 : i32
    %add3A_349 = arith.addi %add3A_348, %select_n3A : i32
    %mul3A_350 = arith.constant 16 : i32
    %mul3A_351 = arith.muli %add3A_349, %mul3A_350 : i32
    %get3A_352 = arith.constant 6 : i32
    %get3A_353 = arith.index_cast %get3A_352 : i32 to index
    %get3A_354 = arith.index_cast %mul3A_351 : i32 to index
    %get3A_355 = tpu.vector_load %arg4[%get3A_353, %get3A_354] {strides = array<i32>} : memref<32x272xf32, #tpu.memory_space<vmem>>, vector<1x16xf32>,
    %get3A_356 = vector.shape_cast %get3A_355 : vector<1x16xf32> to vector<16xf32>
    %sub3A_357 = arith.subf %get3A_64, %max3A_269 : vector<16xf32>
    %exp3A_358 = math.exp %sub3A_357 : vector<16xf32>
    %mul3A_359 = arith.mulf %get3A_356, %exp3A_358 : vector<16xf32>
    %add3A_360 = arith.addf %add3A_347, %mul3A_359 : vector<16xf32>
    %add3A_361 = arith.constant 8 : i32
    %add3A_362 = arith.addi %add3A_361, %select_n3A : i32
    %mul3A_363 = arith.constant 16 : i32
    %mul3A_364 = arith.muli %add3A_362, %mul3A_363 : i32
    %get3A_365 = arith.constant 7 : i32
    %get3A_366 = arith.index_cast %get3A_365 : i32 to index
    %get3A_367 = arith.index_cast %mul3A_364 : i32 to index
    %get3A_368 = tpu.vector_load %arg4[%get3A_366, %get3A_367] {strides = array<i32>} : memref<32x272xf32, #tpu.memory_space<vmem>>, vector<1x16xf32>,
    %get3A_369 = vector.shape_cast %get3A_368 : vector<1x16xf32> to vector<16xf32>
    %sub3A_370 = arith.subf %get3A_71, %max3A_269 : vector<16xf32>
    %exp3A_371 = math.exp %sub3A_370 : vector<16xf32>
    %mul3A_372 = arith.mulf %get3A_369, %exp3A_371 : vector<16xf32>
    %add3A_373 = arith.addf %add3A_360, %mul3A_372 : vector<16xf32>
    %add3A_374 = arith.constant 8 : i32
    %add3A_375 = arith.addi %add3A_374, %select_n3A : i32
    %mul3A_376 = arith.constant 16 : i32
    %mul3A_377 = arith.muli %add3A_375, %mul3A_376 : i32
    %get3A_378 = arith.constant 8 : i32
    %get3A_379 = arith.index_cast %get3A_378 : i32 to index
    %get3A_380 = arith.index_cast %mul3A_377 : i32 to index
    %get3A_381 = tpu.vector_load %arg4[%get3A_379, %get3A_380] {strides = array<i32>} : memref<32x272xf32, #tpu.memory_space<vmem>>, vector<1x16xf32>,
    %get3A_382 = vector.shape_cast %get3A_381 : vector<1x16xf32> to vector<16xf32>
    %sub3A_383 = arith.subf %get3A_78, %max3A_269 : vector<16xf32>
    %exp3A_384 = math.exp %sub3A_383 : vector<16xf32>
    %mul3A_385 = arith.mulf %get3A_382, %exp3A_384 : vector<16xf32>
    %add3A_386 = arith.addf %add3A_373, %mul3A_385 : vector<16xf32>
    %add3A_387 = arith.constant 8 : i32
    %add3A_388 = arith.addi %add3A_387, %select_n3A : i32
    %mul3A_389 = arith.constant 16 : i32
    %mul3A_390 = arith.muli %add3A_388, %mul3A_389 : i32
    %get3A_391 = arith.constant 9 : i32
    %get3A_392 = arith.index_cast %get3A_391 : i32 to index
    %get3A_393 = arith.index_cast %mul3A_390 : i32 to index
    %get3A_394 = tpu.vector_load %arg4[%get3A_392, %get3A_393] {strides = array<i32>} : memref<32x272xf32, #tpu.memory_space<vmem>>, vector<1x16xf32>,
    %get3A_395 = vector.shape_cast %get3A_394 : vector<1x16xf32> to vector<16xf32>
    %sub3A_396 = arith.subf %get3A_85, %max3A_269 : vector<16xf32>
    %exp3A_397 = math.exp %sub3A_396 : vector<16xf32>
    %mul3A_398 = arith.mulf %get3A_395, %exp3A_397 : vector<16xf32>
    %add3A_399 = arith.addf %add3A_386, %mul3A_398 : vector<16xf32>
    %add3A_400 = arith.constant 8 : i32
    %add3A_401 = arith.addi %add3A_400, %select_n3A : i32
    %mul3A_402 = arith.constant 16 : i32
    %mul3A_403 = arith.muli %add3A_401, %mul3A_402 : i32
    %get3A_404 = arith.constant 10 : i32
    %get3A_405 = arith.index_cast %get3A_404 : i32 to index
    %get3A_406 = arith.index_cast %mul3A_403 : i32 to index
    %get3A_407 = tpu.vector_load %arg4[%get3A_405, %get3A_406] {strides = array<i32>} : memref<32x272xf32, #tpu.memory_space<vmem>>, vector<1x16xf32>,
    %get3A_408 = vector.shape_cast %get3A_407 : vector<1x16xf32> to vector<16xf32>
    %sub3A_409 = arith.subf %get3A_92, %max3A_269 : vector<16xf32>
    %exp3A_410 = math.exp %sub3A_409 : vector<16xf32>
    %mul3A_411 = arith.mulf %get3A_408, %exp3A_410 : vector<16xf32>
    %add3A_412 = arith.addf %add3A_399, %mul3A_411 : vector<16xf32>
    %add3A_413 = arith.constant 8 : i32
    %add3A_414 = arith.addi %add3A_413, %select_n3A : i32
    %mul3A_415 = arith.constant 16 : i32
    %mul3A_416 = arith.muli %add3A_414, %mul3A_415 : i32
    %get3A_417 = arith.constant 11 : i32
    %get3A_418 = arith.index_cast %get3A_417 : i32 to index
    %get3A_419 = arith.index_cast %mul3A_416 : i32 to index
    %get3A_420 = tpu.vector_load %arg4[%get3A_418, %get3A_419] {strides = array<i32>} : memref<32x272xf32, #tpu.memory_space<vmem>>, vector<1x16xf32>,
    %get3A_421 = vector.shape_cast %get3A_420 : vector<1x16xf32> to vector<16xf32>
    %sub3A_422 = arith.subf %get3A_99, %max3A_269 : vector<16xf32>
    %exp3A_423 = math.exp %sub3A_422 : vector<16xf32>
    %mul3A_424 = arith.mulf %get3A_421, %exp3A_423 : vector<16xf32>
    %add3A_425 = arith.addf %add3A_412, %mul3A_424 : vector<16xf32>
    %add3A_426 = arith.constant 8 : i32
    %add3A_427 = arith.addi %add3A_426, %select_n3A : i32
    %mul3A_428 = arith.constant 16 : i32
    %mul3A_429 = arith.muli %add3A_427, %mul3A_428 : i32
    %get3A_430 = arith.constant 12 : i32
    %get3A_431 = arith.index_cast %get3A_430 : i32 to index
    %get3A_432 = arith.index_cast %mul3A_429 : i32 to index
    %get3A_433 = tpu.vector_load %arg4[%get3A_431, %get3A_432] {strides = array<i32>} : memref<32x272xf32, #tpu.memory_space<vmem>>, vector<1x16xf32>,
    %get3A_434 = vector.shape_cast %get3A_433 : vector<1x16xf32> to vector<16xf32>
    %sub3A_435 = arith.subf %get3A_106, %max3A_269 : vector<16xf32>
    %exp3A_436 = math.exp %sub3A_435 : vector<16xf32>
    %mul3A_437 = arith.mulf %get3A_434, %exp3A_436 : vector<16xf32>
    %add3A_438 = arith.addf %add3A_425, %mul3A_437 : vector<16xf32>
    %add3A_439 = arith.constant 8 : i32
    %add3A_440 = arith.addi %add3A_439, %select_n3A : i32
    %mul3A_441 = arith.constant 16 : i32
    %mul3A_442 = arith.muli %add3A_440, %mul3A_441 : i32
    %get3A_443 = arith.constant 13 : i32
    %get3A_444 = arith.index_cast %get3A_443 : i32 to index
    %get3A_445 = arith.index_cast %mul3A_442 : i32 to index
    %get3A_446 = tpu.vector_load %arg4[%get3A_444, %get3A_445] {strides = array<i32>} : memref<32x272xf32, #tpu.memory_space<vmem>>, vector<1x16xf32>,
    %get3A_447 = vector.shape_cast %get3A_446 : vector<1x16xf32> to vector<16xf32>
    %sub3A_448 = arith.subf %get3A_113, %max3A_269 : vector<16xf32>
    %exp3A_449 = math.exp %sub3A_448 : vector<16xf32>
    %mul3A_450 = arith.mulf %get3A_447, %exp3A_449 : vector<16xf32>
    %add3A_451 = arith.addf %add3A_438, %mul3A_450 : vector<16xf32>
    %add3A_452 = arith.constant 8 : i32
    %add3A_453 = arith.addi %add3A_452, %select_n3A : i32
    %mul3A_454 = arith.constant 16 : i32
    %mul3A_455 = arith.muli %add3A_453, %mul3A_454 : i32
    %get3A_456 = arith.constant 14 : i32
    %get3A_457 = arith.index_cast %get3A_456 : i32 to index
    %get3A_458 = arith.index_cast %mul3A_455 : i32 to index
    %get3A_459 = tpu.vector_load %arg4[%get3A_457, %get3A_458] {strides = array<i32>} : memref<32x272xf32, #tpu.memory_space<vmem>>, vector<1x16xf32>,
    %get3A_460 = vector.shape_cast %get3A_459 : vector<1x16xf32> to vector<16xf32>
    %sub3A_461 = arith.subf %get3A_120, %max3A_269 : vector<16xf32>
    %exp3A_462 = math.exp %sub3A_461 : vector<16xf32>
    %mul3A_463 = arith.mulf %get3A_460, %exp3A_462 : vector<16xf32>
    %add3A_464 = arith.addf %add3A_451, %mul3A_463 : vector<16xf32>
    %add3A_465 = arith.constant 8 : i32
    %add3A_466 = arith.addi %add3A_465, %select_n3A : i32
    %mul3A_467 = arith.constant 16 : i32
    %mul3A_468 = arith.muli %add3A_466, %mul3A_467 : i32
    %get3A_469 = arith.constant 15 : i32
    %get3A_470 = arith.index_cast %get3A_469 : i32 to index
    %get3A_471 = arith.index_cast %mul3A_468 : i32 to index
    %get3A_472 = tpu.vector_load %arg4[%get3A_470, %get3A_471] {strides = array<i32>} : memref<32x272xf32, #tpu.memory_space<vmem>>, vector<1x16xf32>,
    %get3A_473 = vector.shape_cast %get3A_472 : vector<1x16xf32> to vector<16xf32>
    %sub3A_474 = arith.subf %get3A_127, %max3A_269 : vector<16xf32>
    %exp3A_475 = math.exp %sub3A_474 : vector<16xf32>
    %mul3A_476 = arith.mulf %get3A_473, %exp3A_475 : vector<16xf32>
    %add3A_477 = arith.addf %add3A_464, %mul3A_476 : vector<16xf32>
    %add3A_478 = arith.constant 8 : i32
    %add3A_479 = arith.addi %add3A_478, %select_n3A : i32
    %mul3A_480 = arith.constant 16 : i32
    %mul3A_481 = arith.muli %add3A_479, %mul3A_480 : i32
    %get3A_482 = arith.constant 16 : i32
    %get3A_483 = arith.index_cast %get3A_482 : i32 to index
    %get3A_484 = arith.index_cast %mul3A_481 : i32 to index
    %get3A_485 = tpu.vector_load %arg4[%get3A_483, %get3A_484] {strides = array<i32>} : memref<32x272xf32, #tpu.memory_space<vmem>>, vector<1x16xf32>,
    %get3A_486 = vector.shape_cast %get3A_485 : vector<1x16xf32> to vector<16xf32>
    %sub3A_487 = arith.subf %get3A_134, %max3A_269 : vector<16xf32>
    %exp3A_488 = math.exp %sub3A_487 : vector<16xf32>
    %mul3A_489 = arith.mulf %get3A_486, %exp3A_488 : vector<16xf32>
    %add3A_490 = arith.addf %add3A_477, %mul3A_489 : vector<16xf32>
    %add3A_491 = arith.constant 8 : i32
    %add3A_492 = arith.addi %add3A_491, %select_n3A : i32
    %mul3A_493 = arith.constant 16 : i32
    %mul3A_494 = arith.muli %add3A_492, %mul3A_493 : i32
    %get3A_495 = arith.constant 17 : i32
    %get3A_496 = arith.index_cast %get3A_495 : i32 to index
    %get3A_497 = arith.index_cast %mul3A_494 : i32 to index
    %get3A_498 = tpu.vector_load %arg4[%get3A_496, %get3A_497] {strides = array<i32>} : memref<32x272xf32, #tpu.memory_space<vmem>>, vector<1x16xf32>,
    %get3A_499 = vector.shape_cast %get3A_498 : vector<1x16xf32> to vector<16xf32>
    %sub3A_500 = arith.subf %get3A_141, %max3A_269 : vector<16xf32>
    %exp3A_501 = math.exp %sub3A_500 : vector<16xf32>
    %mul3A_502 = arith.mulf %get3A_499, %exp3A_501 : vector<16xf32>
    %add3A_503 = arith.addf %add3A_490, %mul3A_502 : vector<16xf32>
    %add3A_504 = arith.constant 8 : i32
    %add3A_505 = arith.addi %add3A_504, %select_n3A : i32
    %mul3A_506 = arith.constant 16 : i32
    %mul3A_507 = arith.muli %add3A_505, %mul3A_506 : i32
    %get3A_508 = arith.constant 18 : i32
    %get3A_509 = arith.index_cast %get3A_508 : i32 to index
    %get3A_510 = arith.index_cast %mul3A_507 : i32 to index
    %get3A_511 = tpu.vector_load %arg4[%get3A_509, %get3A_510] {strides = array<i32>} : memref<32x272xf32, #tpu.memory_space<vmem>>, vector<1x16xf32>,
    %get3A_512 = vector.shape_cast %get3A_511 : vector<1x16xf32> to vector<16xf32>
    %sub3A_513 = arith.subf %get3A_148, %max3A_269 : vector<16xf32>
    %exp3A_514 = math.exp %sub3A_513 : vector<16xf32>
    %mul3A_515 = arith.mulf %get3A_512, %exp3A_514 : vector<16xf32>
    %add3A_516 = arith.addf %add3A_503, %mul3A_515 : vector<16xf32>
    %add3A_517 = arith.constant 8 : i32
    %add3A_518 = arith.addi %add3A_517, %select_n3A : i32
    %mul3A_519 = arith.constant 16 : i32
    %mul3A_520 = arith.muli %add3A_518, %mul3A_519 : i32
    %get3A_521 = arith.constant 19 : i32
    %get3A_522 = arith.index_cast %get3A_521 : i32 to index
    %get3A_523 = arith.index_cast %mul3A_520 : i32 to index
    %get3A_524 = tpu.vector_load %arg4[%get3A_522, %get3A_523] {strides = array<i32>} : memref<32x272xf32, #tpu.memory_space<vmem>>, vector<1x16xf32>,
    %get3A_525 = vector.shape_cast %get3A_524 : vector<1x16xf32> to vector<16xf32>
    %sub3A_526 = arith.subf %get3A_155, %max3A_269 : vector<16xf32>
    %exp3A_527 = math.exp %sub3A_526 : vector<16xf32>
    %mul3A_528 = arith.mulf %get3A_525, %exp3A_527 : vector<16xf32>
    %add3A_529 = arith.addf %add3A_516, %mul3A_528 : vector<16xf32>
    %add3A_530 = arith.constant 8 : i32
    %add3A_531 = arith.addi %add3A_530, %select_n3A : i32
    %mul3A_532 = arith.constant 16 : i32
    %mul3A_533 = arith.muli %add3A_531, %mul3A_532 : i32
    %get3A_534 = arith.constant 20 : i32
    %get3A_535 = arith.index_cast %get3A_534 : i32 to index
    %get3A_536 = arith.index_cast %mul3A_533 : i32 to index
    %get3A_537 = tpu.vector_load %arg4[%get3A_535, %get3A_536] {strides = array<i32>} : memref<32x272xf32, #tpu.memory_space<vmem>>, vector<1x16xf32>,
    %get3A_538 = vector.shape_cast %get3A_537 : vector<1x16xf32> to vector<16xf32>
    %sub3A_539 = arith.subf %get3A_162, %max3A_269 : vector<16xf32>
    %exp3A_540 = math.exp %sub3A_539 : vector<16xf32>
    %mul3A_541 = arith.mulf %get3A_538, %exp3A_540 : vector<16xf32>
    %add3A_542 = arith.addf %add3A_529, %mul3A_541 : vector<16xf32>
    %add3A_543 = arith.constant 8 : i32
    %add3A_544 = arith.addi %add3A_543, %select_n3A : i32
    %mul3A_545 = arith.constant 16 : i32
    %mul3A_546 = arith.muli %add3A_544, %mul3A_545 : i32
    %get3A_547 = arith.constant 21 : i32
    %get3A_548 = arith.index_cast %get3A_547 : i32 to index
    %get3A_549 = arith.index_cast %mul3A_546 : i32 to index
    %get3A_550 = tpu.vector_load %arg4[%get3A_548, %get3A_549] {strides = array<i32>} : memref<32x272xf32, #tpu.memory_space<vmem>>, vector<1x16xf32>,
    %get3A_551 = vector.shape_cast %get3A_550 : vector<1x16xf32> to vector<16xf32>
    %sub3A_552 = arith.subf %get3A_169, %max3A_269 : vector<16xf32>
    %exp3A_553 = math.exp %sub3A_552 : vector<16xf32>
    %mul3A_554 = arith.mulf %get3A_551, %exp3A_553 : vector<16xf32>
    %add3A_555 = arith.addf %add3A_542, %mul3A_554 : vector<16xf32>
    %add3A_556 = arith.constant 8 : i32
    %add3A_557 = arith.addi %add3A_556, %select_n3A : i32
    %mul3A_558 = arith.constant 16 : i32
    %mul3A_559 = arith.muli %add3A_557, %mul3A_558 : i32
    %get3A_560 = arith.constant 22 : i32
    %get3A_561 = arith.index_cast %get3A_560 : i32 to index
    %get3A_562 = arith.index_cast %mul3A_559 : i32 to index
    %get3A_563 = tpu.vector_load %arg4[%get3A_561, %get3A_562] {strides = array<i32>} : memref<32x272xf32, #tpu.memory_space<vmem>>, vector<1x16xf32>,
    %get3A_564 = vector.shape_cast %get3A_563 : vector<1x16xf32> to vector<16xf32>
    %sub3A_565 = arith.subf %get3A_176, %max3A_269 : vector<16xf32>
    %exp3A_566 = math.exp %sub3A_565 : vector<16xf32>
    %mul3A_567 = arith.mulf %get3A_564, %exp3A_566 : vector<16xf32>
    %add3A_568 = arith.addf %add3A_555, %mul3A_567 : vector<16xf32>
    %add3A_569 = arith.constant 8 : i32
    %add3A_570 = arith.addi %add3A_569, %select_n3A : i32
    %mul3A_571 = arith.constant 16 : i32
    %mul3A_572 = arith.muli %add3A_570, %mul3A_571 : i32
    %get3A_573 = arith.constant 23 : i32
    %get3A_574 = arith.index_cast %get3A_573 : i32 to index
    %get3A_575 = arith.index_cast %mul3A_572 : i32 to index
    %get3A_576 = tpu.vector_load %arg4[%get3A_574, %get3A_575] {strides = array<i32>} : memref<32x272xf32, #tpu.memory_space<vmem>>, vector<1x16xf32>,
    %get3A_577 = vector.shape_cast %get3A_576 : vector<1x16xf32> to vector<16xf32>
    %sub3A_578 = arith.subf %get3A_183, %max3A_269 : vector<16xf32>
    %exp3A_579 = math.exp %sub3A_578 : vector<16xf32>
    %mul3A_580 = arith.mulf %get3A_577, %exp3A_579 : vector<16xf32>
    %add3A_581 = arith.addf %add3A_568, %mul3A_580 : vector<16xf32>
    %add3A_582 = arith.constant 8 : i32
    %add3A_583 = arith.addi %add3A_582, %select_n3A : i32
    %mul3A_584 = arith.constant 16 : i32
    %mul3A_585 = arith.muli %add3A_583, %mul3A_584 : i32
    %get3A_586 = arith.constant 24 : i32
    %get3A_587 = arith.index_cast %get3A_586 : i32 to index
    %get3A_588 = arith.index_cast %mul3A_585 : i32 to index
    %get3A_589 = tpu.vector_load %arg4[%get3A_587, %get3A_588] {strides = array<i32>} : memref<32x272xf32, #tpu.memory_space<vmem>>, vector<1x16xf32>,
    %get3A_590 = vector.shape_cast %get3A_589 : vector<1x16xf32> to vector<16xf32>
    %sub3A_591 = arith.subf %get3A_190, %max3A_269 : vector<16xf32>
    %exp3A_592 = math.exp %sub3A_591 : vector<16xf32>
    %mul3A_593 = arith.mulf %get3A_590, %exp3A_592 : vector<16xf32>
    %add3A_594 = arith.addf %add3A_581, %mul3A_593 : vector<16xf32>
    %add3A_595 = arith.constant 8 : i32
    %add3A_596 = arith.addi %add3A_595, %select_n3A : i32
    %mul3A_597 = arith.constant 16 : i32
    %mul3A_598 = arith.muli %add3A_596, %mul3A_597 : i32
    %get3A_599 = arith.constant 25 : i32
    %get3A_600 = arith.index_cast %get3A_599 : i32 to index
    %get3A_601 = arith.index_cast %mul3A_598 : i32 to index
    %get3A_602 = tpu.vector_load %arg4[%get3A_600, %get3A_601] {strides = array<i32>} : memref<32x272xf32, #tpu.memory_space<vmem>>, vector<1x16xf32>,
    %get3A_603 = vector.shape_cast %get3A_602 : vector<1x16xf32> to vector<16xf32>
    %sub3A_604 = arith.subf %get3A_197, %max3A_269 : vector<16xf32>
    %exp3A_605 = math.exp %sub3A_604 : vector<16xf32>
    %mul3A_606 = arith.mulf %get3A_603, %exp3A_605 : vector<16xf32>
    %add3A_607 = arith.addf %add3A_594, %mul3A_606 : vector<16xf32>
    %add3A_608 = arith.constant 8 : i32
    %add3A_609 = arith.addi %add3A_608, %select_n3A : i32
    %mul3A_610 = arith.constant 16 : i32
    %mul3A_611 = arith.muli %add3A_609, %mul3A_610 : i32
    %get3A_612 = arith.constant 26 : i32
    %get3A_613 = arith.index_cast %get3A_612 : i32 to index
    %get3A_614 = arith.index_cast %mul3A_611 : i32 to index
    %get3A_615 = tpu.vector_load %arg4[%get3A_613, %get3A_614] {strides = array<i32>} : memref<32x272xf32, #tpu.memory_space<vmem>>, vector<1x16xf32>,
    %get3A_616 = vector.shape_cast %get3A_615 : vector<1x16xf32> to vector<16xf32>
    %sub3A_617 = arith.subf %get3A_204, %max3A_269 : vector<16xf32>
    %exp3A_618 = math.exp %sub3A_617 : vector<16xf32>
    %mul3A_619 = arith.mulf %get3A_616, %exp3A_618 : vector<16xf32>
    %add3A_620 = arith.addf %add3A_607, %mul3A_619 : vector<16xf32>
    %add3A_621 = arith.constant 8 : i32
    %add3A_622 = arith.addi %add3A_621, %select_n3A : i32
    %mul3A_623 = arith.constant 16 : i32
    %mul3A_624 = arith.muli %add3A_622, %mul3A_623 : i32
    %get3A_625 = arith.constant 27 : i32
    %get3A_626 = arith.index_cast %get3A_625 : i32 to index
    %get3A_627 = arith.index_cast %mul3A_624 : i32 to index
    %get3A_628 = tpu.vector_load %arg4[%get3A_626, %get3A_627] {strides = array<i32>} : memref<32x272xf32, #tpu.memory_space<vmem>>, vector<1x16xf32>,
    %get3A_629 = vector.shape_cast %get3A_628 : vector<1x16xf32> to vector<16xf32>
    %sub3A_630 = arith.subf %get3A_211, %max3A_269 : vector<16xf32>
    %exp3A_631 = math.exp %sub3A_630 : vector<16xf32>
    %mul3A_632 = arith.mulf %get3A_629, %exp3A_631 : vector<16xf32>
    %add3A_633 = arith.addf %add3A_620, %mul3A_632 : vector<16xf32>
    %add3A_634 = arith.constant 8 : i32
    %add3A_635 = arith.addi %add3A_634, %select_n3A : i32
    %mul3A_636 = arith.constant 16 : i32
    %mul3A_637 = arith.muli %add3A_635, %mul3A_636 : i32
    %get3A_638 = arith.constant 28 : i32
    %get3A_639 = arith.index_cast %get3A_638 : i32 to index
    %get3A_640 = arith.index_cast %mul3A_637 : i32 to index
    %get3A_641 = tpu.vector_load %arg4[%get3A_639, %get3A_640] {strides = array<i32>} : memref<32x272xf32, #tpu.memory_space<vmem>>, vector<1x16xf32>,
    %get3A_642 = vector.shape_cast %get3A_641 : vector<1x16xf32> to vector<16xf32>
    %sub3A_643 = arith.subf %get3A_218, %max3A_269 : vector<16xf32>
    %exp3A_644 = math.exp %sub3A_643 : vector<16xf32>
    %mul3A_645 = arith.mulf %get3A_642, %exp3A_644 : vector<16xf32>
    %add3A_646 = arith.addf %add3A_633, %mul3A_645 : vector<16xf32>
    %add3A_647 = arith.constant 8 : i32
    %add3A_648 = arith.addi %add3A_647, %select_n3A : i32
    %mul3A_649 = arith.constant 16 : i32
    %mul3A_650 = arith.muli %add3A_648, %mul3A_649 : i32
    %get3A_651 = arith.constant 29 : i32
    %get3A_652 = arith.index_cast %get3A_651 : i32 to index
    %get3A_653 = arith.index_cast %mul3A_650 : i32 to index
    %get3A_654 = tpu.vector_load %arg4[%get3A_652, %get3A_653] {strides = array<i32>} : memref<32x272xf32, #tpu.memory_space<vmem>>, vector<1x16xf32>,
    %get3A_655 = vector.shape_cast %get3A_654 : vector<1x16xf32> to vector<16xf32>
    %sub3A_656 = arith.subf %get3A_225, %max3A_269 : vector<16xf32>
    %exp3A_657 = math.exp %sub3A_656 : vector<16xf32>
    %mul3A_658 = arith.mulf %get3A_655, %exp3A_657 : vector<16xf32>
    %add3A_659 = arith.addf %add3A_646, %mul3A_658 : vector<16xf32>
    %add3A_660 = arith.constant 8 : i32
    %add3A_661 = arith.addi %add3A_660, %select_n3A : i32
    %mul3A_662 = arith.constant 16 : i32
    %mul3A_663 = arith.muli %add3A_661, %mul3A_662 : i32
    %get3A_664 = arith.constant 30 : i32
    %get3A_665 = arith.index_cast %get3A_664 : i32 to index
    %get3A_666 = arith.index_cast %mul3A_663 : i32 to index
    %get3A_667 = tpu.vector_load %arg4[%get3A_665, %get3A_666] {strides = array<i32>} : memref<32x272xf32, #tpu.memory_space<vmem>>, vector<1x16xf32>,
    %get3A_668 = vector.shape_cast %get3A_667 : vector<1x16xf32> to vector<16xf32>
    %sub3A_669 = arith.subf %get3A_232, %max3A_269 : vector<16xf32>
    %exp3A_670 = math.exp %sub3A_669 : vector<16xf32>
    %mul3A_671 = arith.mulf %get3A_668, %exp3A_670 : vector<16xf32>
    %add3A_672 = arith.addf %add3A_659, %mul3A_671 : vector<16xf32>
    %add3A_673 = arith.constant 8 : i32
    %add3A_674 = arith.addi %add3A_673, %select_n3A : i32
    %mul3A_675 = arith.constant 16 : i32
    %mul3A_676 = arith.muli %add3A_674, %mul3A_675 : i32
    %get3A_677 = arith.constant 31 : i32
    %get3A_678 = arith.index_cast %get3A_677 : i32 to index
    %get3A_679 = arith.index_cast %mul3A_676 : i32 to index
    %get3A_680 = tpu.vector_load %arg4[%get3A_678, %get3A_679] {strides = array<i32>} : memref<32x272xf32, #tpu.memory_space<vmem>>, vector<1x16xf32>,
    %get3A_681 = vector.shape_cast %get3A_680 : vector<1x16xf32> to vector<16xf32>
    %sub3A_682 = arith.subf %get3A_239, %max3A_269 : vector<16xf32>
    %exp3A_683 = math.exp %sub3A_682 : vector<16xf32>
    %mul3A_684 = arith.mulf %get3A_681, %exp3A_683 : vector<16xf32>
    %add3A_685 = arith.addf %add3A_672, %mul3A_684 : vector<16xf32>
    %get3A_686 = arith.index_cast %add3A : i32 to index
    %get3A_687 = arith.constant 256 : index
    %get3A_688 = tpu.vector_load %arg4[%get3A_686, %get3A_687] {strides = array<i32>} : memref<32x272xf32, #tpu.memory_space<vmem>>, vector<1x16xf32>,
    %get3A_689 = vector.shape_cast %get3A_688 : vector<1x16xf32> to vector<16xf32>
    %broadcast_in_dim3A_690 = arith.constant 0.000000e+00 : f32
    %broadcast_in_dim3A_691 = vector.broadcast %broadcast_in_dim3A_690 : f32 to vector<16xf32>
    %broadcast_in_dim3A_692 = arith.constant 1.000000e+00 : f32
    %broadcast_in_dim3A_693 = vector.broadcast %broadcast_in_dim3A_692 : f32 to vector<16xf32>
    %mul3A_694 = arith.constant 4 : i32
    %mul3A_695 = arith.muli %mul3A_694, %add3A : i32
    %add3A_696 = arith.constant 0 : i32
    %add3A_697 = arith.addi %mul3A_695, %add3A_696 : i32
    %jit3A_698 = arith.constant 16 : i32
    %eq3A = arith.constant 0 : i32
    %eq3A_699 = arith.cmpi eq, %jit3A_698, %eq3A : i32
    %jit3A_700 = arith.constant 1 : i32
    %select_n3A_701 = arith.select %eq3A_699, %jit3A_700, %jit3A_698 : i32
    %rem3A_702 = arith.remsi %add3A_697, %select_n3A_701 : i32
    %ne3A_703 = arith.constant 0 : i32
    %ne3A_704 = arith.cmpi ne, %rem3A_702, %ne3A_703 : i32
    %lt3A = arith.constant 0 : i32
    %lt3A_705 = arith.cmpi slt, %rem3A_702, %lt3A : i32
    %lt3A_706 = arith.constant 0 : i32
    %lt3A_707 = arith.cmpi slt, %select_n3A_701, %lt3A_706 : i32
    %ne3A_708 = arith.xori %lt3A_705, %lt3A_707 : i1
    %and3A_709 = arith.andi %ne3A_708, %ne3A_704 : i1
    %add3A_710 = arith.addi %rem3A_702, %select_n3A_701 : i32
    %select_n3A_711 = arith.select %and3A_709, %add3A_710, %rem3A_702 : i32
    %eq3A_712 = vector.broadcast %select_n3A_711 : i32 to vector<16xi32>
    %eq3A_713 = arith.cmpi eq, %iota3A, %eq3A_712 : vector<16xi32>
    %jit3A_714 = arith.constant 0.000000e+00 : f32
    %broadcast_in_dim3A_715 = vector.broadcast %jit3A_714 : f32 to vector<16xf32>
    %select_n3A_716 = arith.select %eq3A_713, %max3A_269, %broadcast_in_dim3A_715 : vector<16xi1>, vector<16xf32>
    %swap3A = arith.constant 0 : index
    %swap3A_717 = tpu.vector_load %arg6[%swap3A] {strides = array<i32>} : memref<32xf32, #tpu.memory_space<vmem>>, vector<16xf32>,
    %swap3A_718 = vector.shape_cast %swap3A_717 : vector<16xf32> to vector<16xf32>
    %swap3A_719 = vector.shape_cast %select_n3A_716 : vector<16xf32> to vector<16xf32>
    tpu.vector_store %arg6[%swap3A], %swap3A_719 {strides = array<i32>} : memref<32xf32, #tpu.memory_space<vmem>>, vector<16xf32>,
    %swap3A_720 = arith.constant 16 : index
    %swap3A_721 = tpu.vector_load %arg6[%swap3A_720] {strides = array<i32>} : memref<32xf32, #tpu.memory_space<vmem>>, vector<16xf32>,
    %swap3A_722 = vector.shape_cast %swap3A_721 : vector<16xf32> to vector<16xf32>
    %swap3A_723 = vector.shape_cast %select_n3A_716 : vector<16xf32> to vector<16xf32>
    tpu.vector_store %arg6[%swap3A_720], %swap3A_723 {strides = array<i32>} : memref<32xf32, #tpu.memory_space<vmem>>, vector<16xf32>,
    %get3A_724 = arith.constant 8 : index
    %get3A_725 = tpu.vector_load %arg6[%get3A_724] {strides = array<i32>} : memref<32xf32, #tpu.memory_space<vmem>>, vector<16xf32>,
    %get3A_726 = vector.shape_cast %get3A_725 : vector<16xf32> to vector<16xf32>
    %add3A_727 = arith.addf %select_n3A_716, %get3A_726 : vector<16xf32>
    %swap3A_728 = arith.constant 0 : index
    %swap3A_729 = tpu.vector_load %arg6[%swap3A_728] {strides = array<i32>} : memref<32xf32, #tpu.memory_space<vmem>>, vector<16xf32>,
    %swap3A_730 = vector.shape_cast %swap3A_729 : vector<16xf32> to vector<16xf32>
    %swap3A_731 = vector.shape_cast %add3A_727 : vector<16xf32> to vector<16xf32>
    tpu.vector_store %arg6[%swap3A_728], %swap3A_731 {strides = array<i32>} : memref<32xf32, #tpu.memory_space<vmem>>, vector<16xf32>,
    %swap3A_732 = arith.constant 16 : index
    %swap3A_733 = tpu.vector_load %arg6[%swap3A_732] {strides = array<i32>} : memref<32xf32, #tpu.memory_space<vmem>>, vector<16xf32>,
    %swap3A_734 = vector.shape_cast %swap3A_733 : vector<16xf32> to vector<16xf32>
    %swap3A_735 = vector.shape_cast %add3A_727 : vector<16xf32> to vector<16xf32>
    tpu.vector_store %arg6[%swap3A_732], %swap3A_735 {strides = array<i32>} : memref<32xf32, #tpu.memory_space<vmem>>, vector<16xf32>,
    %get3A_736 = arith.constant 4 : index
    %get3A_737 = tpu.vector_load %arg6[%get3A_736] {strides = array<i32>} : memref<32xf32, #tpu.memory_space<vmem>>, vector<16xf32>,
    %get3A_738 = vector.shape_cast %get3A_737 : vector<16xf32> to vector<16xf32>
    %add3A_739 = arith.addf %add3A_727, %get3A_738 : vector<16xf32>
    %swap3A_740 = arith.constant 0 : index
    %swap3A_741 = tpu.vector_load %arg6[%swap3A_740] {strides = array<i32>} : memref<32xf32, #tpu.memory_space<vmem>>, vector<16xf32>,
    %swap3A_742 = vector.shape_cast %swap3A_741 : vector<16xf32> to vector<16xf32>
    %swap3A_743 = vector.shape_cast %add3A_739 : vector<16xf32> to vector<16xf32>
    tpu.vector_store %arg6[%swap3A_740], %swap3A_743 {strides = array<i32>} : memref<32xf32, #tpu.memory_space<vmem>>, vector<16xf32>,
    %swap3A_744 = arith.constant 16 : index
    %swap3A_745 = tpu.vector_load %arg6[%swap3A_744] {strides = array<i32>} : memref<32xf32, #tpu.memory_space<vmem>>, vector<16xf32>,
    %swap3A_746 = vector.shape_cast %swap3A_745 : vector<16xf32> to vector<16xf32>
    %swap3A_747 = vector.shape_cast %add3A_739 : vector<16xf32> to vector<16xf32>
    tpu.vector_store %arg6[%swap3A_744], %swap3A_747 {strides = array<i32>} : memref<32xf32, #tpu.memory_space<vmem>>, vector<16xf32>,
    %get3A_748 = arith.constant 2 : index
    %get3A_749 = tpu.vector_load %arg6[%get3A_748] {strides = array<i32>} : memref<32xf32, #tpu.memory_space<vmem>>, vector<16xf32>,
    %get3A_750 = vector.shape_cast %get3A_749 : vector<16xf32> to vector<16xf32>
    %add3A_751 = arith.addf %add3A_739, %get3A_750 : vector<16xf32>
    %swap3A_752 = arith.constant 0 : index
    %swap3A_753 = tpu.vector_load %arg6[%swap3A_752] {strides = array<i32>} : memref<32xf32, #tpu.memory_space<vmem>>, vector<16xf32>,
    %swap3A_754 = vector.shape_cast %swap3A_753 : vector<16xf32> to vector<16xf32>
    %swap3A_755 = vector.shape_cast %add3A_751 : vector<16xf32> to vector<16xf32>
    tpu.vector_store %arg6[%swap3A_752], %swap3A_755 {strides = array<i32>} : memref<32xf32, #tpu.memory_space<vmem>>, vector<16xf32>,
    %swap3A_756 = arith.constant 16 : index
    %swap3A_757 = tpu.vector_load %arg6[%swap3A_756] {strides = array<i32>} : memref<32xf32, #tpu.memory_space<vmem>>, vector<16xf32>,
    %swap3A_758 = vector.shape_cast %swap3A_757 : vector<16xf32> to vector<16xf32>
    %swap3A_759 = vector.shape_cast %add3A_751 : vector<16xf32> to vector<16xf32>
    tpu.vector_store %arg6[%swap3A_756], %swap3A_759 {strides = array<i32>} : memref<32xf32, #tpu.memory_space<vmem>>, vector<16xf32>,
    %get3A_760 = arith.constant 1 : index
    %get3A_761 = tpu.vector_load %arg6[%get3A_760] {strides = array<i32>} : memref<32xf32, #tpu.memory_space<vmem>>, vector<16xf32>,
    %get3A_762 = vector.shape_cast %get3A_761 : vector<16xf32> to vector<16xf32>
    %add3A_763 = arith.addf %add3A_751, %get3A_762 : vector<16xf32>
    %eq3A_764 = vector.broadcast %select_n3A_711 : i32 to vector<16xi32>
    %eq3A_765 = arith.cmpi eq, %iota3A, %eq3A_764 : vector<16xi32>
    %jit3A_766 = arith.constant 0.000000e+00 : f32
    %broadcast_in_dim3A_767 = vector.broadcast %jit3A_766 : f32 to vector<16xf32>
    %select_n3A_768 = arith.select %eq3A_765, %add3A_685, %broadcast_in_dim3A_767 : vector<16xi1>, vector<16xf32>
    %swap3A_769 = arith.constant 0 : index
    %swap3A_770 = tpu.vector_load %arg6[%swap3A_769] {strides = array<i32>} : memref<32xf32, #tpu.memory_space<vmem>>, vector<16xf32>,
    %swap3A_771 = vector.shape_cast %swap3A_770 : vector<16xf32> to vector<16xf32>
    %swap3A_772 = vector.shape_cast %select_n3A_768 : vector<16xf32> to vector<16xf32>
    tpu.vector_store %arg6[%swap3A_769], %swap3A_772 {strides = array<i32>} : memref<32xf32, #tpu.memory_space<vmem>>, vector<16xf32>,
    %swap3A_773 = arith.constant 16 : index
    %swap3A_774 = tpu.vector_load %arg6[%swap3A_773] {strides = array<i32>} : memref<32xf32, #tpu.memory_space<vmem>>, vector<16xf32>,
    %swap3A_775 = vector.shape_cast %swap3A_774 : vector<16xf32> to vector<16xf32>
    %swap3A_776 = vector.shape_cast %select_n3A_768 : vector<16xf32> to vector<16xf32>
    tpu.vector_store %arg6[%swap3A_773], %swap3A_776 {strides = array<i32>} : memref<32xf32, #tpu.memory_space<vmem>>, vector<16xf32>,
    %get3A_777 = arith.constant 8 : index
    %get3A_778 = tpu.vector_load %arg6[%get3A_777] {strides = array<i32>} : memref<32xf32, #tpu.memory_space<vmem>>, vector<16xf32>,
    %get3A_779 = vector.shape_cast %get3A_778 : vector<16xf32> to vector<16xf32>
    %add3A_780 = arith.addf %select_n3A_768, %get3A_779 : vector<16xf32>
    %swap3A_781 = arith.constant 0 : index
    %swap3A_782 = tpu.vector_load %arg6[%swap3A_781] {strides = array<i32>} : memref<32xf32, #tpu.memory_space<vmem>>, vector<16xf32>,
    %swap3A_783 = vector.shape_cast %swap3A_782 : vector<16xf32> to vector<16xf32>
    %swap3A_784 = vector.shape_cast %add3A_780 : vector<16xf32> to vector<16xf32>
    tpu.vector_store %arg6[%swap3A_781], %swap3A_784 {strides = array<i32>} : memref<32xf32, #tpu.memory_space<vmem>>, vector<16xf32>,
    %swap3A_785 = arith.constant 16 : index
    %swap3A_786 = tpu.vector_load %arg6[%swap3A_785] {strides = array<i32>} : memref<32xf32, #tpu.memory_space<vmem>>, vector<16xf32>,
    %swap3A_787 = vector.shape_cast %swap3A_786 : vector<16xf32> to vector<16xf32>
    %swap3A_788 = vector.shape_cast %add3A_780 : vector<16xf32> to vector<16xf32>
    tpu.vector_store %arg6[%swap3A_785], %swap3A_788 {strides = array<i32>} : memref<32xf32, #tpu.memory_space<vmem>>, vector<16xf32>,
    %get3A_789 = arith.constant 4 : index
    %get3A_790 = tpu.vector_load %arg6[%get3A_789] {strides = array<i32>} : memref<32xf32, #tpu.memory_space<vmem>>, vector<16xf32>,
    %get3A_791 = vector.shape_cast %get3A_790 : vector<16xf32> to vector<16xf32>
    %add3A_792 = arith.addf %add3A_780, %get3A_791 : vector<16xf32>
    %swap3A_793 = arith.constant 0 : index
    %swap3A_794 = tpu.vector_load %arg6[%swap3A_793] {strides = array<i32>} : memref<32xf32, #tpu.memory_space<vmem>>, vector<16xf32>,
    %swap3A_795 = vector.shape_cast %swap3A_794 : vector<16xf32> to vector<16xf32>
    %swap3A_796 = vector.shape_cast %add3A_792 : vector<16xf32> to vector<16xf32>
    tpu.vector_store %arg6[%swap3A_793], %swap3A_796 {strides = array<i32>} : memref<32xf32, #tpu.memory_space<vmem>>, vector<16xf32>,
    %swap3A_797 = arith.constant 16 : index
    %swap3A_798 = tpu.vector_load %arg6[%swap3A_797] {strides = array<i32>} : memref<32xf32, #tpu.memory_space<vmem>>, vector<16xf32>,
    %swap3A_799 = vector.shape_cast %swap3A_798 : vector<16xf32> to vector<16xf32>
    %swap3A_800 = vector.shape_cast %add3A_792 : vector<16xf32> to vector<16xf32>
    tpu.vector_store %arg6[%swap3A_797], %swap3A_800 {strides = array<i32>} : memref<32xf32, #tpu.memory_space<vmem>>, vector<16xf32>,
    %get3A_801 = arith.constant 2 : index
    %get3A_802 = tpu.vector_load %arg6[%get3A_801] {strides = array<i32>} : memref<32xf32, #tpu.memory_space<vmem>>, vector<16xf32>,
    %get3A_803 = vector.shape_cast %get3A_802 : vector<16xf32> to vector<16xf32>
    %add3A_804 = arith.addf %add3A_792, %get3A_803 : vector<16xf32>
    %swap3A_805 = arith.constant 0 : index
    %swap3A_806 = tpu.vector_load %arg6[%swap3A_805] {strides = array<i32>} : memref<32xf32, #tpu.memory_space<vmem>>, vector<16xf32>,
    %swap3A_807 = vector.shape_cast %swap3A_806 : vector<16xf32> to vector<16xf32>
    %swap3A_808 = vector.shape_cast %add3A_804 : vector<16xf32> to vector<16xf32>
    tpu.vector_store %arg6[%swap3A_805], %swap3A_808 {strides = array<i32>} : memref<32xf32, #tpu.memory_space<vmem>>, vector<16xf32>,
    %swap3A_809 = arith.constant 16 : index
    %swap3A_810 = tpu.vector_load %arg6[%swap3A_809] {strides = array<i32>} : memref<32xf32, #tpu.memory_space<vmem>>, vector<16xf32>,
    %swap3A_811 = vector.shape_cast %swap3A_810 : vector<16xf32> to vector<16xf32>
    %swap3A_812 = vector.shape_cast %add3A_804 : vector<16xf32> to vector<16xf32>
    tpu.vector_store %arg6[%swap3A_809], %swap3A_812 {strides = array<i32>} : memref<32xf32, #tpu.memory_space<vmem>>, vector<16xf32>,
    %get3A_813 = arith.constant 1 : index
    %get3A_814 = tpu.vector_load %arg6[%get3A_813] {strides = array<i32>} : memref<32xf32, #tpu.memory_space<vmem>>, vector<16xf32>,
    %get3A_815 = vector.shape_cast %get3A_814 : vector<16xf32> to vector<16xf32>
    %add3A_816 = arith.addf %add3A_804, %get3A_815 : vector<16xf32>
    %eq3A_817 = arith.constant 0 : i32
    %eq3A_818 = vector.broadcast %eq3A_817 : i32 to vector<16xi32>
    %eq3A_819 = arith.cmpi eq, %iota3A, %eq3A_818 : vector<16xi32>
    %select_n3A_820 = arith.select %eq3A_819, %add3A_763, %broadcast_in_dim3A_691 : vector<16xi1>, vector<16xf32>
    %eq3A_821 = arith.constant 0 : i32
    %eq3A_822 = vector.broadcast %eq3A_821 : i32 to vector<16xi32>
    %eq3A_823 = arith.cmpi eq, %iota3A, %eq3A_822 : vector<16xi32>
    %select_n3A_824 = arith.select %eq3A_823, %add3A_816, %broadcast_in_dim3A_693 : vector<16xi1>, vector<16xf32>
    %mul3A_825 = arith.constant 4 : i32
    %mul3A_826 = arith.muli %mul3A_825, %add3A : i32
    %add3A_827 = arith.constant 1 : i32
    %add3A_828 = arith.addi %mul3A_826, %add3A_827 : i32
    %jit3A_829 = arith.constant 16 : i32
    %eq3A_830 = arith.constant 0 : i32
    %eq3A_831 = arith.cmpi eq, %jit3A_829, %eq3A_830 : i32
    %jit3A_832 = arith.constant 1 : i32
    %select_n3A_833 = arith.select %eq3A_831, %jit3A_832, %jit3A_829 : i32
    %rem3A_834 = arith.remsi %add3A_828, %select_n3A_833 : i32
    %ne3A_835 = arith.constant 0 : i32
    %ne3A_836 = arith.cmpi ne, %rem3A_834, %ne3A_835 : i32
    %lt3A_837 = arith.constant 0 : i32
    %lt3A_838 = arith.cmpi slt, %rem3A_834, %lt3A_837 : i32
    %lt3A_839 = arith.constant 0 : i32
    %lt3A_840 = arith.cmpi slt, %select_n3A_833, %lt3A_839 : i32
    %ne3A_841 = arith.xori %lt3A_838, %lt3A_840 : i1
    %and3A_842 = arith.andi %ne3A_841, %ne3A_836 : i1
    %add3A_843 = arith.addi %rem3A_834, %select_n3A_833 : i32
    %select_n3A_844 = arith.select %and3A_842, %add3A_843, %rem3A_834 : i32
    %eq3A_845 = vector.broadcast %select_n3A_844 : i32 to vector<16xi32>
    %eq3A_846 = arith.cmpi eq, %iota3A, %eq3A_845 : vector<16xi32>
    %jit3A_847 = arith.constant 0.000000e+00 : f32
    %broadcast_in_dim3A_848 = vector.broadcast %jit3A_847 : f32 to vector<16xf32>
    %select_n3A_849 = arith.select %eq3A_846, %max3A_269, %broadcast_in_dim3A_848 : vector<16xi1>, vector<16xf32>
    %swap3A_850 = arith.constant 0 : index
    %swap3A_851 = tpu.vector_load %arg6[%swap3A_850] {strides = array<i32>} : memref<32xf32, #tpu.memory_space<vmem>>, vector<16xf32>,
    %swap3A_852 = vector.shape_cast %swap3A_851 : vector<16xf32> to vector<16xf32>
    %swap3A_853 = vector.shape_cast %select_n3A_849 : vector<16xf32> to vector<16xf32>
    tpu.vector_store %arg6[%swap3A_850], %swap3A_853 {strides = array<i32>} : memref<32xf32, #tpu.memory_space<vmem>>, vector<16xf32>,
    %swap3A_854 = arith.constant 16 : index
    %swap3A_855 = tpu.vector_load %arg6[%swap3A_854] {strides = array<i32>} : memref<32xf32, #tpu.memory_space<vmem>>, vector<16xf32>,
    %swap3A_856 = vector.shape_cast %swap3A_855 : vector<16xf32> to vector<16xf32>
    %swap3A_857 = vector.shape_cast %select_n3A_849 : vector<16xf32> to vector<16xf32>
    tpu.vector_store %arg6[%swap3A_854], %swap3A_857 {strides = array<i32>} : memref<32xf32, #tpu.memory_space<vmem>>, vector<16xf32>,
    %get3A_858 = arith.constant 8 : index
    %get3A_859 = tpu.vector_load %arg6[%get3A_858] {strides = array<i32>} : memref<32xf32, #tpu.memory_space<vmem>>, vector<16xf32>,
    %get3A_860 = vector.shape_cast %get3A_859 : vector<16xf32> to vector<16xf32>
    %add3A_861 = arith.addf %select_n3A_849, %get3A_860 : vector<16xf32>
    %swap3A_862 = arith.constant 0 : index
    %swap3A_863 = tpu.vector_load %arg6[%swap3A_862] {strides = array<i32>} : memref<32xf32, #tpu.memory_space<vmem>>, vector<16xf32>,
    %swap3A_864 = vector.shape_cast %swap3A_863 : vector<16xf32> to vector<16xf32>
    %swap3A_865 = vector.shape_cast %add3A_861 : vector<16xf32> to vector<16xf32>
    tpu.vector_store %arg6[%swap3A_862], %swap3A_865 {strides = array<i32>} : memref<32xf32, #tpu.memory_space<vmem>>, vector<16xf32>,
    %swap3A_866 = arith.constant 16 : index
    %swap3A_867 = tpu.vector_load %arg6[%swap3A_866] {strides = array<i32>} : memref<32xf32, #tpu.memory_space<vmem>>, vector<16xf32>,
    %swap3A_868 = vector.shape_cast %swap3A_867 : vector<16xf32> to vector<16xf32>
    %swap3A_869 = vector.shape_cast %add3A_861 : vector<16xf32> to vector<16xf32>
    tpu.vector_store %arg6[%swap3A_866], %swap3A_869 {strides = array<i32>} : memref<32xf32, #tpu.memory_space<vmem>>, vector<16xf32>,
    %get3A_870 = arith.constant 4 : index
    %get3A_871 = tpu.vector_load %arg6[%get3A_870] {strides = array<i32>} : memref<32xf32, #tpu.memory_space<vmem>>, vector<16xf32>,
    %get3A_872 = vector.shape_cast %get3A_871 : vector<16xf32> to vector<16xf32>
    %add3A_873 = arith.addf %add3A_861, %get3A_872 : vector<16xf32>
    %swap3A_874 = arith.constant 0 : index
    %swap3A_875 = tpu.vector_load %arg6[%swap3A_874] {strides = array<i32>} : memref<32xf32, #tpu.memory_space<vmem>>, vector<16xf32>,
    %swap3A_876 = vector.shape_cast %swap3A_875 : vector<16xf32> to vector<16xf32>
    %swap3A_877 = vector.shape_cast %add3A_873 : vector<16xf32> to vector<16xf32>
    tpu.vector_store %arg6[%swap3A_874], %swap3A_877 {strides = array<i32>} : memref<32xf32, #tpu.memory_space<vmem>>, vector<16xf32>,
    %swap3A_878 = arith.constant 16 : index
    %swap3A_879 = tpu.vector_load %arg6[%swap3A_878] {strides = array<i32>} : memref<32xf32, #tpu.memory_space<vmem>>, vector<16xf32>,
    %swap3A_880 = vector.shape_cast %swap3A_879 : vector<16xf32> to vector<16xf32>
    %swap3A_881 = vector.shape_cast %add3A_873 : vector<16xf32> to vector<16xf32>
    tpu.vector_store %arg6[%swap3A_878], %swap3A_881 {strides = array<i32>} : memref<32xf32, #tpu.memory_space<vmem>>, vector<16xf32>,
    %get3A_882 = arith.constant 2 : index
    %get3A_883 = tpu.vector_load %arg6[%get3A_882] {strides = array<i32>} : memref<32xf32, #tpu.memory_space<vmem>>, vector<16xf32>,
    %get3A_884 = vector.shape_cast %get3A_883 : vector<16xf32> to vector<16xf32>
    %add3A_885 = arith.addf %add3A_873, %get3A_884 : vector<16xf32>
    %swap3A_886 = arith.constant 0 : index
    %swap3A_887 = tpu.vector_load %arg6[%swap3A_886] {strides = array<i32>} : memref<32xf32, #tpu.memory_space<vmem>>, vector<16xf32>,
    %swap3A_888 = vector.shape_cast %swap3A_887 : vector<16xf32> to vector<16xf32>
    %swap3A_889 = vector.shape_cast %add3A_885 : vector<16xf32> to vector<16xf32>
    tpu.vector_store %arg6[%swap3A_886], %swap3A_889 {strides = array<i32>} : memref<32xf32, #tpu.memory_space<vmem>>, vector<16xf32>,
    %swap3A_890 = arith.constant 16 : index
    %swap3A_891 = tpu.vector_load %arg6[%swap3A_890] {strides = array<i32>} : memref<32xf32, #tpu.memory_space<vmem>>, vector<16xf32>,
    %swap3A_892 = vector.shape_cast %swap3A_891 : vector<16xf32> to vector<16xf32>
    %swap3A_893 = vector.shape_cast %add3A_885 : vector<16xf32> to vector<16xf32>
    tpu.vector_store %arg6[%swap3A_890], %swap3A_893 {strides = array<i32>} : memref<32xf32, #tpu.memory_space<vmem>>, vector<16xf32>,
    %get3A_894 = arith.constant 1 : index
    %get3A_895 = tpu.vector_load %arg6[%get3A_894] {strides = array<i32>} : memref<32xf32, #tpu.memory_space<vmem>>, vector<16xf32>,
    %get3A_896 = vector.shape_cast %get3A_895 : vector<16xf32> to vector<16xf32>
    %add3A_897 = arith.addf %add3A_885, %get3A_896 : vector<16xf32>
    %eq3A_898 = vector.broadcast %select_n3A_844 : i32 to vector<16xi32>
    %eq3A_899 = arith.cmpi eq, %iota3A, %eq3A_898 : vector<16xi32>
    %jit3A_900 = arith.constant 0.000000e+00 : f32
    %broadcast_in_dim3A_901 = vector.broadcast %jit3A_900 : f32 to vector<16xf32>
    %select_n3A_902 = arith.select %eq3A_899, %add3A_685, %broadcast_in_dim3A_901 : vector<16xi1>, vector<16xf32>
    %swap3A_903 = arith.constant 0 : index
    %swap3A_904 = tpu.vector_load %arg6[%swap3A_903] {strides = array<i32>} : memref<32xf32, #tpu.memory_space<vmem>>, vector<16xf32>,
    %swap3A_905 = vector.shape_cast %swap3A_904 : vector<16xf32> to vector<16xf32>
    %swap3A_906 = vector.shape_cast %select_n3A_902 : vector<16xf32> to vector<16xf32>
    tpu.vector_store %arg6[%swap3A_903], %swap3A_906 {strides = array<i32>} : memref<32xf32, #tpu.memory_space<vmem>>, vector<16xf32>,
    %swap3A_907 = arith.constant 16 : index
    %swap3A_908 = tpu.vector_load %arg6[%swap3A_907] {strides = array<i32>} : memref<32xf32, #tpu.memory_space<vmem>>, vector<16xf32>,
    %swap3A_909 = vector.shape_cast %swap3A_908 : vector<16xf32> to vector<16xf32>
    %swap3A_910 = vector.shape_cast %select_n3A_902 : vector<16xf32> to vector<16xf32>
    tpu.vector_store %arg6[%swap3A_907], %swap3A_910 {strides = array<i32>} : memref<32xf32, #tpu.memory_space<vmem>>, vector<16xf32>,
    %get3A_911 = arith.constant 8 : index
    %get3A_912 = tpu.vector_load %arg6[%get3A_911] {strides = array<i32>} : memref<32xf32, #tpu.memory_space<vmem>>, vector<16xf32>,
    %get3A_913 = vector.shape_cast %get3A_912 : vector<16xf32> to vector<16xf32>
    %add3A_914 = arith.addf %select_n3A_902, %get3A_913 : vector<16xf32>
    %swap3A_915 = arith.constant 0 : index
    %swap3A_916 = tpu.vector_load %arg6[%swap3A_915] {strides = array<i32>} : memref<32xf32, #tpu.memory_space<vmem>>, vector<16xf32>,
    %swap3A_917 = vector.shape_cast %swap3A_916 : vector<16xf32> to vector<16xf32>
    %swap3A_918 = vector.shape_cast %add3A_914 : vector<16xf32> to vector<16xf32>
    tpu.vector_store %arg6[%swap3A_915], %swap3A_918 {strides = array<i32>} : memref<32xf32, #tpu.memory_space<vmem>>, vector<16xf32>,
    %swap3A_919 = arith.constant 16 : index
    %swap3A_920 = tpu.vector_load %arg6[%swap3A_919] {strides = array<i32>} : memref<32xf32, #tpu.memory_space<vmem>>, vector<16xf32>,
    %swap3A_921 = vector.shape_cast %swap3A_920 : vector<16xf32> to vector<16xf32>
    %swap3A_922 = vector.shape_cast %add3A_914 : vector<16xf32> to vector<16xf32>
    tpu.vector_store %arg6[%swap3A_919], %swap3A_922 {strides = array<i32>} : memref<32xf32, #tpu.memory_space<vmem>>, vector<16xf32>,
    %get3A_923 = arith.constant 4 : index
    %get3A_924 = tpu.vector_load %arg6[%get3A_923] {strides = array<i32>} : memref<32xf32, #tpu.memory_space<vmem>>, vector<16xf32>,
    %get3A_925 = vector.shape_cast %get3A_924 : vector<16xf32> to vector<16xf32>
    %add3A_926 = arith.addf %add3A_914, %get3A_925 : vector<16xf32>
    %swap3A_927 = arith.constant 0 : index
    %swap3A_928 = tpu.vector_load %arg6[%swap3A_927] {strides = array<i32>} : memref<32xf32, #tpu.memory_space<vmem>>, vector<16xf32>,
    %swap3A_929 = vector.shape_cast %swap3A_928 : vector<16xf32> to vector<16xf32>
    %swap3A_930 = vector.shape_cast %add3A_926 : vector<16xf32> to vector<16xf32>
    tpu.vector_store %arg6[%swap3A_927], %swap3A_930 {strides = array<i32>} : memref<32xf32, #tpu.memory_space<vmem>>, vector<16xf32>,
    %swap3A_931 = arith.constant 16 : index
    %swap3A_932 = tpu.vector_load %arg6[%swap3A_931] {strides = array<i32>} : memref<32xf32, #tpu.memory_space<vmem>>, vector<16xf32>,
    %swap3A_933 = vector.shape_cast %swap3A_932 : vector<16xf32> to vector<16xf32>
    %swap3A_934 = vector.shape_cast %add3A_926 : vector<16xf32> to vector<16xf32>
    tpu.vector_store %arg6[%swap3A_931], %swap3A_934 {strides = array<i32>} : memref<32xf32, #tpu.memory_space<vmem>>, vector<16xf32>,
    %get3A_935 = arith.constant 2 : index
    %get3A_936 = tpu.vector_load %arg6[%get3A_935] {strides = array<i32>} : memref<32xf32, #tpu.memory_space<vmem>>, vector<16xf32>,
    %get3A_937 = vector.shape_cast %get3A_936 : vector<16xf32> to vector<16xf32>
    %add3A_938 = arith.addf %add3A_926, %get3A_937 : vector<16xf32>
    %swap3A_939 = arith.constant 0 : index
    %swap3A_940 = tpu.vector_load %arg6[%swap3A_939] {strides = array<i32>} : memref<32xf32, #tpu.memory_space<vmem>>, vector<16xf32>,
    %swap3A_941 = vector.shape_cast %swap3A_940 : vector<16xf32> to vector<16xf32>
    %swap3A_942 = vector.shape_cast %add3A_938 : vector<16xf32> to vector<16xf32>
    tpu.vector_store %arg6[%swap3A_939], %swap3A_942 {strides = array<i32>} : memref<32xf32, #tpu.memory_space<vmem>>, vector<16xf32>,
    %swap3A_943 = arith.constant 16 : index
    %swap3A_944 = tpu.vector_load %arg6[%swap3A_943] {strides = array<i32>} : memref<32xf32, #tpu.memory_space<vmem>>, vector<16xf32>,
    %swap3A_945 = vector.shape_cast %swap3A_944 : vector<16xf32> to vector<16xf32>
    %swap3A_946 = vector.shape_cast %add3A_938 : vector<16xf32> to vector<16xf32>
    tpu.vector_store %arg6[%swap3A_943], %swap3A_946 {strides = array<i32>} : memref<32xf32, #tpu.memory_space<vmem>>, vector<16xf32>,
    %get3A_947 = arith.constant 1 : index
    %get3A_948 = tpu.vector_load %arg6[%get3A_947] {strides = array<i32>} : memref<32xf32, #tpu.memory_space<vmem>>, vector<16xf32>,
    %get3A_949 = vector.shape_cast %get3A_948 : vector<16xf32> to vector<16xf32>
    %add3A_950 = arith.addf %add3A_938, %get3A_949 : vector<16xf32>
    %eq3A_951 = arith.constant 1 : i32
    %eq3A_952 = vector.broadcast %eq3A_951 : i32 to vector<16xi32>
    %eq3A_953 = arith.cmpi eq, %iota3A, %eq3A_952 : vector<16xi32>
    %select_n3A_954 = arith.select %eq3A_953, %add3A_897, %select_n3A_820 : vector<16xi1>, vector<16xf32>
    %eq3A_955 = arith.constant 1 : i32
    %eq3A_956 = vector.broadcast %eq3A_955 : i32 to vector<16xi32>
    %eq3A_957 = arith.cmpi eq, %iota3A, %eq3A_956 : vector<16xi32>
    %select_n3A_958 = arith.select %eq3A_957, %add3A_950, %select_n3A_824 : vector<16xi1>, vector<16xf32>
    %mul3A_959 = arith.constant 4 : i32
    %mul3A_960 = arith.muli %mul3A_959, %add3A : i32
    %add3A_961 = arith.constant 2 : i32
    %add3A_962 = arith.addi %mul3A_960, %add3A_961 : i32
    %jit3A_963 = arith.constant 16 : i32
    %eq3A_964 = arith.constant 0 : i32
    %eq3A_965 = arith.cmpi eq, %jit3A_963, %eq3A_964 : i32
    %jit3A_966 = arith.constant 1 : i32
    %select_n3A_967 = arith.select %eq3A_965, %jit3A_966, %jit3A_963 : i32
    %rem3A_968 = arith.remsi %add3A_962, %select_n3A_967 : i32
    %ne3A_969 = arith.constant 0 : i32
    %ne3A_970 = arith.cmpi ne, %rem3A_968, %ne3A_969 : i32
    %lt3A_971 = arith.constant 0 : i32
    %lt3A_972 = arith.cmpi slt, %rem3A_968, %lt3A_971 : i32
    %lt3A_973 = arith.constant 0 : i32
    %lt3A_974 = arith.cmpi slt, %select_n3A_967, %lt3A_973 : i32
    %ne3A_975 = arith.xori %lt3A_972, %lt3A_974 : i1
    %and3A_976 = arith.andi %ne3A_975, %ne3A_970 : i1
    %add3A_977 = arith.addi %rem3A_968, %select_n3A_967 : i32
    %select_n3A_978 = arith.select %and3A_976, %add3A_977, %rem3A_968 : i32
    %eq3A_979 = vector.broadcast %select_n3A_978 : i32 to vector<16xi32>
    %eq3A_980 = arith.cmpi eq, %iota3A, %eq3A_979 : vector<16xi32>
    %jit3A_981 = arith.constant 0.000000e+00 : f32
    %broadcast_in_dim3A_982 = vector.broadcast %jit3A_981 : f32 to vector<16xf32>
    %select_n3A_983 = arith.select %eq3A_980, %max3A_269, %broadcast_in_dim3A_982 : vector<16xi1>, vector<16xf32>
    %swap3A_984 = arith.constant 0 : index
    %swap3A_985 = tpu.vector_load %arg6[%swap3A_984] {strides = array<i32>} : memref<32xf32, #tpu.memory_space<vmem>>, vector<16xf32>,
    %swap3A_986 = vector.shape_cast %swap3A_985 : vector<16xf32> to vector<16xf32>
    %swap3A_987 = vector.shape_cast %select_n3A_983 : vector<16xf32> to vector<16xf32>
    tpu.vector_store %arg6[%swap3A_984], %swap3A_987 {strides = array<i32>} : memref<32xf32, #tpu.memory_space<vmem>>, vector<16xf32>,
    %swap3A_988 = arith.constant 16 : index
    %swap3A_989 = tpu.vector_load %arg6[%swap3A_988] {strides = array<i32>} : memref<32xf32, #tpu.memory_space<vmem>>, vector<16xf32>,
    %swap3A_990 = vector.shape_cast %swap3A_989 : vector<16xf32> to vector<16xf32>
    %swap3A_991 = vector.shape_cast %select_n3A_983 : vector<16xf32> to vector<16xf32>
    tpu.vector_store %arg6[%swap3A_988], %swap3A_991 {strides = array<i32>} : memref<32xf32, #tpu.memory_space<vmem>>, vector<16xf32>,
    %get3A_992 = arith.constant 8 : index
    %get3A_993 = tpu.vector_load %arg6[%get3A_992] {strides = array<i32>} : memref<32xf32, #tpu.memory_space<vmem>>, vector<16xf32>,
    %get3A_994 = vector.shape_cast %get3A_993 : vector<16xf32> to vector<16xf32>
    %add3A_995 = arith.addf %select_n3A_983, %get3A_994 : vector<16xf32>
    %swap3A_996 = arith.constant 0 : index
    %swap3A_997 = tpu.vector_load %arg6[%swap3A_996] {strides = array<i32>} : memref<32xf32, #tpu.memory_space<vmem>>, vector<16xf32>,
    %swap3A_998 = vector.shape_cast %swap3A_997 : vector<16xf32> to vector<16xf32>
    %swap3A_999 = vector.shape_cast %add3A_995 : vector<16xf32> to vector<16xf32>
    tpu.vector_store %arg6[%swap3A_996], %swap3A_999 {strides = array<i32>} : memref<32xf32, #tpu.memory_space<vmem>>, vector<16xf32>,
    %swap3A_1000 = arith.constant 16 : index
    %swap3A_1001 = tpu.vector_load %arg6[%swap3A_1000] {strides = array<i32>} : memref<32xf32, #tpu.memory_space<vmem>>, vector<16xf32>,
    %swap3A_1002 = vector.shape_cast %swap3A_1001 : vector<16xf32> to vector<16xf32>
    %swap3A_1003 = vector.shape_cast %add3A_995 : vector<16xf32> to vector<16xf32>
    tpu.vector_store %arg6[%swap3A_1000], %swap3A_1003 {strides = array<i32>} : memref<32xf32, #tpu.memory_space<vmem>>, vector<16xf32>,
    %get3A_1004 = arith.constant 4 : index
    %get3A_1005 = tpu.vector_load %arg6[%get3A_1004] {strides = array<i32>} : memref<32xf32, #tpu.memory_space<vmem>>, vector<16xf32>,
    %get3A_1006 = vector.shape_cast %get3A_1005 : vector<16xf32> to vector<16xf32>
    %add3A_1007 = arith.addf %add3A_995, %get3A_1006 : vector<16xf32>
    %swap3A_1008 = arith.constant 0 : index
    %swap3A_1009 = tpu.vector_load %arg6[%swap3A_1008] {strides = array<i32>} : memref<32xf32, #tpu.memory_space<vmem>>, vector<16xf32>,
    %swap3A_1010 = vector.shape_cast %swap3A_1009 : vector<16xf32> to vector<16xf32>
    %swap3A_1011 = vector.shape_cast %add3A_1007 : vector<16xf32> to vector<16xf32>
    tpu.vector_store %arg6[%swap3A_1008], %swap3A_1011 {strides = array<i32>} : memref<32xf32, #tpu.memory_space<vmem>>, vector<16xf32>,
    %swap3A_1012 = arith.constant 16 : index
    %swap3A_1013 = tpu.vector_load %arg6[%swap3A_1012] {strides = array<i32>} : memref<32xf32, #tpu.memory_space<vmem>>, vector<16xf32>,
    %swap3A_1014 = vector.shape_cast %swap3A_1013 : vector<16xf32> to vector<16xf32>
    %swap3A_1015 = vector.shape_cast %add3A_1007 : vector<16xf32> to vector<16xf32>
    tpu.vector_store %arg6[%swap3A_1012], %swap3A_1015 {strides = array<i32>} : memref<32xf32, #tpu.memory_space<vmem>>, vector<16xf32>,
    %get3A_1016 = arith.constant 2 : index
    %get3A_1017 = tpu.vector_load %arg6[%get3A_1016] {strides = array<i32>} : memref<32xf32, #tpu.memory_space<vmem>>, vector<16xf32>,
    %get3A_1018 = vector.shape_cast %get3A_1017 : vector<16xf32> to vector<16xf32>
    %add3A_1019 = arith.addf %add3A_1007, %get3A_1018 : vector<16xf32>
    %swap3A_1020 = arith.constant 0 : index
    %swap3A_1021 = tpu.vector_load %arg6[%swap3A_1020] {strides = array<i32>} : memref<32xf32, #tpu.memory_space<vmem>>, vector<16xf32>,
    %swap3A_1022 = vector.shape_cast %swap3A_1021 : vector<16xf32> to vector<16xf32>
    %swap3A_1023 = vector.shape_cast %add3A_1019 : vector<16xf32> to vector<16xf32>
    tpu.vector_store %arg6[%swap3A_1020], %swap3A_1023 {strides = array<i32>} : memref<32xf32, #tpu.memory_space<vmem>>, vector<16xf32>,
    %swap3A_1024 = arith.constant 16 : index
    %swap3A_1025 = tpu.vector_load %arg6[%swap3A_1024] {strides = array<i32>} : memref<32xf32, #tpu.memory_space<vmem>>, vector<16xf32>,
    %swap3A_1026 = vector.shape_cast %swap3A_1025 : vector<16xf32> to vector<16xf32>
    %swap3A_1027 = vector.shape_cast %add3A_1019 : vector<16xf32> to vector<16xf32>
    tpu.vector_store %arg6[%swap3A_1024], %swap3A_1027 {strides = array<i32>} : memref<32xf32, #tpu.memory_space<vmem>>, vector<16xf32>,
    %get3A_1028 = arith.constant 1 : index
    %get3A_1029 = tpu.vector_load %arg6[%get3A_1028] {strides = array<i32>} : memref<32xf32, #tpu.memory_space<vmem>>, vector<16xf32>,
    %get3A_1030 = vector.shape_cast %get3A_1029 : vector<16xf32> to vector<16xf32>
    %add3A_1031 = arith.addf %add3A_1019, %get3A_1030 : vector<16xf32>
    %eq3A_1032 = vector.broadcast %select_n3A_978 : i32 to vector<16xi32>
    %eq3A_1033 = arith.cmpi eq, %iota3A, %eq3A_1032 : vector<16xi32>
    %jit3A_1034 = arith.constant 0.000000e+00 : f32
    %broadcast_in_dim3A_1035 = vector.broadcast %jit3A_1034 : f32 to vector<16xf32>
    %select_n3A_1036 = arith.select %eq3A_1033, %add3A_685, %broadcast_in_dim3A_1035 : vector<16xi1>, vector<16xf32>
    %swap3A_1037 = arith.constant 0 : index
    %swap3A_1038 = tpu.vector_load %arg6[%swap3A_1037] {strides = array<i32>} : memref<32xf32, #tpu.memory_space<vmem>>, vector<16xf32>,
    %swap3A_1039 = vector.shape_cast %swap3A_1038 : vector<16xf32> to vector<16xf32>
    %swap3A_1040 = vector.shape_cast %select_n3A_1036 : vector<16xf32> to vector<16xf32>
    tpu.vector_store %arg6[%swap3A_1037], %swap3A_1040 {strides = array<i32>} : memref<32xf32, #tpu.memory_space<vmem>>, vector<16xf32>,
    %swap3A_1041 = arith.constant 16 : index
    %swap3A_1042 = tpu.vector_load %arg6[%swap3A_1041] {strides = array<i32>} : memref<32xf32, #tpu.memory_space<vmem>>, vector<16xf32>,
    %swap3A_1043 = vector.shape_cast %swap3A_1042 : vector<16xf32> to vector<16xf32>
    %swap3A_1044 = vector.shape_cast %select_n3A_1036 : vector<16xf32> to vector<16xf32>
    tpu.vector_store %arg6[%swap3A_1041], %swap3A_1044 {strides = array<i32>} : memref<32xf32, #tpu.memory_space<vmem>>, vector<16xf32>,
    %get3A_1045 = arith.constant 8 : index
    %get3A_1046 = tpu.vector_load %arg6[%get3A_1045] {strides = array<i32>} : memref<32xf32, #tpu.memory_space<vmem>>, vector<16xf32>,
    %get3A_1047 = vector.shape_cast %get3A_1046 : vector<16xf32> to vector<16xf32>
    %add3A_1048 = arith.addf %select_n3A_1036, %get3A_1047 : vector<16xf32>
    %swap3A_1049 = arith.constant 0 : index
    %swap3A_1050 = tpu.vector_load %arg6[%swap3A_1049] {strides = array<i32>} : memref<32xf32, #tpu.memory_space<vmem>>, vector<16xf32>,
    %swap3A_1051 = vector.shape_cast %swap3A_1050 : vector<16xf32> to vector<16xf32>
    %swap3A_1052 = vector.shape_cast %add3A_1048 : vector<16xf32> to vector<16xf32>
    tpu.vector_store %arg6[%swap3A_1049], %swap3A_1052 {strides = array<i32>} : memref<32xf32, #tpu.memory_space<vmem>>, vector<16xf32>,
    %swap3A_1053 = arith.constant 16 : index
    %swap3A_1054 = tpu.vector_load %arg6[%swap3A_1053] {strides = array<i32>} : memref<32xf32, #tpu.memory_space<vmem>>, vector<16xf32>,
    %swap3A_1055 = vector.shape_cast %swap3A_1054 : vector<16xf32> to vector<16xf32>
    %swap3A_1056 = vector.shape_cast %add3A_1048 : vector<16xf32> to vector<16xf32>
    tpu.vector_store %arg6[%swap3A_1053], %swap3A_1056 {strides = array<i32>} : memref<32xf32, #tpu.memory_space<vmem>>, vector<16xf32>,
    %get3A_1057 = arith.constant 4 : index
    %get3A_1058 = tpu.vector_load %arg6[%get3A_1057] {strides = array<i32>} : memref<32xf32, #tpu.memory_space<vmem>>, vector<16xf32>,
    %get3A_1059 = vector.shape_cast %get3A_1058 : vector<16xf32> to vector<16xf32>
    %add3A_1060 = arith.addf %add3A_1048, %get3A_1059 : vector<16xf32>
    %swap3A_1061 = arith.constant 0 : index
    %swap3A_1062 = tpu.vector_load %arg6[%swap3A_1061] {strides = array<i32>} : memref<32xf32, #tpu.memory_space<vmem>>, vector<16xf32>,
    %swap3A_1063 = vector.shape_cast %swap3A_1062 : vector<16xf32> to vector<16xf32>
    %swap3A_1064 = vector.shape_cast %add3A_1060 : vector<16xf32> to vector<16xf32>
    tpu.vector_store %arg6[%swap3A_1061], %swap3A_1064 {strides = array<i32>} : memref<32xf32, #tpu.memory_space<vmem>>, vector<16xf32>,
    %swap3A_1065 = arith.constant 16 : index
    %swap3A_1066 = tpu.vector_load %arg6[%swap3A_1065] {strides = array<i32>} : memref<32xf32, #tpu.memory_space<vmem>>, vector<16xf32>,
    %swap3A_1067 = vector.shape_cast %swap3A_1066 : vector<16xf32> to vector<16xf32>
    %swap3A_1068 = vector.shape_cast %add3A_1060 : vector<16xf32> to vector<16xf32>
    tpu.vector_store %arg6[%swap3A_1065], %swap3A_1068 {strides = array<i32>} : memref<32xf32, #tpu.memory_space<vmem>>, vector<16xf32>,
    %get3A_1069 = arith.constant 2 : index
    %get3A_1070 = tpu.vector_load %arg6[%get3A_1069] {strides = array<i32>} : memref<32xf32, #tpu.memory_space<vmem>>, vector<16xf32>,
    %get3A_1071 = vector.shape_cast %get3A_1070 : vector<16xf32> to vector<16xf32>
    %add3A_1072 = arith.addf %add3A_1060, %get3A_1071 : vector<16xf32>
    %swap3A_1073 = arith.constant 0 : index
    %swap3A_1074 = tpu.vector_load %arg6[%swap3A_1073] {strides = array<i32>} : memref<32xf32, #tpu.memory_space<vmem>>, vector<16xf32>,
    %swap3A_1075 = vector.shape_cast %swap3A_1074 : vector<16xf32> to vector<16xf32>
    %swap3A_1076 = vector.shape_cast %add3A_1072 : vector<16xf32> to vector<16xf32>
    tpu.vector_store %arg6[%swap3A_1073], %swap3A_1076 {strides = array<i32>} : memref<32xf32, #tpu.memory_space<vmem>>, vector<16xf32>,
    %swap3A_1077 = arith.constant 16 : index
    %swap3A_1078 = tpu.vector_load %arg6[%swap3A_1077] {strides = array<i32>} : memref<32xf32, #tpu.memory_space<vmem>>, vector<16xf32>,
    %swap3A_1079 = vector.shape_cast %swap3A_1078 : vector<16xf32> to vector<16xf32>
    %swap3A_1080 = vector.shape_cast %add3A_1072 : vector<16xf32> to vector<16xf32>
    tpu.vector_store %arg6[%swap3A_1077], %swap3A_1080 {strides = array<i32>} : memref<32xf32, #tpu.memory_space<vmem>>, vector<16xf32>,
    %get3A_1081 = arith.constant 1 : index
    %get3A_1082 = tpu.vector_load %arg6[%get3A_1081] {strides = array<i32>} : memref<32xf32, #tpu.memory_space<vmem>>, vector<16xf32>,
    %get3A_1083 = vector.shape_cast %get3A_1082 : vector<16xf32> to vector<16xf32>
    %add3A_1084 = arith.addf %add3A_1072, %get3A_1083 : vector<16xf32>
    %eq3A_1085 = arith.constant 2 : i32
    %eq3A_1086 = vector.broadcast %eq3A_1085 : i32 to vector<16xi32>
    %eq3A_1087 = arith.cmpi eq, %iota3A, %eq3A_1086 : vector<16xi32>
    %select_n3A_1088 = arith.select %eq3A_1087, %add3A_1031, %select_n3A_954 : vector<16xi1>, vector<16xf32>
    %eq3A_1089 = arith.constant 2 : i32
    %eq3A_1090 = vector.broadcast %eq3A_1089 : i32 to vector<16xi32>
    %eq3A_1091 = arith.cmpi eq, %iota3A, %eq3A_1090 : vector<16xi32>
    %select_n3A_1092 = arith.select %eq3A_1091, %add3A_1084, %select_n3A_958 : vector<16xi1>, vector<16xf32>
    %mul3A_1093 = arith.constant 4 : i32
    %mul3A_1094 = arith.muli %mul3A_1093, %add3A : i32
    %add3A_1095 = arith.constant 3 : i32
    %add3A_1096 = arith.addi %mul3A_1094, %add3A_1095 : i32
    %jit3A_1097 = arith.constant 16 : i32
    %eq3A_1098 = arith.constant 0 : i32
    %eq3A_1099 = arith.cmpi eq, %jit3A_1097, %eq3A_1098 : i32
    %jit3A_1100 = arith.constant 1 : i32
    %select_n3A_1101 = arith.select %eq3A_1099, %jit3A_1100, %jit3A_1097 : i32
    %rem3A_1102 = arith.remsi %add3A_1096, %select_n3A_1101 : i32
    %ne3A_1103 = arith.constant 0 : i32
    %ne3A_1104 = arith.cmpi ne, %rem3A_1102, %ne3A_1103 : i32
    %lt3A_1105 = arith.constant 0 : i32
    %lt3A_1106 = arith.cmpi slt, %rem3A_1102, %lt3A_1105 : i32
    %lt3A_1107 = arith.constant 0 : i32
    %lt3A_1108 = arith.cmpi slt, %select_n3A_1101, %lt3A_1107 : i32
    %ne3A_1109 = arith.xori %lt3A_1106, %lt3A_1108 : i1
    %and3A_1110 = arith.andi %ne3A_1109, %ne3A_1104 : i1
    %add3A_1111 = arith.addi %rem3A_1102, %select_n3A_1101 : i32
    %select_n3A_1112 = arith.select %and3A_1110, %add3A_1111, %rem3A_1102 : i32
    %eq3A_1113 = vector.broadcast %select_n3A_1112 : i32 to vector<16xi32>
    %eq3A_1114 = arith.cmpi eq, %iota3A, %eq3A_1113 : vector<16xi32>
    %jit3A_1115 = arith.constant 0.000000e+00 : f32
    %broadcast_in_dim3A_1116 = vector.broadcast %jit3A_1115 : f32 to vector<16xf32>
    %select_n3A_1117 = arith.select %eq3A_1114, %max3A_269, %broadcast_in_dim3A_1116 : vector<16xi1>, vector<16xf32>
    %swap3A_1118 = arith.constant 0 : index
    %swap3A_1119 = tpu.vector_load %arg6[%swap3A_1118] {strides = array<i32>} : memref<32xf32, #tpu.memory_space<vmem>>, vector<16xf32>,
    %swap3A_1120 = vector.shape_cast %swap3A_1119 : vector<16xf32> to vector<16xf32>
    %swap3A_1121 = vector.shape_cast %select_n3A_1117 : vector<16xf32> to vector<16xf32>
    tpu.vector_store %arg6[%swap3A_1118], %swap3A_1121 {strides = array<i32>} : memref<32xf32, #tpu.memory_space<vmem>>, vector<16xf32>,
    %swap3A_1122 = arith.constant 16 : index
    %swap3A_1123 = tpu.vector_load %arg6[%swap3A_1122] {strides = array<i32>} : memref<32xf32, #tpu.memory_space<vmem>>, vector<16xf32>,
    %swap3A_1124 = vector.shape_cast %swap3A_1123 : vector<16xf32> to vector<16xf32>
    %swap3A_1125 = vector.shape_cast %select_n3A_1117 : vector<16xf32> to vector<16xf32>
    tpu.vector_store %arg6[%swap3A_1122], %swap3A_1125 {strides = array<i32>} : memref<32xf32, #tpu.memory_space<vmem>>, vector<16xf32>,
    %get3A_1126 = arith.constant 8 : index
    %get3A_1127 = tpu.vector_load %arg6[%get3A_1126] {strides = array<i32>} : memref<32xf32, #tpu.memory_space<vmem>>, vector<16xf32>,
    %get3A_1128 = vector.shape_cast %get3A_1127 : vector<16xf32> to vector<16xf32>
    %add3A_1129 = arith.addf %select_n3A_1117, %get3A_1128 : vector<16xf32>
    %swap3A_1130 = arith.constant 0 : index
    %swap3A_1131 = tpu.vector_load %arg6[%swap3A_1130] {strides = array<i32>} : memref<32xf32, #tpu.memory_space<vmem>>, vector<16xf32>,
    %swap3A_1132 = vector.shape_cast %swap3A_1131 : vector<16xf32> to vector<16xf32>
    %swap3A_1133 = vector.shape_cast %add3A_1129 : vector<16xf32> to vector<16xf32>
    tpu.vector_store %arg6[%swap3A_1130], %swap3A_1133 {strides = array<i32>} : memref<32xf32, #tpu.memory_space<vmem>>, vector<16xf32>,
    %swap3A_1134 = arith.constant 16 : index
    %swap3A_1135 = tpu.vector_load %arg6[%swap3A_1134] {strides = array<i32>} : memref<32xf32, #tpu.memory_space<vmem>>, vector<16xf32>,
    %swap3A_1136 = vector.shape_cast %swap3A_1135 : vector<16xf32> to vector<16xf32>
    %swap3A_1137 = vector.shape_cast %add3A_1129 : vector<16xf32> to vector<16xf32>
    tpu.vector_store %arg6[%swap3A_1134], %swap3A_1137 {strides = array<i32>} : memref<32xf32, #tpu.memory_space<vmem>>, vector<16xf32>,
    %get3A_1138 = arith.constant 4 : index
    %get3A_1139 = tpu.vector_load %arg6[%get3A_1138] {strides = array<i32>} : memref<32xf32, #tpu.memory_space<vmem>>, vector<16xf32>,
    %get3A_1140 = vector.shape_cast %get3A_1139 : vector<16xf32> to vector<16xf32>
    %add3A_1141 = arith.addf %add3A_1129, %get3A_1140 : vector<16xf32>
    %swap3A_1142 = arith.constant 0 : index
    %swap3A_1143 = tpu.vector_load %arg6[%swap3A_1142] {strides = array<i32>} : memref<32xf32, #tpu.memory_space<vmem>>, vector<16xf32>,
    %swap3A_1144 = vector.shape_cast %swap3A_1143 : vector<16xf32> to vector<16xf32>
    %swap3A_1145 = vector.shape_cast %add3A_1141 : vector<16xf32> to vector<16xf32>
    tpu.vector_store %arg6[%swap3A_1142], %swap3A_1145 {strides = array<i32>} : memref<32xf32, #tpu.memory_space<vmem>>, vector<16xf32>,
    %swap3A_1146 = arith.constant 16 : index
    %swap3A_1147 = tpu.vector_load %arg6[%swap3A_1146] {strides = array<i32>} : memref<32xf32, #tpu.memory_space<vmem>>, vector<16xf32>,
    %swap3A_1148 = vector.shape_cast %swap3A_1147 : vector<16xf32> to vector<16xf32>
    %swap3A_1149 = vector.shape_cast %add3A_1141 : vector<16xf32> to vector<16xf32>
    tpu.vector_store %arg6[%swap3A_1146], %swap3A_1149 {strides = array<i32>} : memref<32xf32, #tpu.memory_space<vmem>>, vector<16xf32>,
    %get3A_1150 = arith.constant 2 : index
    %get3A_1151 = tpu.vector_load %arg6[%get3A_1150] {strides = array<i32>} : memref<32xf32, #tpu.memory_space<vmem>>, vector<16xf32>,
    %get3A_1152 = vector.shape_cast %get3A_1151 : vector<16xf32> to vector<16xf32>
    %add3A_1153 = arith.addf %add3A_1141, %get3A_1152 : vector<16xf32>
    %swap3A_1154 = arith.constant 0 : index
    %swap3A_1155 = tpu.vector_load %arg6[%swap3A_1154] {strides = array<i32>} : memref<32xf32, #tpu.memory_space<vmem>>, vector<16xf32>,
    %swap3A_1156 = vector.shape_cast %swap3A_1155 : vector<16xf32> to vector<16xf32>
    %swap3A_1157 = vector.shape_cast %add3A_1153 : vector<16xf32> to vector<16xf32>
    tpu.vector_store %arg6[%swap3A_1154], %swap3A_1157 {strides = array<i32>} : memref<32xf32, #tpu.memory_space<vmem>>, vector<16xf32>,
    %swap3A_1158 = arith.constant 16 : index
    %swap3A_1159 = tpu.vector_load %arg6[%swap3A_1158] {strides = array<i32>} : memref<32xf32, #tpu.memory_space<vmem>>, vector<16xf32>,
    %swap3A_1160 = vector.shape_cast %swap3A_1159 : vector<16xf32> to vector<16xf32>
    %swap3A_1161 = vector.shape_cast %add3A_1153 : vector<16xf32> to vector<16xf32>
    tpu.vector_store %arg6[%swap3A_1158], %swap3A_1161 {strides = array<i32>} : memref<32xf32, #tpu.memory_space<vmem>>, vector<16xf32>,
    %get3A_1162 = arith.constant 1 : index
    %get3A_1163 = tpu.vector_load %arg6[%get3A_1162] {strides = array<i32>} : memref<32xf32, #tpu.memory_space<vmem>>, vector<16xf32>,
    %get3A_1164 = vector.shape_cast %get3A_1163 : vector<16xf32> to vector<16xf32>
    %add3A_1165 = arith.addf %add3A_1153, %get3A_1164 : vector<16xf32>
    %eq3A_1166 = vector.broadcast %select_n3A_1112 : i32 to vector<16xi32>
    %eq3A_1167 = arith.cmpi eq, %iota3A, %eq3A_1166 : vector<16xi32>
    %jit3A_1168 = arith.constant 0.000000e+00 : f32
    %broadcast_in_dim3A_1169 = vector.broadcast %jit3A_1168 : f32 to vector<16xf32>
    %select_n3A_1170 = arith.select %eq3A_1167, %add3A_685, %broadcast_in_dim3A_1169 : vector<16xi1>, vector<16xf32>
    %swap3A_1171 = arith.constant 0 : index
    %swap3A_1172 = tpu.vector_load %arg6[%swap3A_1171] {strides = array<i32>} : memref<32xf32, #tpu.memory_space<vmem>>, vector<16xf32>,
    %swap3A_1173 = vector.shape_cast %swap3A_1172 : vector<16xf32> to vector<16xf32>
    %swap3A_1174 = vector.shape_cast %select_n3A_1170 : vector<16xf32> to vector<16xf32>
    tpu.vector_store %arg6[%swap3A_1171], %swap3A_1174 {strides = array<i32>} : memref<32xf32, #tpu.memory_space<vmem>>, vector<16xf32>,
    %swap3A_1175 = arith.constant 16 : index
    %swap3A_1176 = tpu.vector_load %arg6[%swap3A_1175] {strides = array<i32>} : memref<32xf32, #tpu.memory_space<vmem>>, vector<16xf32>,
    %swap3A_1177 = vector.shape_cast %swap3A_1176 : vector<16xf32> to vector<16xf32>
    %swap3A_1178 = vector.shape_cast %select_n3A_1170 : vector<16xf32> to vector<16xf32>
    tpu.vector_store %arg6[%swap3A_1175], %swap3A_1178 {strides = array<i32>} : memref<32xf32, #tpu.memory_space<vmem>>, vector<16xf32>,
    %get3A_1179 = arith.constant 8 : index
    %get3A_1180 = tpu.vector_load %arg6[%get3A_1179] {strides = array<i32>} : memref<32xf32, #tpu.memory_space<vmem>>, vector<16xf32>,
    %get3A_1181 = vector.shape_cast %get3A_1180 : vector<16xf32> to vector<16xf32>
    %add3A_1182 = arith.addf %select_n3A_1170, %get3A_1181 : vector<16xf32>
    %swap3A_1183 = arith.constant 0 : index
    %swap3A_1184 = tpu.vector_load %arg6[%swap3A_1183] {strides = array<i32>} : memref<32xf32, #tpu.memory_space<vmem>>, vector<16xf32>,
    %swap3A_1185 = vector.shape_cast %swap3A_1184 : vector<16xf32> to vector<16xf32>
    %swap3A_1186 = vector.shape_cast %add3A_1182 : vector<16xf32> to vector<16xf32>
    tpu.vector_store %arg6[%swap3A_1183], %swap3A_1186 {strides = array<i32>} : memref<32xf32, #tpu.memory_space<vmem>>, vector<16xf32>,
    %swap3A_1187 = arith.constant 16 : index
    %swap3A_1188 = tpu.vector_load %arg6[%swap3A_1187] {strides = array<i32>} : memref<32xf32, #tpu.memory_space<vmem>>, vector<16xf32>,
    %swap3A_1189 = vector.shape_cast %swap3A_1188 : vector<16xf32> to vector<16xf32>
    %swap3A_1190 = vector.shape_cast %add3A_1182 : vector<16xf32> to vector<16xf32>
    tpu.vector_store %arg6[%swap3A_1187], %swap3A_1190 {strides = array<i32>} : memref<32xf32, #tpu.memory_space<vmem>>, vector<16xf32>,
    %get3A_1191 = arith.constant 4 : index
    %get3A_1192 = tpu.vector_load %arg6[%get3A_1191] {strides = array<i32>} : memref<32xf32, #tpu.memory_space<vmem>>, vector<16xf32>,
    %get3A_1193 = vector.shape_cast %get3A_1192 : vector<16xf32> to vector<16xf32>
    %add3A_1194 = arith.addf %add3A_1182, %get3A_1193 : vector<16xf32>
    %swap3A_1195 = arith.constant 0 : index
    %swap3A_1196 = tpu.vector_load %arg6[%swap3A_1195] {strides = array<i32>} : memref<32xf32, #tpu.memory_space<vmem>>, vector<16xf32>,
    %swap3A_1197 = vector.shape_cast %swap3A_1196 : vector<16xf32> to vector<16xf32>
    %swap3A_1198 = vector.shape_cast %add3A_1194 : vector<16xf32> to vector<16xf32>
    tpu.vector_store %arg6[%swap3A_1195], %swap3A_1198 {strides = array<i32>} : memref<32xf32, #tpu.memory_space<vmem>>, vector<16xf32>,
    %swap3A_1199 = arith.constant 16 : index
    %swap3A_1200 = tpu.vector_load %arg6[%swap3A_1199] {strides = array<i32>} : memref<32xf32, #tpu.memory_space<vmem>>, vector<16xf32>,
    %swap3A_1201 = vector.shape_cast %swap3A_1200 : vector<16xf32> to vector<16xf32>
    %swap3A_1202 = vector.shape_cast %add3A_1194 : vector<16xf32> to vector<16xf32>
    tpu.vector_store %arg6[%swap3A_1199], %swap3A_1202 {strides = array<i32>} : memref<32xf32, #tpu.memory_space<vmem>>, vector<16xf32>,
    %get3A_1203 = arith.constant 2 : index
    %get3A_1204 = tpu.vector_load %arg6[%get3A_1203] {strides = array<i32>} : memref<32xf32, #tpu.memory_space<vmem>>, vector<16xf32>,
    %get3A_1205 = vector.shape_cast %get3A_1204 : vector<16xf32> to vector<16xf32>
    %add3A_1206 = arith.addf %add3A_1194, %get3A_1205 : vector<16xf32>
    %swap3A_1207 = arith.constant 0 : index
    %swap3A_1208 = tpu.vector_load %arg6[%swap3A_1207] {strides = array<i32>} : memref<32xf32, #tpu.memory_space<vmem>>, vector<16xf32>,
    %swap3A_1209 = vector.shape_cast %swap3A_1208 : vector<16xf32> to vector<16xf32>
    %swap3A_1210 = vector.shape_cast %add3A_1206 : vector<16xf32> to vector<16xf32>
    tpu.vector_store %arg6[%swap3A_1207], %swap3A_1210 {strides = array<i32>} : memref<32xf32, #tpu.memory_space<vmem>>, vector<16xf32>,
    %swap3A_1211 = arith.constant 16 : index
    %swap3A_1212 = tpu.vector_load %arg6[%swap3A_1211] {strides = array<i32>} : memref<32xf32, #tpu.memory_space<vmem>>, vector<16xf32>,
    %swap3A_1213 = vector.shape_cast %swap3A_1212 : vector<16xf32> to vector<16xf32>
    %swap3A_1214 = vector.shape_cast %add3A_1206 : vector<16xf32> to vector<16xf32>
    tpu.vector_store %arg6[%swap3A_1211], %swap3A_1214 {strides = array<i32>} : memref<32xf32, #tpu.memory_space<vmem>>, vector<16xf32>,
    %get3A_1215 = arith.constant 1 : index
    %get3A_1216 = tpu.vector_load %arg6[%get3A_1215] {strides = array<i32>} : memref<32xf32, #tpu.memory_space<vmem>>, vector<16xf32>,
    %get3A_1217 = vector.shape_cast %get3A_1216 : vector<16xf32> to vector<16xf32>
    %add3A_1218 = arith.addf %add3A_1206, %get3A_1217 : vector<16xf32>
    %eq3A_1219 = arith.constant 3 : i32
    %eq3A_1220 = vector.broadcast %eq3A_1219 : i32 to vector<16xi32>
    %eq3A_1221 = arith.cmpi eq, %iota3A, %eq3A_1220 : vector<16xi32>
    %select_n3A_1222 = arith.select %eq3A_1221, %add3A_1165, %select_n3A_1088 : vector<16xi1>, vector<16xf32>
    %eq3A_1223 = arith.constant 3 : i32
    %eq3A_1224 = vector.broadcast %eq3A_1223 : i32 to vector<16xi32>
    %eq3A_1225 = arith.cmpi eq, %iota3A, %eq3A_1224 : vector<16xi32>
    %select_n3A_1226 = arith.select %eq3A_1225, %add3A_1218, %select_n3A_1092 : vector<16xi1>, vector<16xf32>
    %sub3A_1227 = arith.subf %get3A_689, %select_n3A_1222 : vector<16xf32>
    %bitcast_convert_type3A = tpu.bitcast %select_n3A_1226 : vector<16xf32> -> vector<16xi32>
    %shift_right_arithmetic3A = arith.constant 23 : i32
    %shift_right_arithmetic3A_1228 = vector.broadcast %shift_right_arithmetic3A : i32 to vector<16xi32>
    %shift_right_arithmetic3A_1229 = arith.shrsi %bitcast_convert_type3A, %shift_right_arithmetic3A_1228 : vector<16xi32>
    %and3A_1230 = arith.constant 255 : i32
    %and3A_1231 = vector.broadcast %and3A_1230 : i32 to vector<16xi32>
    %and3A_1232 = arith.andi %shift_right_arithmetic3A_1229, %and3A_1231 : vector<16xi32>
    %sub3A_1233 = arith.constant 127 : i32
    %sub3A_1234 = vector.broadcast %sub3A_1233 : i32 to vector<16xi32>
    %sub3A_1235 = arith.subi %and3A_1232, %sub3A_1234 : vector<16xi32>
    %and3A_1236 = arith.constant 8388607 : i32
    %and3A_1237 = vector.broadcast %and3A_1236 : i32 to vector<16xi32>
    %and3A_1238 = arith.andi %bitcast_convert_type3A, %and3A_1237 : vector<16xi32>
    %or3A = arith.constant 1065353216 : i32
    %or3A_1239 = vector.broadcast %or3A : i32 to vector<16xi32>
    %or3A_1240 = arith.ori %and3A_1238, %or3A_1239 : vector<16xi32>
    %bitcast_convert_type3A_1241 = tpu.bitcast %or3A_1240 : vector<16xi32> -> vector<16xf32>
    %sub3A_1242 = arith.constant 1.000000e+00 : f32
    %sub3A_1243 = vector.broadcast %sub3A_1242 : f32 to vector<16xf32>
    %sub3A_1244 = arith.subf %bitcast_convert_type3A_1241, %sub3A_1243 : vector<16xf32>
    %convert_element_type3A = arith.sitofp %sub3A_1235 : vector<16xi32> to vector<16xf32>
    %mul3A_1245 = arith.constant 0.693147182 : f32
    %mul3A_1246 = vector.broadcast %mul3A_1245 : f32 to vector<16xf32>
    %mul3A_1247 = arith.mulf %convert_element_type3A, %mul3A_1246 : vector<16xf32>
    %mul3A_1248 = arith.constant 5.000000e-01 : f32
    %mul3A_1249 = vector.broadcast %mul3A_1248 : f32 to vector<16xf32>
    %mul3A_1250 = arith.mulf %mul3A_1249, %sub3A_1244 : vector<16xf32>
    %sub3A_1251 = arith.constant 1.000000e+00 : f32
    %sub3A_1252 = vector.broadcast %sub3A_1251 : f32 to vector<16xf32>
    %sub3A_1253 = arith.subf %sub3A_1252, %mul3A_1250 : vector<16xf32>
    %mul3A_1254 = arith.mulf %sub3A_1244, %sub3A_1253 : vector<16xf32>
    %add3A_1255 = arith.addf %mul3A_1247, %mul3A_1254 : vector<16xf32>
    %neg3A = arith.constant 0.000000e+00 : f32
    %neg3A_1256 = vector.broadcast %neg3A : f32 to vector<16xf32>
    %neg3A_1257 = arith.subf %neg3A_1256, %add3A_1255 : vector<16xf32>
    %exp3A_1258 = math.exp %neg3A_1257 : vector<16xf32>
    %mul3A_1259 = arith.mulf %select_n3A_1226, %exp3A_1258 : vector<16xf32>
    %add3A_1260 = arith.addf %add3A_1255, %mul3A_1259 : vector<16xf32>
    %sub3A_1261 = arith.constant 1.000000e+00 : f32
    %sub3A_1262 = vector.broadcast %sub3A_1261 : f32 to vector<16xf32>
    %sub3A_1263 = arith.subf %add3A_1260, %sub3A_1262 : vector<16xf32>
    %neg3A_1264 = arith.constant 0.000000e+00 : f32
    %neg3A_1265 = vector.broadcast %neg3A_1264 : f32 to vector<16xf32>
    %neg3A_1266 = arith.subf %neg3A_1265, %sub3A_1263 : vector<16xf32>
    %exp3A_1267 = math.exp %neg3A_1266 : vector<16xf32>
    %mul3A_1268 = arith.mulf %select_n3A_1226, %exp3A_1267 : vector<16xf32>
    %add3A_1269 = arith.addf %sub3A_1263, %mul3A_1268 : vector<16xf32>
    %sub3A_1270 = arith.constant 1.000000e+00 : f32
    %sub3A_1271 = vector.broadcast %sub3A_1270 : f32 to vector<16xf32>
    %sub3A_1272 = arith.subf %add3A_1269, %sub3A_1271 : vector<16xf32>
    %neg3A_1273 = arith.constant 0.000000e+00 : f32
    %neg3A_1274 = vector.broadcast %neg3A_1273 : f32 to vector<16xf32>
    %neg3A_1275 = arith.subf %neg3A_1274, %sub3A_1272 : vector<16xf32>
    %exp3A_1276 = math.exp %neg3A_1275 : vector<16xf32>
    %mul3A_1277 = arith.mulf %select_n3A_1226, %exp3A_1276 : vector<16xf32>
    %add3A_1278 = arith.addf %sub3A_1272, %mul3A_1277 : vector<16xf32>
    %sub3A_1279 = arith.constant 1.000000e+00 : f32
    %sub3A_1280 = vector.broadcast %sub3A_1279 : f32 to vector<16xf32>
    %sub3A_1281 = arith.subf %add3A_1278, %sub3A_1280 : vector<16xf32>
    %sub3A_1282 = arith.subf %sub3A_1227, %sub3A_1281 : vector<16xf32>
    %swap3A_1283 = arith.constant 0 : index
    %swap3A_1284 = tpu.vector_load %arg5[%swap3A_1283] {strides = array<i32>} : memref<16xf32, #tpu.memory_space<vmem>>, vector<16xf32>,
    %swap3A_1285 = vector.shape_cast %swap3A_1284 : vector<16xf32> to vector<16xf32>
    %swap3A_1286 = vector.shape_cast %sub3A_1282 : vector<16xf32> to vector<16xf32>
    tpu.vector_store %arg5[%swap3A_1283], %swap3A_1286 {strides = array<i32>} : memref<16xf32, #tpu.memory_space<vmem>>, vector<16xf32>,
    "tpu.region"() ({
      %run_scoped3A = tpu.sem_alloc : memref<!tpu.dma_semaphore, #tpu.memory_space<semaphore_mem>>
      %dma_start3A = arith.constant 0 : i32
      %dma_start3A_1287 = tpu.memref_slice %arg3[%add3A, %dma_start3A] : memref<32x16xf32, #tpu.memory_space<hbm>> -> memref<1x16xf32, #tpu.memory_space<hbm>>
      %dma_start3A_1288 = tpu.memref_squeeze %dma_start3A_1287 : memref<1x16xf32, #tpu.memory_space<hbm>> -> memref<16xf32, #tpu.memory_space<hbm>>
      %dma_start3A_1289 = arith.constant 0 : i32
      %dma_start3A_1290 = tpu.memref_slice %arg3[%add3A, %dma_start3A_1289] : memref<32x16xf32, #tpu.memory_space<hbm>> -> memref<1x16xf32, #tpu.memory_space<hbm>>
      %dma_start3A_1291 = tpu.memref_squeeze %dma_start3A_1290 : memref<1x16xf32, #tpu.memory_space<hbm>> -> memref<16xf32, #tpu.memory_space<hbm>>
      tpu.enqueue_dma source(%arg5 : memref<16xf32, #tpu.memory_space<vmem>>) target(%dma_start3A_1291 : memref<16xf32, #tpu.memory_space<hbm>>) target_semaphore(%run_scoped3A : memref<!tpu.dma_semaphore, #tpu.memory_space<semaphore_mem>>)
      %dma_wait3A = arith.constant 0 : i32
      %dma_wait3A_1292 = tpu.memref_slice %arg3[%add3A, %dma_wait3A] : memref<32x16xf32, #tpu.memory_space<hbm>> -> memref<1x16xf32, #tpu.memory_space<hbm>>
      %dma_wait3A_1293 = tpu.memref_squeeze %dma_wait3A_1292 : memref<1x16xf32, #tpu.memory_space<hbm>> -> memref<16xf32, #tpu.memory_space<hbm>>
      %dma_wait3A_1294 = arith.constant 0 : i32
      %dma_wait3A_1295 = tpu.memref_slice %arg3[%add3A, %dma_wait3A_1294] : memref<32x16xf32, #tpu.memory_space<hbm>> -> memref<1x16xf32, #tpu.memory_space<hbm>>
      %dma_wait3A_1296 = tpu.memref_squeeze %dma_wait3A_1295 : memref<1x16xf32, #tpu.memory_space<hbm>> -> memref<16xf32, #tpu.memory_space<hbm>>
      tpu.wait_dma2 semaphore(%run_scoped3A : memref<!tpu.dma_semaphore, #tpu.memory_space<semaphore_mem>>) src(%arg5 : memref<16xf32, #tpu.memory_space<vmem>>) dst(%dma_wait3A_1296 : memref<16xf32, #tpu.memory_space<hbm>>)
      tpu.yield
    }) : () -> ()
    return
  }
}

#map = affine_map<(d0, d1) -> (0, 0)>
#map1 = affine_map<(d0, d1) -> (0)>
module attributes {stable_mosaic.version = 14 : i64} {
  func.func @_reduce_body(%arg0: i32, %arg1: i32, %arg2: memref<100000x128xf32, #tpu.memory_space<hbm>>, %arg3: memref<128xi32, #tpu.memory_space<hbm>>, %arg4: memref<32x272xf32, #tpu.memory_space<hbm>>, %arg5: memref<344x128xf32, #tpu.memory_space<vmem>>, %arg6: memref<344x128xf32, #tpu.memory_space<vmem>>, %arg7: memref<32x128xf32, #tpu.memory_space<vmem>>, %arg8: memref<32x128xf32, #tpu.memory_space<vmem>>, %arg9: memref<272xf32, #tpu.memory_space<vmem>>, %arg10: memref<32xf32, #tpu.memory_space<vmem>>, %arg11: memref<128xi32, #tpu.memory_space<vmem>>, %arg12: memref<128xi32, #tpu.memory_space<vmem_shared>>, %arg13: memref<128xi32, #tpu.memory_space<smem>>, %arg14: memref<!tpu.dma_semaphore, #tpu.memory_space<semaphore_mem>>, %arg15: memref<!tpu.dma_semaphore, #tpu.memory_space<semaphore_mem>>, %arg16: memref<!tpu.dma_semaphore, #tpu.memory_space<semaphore_mem>>, %arg17: memref<!tpu.dma_semaphore, #tpu.memory_space<semaphore_mem>>) attributes {dimension_semantics = [#tpu.dimension_semantics<core_parallel>, #tpu.dimension_semantics<subcore_parallel>], iteration_bounds = array<i64: 2, 16>, scalar_prefetch = 0 : i64, scratch_operands = 13 : i64, tpu.core_type = #tpu.core_type<sc_vector_subcore>, window_params = [{transform_indices = #map}, {transform_indices = #map1}, {transform_indices = #map}]} {
    %mul3A = arith.constant 2 : i32
    %mul3A_0 = arith.muli %arg1, %mul3A : i32
    %add3A = arith.addi %mul3A_0, %arg0 : i32
    %mul3A_1 = arith.constant 3120 : i32
    %mul3A_2 = arith.muli %add3A, %mul3A_1 : i32
    %min3A = arith.constant 20 : i32
    %min3A_3 = arith.minsi %add3A, %min3A : i32
    %mul3A_4 = arith.constant 8 : i32
    %mul3A_5 = arith.muli %mul3A_4, %min3A_3 : i32
    %add3A_6 = arith.addi %mul3A_2, %mul3A_5 : i32
    %lt3A = arith.constant 20 : i32
    %lt3A_7 = arith.cmpi slt, %add3A, %lt3A : i32
    %jit3A = arith.constant 1 : i32
    %jit3A_8 = arith.constant 0 : i32
    %select_n3A = arith.select %lt3A_7, %jit3A, %jit3A_8 : i32
    %mul3A_9 = arith.constant 8 : i32
    %mul3A_10 = arith.muli %mul3A_9, %select_n3A : i32
    %add3A_11 = arith.constant 3120 : i32
    %add3A_12 = arith.addi %add3A_11, %mul3A_10 : i32
    %iota3A = tpu.iota {dimensions = array<i32: 0>} : vector<16xi32>
    %jit3A_13 = arith.constant 4 : i32
    %div3A = arith.divsi %add3A, %jit3A_13 : i32
    %sign3A = arith.constant 0 : i32
    %sign3A_14 = arith.cmpi sgt, %add3A, %sign3A : i32
    %sign3A_15 = arith.extui %sign3A_14 : i1 to i32
    %sign3A_16 = arith.constant 0 : i32
    %sign3A_17 = arith.cmpi slt, %add3A, %sign3A_16 : i32
    %sign3A_18 = arith.extui %sign3A_17 : i1 to i32
    %sign3A_19 = arith.subi %sign3A_15, %sign3A_18 : i32
    %sign3A_20 = arith.constant 0 : i32
    %sign3A_21 = arith.cmpi sgt, %jit3A_13, %sign3A_20 : i32
    %sign3A_22 = arith.extui %sign3A_21 : i1 to i32
    %sign3A_23 = arith.constant 0 : i32
    %sign3A_24 = arith.cmpi slt, %jit3A_13, %sign3A_23 : i32
    %sign3A_25 = arith.extui %sign3A_24 : i1 to i32
    %sign3A_26 = arith.subi %sign3A_22, %sign3A_25 : i32
    %ne3A = arith.cmpi ne, %sign3A_19, %sign3A_26 : i32
    %rem3A = arith.remsi %add3A, %jit3A_13 : i32
    %ne3A_27 = arith.constant 0 : i32
    %ne3A_28 = arith.cmpi ne, %rem3A, %ne3A_27 : i32
    %and3A = arith.andi %ne3A, %ne3A_28 : i1
    %sub3A = arith.constant 1 : i32
    %sub3A_29 = arith.subi %div3A, %sub3A : i32
    %select_n3A_30 = arith.select %and3A, %sub3A_29, %div3A : i32
    "tpu.region"() ({
      %run_scoped3A = tpu.sem_alloc : memref<!tpu.dma_semaphore, #tpu.memory_space<semaphore_mem>>
      tpu.enqueue_dma source(%arg3 : memref<128xi32, #tpu.memory_space<hbm>>) target(%arg11 : memref<128xi32, #tpu.memory_space<vmem>>) target_semaphore(%run_scoped3A : memref<!tpu.dma_semaphore, #tpu.memory_space<semaphore_mem>>)
      tpu.wait_dma2 semaphore(%run_scoped3A : memref<!tpu.dma_semaphore, #tpu.memory_space<semaphore_mem>>) src(%arg3 : memref<128xi32, #tpu.memory_space<hbm>>) dst(%arg11 : memref<128xi32, #tpu.memory_space<vmem>>)
      tpu.yield
    }) : () -> ()
    "tpu.region"() ({
      %run_scoped3A = tpu.sem_alloc : memref<!tpu.dma_semaphore, #tpu.memory_space<semaphore_mem>>
      tpu.enqueue_dma source(%arg11 : memref<128xi32, #tpu.memory_space<vmem>>) target(%arg12 : memref<128xi32, #tpu.memory_space<vmem_shared>>) target_semaphore(%run_scoped3A : memref<!tpu.dma_semaphore, #tpu.memory_space<semaphore_mem>>)
      tpu.wait_dma2 semaphore(%run_scoped3A : memref<!tpu.dma_semaphore, #tpu.memory_space<semaphore_mem>>) src(%arg11 : memref<128xi32, #tpu.memory_space<vmem>>) dst(%arg12 : memref<128xi32, #tpu.memory_space<vmem_shared>>)
      tpu.yield
    }) : () -> ()
    "tpu.region"() ({
      %run_scoped3A = tpu.sem_alloc : memref<!tpu.dma_semaphore, #tpu.memory_space<semaphore_mem>>
      tpu.enqueue_dma source(%arg12 : memref<128xi32, #tpu.memory_space<vmem_shared>>) target(%arg13 : memref<128xi32, #tpu.memory_space<smem>>) target_semaphore(%run_scoped3A : memref<!tpu.dma_semaphore, #tpu.memory_space<semaphore_mem>>)
      tpu.wait_dma2 semaphore(%run_scoped3A : memref<!tpu.dma_semaphore, #tpu.memory_space<semaphore_mem>>) src(%arg12 : memref<128xi32, #tpu.memory_space<vmem_shared>>) dst(%arg13 : memref<128xi32, #tpu.memory_space<smem>>)
      tpu.yield
    }) : () -> ()
    %mul3A_31 = arith.constant 4 : i32
    %mul3A_32 = arith.muli %mul3A_31, %add3A : i32
    %add3A_33 = arith.constant 0 : i32
    %add3A_34 = arith.addi %mul3A_32, %add3A_33 : i32
    %get3A = arith.index_cast %add3A_34 : i32 to index
    %get3A_35 = memref.load %arg13[%get3A] : memref<128xi32, #tpu.memory_space<smem>>
    %jit3A_36 = arith.constant 8 : i32
    %div3A_37 = arith.divsi %get3A_35, %jit3A_36 : i32
    %sign3A_38 = arith.constant 0 : i32
    %sign3A_39 = arith.cmpi sgt, %get3A_35, %sign3A_38 : i32
    %sign3A_40 = arith.extui %sign3A_39 : i1 to i32
    %sign3A_41 = arith.constant 0 : i32
    %sign3A_42 = arith.cmpi slt, %get3A_35, %sign3A_41 : i32
    %sign3A_43 = arith.extui %sign3A_42 : i1 to i32
    %sign3A_44 = arith.subi %sign3A_40, %sign3A_43 : i32
    %sign3A_45 = arith.constant 0 : i32
    %sign3A_46 = arith.cmpi sgt, %jit3A_36, %sign3A_45 : i32
    %sign3A_47 = arith.extui %sign3A_46 : i1 to i32
    %sign3A_48 = arith.constant 0 : i32
    %sign3A_49 = arith.cmpi slt, %jit3A_36, %sign3A_48 : i32
    %sign3A_50 = arith.extui %sign3A_49 : i1 to i32
    %sign3A_51 = arith.subi %sign3A_47, %sign3A_50 : i32
    %ne3A_52 = arith.cmpi ne, %sign3A_44, %sign3A_51 : i32
    %rem3A_53 = arith.remsi %get3A_35, %jit3A_36 : i32
    %ne3A_54 = arith.constant 0 : i32
    %ne3A_55 = arith.cmpi ne, %rem3A_53, %ne3A_54 : i32
    %and3A_56 = arith.andi %ne3A_52, %ne3A_55 : i1
    %sub3A_57 = arith.constant 1 : i32
    %sub3A_58 = arith.subi %div3A_37, %sub3A_57 : i32
    %select_n3A_59 = arith.select %and3A_56, %sub3A_58, %div3A_37 : i32
    %mul3A_60 = arith.constant 8 : i32
    %mul3A_61 = arith.muli %select_n3A_59, %mul3A_60 : i32
    %dma_start3A = arith.constant 0 : i32
    %dma_start3A_62 = arith.constant 0 : i32
    %dma_start3A_63 = tpu.memref_slice %arg8[%dma_start3A, %dma_start3A_62] : memref<32x128xf32, #tpu.memory_space<vmem>> -> memref<8x128xf32, #tpu.memory_space<vmem>>
    %dma_start3A_64 = arith.constant 0 : i32
    %dma_start3A_65 = tpu.memref_slice %arg2[%mul3A_61, %dma_start3A_64] : memref<100000x128xf32, #tpu.memory_space<hbm>> -> memref<8x128xf32, #tpu.memory_space<hbm>>
    %dma_start3A_66 = arith.constant 0 : i32
    %dma_start3A_67 = arith.constant 0 : i32
    %dma_start3A_68 = tpu.memref_slice %arg8[%dma_start3A_66, %dma_start3A_67] : memref<32x128xf32, #tpu.memory_space<vmem>> -> memref<8x128xf32, #tpu.memory_space<vmem>>
    %dma_start3A_69 = arith.constant 0 : i32
    %dma_start3A_70 = tpu.memref_slice %arg2[%mul3A_61, %dma_start3A_69] : memref<100000x128xf32, #tpu.memory_space<hbm>> -> memref<8x128xf32, #tpu.memory_space<hbm>>
    tpu.enqueue_dma source(%dma_start3A_70 : memref<8x128xf32, #tpu.memory_space<hbm>>) target(%dma_start3A_68 : memref<8x128xf32, #tpu.memory_space<vmem>>) target_semaphore(%arg17 : memref<!tpu.dma_semaphore, #tpu.memory_space<semaphore_mem>>)
    %mul3A_71 = arith.constant 4 : i32
    %mul3A_72 = arith.muli %mul3A_71, %add3A : i32
    %add3A_73 = arith.constant 1 : i32
    %add3A_74 = arith.addi %mul3A_72, %add3A_73 : i32
    %get3A_75 = arith.index_cast %add3A_74 : i32 to index
    %get3A_76 = memref.load %arg13[%get3A_75] : memref<128xi32, #tpu.memory_space<smem>>
    %jit3A_77 = arith.constant 8 : i32
    %div3A_78 = arith.divsi %get3A_76, %jit3A_77 : i32
    %sign3A_79 = arith.constant 0 : i32
    %sign3A_80 = arith.cmpi sgt, %get3A_76, %sign3A_79 : i32
    %sign3A_81 = arith.extui %sign3A_80 : i1 to i32
    %sign3A_82 = arith.constant 0 : i32
    %sign3A_83 = arith.cmpi slt, %get3A_76, %sign3A_82 : i32
    %sign3A_84 = arith.extui %sign3A_83 : i1 to i32
    %sign3A_85 = arith.subi %sign3A_81, %sign3A_84 : i32
    %sign3A_86 = arith.constant 0 : i32
    %sign3A_87 = arith.cmpi sgt, %jit3A_77, %sign3A_86 : i32
    %sign3A_88 = arith.extui %sign3A_87 : i1 to i32
    %sign3A_89 = arith.constant 0 : i32
    %sign3A_90 = arith.cmpi slt, %jit3A_77, %sign3A_89 : i32
    %sign3A_91 = arith.extui %sign3A_90 : i1 to i32
    %sign3A_92 = arith.subi %sign3A_88, %sign3A_91 : i32
    %ne3A_93 = arith.cmpi ne, %sign3A_85, %sign3A_92 : i32
    %rem3A_94 = arith.remsi %get3A_76, %jit3A_77 : i32
    %ne3A_95 = arith.constant 0 : i32
    %ne3A_96 = arith.cmpi ne, %rem3A_94, %ne3A_95 : i32
    %and3A_97 = arith.andi %ne3A_93, %ne3A_96 : i1
    %sub3A_98 = arith.constant 1 : i32
    %sub3A_99 = arith.subi %div3A_78, %sub3A_98 : i32
    %select_n3A_100 = arith.select %and3A_97, %sub3A_99, %div3A_78 : i32
    %mul3A_101 = arith.constant 8 : i32
    %mul3A_102 = arith.muli %select_n3A_100, %mul3A_101 : i32
    %dma_start3A_103 = arith.constant 8 : i32
    %dma_start3A_104 = arith.constant 0 : i32
    %dma_start3A_105 = tpu.memref_slice %arg8[%dma_start3A_103, %dma_start3A_104] : memref<32x128xf32, #tpu.memory_space<vmem>> -> memref<8x128xf32, #tpu.memory_space<vmem>>
    %dma_start3A_106 = arith.constant 0 : i32
    %dma_start3A_107 = tpu.memref_slice %arg2[%mul3A_102, %dma_start3A_106] : memref<100000x128xf32, #tpu.memory_space<hbm>> -> memref<8x128xf32, #tpu.memory_space<hbm>>
    %dma_start3A_108 = arith.constant 8 : i32
    %dma_start3A_109 = arith.constant 0 : i32
    %dma_start3A_110 = tpu.memref_slice %arg8[%dma_start3A_108, %dma_start3A_109] : memref<32x128xf32, #tpu.memory_space<vmem>> -> memref<8x128xf32, #tpu.memory_space<vmem>>
    %dma_start3A_111 = arith.constant 0 : i32
    %dma_start3A_112 = tpu.memref_slice %arg2[%mul3A_102, %dma_start3A_111] : memref<100000x128xf32, #tpu.memory_space<hbm>> -> memref<8x128xf32, #tpu.memory_space<hbm>>
    tpu.enqueue_dma source(%dma_start3A_112 : memref<8x128xf32, #tpu.memory_space<hbm>>) target(%dma_start3A_110 : memref<8x128xf32, #tpu.memory_space<vmem>>) target_semaphore(%arg17 : memref<!tpu.dma_semaphore, #tpu.memory_space<semaphore_mem>>)
    %mul3A_113 = arith.constant 4 : i32
    %mul3A_114 = arith.muli %mul3A_113, %add3A : i32
    %add3A_115 = arith.constant 2 : i32
    %add3A_116 = arith.addi %mul3A_114, %add3A_115 : i32
    %get3A_117 = arith.index_cast %add3A_116 : i32 to index
    %get3A_118 = memref.load %arg13[%get3A_117] : memref<128xi32, #tpu.memory_space<smem>>
    %jit3A_119 = arith.constant 8 : i32
    %div3A_120 = arith.divsi %get3A_118, %jit3A_119 : i32
    %sign3A_121 = arith.constant 0 : i32
    %sign3A_122 = arith.cmpi sgt, %get3A_118, %sign3A_121 : i32
    %sign3A_123 = arith.extui %sign3A_122 : i1 to i32
    %sign3A_124 = arith.constant 0 : i32
    %sign3A_125 = arith.cmpi slt, %get3A_118, %sign3A_124 : i32
    %sign3A_126 = arith.extui %sign3A_125 : i1 to i32
    %sign3A_127 = arith.subi %sign3A_123, %sign3A_126 : i32
    %sign3A_128 = arith.constant 0 : i32
    %sign3A_129 = arith.cmpi sgt, %jit3A_119, %sign3A_128 : i32
    %sign3A_130 = arith.extui %sign3A_129 : i1 to i32
    %sign3A_131 = arith.constant 0 : i32
    %sign3A_132 = arith.cmpi slt, %jit3A_119, %sign3A_131 : i32
    %sign3A_133 = arith.extui %sign3A_132 : i1 to i32
    %sign3A_134 = arith.subi %sign3A_130, %sign3A_133 : i32
    %ne3A_135 = arith.cmpi ne, %sign3A_127, %sign3A_134 : i32
    %rem3A_136 = arith.remsi %get3A_118, %jit3A_119 : i32
    %ne3A_137 = arith.constant 0 : i32
    %ne3A_138 = arith.cmpi ne, %rem3A_136, %ne3A_137 : i32
    %and3A_139 = arith.andi %ne3A_135, %ne3A_138 : i1
    %sub3A_140 = arith.constant 1 : i32
    %sub3A_141 = arith.subi %div3A_120, %sub3A_140 : i32
    %select_n3A_142 = arith.select %and3A_139, %sub3A_141, %div3A_120 : i32
    %mul3A_143 = arith.constant 8 : i32
    %mul3A_144 = arith.muli %select_n3A_142, %mul3A_143 : i32
    %dma_start3A_145 = arith.constant 16 : i32
    %dma_start3A_146 = arith.constant 0 : i32
    %dma_start3A_147 = tpu.memref_slice %arg8[%dma_start3A_145, %dma_start3A_146] : memref<32x128xf32, #tpu.memory_space<vmem>> -> memref<8x128xf32, #tpu.memory_space<vmem>>
    %dma_start3A_148 = arith.constant 0 : i32
    %dma_start3A_149 = tpu.memref_slice %arg2[%mul3A_144, %dma_start3A_148] : memref<100000x128xf32, #tpu.memory_space<hbm>> -> memref<8x128xf32, #tpu.memory_space<hbm>>
    %dma_start3A_150 = arith.constant 16 : i32
    %dma_start3A_151 = arith.constant 0 : i32
    %dma_start3A_152 = tpu.memref_slice %arg8[%dma_start3A_150, %dma_start3A_151] : memref<32x128xf32, #tpu.memory_space<vmem>> -> memref<8x128xf32, #tpu.memory_space<vmem>>
    %dma_start3A_153 = arith.constant 0 : i32
    %dma_start3A_154 = tpu.memref_slice %arg2[%mul3A_144, %dma_start3A_153] : memref<100000x128xf32, #tpu.memory_space<hbm>> -> memref<8x128xf32, #tpu.memory_space<hbm>>
    tpu.enqueue_dma source(%dma_start3A_154 : memref<8x128xf32, #tpu.memory_space<hbm>>) target(%dma_start3A_152 : memref<8x128xf32, #tpu.memory_space<vmem>>) target_semaphore(%arg17 : memref<!tpu.dma_semaphore, #tpu.memory_space<semaphore_mem>>)
    %mul3A_155 = arith.constant 4 : i32
    %mul3A_156 = arith.muli %mul3A_155, %add3A : i32
    %add3A_157 = arith.constant 3 : i32
    %add3A_158 = arith.addi %mul3A_156, %add3A_157 : i32
    %get3A_159 = arith.index_cast %add3A_158 : i32 to index
    %get3A_160 = memref.load %arg13[%get3A_159] : memref<128xi32, #tpu.memory_space<smem>>
    %jit3A_161 = arith.constant 8 : i32
    %div3A_162 = arith.divsi %get3A_160, %jit3A_161 : i32
    %sign3A_163 = arith.constant 0 : i32
    %sign3A_164 = arith.cmpi sgt, %get3A_160, %sign3A_163 : i32
    %sign3A_165 = arith.extui %sign3A_164 : i1 to i32
    %sign3A_166 = arith.constant 0 : i32
    %sign3A_167 = arith.cmpi slt, %get3A_160, %sign3A_166 : i32
    %sign3A_168 = arith.extui %sign3A_167 : i1 to i32
    %sign3A_169 = arith.subi %sign3A_165, %sign3A_168 : i32
    %sign3A_170 = arith.constant 0 : i32
    %sign3A_171 = arith.cmpi sgt, %jit3A_161, %sign3A_170 : i32
    %sign3A_172 = arith.extui %sign3A_171 : i1 to i32
    %sign3A_173 = arith.constant 0 : i32
    %sign3A_174 = arith.cmpi slt, %jit3A_161, %sign3A_173 : i32
    %sign3A_175 = arith.extui %sign3A_174 : i1 to i32
    %sign3A_176 = arith.subi %sign3A_172, %sign3A_175 : i32
    %ne3A_177 = arith.cmpi ne, %sign3A_169, %sign3A_176 : i32
    %rem3A_178 = arith.remsi %get3A_160, %jit3A_161 : i32
    %ne3A_179 = arith.constant 0 : i32
    %ne3A_180 = arith.cmpi ne, %rem3A_178, %ne3A_179 : i32
    %and3A_181 = arith.andi %ne3A_177, %ne3A_180 : i1
    %sub3A_182 = arith.constant 1 : i32
    %sub3A_183 = arith.subi %div3A_162, %sub3A_182 : i32
    %select_n3A_184 = arith.select %and3A_181, %sub3A_183, %div3A_162 : i32
    %mul3A_185 = arith.constant 8 : i32
    %mul3A_186 = arith.muli %select_n3A_184, %mul3A_185 : i32
    %dma_start3A_187 = arith.constant 24 : i32
    %dma_start3A_188 = arith.constant 0 : i32
    %dma_start3A_189 = tpu.memref_slice %arg8[%dma_start3A_187, %dma_start3A_188] : memref<32x128xf32, #tpu.memory_space<vmem>> -> memref<8x128xf32, #tpu.memory_space<vmem>>
    %dma_start3A_190 = arith.constant 0 : i32
    %dma_start3A_191 = tpu.memref_slice %arg2[%mul3A_186, %dma_start3A_190] : memref<100000x128xf32, #tpu.memory_space<hbm>> -> memref<8x128xf32, #tpu.memory_space<hbm>>
    %dma_start3A_192 = arith.constant 24 : i32
    %dma_start3A_193 = arith.constant 0 : i32
    %dma_start3A_194 = tpu.memref_slice %arg8[%dma_start3A_192, %dma_start3A_193] : memref<32x128xf32, #tpu.memory_space<vmem>> -> memref<8x128xf32, #tpu.memory_space<vmem>>
    %dma_start3A_195 = arith.constant 0 : i32
    %dma_start3A_196 = tpu.memref_slice %arg2[%mul3A_186, %dma_start3A_195] : memref<100000x128xf32, #tpu.memory_space<hbm>> -> memref<8x128xf32, #tpu.memory_space<hbm>>
    tpu.enqueue_dma source(%dma_start3A_196 : memref<8x128xf32, #tpu.memory_space<hbm>>) target(%dma_start3A_194 : memref<8x128xf32, #tpu.memory_space<vmem>>) target_semaphore(%arg17 : memref<!tpu.dma_semaphore, #tpu.memory_space<semaphore_mem>>)
    %broadcast_in_dim3A = arith.constant -3.000000e+38 : f32
    %broadcast_in_dim3A_197 = vector.broadcast %broadcast_in_dim3A : f32 to vector<16xf32>
    %swap3A = arith.constant 0 : index
    %swap3A_198 = tpu.vector_load %arg9[%swap3A] {strides = array<i32>} : memref<272xf32, #tpu.memory_space<vmem>>, vector<16xf32>,
    %swap3A_199 = vector.shape_cast %swap3A_198 : vector<16xf32> to vector<16xf32>
    %swap3A_200 = vector.shape_cast %broadcast_in_dim3A_197 : vector<16xf32> to vector<16xf32>
    tpu.vector_store %arg9[%swap3A], %swap3A_200 {strides = array<i32>} : memref<272xf32, #tpu.memory_space<vmem>>, vector<16xf32>,
    %broadcast_in_dim3A_201 = arith.constant 0.000000e+00 : f32
    %broadcast_in_dim3A_202 = vector.broadcast %broadcast_in_dim3A_201 : f32 to vector<16xf32>
    %swap3A_203 = arith.constant 128 : index
    %swap3A_204 = tpu.vector_load %arg9[%swap3A_203] {strides = array<i32>} : memref<272xf32, #tpu.memory_space<vmem>>, vector<16xf32>,
    %swap3A_205 = vector.shape_cast %swap3A_204 : vector<16xf32> to vector<16xf32>
    %swap3A_206 = vector.shape_cast %broadcast_in_dim3A_202 : vector<16xf32> to vector<16xf32>
    tpu.vector_store %arg9[%swap3A_203], %swap3A_206 {strides = array<i32>} : memref<272xf32, #tpu.memory_space<vmem>>, vector<16xf32>,
    %broadcast_in_dim3A_207 = arith.constant -3.000000e+38 : f32
    %broadcast_in_dim3A_208 = vector.broadcast %broadcast_in_dim3A_207 : f32 to vector<16xf32>
    %swap3A_209 = arith.constant 16 : index
    %swap3A_210 = tpu.vector_load %arg9[%swap3A_209] {strides = array<i32>} : memref<272xf32, #tpu.memory_space<vmem>>, vector<16xf32>,
    %swap3A_211 = vector.shape_cast %swap3A_210 : vector<16xf32> to vector<16xf32>
    %swap3A_212 = vector.shape_cast %broadcast_in_dim3A_208 : vector<16xf32> to vector<16xf32>
    tpu.vector_store %arg9[%swap3A_209], %swap3A_212 {strides = array<i32>} : memref<272xf32, #tpu.memory_space<vmem>>, vector<16xf32>,
    %broadcast_in_dim3A_213 = arith.constant 0.000000e+00 : f32
    %broadcast_in_dim3A_214 = vector.broadcast %broadcast_in_dim3A_213 : f32 to vector<16xf32>
    %swap3A_215 = arith.constant 144 : index
    %swap3A_216 = tpu.vector_load %arg9[%swap3A_215] {strides = array<i32>} : memref<272xf32, #tpu.memory_space<vmem>>, vector<16xf32>,
    %swap3A_217 = vector.shape_cast %swap3A_216 : vector<16xf32> to vector<16xf32>
    %swap3A_218 = vector.shape_cast %broadcast_in_dim3A_214 : vector<16xf32> to vector<16xf32>
    tpu.vector_store %arg9[%swap3A_215], %swap3A_218 {strides = array<i32>} : memref<272xf32, #tpu.memory_space<vmem>>, vector<16xf32>,
    %broadcast_in_dim3A_219 = arith.constant -3.000000e+38 : f32
    %broadcast_in_dim3A_220 = vector.broadcast %broadcast_in_dim3A_219 : f32 to vector<16xf32>
    %swap3A_221 = arith.constant 32 : index
    %swap3A_222 = tpu.vector_load %arg9[%swap3A_221] {strides = array<i32>} : memref<272xf32, #tpu.memory_space<vmem>>, vector<16xf32>,
    %swap3A_223 = vector.shape_cast %swap3A_222 : vector<16xf32> to vector<16xf32>
    %swap3A_224 = vector.shape_cast %broadcast_in_dim3A_220 : vector<16xf32> to vector<16xf32>
    tpu.vector_store %arg9[%swap3A_221], %swap3A_224 {strides = array<i32>} : memref<272xf32, #tpu.memory_space<vmem>>, vector<16xf32>,
    %broadcast_in_dim3A_225 = arith.constant 0.000000e+00 : f32
    %broadcast_in_dim3A_226 = vector.broadcast %broadcast_in_dim3A_225 : f32 to vector<16xf32>
    %swap3A_227 = arith.constant 160 : index
    %swap3A_228 = tpu.vector_load %arg9[%swap3A_227] {strides = array<i32>} : memref<272xf32, #tpu.memory_space<vmem>>, vector<16xf32>,
    %swap3A_229 = vector.shape_cast %swap3A_228 : vector<16xf32> to vector<16xf32>
    %swap3A_230 = vector.shape_cast %broadcast_in_dim3A_226 : vector<16xf32> to vector<16xf32>
    tpu.vector_store %arg9[%swap3A_227], %swap3A_230 {strides = array<i32>} : memref<272xf32, #tpu.memory_space<vmem>>, vector<16xf32>,
    %broadcast_in_dim3A_231 = arith.constant -3.000000e+38 : f32
    %broadcast_in_dim3A_232 = vector.broadcast %broadcast_in_dim3A_231 : f32 to vector<16xf32>
    %swap3A_233 = arith.constant 48 : index
    %swap3A_234 = tpu.vector_load %arg9[%swap3A_233] {strides = array<i32>} : memref<272xf32, #tpu.memory_space<vmem>>, vector<16xf32>,
    %swap3A_235 = vector.shape_cast %swap3A_234 : vector<16xf32> to vector<16xf32>
    %swap3A_236 = vector.shape_cast %broadcast_in_dim3A_232 : vector<16xf32> to vector<16xf32>
    tpu.vector_store %arg9[%swap3A_233], %swap3A_236 {strides = array<i32>} : memref<272xf32, #tpu.memory_space<vmem>>, vector<16xf32>,
    %broadcast_in_dim3A_237 = arith.constant 0.000000e+00 : f32
    %broadcast_in_dim3A_238 = vector.broadcast %broadcast_in_dim3A_237 : f32 to vector<16xf32>
    %swap3A_239 = arith.constant 176 : index
    %swap3A_240 = tpu.vector_load %arg9[%swap3A_239] {strides = array<i32>} : memref<272xf32, #tpu.memory_space<vmem>>, vector<16xf32>,
    %swap3A_241 = vector.shape_cast %swap3A_240 : vector<16xf32> to vector<16xf32>
    %swap3A_242 = vector.shape_cast %broadcast_in_dim3A_238 : vector<16xf32> to vector<16xf32>
    tpu.vector_store %arg9[%swap3A_239], %swap3A_242 {strides = array<i32>} : memref<272xf32, #tpu.memory_space<vmem>>, vector<16xf32>,
    %broadcast_in_dim3A_243 = arith.constant -3.000000e+38 : f32
    %broadcast_in_dim3A_244 = vector.broadcast %broadcast_in_dim3A_243 : f32 to vector<16xf32>
    %swap3A_245 = arith.constant 64 : index
    %swap3A_246 = tpu.vector_load %arg9[%swap3A_245] {strides = array<i32>} : memref<272xf32, #tpu.memory_space<vmem>>, vector<16xf32>,
    %swap3A_247 = vector.shape_cast %swap3A_246 : vector<16xf32> to vector<16xf32>
    %swap3A_248 = vector.shape_cast %broadcast_in_dim3A_244 : vector<16xf32> to vector<16xf32>
    tpu.vector_store %arg9[%swap3A_245], %swap3A_248 {strides = array<i32>} : memref<272xf32, #tpu.memory_space<vmem>>, vector<16xf32>,
    %broadcast_in_dim3A_249 = arith.constant 0.000000e+00 : f32
    %broadcast_in_dim3A_250 = vector.broadcast %broadcast_in_dim3A_249 : f32 to vector<16xf32>
    %swap3A_251 = arith.constant 192 : index
    %swap3A_252 = tpu.vector_load %arg9[%swap3A_251] {strides = array<i32>} : memref<272xf32, #tpu.memory_space<vmem>>, vector<16xf32>,
    %swap3A_253 = vector.shape_cast %swap3A_252 : vector<16xf32> to vector<16xf32>
    %swap3A_254 = vector.shape_cast %broadcast_in_dim3A_250 : vector<16xf32> to vector<16xf32>
    tpu.vector_store %arg9[%swap3A_251], %swap3A_254 {strides = array<i32>} : memref<272xf32, #tpu.memory_space<vmem>>, vector<16xf32>,
    %broadcast_in_dim3A_255 = arith.constant -3.000000e+38 : f32
    %broadcast_in_dim3A_256 = vector.broadcast %broadcast_in_dim3A_255 : f32 to vector<16xf32>
    %swap3A_257 = arith.constant 80 : index
    %swap3A_258 = tpu.vector_load %arg9[%swap3A_257] {strides = array<i32>} : memref<272xf32, #tpu.memory_space<vmem>>, vector<16xf32>,
    %swap3A_259 = vector.shape_cast %swap3A_258 : vector<16xf32> to vector<16xf32>
    %swap3A_260 = vector.shape_cast %broadcast_in_dim3A_256 : vector<16xf32> to vector<16xf32>
    tpu.vector_store %arg9[%swap3A_257], %swap3A_260 {strides = array<i32>} : memref<272xf32, #tpu.memory_space<vmem>>, vector<16xf32>,
    %broadcast_in_dim3A_261 = arith.constant 0.000000e+00 : f32
    %broadcast_in_dim3A_262 = vector.broadcast %broadcast_in_dim3A_261 : f32 to vector<16xf32>
    %swap3A_263 = arith.constant 208 : index
    %swap3A_264 = tpu.vector_load %arg9[%swap3A_263] {strides = array<i32>} : memref<272xf32, #tpu.memory_space<vmem>>, vector<16xf32>,
    %swap3A_265 = vector.shape_cast %swap3A_264 : vector<16xf32> to vector<16xf32>
    %swap3A_266 = vector.shape_cast %broadcast_in_dim3A_262 : vector<16xf32> to vector<16xf32>
    tpu.vector_store %arg9[%swap3A_263], %swap3A_266 {strides = array<i32>} : memref<272xf32, #tpu.memory_space<vmem>>, vector<16xf32>,
    %broadcast_in_dim3A_267 = arith.constant -3.000000e+38 : f32
    %broadcast_in_dim3A_268 = vector.broadcast %broadcast_in_dim3A_267 : f32 to vector<16xf32>
    %swap3A_269 = arith.constant 96 : index
    %swap3A_270 = tpu.vector_load %arg9[%swap3A_269] {strides = array<i32>} : memref<272xf32, #tpu.memory_space<vmem>>, vector<16xf32>,
    %swap3A_271 = vector.shape_cast %swap3A_270 : vector<16xf32> to vector<16xf32>
    %swap3A_272 = vector.shape_cast %broadcast_in_dim3A_268 : vector<16xf32> to vector<16xf32>
    tpu.vector_store %arg9[%swap3A_269], %swap3A_272 {strides = array<i32>} : memref<272xf32, #tpu.memory_space<vmem>>, vector<16xf32>,
    %broadcast_in_dim3A_273 = arith.constant 0.000000e+00 : f32
    %broadcast_in_dim3A_274 = vector.broadcast %broadcast_in_dim3A_273 : f32 to vector<16xf32>
    %swap3A_275 = arith.constant 224 : index
    %swap3A_276 = tpu.vector_load %arg9[%swap3A_275] {strides = array<i32>} : memref<272xf32, #tpu.memory_space<vmem>>, vector<16xf32>,
    %swap3A_277 = vector.shape_cast %swap3A_276 : vector<16xf32> to vector<16xf32>
    %swap3A_278 = vector.shape_cast %broadcast_in_dim3A_274 : vector<16xf32> to vector<16xf32>
    tpu.vector_store %arg9[%swap3A_275], %swap3A_278 {strides = array<i32>} : memref<272xf32, #tpu.memory_space<vmem>>, vector<16xf32>,
    %broadcast_in_dim3A_279 = arith.constant -3.000000e+38 : f32
    %broadcast_in_dim3A_280 = vector.broadcast %broadcast_in_dim3A_279 : f32 to vector<16xf32>
    %swap3A_281 = arith.constant 112 : index
    %swap3A_282 = tpu.vector_load %arg9[%swap3A_281] {strides = array<i32>} : memref<272xf32, #tpu.memory_space<vmem>>, vector<16xf32>,
    %swap3A_283 = vector.shape_cast %swap3A_282 : vector<16xf32> to vector<16xf32>
    %swap3A_284 = vector.shape_cast %broadcast_in_dim3A_280 : vector<16xf32> to vector<16xf32>
    tpu.vector_store %arg9[%swap3A_281], %swap3A_284 {strides = array<i32>} : memref<272xf32, #tpu.memory_space<vmem>>, vector<16xf32>,
    %broadcast_in_dim3A_285 = arith.constant 0.000000e+00 : f32
    %broadcast_in_dim3A_286 = vector.broadcast %broadcast_in_dim3A_285 : f32 to vector<16xf32>
    %swap3A_287 = arith.constant 240 : index
    %swap3A_288 = tpu.vector_load %arg9[%swap3A_287] {strides = array<i32>} : memref<272xf32, #tpu.memory_space<vmem>>, vector<16xf32>,
    %swap3A_289 = vector.shape_cast %swap3A_288 : vector<16xf32> to vector<16xf32>
    %swap3A_290 = vector.shape_cast %broadcast_in_dim3A_286 : vector<16xf32> to vector<16xf32>
    tpu.vector_store %arg9[%swap3A_287], %swap3A_290 {strides = array<i32>} : memref<272xf32, #tpu.memory_space<vmem>>, vector<16xf32>,
    %add3A_291 = arith.constant 3096 : i32
    %add3A_292 = arith.addi %add3A_6, %add3A_291 : i32
    %min3A_293 = arith.constant 99968 : i32
    %min3A_294 = arith.minsi %add3A_292, %min3A_293 : i32
    %add3A_295 = arith.constant 3096 : i32
    %add3A_296 = arith.addi %add3A_6, %add3A_295 : i32
    %sub3A_297 = arith.subi %add3A_296, %min3A_294 : i32
    %mul3A_298 = arith.constant 8 : i32
    %mul3A_299 = arith.muli %sub3A_297, %mul3A_298 : i32
    %sub3A_300 = arith.constant 3096 : i32
    %sub3A_301 = arith.subi %add3A_12, %sub3A_300 : i32
    %mul3A_302 = arith.constant 8 : i32
    %mul3A_303 = arith.muli %sub3A_301, %mul3A_302 : i32
    %add3A_304 = arith.addi %mul3A_299, %mul3A_303 : i32
    %dma_start3A_305 = arith.constant 0 : i32
    %dma_start3A_306 = arith.constant 0 : i32
    %dma_start3A_307 = tpu.memref_slice %arg5[%dma_start3A_305, %dma_start3A_306] : memref<344x128xf32, #tpu.memory_space<vmem>> -> memref<168x128xf32, #tpu.memory_space<vmem>>
    %dma_start3A_308 = arith.constant 0 : i32
    %dma_start3A_309 = tpu.memref_slice %arg2[%add3A_6, %dma_start3A_308] : memref<100000x128xf32, #tpu.memory_space<hbm>> -> memref<168x128xf32, #tpu.memory_space<hbm>>
    %dma_start3A_310 = arith.constant 0 : i32
    %dma_start3A_311 = arith.constant 0 : i32
    %dma_start3A_312 = tpu.memref_slice %arg5[%dma_start3A_310, %dma_start3A_311] : memref<344x128xf32, #tpu.memory_space<vmem>> -> memref<168x128xf32, #tpu.memory_space<vmem>>
    %dma_start3A_313 = arith.constant 0 : i32
    %dma_start3A_314 = tpu.memref_slice %arg2[%add3A_6, %dma_start3A_313] : memref<100000x128xf32, #tpu.memory_space<hbm>> -> memref<168x128xf32, #tpu.memory_space<hbm>>
    tpu.enqueue_dma source(%dma_start3A_314 : memref<168x128xf32, #tpu.memory_space<hbm>>) target(%dma_start3A_312 : memref<168x128xf32, #tpu.memory_space<vmem>>) target_semaphore(%arg14 : memref<!tpu.dma_semaphore, #tpu.memory_space<semaphore_mem>>)
    %add3A_315 = arith.constant 168 : i32
    %add3A_316 = arith.addi %add3A_6, %add3A_315 : i32
    %dma_start3A_317 = arith.constant 168 : i32
    %dma_start3A_318 = arith.constant 0 : i32
    %dma_start3A_319 = tpu.memref_slice %arg5[%dma_start3A_317, %dma_start3A_318] : memref<344x128xf32, #tpu.memory_space<vmem>> -> memref<176x128xf32, #tpu.memory_space<vmem>>
    %dma_start3A_320 = arith.constant 0 : i32
    %dma_start3A_321 = tpu.memref_slice %arg2[%add3A_316, %dma_start3A_320] : memref<100000x128xf32, #tpu.memory_space<hbm>> -> memref<176x128xf32, #tpu.memory_space<hbm>>
    %dma_start3A_322 = arith.constant 168 : i32
    %dma_start3A_323 = arith.constant 0 : i32
    %dma_start3A_324 = tpu.memref_slice %arg5[%dma_start3A_322, %dma_start3A_323] : memref<344x128xf32, #tpu.memory_space<vmem>> -> memref<176x128xf32, #tpu.memory_space<vmem>>
    %dma_start3A_325 = arith.constant 0 : i32
    %dma_start3A_326 = tpu.memref_slice %arg2[%add3A_316, %dma_start3A_325] : memref<100000x128xf32, #tpu.memory_space<hbm>> -> memref<176x128xf32, #tpu.memory_space<hbm>>
    tpu.enqueue_dma source(%dma_start3A_326 : memref<176x128xf32, #tpu.memory_space<hbm>>) target(%dma_start3A_324 : memref<176x128xf32, #tpu.memory_space<vmem>>) target_semaphore(%arg14 : memref<!tpu.dma_semaphore, #tpu.memory_space<semaphore_mem>>)
    %add3A_327 = arith.constant 344 : i32
    %add3A_328 = arith.addi %add3A_6, %add3A_327 : i32
    %dma_start3A_329 = arith.constant 0 : i32
    %dma_start3A_330 = arith.constant 0 : i32
    %dma_start3A_331 = tpu.memref_slice %arg6[%dma_start3A_329, %dma_start3A_330] : memref<344x128xf32, #tpu.memory_space<vmem>> -> memref<168x128xf32, #tpu.memory_space<vmem>>
    %dma_start3A_332 = arith.constant 0 : i32
    %dma_start3A_333 = tpu.memref_slice %arg2[%add3A_328, %dma_start3A_332] : memref<100000x128xf32, #tpu.memory_space<hbm>> -> memref<168x128xf32, #tpu.memory_space<hbm>>
    %dma_start3A_334 = arith.constant 0 : i32
    %dma_start3A_335 = arith.constant 0 : i32
    %dma_start3A_336 = tpu.memref_slice %arg6[%dma_start3A_334, %dma_start3A_335] : memref<344x128xf32, #tpu.memory_space<vmem>> -> memref<168x128xf32, #tpu.memory_space<vmem>>
    %dma_start3A_337 = arith.constant 0 : i32
    %dma_start3A_338 = tpu.memref_slice %arg2[%add3A_328, %dma_start3A_337] : memref<100000x128xf32, #tpu.memory_space<hbm>> -> memref<168x128xf32, #tpu.memory_space<hbm>>
    tpu.enqueue_dma source(%dma_start3A_338 : memref<168x128xf32, #tpu.memory_space<hbm>>) target(%dma_start3A_336 : memref<168x128xf32, #tpu.memory_space<vmem>>) target_semaphore(%arg15 : memref<!tpu.dma_semaphore, #tpu.memory_space<semaphore_mem>>)
    %add3A_339 = arith.constant 168 : i32
    %add3A_340 = arith.addi %add3A_328, %add3A_339 : i32
    %dma_start3A_341 = arith.constant 168 : i32
    %dma_start3A_342 = arith.constant 0 : i32
    %dma_start3A_343 = tpu.memref_slice %arg6[%dma_start3A_341, %dma_start3A_342] : memref<344x128xf32, #tpu.memory_space<vmem>> -> memref<176x128xf32, #tpu.memory_space<vmem>>
    %dma_start3A_344 = arith.constant 0 : i32
    %dma_start3A_345 = tpu.memref_slice %arg2[%add3A_340, %dma_start3A_344] : memref<100000x128xf32, #tpu.memory_space<hbm>> -> memref<176x128xf32, #tpu.memory_space<hbm>>
    %dma_start3A_346 = arith.constant 168 : i32
    %dma_start3A_347 = arith.constant 0 : i32
    %dma_start3A_348 = tpu.memref_slice %arg6[%dma_start3A_346, %dma_start3A_347] : memref<344x128xf32, #tpu.memory_space<vmem>> -> memref<176x128xf32, #tpu.memory_space<vmem>>
    %dma_start3A_349 = arith.constant 0 : i32
    %dma_start3A_350 = tpu.memref_slice %arg2[%add3A_340, %dma_start3A_349] : memref<100000x128xf32, #tpu.memory_space<hbm>> -> memref<176x128xf32, #tpu.memory_space<hbm>>
    tpu.enqueue_dma source(%dma_start3A_350 : memref<176x128xf32, #tpu.memory_space<hbm>>) target(%dma_start3A_348 : memref<176x128xf32, #tpu.memory_space<vmem>>) target_semaphore(%arg15 : memref<!tpu.dma_semaphore, #tpu.memory_space<semaphore_mem>>)
    %dma_start3A_351 = arith.constant 0 : i32
    %dma_start3A_352 = arith.constant 0 : i32
    %dma_start3A_353 = tpu.memref_slice %arg7[%dma_start3A_351, %dma_start3A_352] : memref<32x128xf32, #tpu.memory_space<vmem>> -> memref<16x128xf32, #tpu.memory_space<vmem>>
    %dma_start3A_354 = arith.constant 0 : i32
    %dma_start3A_355 = tpu.memref_slice %arg2[%min3A_294, %dma_start3A_354] : memref<100000x128xf32, #tpu.memory_space<hbm>> -> memref<16x128xf32, #tpu.memory_space<hbm>>
    %dma_start3A_356 = arith.constant 0 : i32
    %dma_start3A_357 = arith.constant 0 : i32
    %dma_start3A_358 = tpu.memref_slice %arg7[%dma_start3A_356, %dma_start3A_357] : memref<32x128xf32, #tpu.memory_space<vmem>> -> memref<16x128xf32, #tpu.memory_space<vmem>>
    %dma_start3A_359 = arith.constant 0 : i32
    %dma_start3A_360 = tpu.memref_slice %arg2[%min3A_294, %dma_start3A_359] : memref<100000x128xf32, #tpu.memory_space<hbm>> -> memref<16x128xf32, #tpu.memory_space<hbm>>
    tpu.enqueue_dma source(%dma_start3A_360 : memref<16x128xf32, #tpu.memory_space<hbm>>) target(%dma_start3A_358 : memref<16x128xf32, #tpu.memory_space<vmem>>) target_semaphore(%arg16 : memref<!tpu.dma_semaphore, #tpu.memory_space<semaphore_mem>>)
    %add3A_361 = arith.constant 16 : i32
    %add3A_362 = arith.addi %min3A_294, %add3A_361 : i32
    %dma_start3A_363 = arith.constant 16 : i32
    %dma_start3A_364 = arith.constant 0 : i32
    %dma_start3A_365 = tpu.memref_slice %arg7[%dma_start3A_363, %dma_start3A_364] : memref<32x128xf32, #tpu.memory_space<vmem>> -> memref<16x128xf32, #tpu.memory_space<vmem>>
    %dma_start3A_366 = arith.constant 0 : i32
    %dma_start3A_367 = tpu.memref_slice %arg2[%add3A_362, %dma_start3A_366] : memref<100000x128xf32, #tpu.memory_space<hbm>> -> memref<16x128xf32, #tpu.memory_space<hbm>>
    %dma_start3A_368 = arith.constant 16 : i32
    %dma_start3A_369 = arith.constant 0 : i32
    %dma_start3A_370 = tpu.memref_slice %arg7[%dma_start3A_368, %dma_start3A_369] : memref<32x128xf32, #tpu.memory_space<vmem>> -> memref<16x128xf32, #tpu.memory_space<vmem>>
    %dma_start3A_371 = arith.constant 0 : i32
    %dma_start3A_372 = tpu.memref_slice %arg2[%add3A_362, %dma_start3A_371] : memref<100000x128xf32, #tpu.memory_space<hbm>> -> memref<16x128xf32, #tpu.memory_space<hbm>>
    tpu.enqueue_dma source(%dma_start3A_372 : memref<16x128xf32, #tpu.memory_space<hbm>>) target(%dma_start3A_370 : memref<16x128xf32, #tpu.memory_space<vmem>>) target_semaphore(%arg16 : memref<!tpu.dma_semaphore, #tpu.memory_space<semaphore_mem>>)
    %scan3A = arith.constant 0 : i32
    %scan3A_373 = arith.constant 4 : i32
    %scan3A_374 = arith.addi %scan3A, %scan3A_373 : i32
    %scan3A_375 = arith.constant 1 : i32
    scf.for %scan3A_1103 = %scan3A to %scan3A_374 step %scan3A_375  : i32 {
      %dma_wait3A_1104 = arith.constant 0 : i32
      %dma_wait3A_1105 = arith.constant 0 : i32
      %dma_wait3A_1106 = tpu.memref_slice %arg5[%dma_wait3A_1104, %dma_wait3A_1105] : memref<344x128xf32, #tpu.memory_space<vmem>> -> memref<168x128xf32, #tpu.memory_space<vmem>>
      %dma_wait3A_1107 = arith.constant 0 : i32
      %dma_wait3A_1108 = arith.constant 0 : i32
      %dma_wait3A_1109 = tpu.memref_slice %arg2[%dma_wait3A_1107, %dma_wait3A_1108] : memref<100000x128xf32, #tpu.memory_space<hbm>> -> memref<168x128xf32, #tpu.memory_space<hbm>>
      %dma_wait3A_1110 = arith.constant 0 : i32
      %dma_wait3A_1111 = arith.constant 0 : i32
      %dma_wait3A_1112 = tpu.memref_slice %arg5[%dma_wait3A_1110, %dma_wait3A_1111] : memref<344x128xf32, #tpu.memory_space<vmem>> -> memref<168x128xf32, #tpu.memory_space<vmem>>
      %dma_wait3A_1113 = arith.constant 0 : i32
      %dma_wait3A_1114 = arith.constant 0 : i32
      %dma_wait3A_1115 = tpu.memref_slice %arg2[%dma_wait3A_1113, %dma_wait3A_1114] : memref<100000x128xf32, #tpu.memory_space<hbm>> -> memref<168x128xf32, #tpu.memory_space<hbm>>
      tpu.wait_dma2 semaphore(%arg14 : memref<!tpu.dma_semaphore, #tpu.memory_space<semaphore_mem>>) src(%dma_wait3A_1115 : memref<168x128xf32, #tpu.memory_space<hbm>>) dst(%dma_wait3A_1112 : memref<168x128xf32, #tpu.memory_space<vmem>>)
      %dma_wait3A_1116 = arith.constant 168 : i32
      %dma_wait3A_1117 = arith.constant 0 : i32
      %dma_wait3A_1118 = tpu.memref_slice %arg5[%dma_wait3A_1116, %dma_wait3A_1117] : memref<344x128xf32, #tpu.memory_space<vmem>> -> memref<176x128xf32, #tpu.memory_space<vmem>>
      %dma_wait3A_1119 = arith.constant 0 : i32
      %dma_wait3A_1120 = arith.constant 0 : i32
      %dma_wait3A_1121 = tpu.memref_slice %arg2[%dma_wait3A_1119, %dma_wait3A_1120] : memref<100000x128xf32, #tpu.memory_space<hbm>> -> memref<176x128xf32, #tpu.memory_space<hbm>>
      %dma_wait3A_1122 = arith.constant 168 : i32
      %dma_wait3A_1123 = arith.constant 0 : i32
      %dma_wait3A_1124 = tpu.memref_slice %arg5[%dma_wait3A_1122, %dma_wait3A_1123] : memref<344x128xf32, #tpu.memory_space<vmem>> -> memref<176x128xf32, #tpu.memory_space<vmem>>
      %dma_wait3A_1125 = arith.constant 0 : i32
      %dma_wait3A_1126 = arith.constant 0 : i32
      %dma_wait3A_1127 = tpu.memref_slice %arg2[%dma_wait3A_1125, %dma_wait3A_1126] : memref<100000x128xf32, #tpu.memory_space<hbm>> -> memref<176x128xf32, #tpu.memory_space<hbm>>
      tpu.wait_dma2 semaphore(%arg14 : memref<!tpu.dma_semaphore, #tpu.memory_space<semaphore_mem>>) src(%dma_wait3A_1127 : memref<176x128xf32, #tpu.memory_space<hbm>>) dst(%dma_wait3A_1124 : memref<176x128xf32, #tpu.memory_space<vmem>>)
      %get3A_1128 = arith.constant 0 : index
      %get3A_1129 = tpu.vector_load %arg9[%get3A_1128] {strides = array<i32>} : memref<272xf32, #tpu.memory_space<vmem>>, vector<16xf32>,
      %get3A_1130 = vector.shape_cast %get3A_1129 : vector<16xf32> to vector<16xf32>
      %get3A_1131 = arith.constant 16 : index
      %get3A_1132 = tpu.vector_load %arg9[%get3A_1131] {strides = array<i32>} : memref<272xf32, #tpu.memory_space<vmem>>, vector<16xf32>,
      %get3A_1133 = vector.shape_cast %get3A_1132 : vector<16xf32> to vector<16xf32>
      %get3A_1134 = arith.constant 32 : index
      %get3A_1135 = tpu.vector_load %arg9[%get3A_1134] {strides = array<i32>} : memref<272xf32, #tpu.memory_space<vmem>>, vector<16xf32>,
      %get3A_1136 = vector.shape_cast %get3A_1135 : vector<16xf32> to vector<16xf32>
      %get3A_1137 = arith.constant 48 : index
      %get3A_1138 = tpu.vector_load %arg9[%get3A_1137] {strides = array<i32>} : memref<272xf32, #tpu.memory_space<vmem>>, vector<16xf32>,
      %get3A_1139 = vector.shape_cast %get3A_1138 : vector<16xf32> to vector<16xf32>
      %get3A_1140 = arith.constant 64 : index
      %get3A_1141 = tpu.vector_load %arg9[%get3A_1140] {strides = array<i32>} : memref<272xf32, #tpu.memory_space<vmem>>, vector<16xf32>,
      %get3A_1142 = vector.shape_cast %get3A_1141 : vector<16xf32> to vector<16xf32>
      %get3A_1143 = arith.constant 80 : index
      %get3A_1144 = tpu.vector_load %arg9[%get3A_1143] {strides = array<i32>} : memref<272xf32, #tpu.memory_space<vmem>>, vector<16xf32>,
      %get3A_1145 = vector.shape_cast %get3A_1144 : vector<16xf32> to vector<16xf32>
      %get3A_1146 = arith.constant 96 : index
      %get3A_1147 = tpu.vector_load %arg9[%get3A_1146] {strides = array<i32>} : memref<272xf32, #tpu.memory_space<vmem>>, vector<16xf32>,
      %get3A_1148 = vector.shape_cast %get3A_1147 : vector<16xf32> to vector<16xf32>
      %get3A_1149 = arith.constant 112 : index
      %get3A_1150 = tpu.vector_load %arg9[%get3A_1149] {strides = array<i32>} : memref<272xf32, #tpu.memory_space<vmem>>, vector<16xf32>,
      %get3A_1151 = vector.shape_cast %get3A_1150 : vector<16xf32> to vector<16xf32>
      %get3A_1152 = arith.constant 128 : index
      %get3A_1153 = tpu.vector_load %arg9[%get3A_1152] {strides = array<i32>} : memref<272xf32, #tpu.memory_space<vmem>>, vector<16xf32>,
      %get3A_1154 = vector.shape_cast %get3A_1153 : vector<16xf32> to vector<16xf32>
      %get3A_1155 = arith.constant 144 : index
      %get3A_1156 = tpu.vector_load %arg9[%get3A_1155] {strides = array<i32>} : memref<272xf32, #tpu.memory_space<vmem>>, vector<16xf32>,
      %get3A_1157 = vector.shape_cast %get3A_1156 : vector<16xf32> to vector<16xf32>
      %get3A_1158 = arith.constant 160 : index
      %get3A_1159 = tpu.vector_load %arg9[%get3A_1158] {strides = array<i32>} : memref<272xf32, #tpu.memory_space<vmem>>, vector<16xf32>,
      %get3A_1160 = vector.shape_cast %get3A_1159 : vector<16xf32> to vector<16xf32>
      %get3A_1161 = arith.constant 176 : index
      %get3A_1162 = tpu.vector_load %arg9[%get3A_1161] {strides = array<i32>} : memref<272xf32, #tpu.memory_space<vmem>>, vector<16xf32>,
      %get3A_1163 = vector.shape_cast %get3A_1162 : vector<16xf32> to vector<16xf32>
      %get3A_1164 = arith.constant 192 : index
      %get3A_1165 = tpu.vector_load %arg9[%get3A_1164] {strides = array<i32>} : memref<272xf32, #tpu.memory_space<vmem>>, vector<16xf32>,
      %get3A_1166 = vector.shape_cast %get3A_1165 : vector<16xf32> to vector<16xf32>
      %get3A_1167 = arith.constant 208 : index
      %get3A_1168 = tpu.vector_load %arg9[%get3A_1167] {strides = array<i32>} : memref<272xf32, #tpu.memory_space<vmem>>, vector<16xf32>,
      %get3A_1169 = vector.shape_cast %get3A_1168 : vector<16xf32> to vector<16xf32>
      %get3A_1170 = arith.constant 224 : index
      %get3A_1171 = tpu.vector_load %arg9[%get3A_1170] {strides = array<i32>} : memref<272xf32, #tpu.memory_space<vmem>>, vector<16xf32>,
      %get3A_1172 = vector.shape_cast %get3A_1171 : vector<16xf32> to vector<16xf32>
      %get3A_1173 = arith.constant 240 : index
      %get3A_1174 = tpu.vector_load %arg9[%get3A_1173] {strides = array<i32>} : memref<272xf32, #tpu.memory_space<vmem>>, vector<16xf32>,
      %get3A_1175 = vector.shape_cast %get3A_1174 : vector<16xf32> to vector<16xf32>
      %parallel_loop3A_1176 = arith.constant 0 : i32
      %parallel_loop3A_1177 = arith.constant 2752 : i32
      %parallel_loop3A_1178 = arith.constant 16 : i32
      %parallel_loop3A_1179:8 = scf.for %parallel_loop3A_1448 = %parallel_loop3A_1176 to %parallel_loop3A_1177 step %parallel_loop3A_1178 iter_args(%parallel_loop3A_1449 = %get3A_1130, %parallel_loop3A_1450 = %get3A_1133, %parallel_loop3A_1451 = %get3A_1136, %parallel_loop3A_1452 = %get3A_1139, %parallel_loop3A_1453 = %get3A_1142, %parallel_loop3A_1454 = %get3A_1145, %parallel_loop3A_1455 = %get3A_1148, %parallel_loop3A_1456 = %get3A_1151) -> (vector<16xf32>, vector<16xf32>, vector<16xf32>, vector<16xf32>, vector<16xf32>, vector<16xf32>, vector<16xf32>, vector<16xf32>)  : i32 {
        %parallel_loop3A_1457 = arith.constant 8 : i32
        %parallel_loop3A_1458 = arith.divsi %parallel_loop3A_1448, %parallel_loop3A_1457 : i32
        %parallel_loop3A_1459 = arith.constant 0 : i32
        %parallel_loop3A_1460 = arith.cmpi sgt, %parallel_loop3A_1448, %parallel_loop3A_1459 : i32
        %parallel_loop3A_1461 = arith.extui %parallel_loop3A_1460 : i1 to i32
        %parallel_loop3A_1462 = arith.constant 0 : i32
        %parallel_loop3A_1463 = arith.cmpi slt, %parallel_loop3A_1448, %parallel_loop3A_1462 : i32
        %parallel_loop3A_1464 = arith.extui %parallel_loop3A_1463 : i1 to i32
        %parallel_loop3A_1465 = arith.subi %parallel_loop3A_1461, %parallel_loop3A_1464 : i32
        %parallel_loop3A_1466 = arith.constant 0 : i32
        %parallel_loop3A_1467 = arith.cmpi sgt, %parallel_loop3A_1457, %parallel_loop3A_1466 : i32
        %parallel_loop3A_1468 = arith.extui %parallel_loop3A_1467 : i1 to i32
        %parallel_loop3A_1469 = arith.constant 0 : i32
        %parallel_loop3A_1470 = arith.cmpi slt, %parallel_loop3A_1457, %parallel_loop3A_1469 : i32
        %parallel_loop3A_1471 = arith.extui %parallel_loop3A_1470 : i1 to i32
        %parallel_loop3A_1472 = arith.subi %parallel_loop3A_1468, %parallel_loop3A_1471 : i32
        %parallel_loop3A_1473 = arith.cmpi ne, %parallel_loop3A_1465, %parallel_loop3A_1472 : i32
        %parallel_loop3A_1474 = arith.remsi %parallel_loop3A_1448, %parallel_loop3A_1457 : i32
        %parallel_loop3A_1475 = arith.constant 0 : i32
        %parallel_loop3A_1476 = arith.cmpi ne, %parallel_loop3A_1474, %parallel_loop3A_1475 : i32
        %parallel_loop3A_1477 = arith.andi %parallel_loop3A_1473, %parallel_loop3A_1476 : i1
        %parallel_loop3A_1478 = arith.constant 1 : i32
        %parallel_loop3A_1479 = arith.subi %parallel_loop3A_1458, %parallel_loop3A_1478 : i32
        %parallel_loop3A_1480 = arith.select %parallel_loop3A_1477, %parallel_loop3A_1479, %parallel_loop3A_1458 : i32
        %parallel_loop3A_1481 = arith.index_cast %parallel_loop3A_1480 : i32 to index
        %parallel_loop3A_1482 = arith.constant 0 : index
        %parallel_loop3A_1483 = tpu.vector_load %arg5[%parallel_loop3A_1481, %parallel_loop3A_1482] {strides = array<i32>} : memref<344x128xf32, #tpu.memory_space<vmem>>, vector<1x16xf32>,
        %parallel_loop3A_1484 = vector.shape_cast %parallel_loop3A_1483 : vector<1x16xf32> to vector<16xf32>
        %parallel_loop3A_1485 = arith.constant 1 : i32
        %parallel_loop3A_1486 = arith.addi %parallel_loop3A_1480, %parallel_loop3A_1485 : i32
        %parallel_loop3A_1487 = arith.index_cast %parallel_loop3A_1486 : i32 to index
        %parallel_loop3A_1488 = arith.constant 0 : index
        %parallel_loop3A_1489 = tpu.vector_load %arg5[%parallel_loop3A_1487, %parallel_loop3A_1488] {strides = array<i32>} : memref<344x128xf32, #tpu.memory_space<vmem>>, vector<1x16xf32>,
        %parallel_loop3A_1490 = vector.shape_cast %parallel_loop3A_1489 : vector<1x16xf32> to vector<16xf32>
        %parallel_loop3A_1491 = arith.maximumf %parallel_loop3A_1484, %parallel_loop3A_1490 : vector<16xf32>
        %parallel_loop3A_1492 = arith.maximumf %parallel_loop3A_1449, %parallel_loop3A_1491 : vector<16xf32>
        %parallel_loop3A_1493 = arith.index_cast %parallel_loop3A_1480 : i32 to index
        %parallel_loop3A_1494 = arith.constant 16 : index
        %parallel_loop3A_1495 = tpu.vector_load %arg5[%parallel_loop3A_1493, %parallel_loop3A_1494] {strides = array<i32>} : memref<344x128xf32, #tpu.memory_space<vmem>>, vector<1x16xf32>,
        %parallel_loop3A_1496 = vector.shape_cast %parallel_loop3A_1495 : vector<1x16xf32> to vector<16xf32>
        %parallel_loop3A_1497 = arith.constant 1 : i32
        %parallel_loop3A_1498 = arith.addi %parallel_loop3A_1480, %parallel_loop3A_1497 : i32
        %parallel_loop3A_1499 = arith.index_cast %parallel_loop3A_1498 : i32 to index
        %parallel_loop3A_1500 = arith.constant 16 : index
        %parallel_loop3A_1501 = tpu.vector_load %arg5[%parallel_loop3A_1499, %parallel_loop3A_1500] {strides = array<i32>} : memref<344x128xf32, #tpu.memory_space<vmem>>, vector<1x16xf32>,
        %parallel_loop3A_1502 = vector.shape_cast %parallel_loop3A_1501 : vector<1x16xf32> to vector<16xf32>
        %parallel_loop3A_1503 = arith.maximumf %parallel_loop3A_1496, %parallel_loop3A_1502 : vector<16xf32>
        %parallel_loop3A_1504 = arith.maximumf %parallel_loop3A_1450, %parallel_loop3A_1503 : vector<16xf32>
        %parallel_loop3A_1505 = arith.index_cast %parallel_loop3A_1480 : i32 to index
        %parallel_loop3A_1506 = arith.constant 32 : index
        %parallel_loop3A_1507 = tpu.vector_load %arg5[%parallel_loop3A_1505, %parallel_loop3A_1506] {strides = array<i32>} : memref<344x128xf32, #tpu.memory_space<vmem>>, vector<1x16xf32>,
        %parallel_loop3A_1508 = vector.shape_cast %parallel_loop3A_1507 : vector<1x16xf32> to vector<16xf32>
        %parallel_loop3A_1509 = arith.constant 1 : i32
        %parallel_loop3A_1510 = arith.addi %parallel_loop3A_1480, %parallel_loop3A_1509 : i32
        %parallel_loop3A_1511 = arith.index_cast %parallel_loop3A_1510 : i32 to index
        %parallel_loop3A_1512 = arith.constant 32 : index
        %parallel_loop3A_1513 = tpu.vector_load %arg5[%parallel_loop3A_1511, %parallel_loop3A_1512] {strides = array<i32>} : memref<344x128xf32, #tpu.memory_space<vmem>>, vector<1x16xf32>,
        %parallel_loop3A_1514 = vector.shape_cast %parallel_loop3A_1513 : vector<1x16xf32> to vector<16xf32>
        %parallel_loop3A_1515 = arith.maximumf %parallel_loop3A_1508, %parallel_loop3A_1514 : vector<16xf32>
        %parallel_loop3A_1516 = arith.maximumf %parallel_loop3A_1451, %parallel_loop3A_1515 : vector<16xf32>
        %parallel_loop3A_1517 = arith.index_cast %parallel_loop3A_1480 : i32 to index
        %parallel_loop3A_1518 = arith.constant 48 : index
        %parallel_loop3A_1519 = tpu.vector_load %arg5[%parallel_loop3A_1517, %parallel_loop3A_1518] {strides = array<i32>} : memref<344x128xf32, #tpu.memory_space<vmem>>, vector<1x16xf32>,
        %parallel_loop3A_1520 = vector.shape_cast %parallel_loop3A_1519 : vector<1x16xf32> to vector<16xf32>
        %parallel_loop3A_1521 = arith.constant 1 : i32
        %parallel_loop3A_1522 = arith.addi %parallel_loop3A_1480, %parallel_loop3A_1521 : i32
        %parallel_loop3A_1523 = arith.index_cast %parallel_loop3A_1522 : i32 to index
        %parallel_loop3A_1524 = arith.constant 48 : index
        %parallel_loop3A_1525 = tpu.vector_load %arg5[%parallel_loop3A_1523, %parallel_loop3A_1524] {strides = array<i32>} : memref<344x128xf32, #tpu.memory_space<vmem>>, vector<1x16xf32>,
        %parallel_loop3A_1526 = vector.shape_cast %parallel_loop3A_1525 : vector<1x16xf32> to vector<16xf32>
        %parallel_loop3A_1527 = arith.maximumf %parallel_loop3A_1520, %parallel_loop3A_1526 : vector<16xf32>
        %parallel_loop3A_1528 = arith.maximumf %parallel_loop3A_1452, %parallel_loop3A_1527 : vector<16xf32>
        %parallel_loop3A_1529 = arith.index_cast %parallel_loop3A_1480 : i32 to index
        %parallel_loop3A_1530 = arith.constant 64 : index
        %parallel_loop3A_1531 = tpu.vector_load %arg5[%parallel_loop3A_1529, %parallel_loop3A_1530] {strides = array<i32>} : memref<344x128xf32, #tpu.memory_space<vmem>>, vector<1x16xf32>,
        %parallel_loop3A_1532 = vector.shape_cast %parallel_loop3A_1531 : vector<1x16xf32> to vector<16xf32>
        %parallel_loop3A_1533 = arith.constant 1 : i32
        %parallel_loop3A_1534 = arith.addi %parallel_loop3A_1480, %parallel_loop3A_1533 : i32
        %parallel_loop3A_1535 = arith.index_cast %parallel_loop3A_1534 : i32 to index
        %parallel_loop3A_1536 = arith.constant 64 : index
        %parallel_loop3A_1537 = tpu.vector_load %arg5[%parallel_loop3A_1535, %parallel_loop3A_1536] {strides = array<i32>} : memref<344x128xf32, #tpu.memory_space<vmem>>, vector<1x16xf32>,
        %parallel_loop3A_1538 = vector.shape_cast %parallel_loop3A_1537 : vector<1x16xf32> to vector<16xf32>
        %parallel_loop3A_1539 = arith.maximumf %parallel_loop3A_1532, %parallel_loop3A_1538 : vector<16xf32>
        %parallel_loop3A_1540 = arith.maximumf %parallel_loop3A_1453, %parallel_loop3A_1539 : vector<16xf32>
        %parallel_loop3A_1541 = arith.index_cast %parallel_loop3A_1480 : i32 to index
        %parallel_loop3A_1542 = arith.constant 80 : index
        %parallel_loop3A_1543 = tpu.vector_load %arg5[%parallel_loop3A_1541, %parallel_loop3A_1542] {strides = array<i32>} : memref<344x128xf32, #tpu.memory_space<vmem>>, vector<1x16xf32>,
        %parallel_loop3A_1544 = vector.shape_cast %parallel_loop3A_1543 : vector<1x16xf32> to vector<16xf32>
        %parallel_loop3A_1545 = arith.constant 1 : i32
        %parallel_loop3A_1546 = arith.addi %parallel_loop3A_1480, %parallel_loop3A_1545 : i32
        %parallel_loop3A_1547 = arith.index_cast %parallel_loop3A_1546 : i32 to index
        %parallel_loop3A_1548 = arith.constant 80 : index
        %parallel_loop3A_1549 = tpu.vector_load %arg5[%parallel_loop3A_1547, %parallel_loop3A_1548] {strides = array<i32>} : memref<344x128xf32, #tpu.memory_space<vmem>>, vector<1x16xf32>,
        %parallel_loop3A_1550 = vector.shape_cast %parallel_loop3A_1549 : vector<1x16xf32> to vector<16xf32>
        %parallel_loop3A_1551 = arith.maximumf %parallel_loop3A_1544, %parallel_loop3A_1550 : vector<16xf32>
        %parallel_loop3A_1552 = arith.maximumf %parallel_loop3A_1454, %parallel_loop3A_1551 : vector<16xf32>
        %parallel_loop3A_1553 = arith.index_cast %parallel_loop3A_1480 : i32 to index
        %parallel_loop3A_1554 = arith.constant 96 : index
        %parallel_loop3A_1555 = tpu.vector_load %arg5[%parallel_loop3A_1553, %parallel_loop3A_1554] {strides = array<i32>} : memref<344x128xf32, #tpu.memory_space<vmem>>, vector<1x16xf32>,
        %parallel_loop3A_1556 = vector.shape_cast %parallel_loop3A_1555 : vector<1x16xf32> to vector<16xf32>
        %parallel_loop3A_1557 = arith.constant 1 : i32
        %parallel_loop3A_1558 = arith.addi %parallel_loop3A_1480, %parallel_loop3A_1557 : i32
        %parallel_loop3A_1559 = arith.index_cast %parallel_loop3A_1558 : i32 to index
        %parallel_loop3A_1560 = arith.constant 96 : index
        %parallel_loop3A_1561 = tpu.vector_load %arg5[%parallel_loop3A_1559, %parallel_loop3A_1560] {strides = array<i32>} : memref<344x128xf32, #tpu.memory_space<vmem>>, vector<1x16xf32>,
        %parallel_loop3A_1562 = vector.shape_cast %parallel_loop3A_1561 : vector<1x16xf32> to vector<16xf32>
        %parallel_loop3A_1563 = arith.maximumf %parallel_loop3A_1556, %parallel_loop3A_1562 : vector<16xf32>
        %parallel_loop3A_1564 = arith.maximumf %parallel_loop3A_1455, %parallel_loop3A_1563 : vector<16xf32>
        %parallel_loop3A_1565 = arith.index_cast %parallel_loop3A_1480 : i32 to index
        %parallel_loop3A_1566 = arith.constant 112 : index
        %parallel_loop3A_1567 = tpu.vector_load %arg5[%parallel_loop3A_1565, %parallel_loop3A_1566] {strides = array<i32>} : memref<344x128xf32, #tpu.memory_space<vmem>>, vector<1x16xf32>,
        %parallel_loop3A_1568 = vector.shape_cast %parallel_loop3A_1567 : vector<1x16xf32> to vector<16xf32>
        %parallel_loop3A_1569 = arith.constant 1 : i32
        %parallel_loop3A_1570 = arith.addi %parallel_loop3A_1480, %parallel_loop3A_1569 : i32
        %parallel_loop3A_1571 = arith.index_cast %parallel_loop3A_1570 : i32 to index
        %parallel_loop3A_1572 = arith.constant 112 : index
        %parallel_loop3A_1573 = tpu.vector_load %arg5[%parallel_loop3A_1571, %parallel_loop3A_1572] {strides = array<i32>} : memref<344x128xf32, #tpu.memory_space<vmem>>, vector<1x16xf32>,
        %parallel_loop3A_1574 = vector.shape_cast %parallel_loop3A_1573 : vector<1x16xf32> to vector<16xf32>
        %parallel_loop3A_1575 = arith.maximumf %parallel_loop3A_1568, %parallel_loop3A_1574 : vector<16xf32>
        %parallel_loop3A_1576 = arith.maximumf %parallel_loop3A_1456, %parallel_loop3A_1575 : vector<16xf32>
        scf.yield %parallel_loop3A_1492, %parallel_loop3A_1504, %parallel_loop3A_1516, %parallel_loop3A_1528, %parallel_loop3A_1540, %parallel_loop3A_1552, %parallel_loop3A_1564, %parallel_loop3A_1576 : vector<16xf32>, vector<16xf32>, vector<16xf32>, vector<16xf32>, vector<16xf32>, vector<16xf32>, vector<16xf32>, vector<16xf32>
      } {sc.loop_unroll_factor = 1 : i64, sc.parallel_access}
      %sub3A_1180 = arith.subf %get3A_1130, %parallel_loop3A_1179#0 : vector<16xf32>
      %exp3A_1181 = math.exp %sub3A_1180 : vector<16xf32>
      %mul3A_1182 = arith.mulf %get3A_1154, %exp3A_1181 : vector<16xf32>
      %sub3A_1183 = arith.subf %get3A_1133, %parallel_loop3A_1179#1 : vector<16xf32>
      %exp3A_1184 = math.exp %sub3A_1183 : vector<16xf32>
      %mul3A_1185 = arith.mulf %get3A_1157, %exp3A_1184 : vector<16xf32>
      %sub3A_1186 = arith.subf %get3A_1136, %parallel_loop3A_1179#2 : vector<16xf32>
      %exp3A_1187 = math.exp %sub3A_1186 : vector<16xf32>
      %mul3A_1188 = arith.mulf %get3A_1160, %exp3A_1187 : vector<16xf32>
      %sub3A_1189 = arith.subf %get3A_1139, %parallel_loop3A_1179#3 : vector<16xf32>
      %exp3A_1190 = math.exp %sub3A_1189 : vector<16xf32>
      %mul3A_1191 = arith.mulf %get3A_1163, %exp3A_1190 : vector<16xf32>
      %sub3A_1192 = arith.subf %get3A_1142, %parallel_loop3A_1179#4 : vector<16xf32>
      %exp3A_1193 = math.exp %sub3A_1192 : vector<16xf32>
      %mul3A_1194 = arith.mulf %get3A_1166, %exp3A_1193 : vector<16xf32>
      %sub3A_1195 = arith.subf %get3A_1145, %parallel_loop3A_1179#5 : vector<16xf32>
      %exp3A_1196 = math.exp %sub3A_1195 : vector<16xf32>
      %mul3A_1197 = arith.mulf %get3A_1169, %exp3A_1196 : vector<16xf32>
      %sub3A_1198 = arith.subf %get3A_1148, %parallel_loop3A_1179#6 : vector<16xf32>
      %exp3A_1199 = math.exp %sub3A_1198 : vector<16xf32>
      %mul3A_1200 = arith.mulf %get3A_1172, %exp3A_1199 : vector<16xf32>
      %sub3A_1201 = arith.subf %get3A_1151, %parallel_loop3A_1179#7 : vector<16xf32>
      %exp3A_1202 = math.exp %sub3A_1201 : vector<16xf32>
      %mul3A_1203 = arith.mulf %get3A_1175, %exp3A_1202 : vector<16xf32>
      %parallel_loop3A_1204 = arith.constant 0 : i32
      %parallel_loop3A_1205 = arith.constant 2752 : i32
      %parallel_loop3A_1206 = arith.constant 16 : i32
      %parallel_loop3A_1207:8 = scf.for %parallel_loop3A_1448 = %parallel_loop3A_1204 to %parallel_loop3A_1205 step %parallel_loop3A_1206 iter_args(%parallel_loop3A_1449 = %mul3A_1182, %parallel_loop3A_1450 = %mul3A_1185, %parallel_loop3A_1451 = %mul3A_1188, %parallel_loop3A_1452 = %mul3A_1191, %parallel_loop3A_1453 = %mul3A_1194, %parallel_loop3A_1454 = %mul3A_1197, %parallel_loop3A_1455 = %mul3A_1200, %parallel_loop3A_1456 = %mul3A_1203) -> (vector<16xf32>, vector<16xf32>, vector<16xf32>, vector<16xf32>, vector<16xf32>, vector<16xf32>, vector<16xf32>, vector<16xf32>)  : i32 {
        %parallel_loop3A_1457 = arith.constant 8 : i32
        %parallel_loop3A_1458 = arith.divsi %parallel_loop3A_1448, %parallel_loop3A_1457 : i32
        %parallel_loop3A_1459 = arith.constant 0 : i32
        %parallel_loop3A_1460 = arith.cmpi sgt, %parallel_loop3A_1448, %parallel_loop3A_1459 : i32
        %parallel_loop3A_1461 = arith.extui %parallel_loop3A_1460 : i1 to i32
        %parallel_loop3A_1462 = arith.constant 0 : i32
        %parallel_loop3A_1463 = arith.cmpi slt, %parallel_loop3A_1448, %parallel_loop3A_1462 : i32
        %parallel_loop3A_1464 = arith.extui %parallel_loop3A_1463 : i1 to i32
        %parallel_loop3A_1465 = arith.subi %parallel_loop3A_1461, %parallel_loop3A_1464 : i32
        %parallel_loop3A_1466 = arith.constant 0 : i32
        %parallel_loop3A_1467 = arith.cmpi sgt, %parallel_loop3A_1457, %parallel_loop3A_1466 : i32
        %parallel_loop3A_1468 = arith.extui %parallel_loop3A_1467 : i1 to i32
        %parallel_loop3A_1469 = arith.constant 0 : i32
        %parallel_loop3A_1470 = arith.cmpi slt, %parallel_loop3A_1457, %parallel_loop3A_1469 : i32
        %parallel_loop3A_1471 = arith.extui %parallel_loop3A_1470 : i1 to i32
        %parallel_loop3A_1472 = arith.subi %parallel_loop3A_1468, %parallel_loop3A_1471 : i32
        %parallel_loop3A_1473 = arith.cmpi ne, %parallel_loop3A_1465, %parallel_loop3A_1472 : i32
        %parallel_loop3A_1474 = arith.remsi %parallel_loop3A_1448, %parallel_loop3A_1457 : i32
        %parallel_loop3A_1475 = arith.constant 0 : i32
        %parallel_loop3A_1476 = arith.cmpi ne, %parallel_loop3A_1474, %parallel_loop3A_1475 : i32
        %parallel_loop3A_1477 = arith.andi %parallel_loop3A_1473, %parallel_loop3A_1476 : i1
        %parallel_loop3A_1478 = arith.constant 1 : i32
        %parallel_loop3A_1479 = arith.subi %parallel_loop3A_1458, %parallel_loop3A_1478 : i32
        %parallel_loop3A_1480 = arith.select %parallel_loop3A_1477, %parallel_loop3A_1479, %parallel_loop3A_1458 : i32
        %parallel_loop3A_1481 = arith.constant 0 : i32
        %parallel_loop3A_1482 = arith.addi %parallel_loop3A_1480, %parallel_loop3A_1481 : i32
        %parallel_loop3A_1483 = arith.index_cast %parallel_loop3A_1482 : i32 to index
        %parallel_loop3A_1484 = arith.constant 0 : index
        %parallel_loop3A_1485 = tpu.vector_load %arg5[%parallel_loop3A_1483, %parallel_loop3A_1484] {strides = array<i32>} : memref<344x128xf32, #tpu.memory_space<vmem>>, vector<1x16xf32>,
        %parallel_loop3A_1486 = vector.shape_cast %parallel_loop3A_1485 : vector<1x16xf32> to vector<16xf32>
        %parallel_loop3A_1487 = arith.subf %parallel_loop3A_1486, %parallel_loop3A_1179#0 : vector<16xf32>
        %parallel_loop3A_1488 = math.exp %parallel_loop3A_1487 : vector<16xf32>
        %parallel_loop3A_1489 = arith.constant 1 : i32
        %parallel_loop3A_1490 = arith.addi %parallel_loop3A_1480, %parallel_loop3A_1489 : i32
        %parallel_loop3A_1491 = arith.index_cast %parallel_loop3A_1490 : i32 to index
        %parallel_loop3A_1492 = arith.constant 0 : index
        %parallel_loop3A_1493 = tpu.vector_load %arg5[%parallel_loop3A_1491, %parallel_loop3A_1492] {strides = array<i32>} : memref<344x128xf32, #tpu.memory_space<vmem>>, vector<1x16xf32>,
        %parallel_loop3A_1494 = vector.shape_cast %parallel_loop3A_1493 : vector<1x16xf32> to vector<16xf32>
        %parallel_loop3A_1495 = arith.subf %parallel_loop3A_1494, %parallel_loop3A_1179#0 : vector<16xf32>
        %parallel_loop3A_1496 = math.exp %parallel_loop3A_1495 : vector<16xf32>
        %parallel_loop3A_1497 = arith.addf %parallel_loop3A_1488, %parallel_loop3A_1496 : vector<16xf32>
        %parallel_loop3A_1498 = arith.addf %parallel_loop3A_1449, %parallel_loop3A_1497 : vector<16xf32>
        %parallel_loop3A_1499 = arith.constant 0 : i32
        %parallel_loop3A_1500 = arith.addi %parallel_loop3A_1480, %parallel_loop3A_1499 : i32
        %parallel_loop3A_1501 = arith.index_cast %parallel_loop3A_1500 : i32 to index
        %parallel_loop3A_1502 = arith.constant 16 : index
        %parallel_loop3A_1503 = tpu.vector_load %arg5[%parallel_loop3A_1501, %parallel_loop3A_1502] {strides = array<i32>} : memref<344x128xf32, #tpu.memory_space<vmem>>, vector<1x16xf32>,
        %parallel_loop3A_1504 = vector.shape_cast %parallel_loop3A_1503 : vector<1x16xf32> to vector<16xf32>
        %parallel_loop3A_1505 = arith.subf %parallel_loop3A_1504, %parallel_loop3A_1179#1 : vector<16xf32>
        %parallel_loop3A_1506 = math.exp %parallel_loop3A_1505 : vector<16xf32>
        %parallel_loop3A_1507 = arith.constant 1 : i32
        %parallel_loop3A_1508 = arith.addi %parallel_loop3A_1480, %parallel_loop3A_1507 : i32
        %parallel_loop3A_1509 = arith.index_cast %parallel_loop3A_1508 : i32 to index
        %parallel_loop3A_1510 = arith.constant 16 : index
        %parallel_loop3A_1511 = tpu.vector_load %arg5[%parallel_loop3A_1509, %parallel_loop3A_1510] {strides = array<i32>} : memref<344x128xf32, #tpu.memory_space<vmem>>, vector<1x16xf32>,
        %parallel_loop3A_1512 = vector.shape_cast %parallel_loop3A_1511 : vector<1x16xf32> to vector<16xf32>
        %parallel_loop3A_1513 = arith.subf %parallel_loop3A_1512, %parallel_loop3A_1179#1 : vector<16xf32>
        %parallel_loop3A_1514 = math.exp %parallel_loop3A_1513 : vector<16xf32>
        %parallel_loop3A_1515 = arith.addf %parallel_loop3A_1506, %parallel_loop3A_1514 : vector<16xf32>
        %parallel_loop3A_1516 = arith.addf %parallel_loop3A_1450, %parallel_loop3A_1515 : vector<16xf32>
        %parallel_loop3A_1517 = arith.constant 0 : i32
        %parallel_loop3A_1518 = arith.addi %parallel_loop3A_1480, %parallel_loop3A_1517 : i32
        %parallel_loop3A_1519 = arith.index_cast %parallel_loop3A_1518 : i32 to index
        %parallel_loop3A_1520 = arith.constant 32 : index
        %parallel_loop3A_1521 = tpu.vector_load %arg5[%parallel_loop3A_1519, %parallel_loop3A_1520] {strides = array<i32>} : memref<344x128xf32, #tpu.memory_space<vmem>>, vector<1x16xf32>,
        %parallel_loop3A_1522 = vector.shape_cast %parallel_loop3A_1521 : vector<1x16xf32> to vector<16xf32>
        %parallel_loop3A_1523 = arith.subf %parallel_loop3A_1522, %parallel_loop3A_1179#2 : vector<16xf32>
        %parallel_loop3A_1524 = math.exp %parallel_loop3A_1523 : vector<16xf32>
        %parallel_loop3A_1525 = arith.constant 1 : i32
        %parallel_loop3A_1526 = arith.addi %parallel_loop3A_1480, %parallel_loop3A_1525 : i32
        %parallel_loop3A_1527 = arith.index_cast %parallel_loop3A_1526 : i32 to index
        %parallel_loop3A_1528 = arith.constant 32 : index
        %parallel_loop3A_1529 = tpu.vector_load %arg5[%parallel_loop3A_1527, %parallel_loop3A_1528] {strides = array<i32>} : memref<344x128xf32, #tpu.memory_space<vmem>>, vector<1x16xf32>,
        %parallel_loop3A_1530 = vector.shape_cast %parallel_loop3A_1529 : vector<1x16xf32> to vector<16xf32>
        %parallel_loop3A_1531 = arith.subf %parallel_loop3A_1530, %parallel_loop3A_1179#2 : vector<16xf32>
        %parallel_loop3A_1532 = math.exp %parallel_loop3A_1531 : vector<16xf32>
        %parallel_loop3A_1533 = arith.addf %parallel_loop3A_1524, %parallel_loop3A_1532 : vector<16xf32>
        %parallel_loop3A_1534 = arith.addf %parallel_loop3A_1451, %parallel_loop3A_1533 : vector<16xf32>
        %parallel_loop3A_1535 = arith.constant 0 : i32
        %parallel_loop3A_1536 = arith.addi %parallel_loop3A_1480, %parallel_loop3A_1535 : i32
        %parallel_loop3A_1537 = arith.index_cast %parallel_loop3A_1536 : i32 to index
        %parallel_loop3A_1538 = arith.constant 48 : index
        %parallel_loop3A_1539 = tpu.vector_load %arg5[%parallel_loop3A_1537, %parallel_loop3A_1538] {strides = array<i32>} : memref<344x128xf32, #tpu.memory_space<vmem>>, vector<1x16xf32>,
        %parallel_loop3A_1540 = vector.shape_cast %parallel_loop3A_1539 : vector<1x16xf32> to vector<16xf32>
        %parallel_loop3A_1541 = arith.subf %parallel_loop3A_1540, %parallel_loop3A_1179#3 : vector<16xf32>
        %parallel_loop3A_1542 = math.exp %parallel_loop3A_1541 : vector<16xf32>
        %parallel_loop3A_1543 = arith.constant 1 : i32
        %parallel_loop3A_1544 = arith.addi %parallel_loop3A_1480, %parallel_loop3A_1543 : i32
        %parallel_loop3A_1545 = arith.index_cast %parallel_loop3A_1544 : i32 to index
        %parallel_loop3A_1546 = arith.constant 48 : index
        %parallel_loop3A_1547 = tpu.vector_load %arg5[%parallel_loop3A_1545, %parallel_loop3A_1546] {strides = array<i32>} : memref<344x128xf32, #tpu.memory_space<vmem>>, vector<1x16xf32>,
        %parallel_loop3A_1548 = vector.shape_cast %parallel_loop3A_1547 : vector<1x16xf32> to vector<16xf32>
        %parallel_loop3A_1549 = arith.subf %parallel_loop3A_1548, %parallel_loop3A_1179#3 : vector<16xf32>
        %parallel_loop3A_1550 = math.exp %parallel_loop3A_1549 : vector<16xf32>
        %parallel_loop3A_1551 = arith.addf %parallel_loop3A_1542, %parallel_loop3A_1550 : vector<16xf32>
        %parallel_loop3A_1552 = arith.addf %parallel_loop3A_1452, %parallel_loop3A_1551 : vector<16xf32>
        %parallel_loop3A_1553 = arith.constant 0 : i32
        %parallel_loop3A_1554 = arith.addi %parallel_loop3A_1480, %parallel_loop3A_1553 : i32
        %parallel_loop3A_1555 = arith.index_cast %parallel_loop3A_1554 : i32 to index
        %parallel_loop3A_1556 = arith.constant 64 : index
        %parallel_loop3A_1557 = tpu.vector_load %arg5[%parallel_loop3A_1555, %parallel_loop3A_1556] {strides = array<i32>} : memref<344x128xf32, #tpu.memory_space<vmem>>, vector<1x16xf32>,
        %parallel_loop3A_1558 = vector.shape_cast %parallel_loop3A_1557 : vector<1x16xf32> to vector<16xf32>
        %parallel_loop3A_1559 = arith.subf %parallel_loop3A_1558, %parallel_loop3A_1179#4 : vector<16xf32>
        %parallel_loop3A_1560 = math.exp %parallel_loop3A_1559 : vector<16xf32>
        %parallel_loop3A_1561 = arith.constant 1 : i32
        %parallel_loop3A_1562 = arith.addi %parallel_loop3A_1480, %parallel_loop3A_1561 : i32
        %parallel_loop3A_1563 = arith.index_cast %parallel_loop3A_1562 : i32 to index
        %parallel_loop3A_1564 = arith.constant 64 : index
        %parallel_loop3A_1565 = tpu.vector_load %arg5[%parallel_loop3A_1563, %parallel_loop3A_1564] {strides = array<i32>} : memref<344x128xf32, #tpu.memory_space<vmem>>, vector<1x16xf32>,
        %parallel_loop3A_1566 = vector.shape_cast %parallel_loop3A_1565 : vector<1x16xf32> to vector<16xf32>
        %parallel_loop3A_1567 = arith.subf %parallel_loop3A_1566, %parallel_loop3A_1179#4 : vector<16xf32>
        %parallel_loop3A_1568 = math.exp %parallel_loop3A_1567 : vector<16xf32>
        %parallel_loop3A_1569 = arith.addf %parallel_loop3A_1560, %parallel_loop3A_1568 : vector<16xf32>
        %parallel_loop3A_1570 = arith.addf %parallel_loop3A_1453, %parallel_loop3A_1569 : vector<16xf32>
        %parallel_loop3A_1571 = arith.constant 0 : i32
        %parallel_loop3A_1572 = arith.addi %parallel_loop3A_1480, %parallel_loop3A_1571 : i32
        %parallel_loop3A_1573 = arith.index_cast %parallel_loop3A_1572 : i32 to index
        %parallel_loop3A_1574 = arith.constant 80 : index
        %parallel_loop3A_1575 = tpu.vector_load %arg5[%parallel_loop3A_1573, %parallel_loop3A_1574] {strides = array<i32>} : memref<344x128xf32, #tpu.memory_space<vmem>>, vector<1x16xf32>,
        %parallel_loop3A_1576 = vector.shape_cast %parallel_loop3A_1575 : vector<1x16xf32> to vector<16xf32>
        %parallel_loop3A_1577 = arith.subf %parallel_loop3A_1576, %parallel_loop3A_1179#5 : vector<16xf32>
        %parallel_loop3A_1578 = math.exp %parallel_loop3A_1577 : vector<16xf32>
        %parallel_loop3A_1579 = arith.constant 1 : i32
        %parallel_loop3A_1580 = arith.addi %parallel_loop3A_1480, %parallel_loop3A_1579 : i32
        %parallel_loop3A_1581 = arith.index_cast %parallel_loop3A_1580 : i32 to index
        %parallel_loop3A_1582 = arith.constant 80 : index
        %parallel_loop3A_1583 = tpu.vector_load %arg5[%parallel_loop3A_1581, %parallel_loop3A_1582] {strides = array<i32>} : memref<344x128xf32, #tpu.memory_space<vmem>>, vector<1x16xf32>,
        %parallel_loop3A_1584 = vector.shape_cast %parallel_loop3A_1583 : vector<1x16xf32> to vector<16xf32>
        %parallel_loop3A_1585 = arith.subf %parallel_loop3A_1584, %parallel_loop3A_1179#5 : vector<16xf32>
        %parallel_loop3A_1586 = math.exp %parallel_loop3A_1585 : vector<16xf32>
        %parallel_loop3A_1587 = arith.addf %parallel_loop3A_1578, %parallel_loop3A_1586 : vector<16xf32>
        %parallel_loop3A_1588 = arith.addf %parallel_loop3A_1454, %parallel_loop3A_1587 : vector<16xf32>
        %parallel_loop3A_1589 = arith.constant 0 : i32
        %parallel_loop3A_1590 = arith.addi %parallel_loop3A_1480, %parallel_loop3A_1589 : i32
        %parallel_loop3A_1591 = arith.index_cast %parallel_loop3A_1590 : i32 to index
        %parallel_loop3A_1592 = arith.constant 96 : index
        %parallel_loop3A_1593 = tpu.vector_load %arg5[%parallel_loop3A_1591, %parallel_loop3A_1592] {strides = array<i32>} : memref<344x128xf32, #tpu.memory_space<vmem>>, vector<1x16xf32>,
        %parallel_loop3A_1594 = vector.shape_cast %parallel_loop3A_1593 : vector<1x16xf32> to vector<16xf32>
        %parallel_loop3A_1595 = arith.subf %parallel_loop3A_1594, %parallel_loop3A_1179#6 : vector<16xf32>
        %parallel_loop3A_1596 = math.exp %parallel_loop3A_1595 : vector<16xf32>
        %parallel_loop3A_1597 = arith.constant 1 : i32
        %parallel_loop3A_1598 = arith.addi %parallel_loop3A_1480, %parallel_loop3A_1597 : i32
        %parallel_loop3A_1599 = arith.index_cast %parallel_loop3A_1598 : i32 to index
        %parallel_loop3A_1600 = arith.constant 96 : index
        %parallel_loop3A_1601 = tpu.vector_load %arg5[%parallel_loop3A_1599, %parallel_loop3A_1600] {strides = array<i32>} : memref<344x128xf32, #tpu.memory_space<vmem>>, vector<1x16xf32>,
        %parallel_loop3A_1602 = vector.shape_cast %parallel_loop3A_1601 : vector<1x16xf32> to vector<16xf32>
        %parallel_loop3A_1603 = arith.subf %parallel_loop3A_1602, %parallel_loop3A_1179#6 : vector<16xf32>
        %parallel_loop3A_1604 = math.exp %parallel_loop3A_1603 : vector<16xf32>
        %parallel_loop3A_1605 = arith.addf %parallel_loop3A_1596, %parallel_loop3A_1604 : vector<16xf32>
        %parallel_loop3A_1606 = arith.addf %parallel_loop3A_1455, %parallel_loop3A_1605 : vector<16xf32>
        %parallel_loop3A_1607 = arith.constant 0 : i32
        %parallel_loop3A_1608 = arith.addi %parallel_loop3A_1480, %parallel_loop3A_1607 : i32
        %parallel_loop3A_1609 = arith.index_cast %parallel_loop3A_1608 : i32 to index
        %parallel_loop3A_1610 = arith.constant 112 : index
        %parallel_loop3A_1611 = tpu.vector_load %arg5[%parallel_loop3A_1609, %parallel_loop3A_1610] {strides = array<i32>} : memref<344x128xf32, #tpu.memory_space<vmem>>, vector<1x16xf32>,
        %parallel_loop3A_1612 = vector.shape_cast %parallel_loop3A_1611 : vector<1x16xf32> to vector<16xf32>
        %parallel_loop3A_1613 = arith.subf %parallel_loop3A_1612, %parallel_loop3A_1179#7 : vector<16xf32>
        %parallel_loop3A_1614 = math.exp %parallel_loop3A_1613 : vector<16xf32>
        %parallel_loop3A_1615 = arith.constant 1 : i32
        %parallel_loop3A_1616 = arith.addi %parallel_loop3A_1480, %parallel_loop3A_1615 : i32
        %parallel_loop3A_1617 = arith.index_cast %parallel_loop3A_1616 : i32 to index
        %parallel_loop3A_1618 = arith.constant 112 : index
        %parallel_loop3A_1619 = tpu.vector_load %arg5[%parallel_loop3A_1617, %parallel_loop3A_1618] {strides = array<i32>} : memref<344x128xf32, #tpu.memory_space<vmem>>, vector<1x16xf32>,
        %parallel_loop3A_1620 = vector.shape_cast %parallel_loop3A_1619 : vector<1x16xf32> to vector<16xf32>
        %parallel_loop3A_1621 = arith.subf %parallel_loop3A_1620, %parallel_loop3A_1179#7 : vector<16xf32>
        %parallel_loop3A_1622 = math.exp %parallel_loop3A_1621 : vector<16xf32>
        %parallel_loop3A_1623 = arith.addf %parallel_loop3A_1614, %parallel_loop3A_1622 : vector<16xf32>
        %parallel_loop3A_1624 = arith.addf %parallel_loop3A_1456, %parallel_loop3A_1623 : vector<16xf32>
        scf.yield %parallel_loop3A_1498, %parallel_loop3A_1516, %parallel_loop3A_1534, %parallel_loop3A_1552, %parallel_loop3A_1570, %parallel_loop3A_1588, %parallel_loop3A_1606, %parallel_loop3A_1624 : vector<16xf32>, vector<16xf32>, vector<16xf32>, vector<16xf32>, vector<16xf32>, vector<16xf32>, vector<16xf32>, vector<16xf32>
      } {sc.loop_unroll_factor = 1 : i64, sc.parallel_access}
      %swap3A_1208 = arith.constant 0 : index
      %swap3A_1209 = tpu.vector_load %arg9[%swap3A_1208] {strides = array<i32>} : memref<272xf32, #tpu.memory_space<vmem>>, vector<16xf32>,
      %swap3A_1210 = vector.shape_cast %swap3A_1209 : vector<16xf32> to vector<16xf32>
      %swap3A_1211 = vector.shape_cast %parallel_loop3A_1179#0 : vector<16xf32> to vector<16xf32>
      tpu.vector_store %arg9[%swap3A_1208], %swap3A_1211 {strides = array<i32>} : memref<272xf32, #tpu.memory_space<vmem>>, vector<16xf32>,
      %swap3A_1212 = arith.constant 128 : index
      %swap3A_1213 = tpu.vector_load %arg9[%swap3A_1212] {strides = array<i32>} : memref<272xf32, #tpu.memory_space<vmem>>, vector<16xf32>,
      %swap3A_1214 = vector.shape_cast %swap3A_1213 : vector<16xf32> to vector<16xf32>
      %swap3A_1215 = vector.shape_cast %parallel_loop3A_1207#0 : vector<16xf32> to vector<16xf32>
      tpu.vector_store %arg9[%swap3A_1212], %swap3A_1215 {strides = array<i32>} : memref<272xf32, #tpu.memory_space<vmem>>, vector<16xf32>,
      %swap3A_1216 = arith.constant 16 : index
      %swap3A_1217 = tpu.vector_load %arg9[%swap3A_1216] {strides = array<i32>} : memref<272xf32, #tpu.memory_space<vmem>>, vector<16xf32>,
      %swap3A_1218 = vector.shape_cast %swap3A_1217 : vector<16xf32> to vector<16xf32>
      %swap3A_1219 = vector.shape_cast %parallel_loop3A_1179#1 : vector<16xf32> to vector<16xf32>
      tpu.vector_store %arg9[%swap3A_1216], %swap3A_1219 {strides = array<i32>} : memref<272xf32, #tpu.memory_space<vmem>>, vector<16xf32>,
      %swap3A_1220 = arith.constant 144 : index
      %swap3A_1221 = tpu.vector_load %arg9[%swap3A_1220] {strides = array<i32>} : memref<272xf32, #tpu.memory_space<vmem>>, vector<16xf32>,
      %swap3A_1222 = vector.shape_cast %swap3A_1221 : vector<16xf32> to vector<16xf32>
      %swap3A_1223 = vector.shape_cast %parallel_loop3A_1207#1 : vector<16xf32> to vector<16xf32>
      tpu.vector_store %arg9[%swap3A_1220], %swap3A_1223 {strides = array<i32>} : memref<272xf32, #tpu.memory_space<vmem>>, vector<16xf32>,
      %swap3A_1224 = arith.constant 32 : index
      %swap3A_1225 = tpu.vector_load %arg9[%swap3A_1224] {strides = array<i32>} : memref<272xf32, #tpu.memory_space<vmem>>, vector<16xf32>,
      %swap3A_1226 = vector.shape_cast %swap3A_1225 : vector<16xf32> to vector<16xf32>
      %swap3A_1227 = vector.shape_cast %parallel_loop3A_1179#2 : vector<16xf32> to vector<16xf32>
      tpu.vector_store %arg9[%swap3A_1224], %swap3A_1227 {strides = array<i32>} : memref<272xf32, #tpu.memory_space<vmem>>, vector<16xf32>,
      %swap3A_1228 = arith.constant 160 : index
      %swap3A_1229 = tpu.vector_load %arg9[%swap3A_1228] {strides = array<i32>} : memref<272xf32, #tpu.memory_space<vmem>>, vector<16xf32>,
      %swap3A_1230 = vector.shape_cast %swap3A_1229 : vector<16xf32> to vector<16xf32>
      %swap3A_1231 = vector.shape_cast %parallel_loop3A_1207#2 : vector<16xf32> to vector<16xf32>
      tpu.vector_store %arg9[%swap3A_1228], %swap3A_1231 {strides = array<i32>} : memref<272xf32, #tpu.memory_space<vmem>>, vector<16xf32>,
      %swap3A_1232 = arith.constant 48 : index
      %swap3A_1233 = tpu.vector_load %arg9[%swap3A_1232] {strides = array<i32>} : memref<272xf32, #tpu.memory_space<vmem>>, vector<16xf32>,
      %swap3A_1234 = vector.shape_cast %swap3A_1233 : vector<16xf32> to vector<16xf32>
      %swap3A_1235 = vector.shape_cast %parallel_loop3A_1179#3 : vector<16xf32> to vector<16xf32>
      tpu.vector_store %arg9[%swap3A_1232], %swap3A_1235 {strides = array<i32>} : memref<272xf32, #tpu.memory_space<vmem>>, vector<16xf32>,
      %swap3A_1236 = arith.constant 176 : index
      %swap3A_1237 = tpu.vector_load %arg9[%swap3A_1236] {strides = array<i32>} : memref<272xf32, #tpu.memory_space<vmem>>, vector<16xf32>,
      %swap3A_1238 = vector.shape_cast %swap3A_1237 : vector<16xf32> to vector<16xf32>
      %swap3A_1239 = vector.shape_cast %parallel_loop3A_1207#3 : vector<16xf32> to vector<16xf32>
      tpu.vector_store %arg9[%swap3A_1236], %swap3A_1239 {strides = array<i32>} : memref<272xf32, #tpu.memory_space<vmem>>, vector<16xf32>,
      %swap3A_1240 = arith.constant 64 : index
      %swap3A_1241 = tpu.vector_load %arg9[%swap3A_1240] {strides = array<i32>} : memref<272xf32, #tpu.memory_space<vmem>>, vector<16xf32>,
      %swap3A_1242 = vector.shape_cast %swap3A_1241 : vector<16xf32> to vector<16xf32>
      %swap3A_1243 = vector.shape_cast %parallel_loop3A_1179#4 : vector<16xf32> to vector<16xf32>
      tpu.vector_store %arg9[%swap3A_1240], %swap3A_1243 {strides = array<i32>} : memref<272xf32, #tpu.memory_space<vmem>>, vector<16xf32>,
      %swap3A_1244 = arith.constant 192 : index
      %swap3A_1245 = tpu.vector_load %arg9[%swap3A_1244] {strides = array<i32>} : memref<272xf32, #tpu.memory_space<vmem>>, vector<16xf32>,
      %swap3A_1246 = vector.shape_cast %swap3A_1245 : vector<16xf32> to vector<16xf32>
      %swap3A_1247 = vector.shape_cast %parallel_loop3A_1207#4 : vector<16xf32> to vector<16xf32>
      tpu.vector_store %arg9[%swap3A_1244], %swap3A_1247 {strides = array<i32>} : memref<272xf32, #tpu.memory_space<vmem>>, vector<16xf32>,
      %swap3A_1248 = arith.constant 80 : index
      %swap3A_1249 = tpu.vector_load %arg9[%swap3A_1248] {strides = array<i32>} : memref<272xf32, #tpu.memory_space<vmem>>, vector<16xf32>,
      %swap3A_1250 = vector.shape_cast %swap3A_1249 : vector<16xf32> to vector<16xf32>
      %swap3A_1251 = vector.shape_cast %parallel_loop3A_1179#5 : vector<16xf32> to vector<16xf32>
      tpu.vector_store %arg9[%swap3A_1248], %swap3A_1251 {strides = array<i32>} : memref<272xf32, #tpu.memory_space<vmem>>, vector<16xf32>,
      %swap3A_1252 = arith.constant 208 : index
      %swap3A_1253 = tpu.vector_load %arg9[%swap3A_1252] {strides = array<i32>} : memref<272xf32, #tpu.memory_space<vmem>>, vector<16xf32>,
      %swap3A_1254 = vector.shape_cast %swap3A_1253 : vector<16xf32> to vector<16xf32>
      %swap3A_1255 = vector.shape_cast %parallel_loop3A_1207#5 : vector<16xf32> to vector<16xf32>
      tpu.vector_store %arg9[%swap3A_1252], %swap3A_1255 {strides = array<i32>} : memref<272xf32, #tpu.memory_space<vmem>>, vector<16xf32>,
      %swap3A_1256 = arith.constant 96 : index
      %swap3A_1257 = tpu.vector_load %arg9[%swap3A_1256] {strides = array<i32>} : memref<272xf32, #tpu.memory_space<vmem>>, vector<16xf32>,
      %swap3A_1258 = vector.shape_cast %swap3A_1257 : vector<16xf32> to vector<16xf32>
      %swap3A_1259 = vector.shape_cast %parallel_loop3A_1179#6 : vector<16xf32> to vector<16xf32>
      tpu.vector_store %arg9[%swap3A_1256], %swap3A_1259 {strides = array<i32>} : memref<272xf32, #tpu.memory_space<vmem>>, vector<16xf32>,
      %swap3A_1260 = arith.constant 224 : index
      %swap3A_1261 = tpu.vector_load %arg9[%swap3A_1260] {strides = array<i32>} : memref<272xf32, #tpu.memory_space<vmem>>, vector<16xf32>,
      %swap3A_1262 = vector.shape_cast %swap3A_1261 : vector<16xf32> to vector<16xf32>
      %swap3A_1263 = vector.shape_cast %parallel_loop3A_1207#6 : vector<16xf32> to vector<16xf32>
      tpu.vector_store %arg9[%swap3A_1260], %swap3A_1263 {strides = array<i32>} : memref<272xf32, #tpu.memory_space<vmem>>, vector<16xf32>,
      %swap3A_1264 = arith.constant 112 : index
      %swap3A_1265 = tpu.vector_load %arg9[%swap3A_1264] {strides = array<i32>} : memref<272xf32, #tpu.memory_space<vmem>>, vector<16xf32>,
      %swap3A_1266 = vector.shape_cast %swap3A_1265 : vector<16xf32> to vector<16xf32>
      %swap3A_1267 = vector.shape_cast %parallel_loop3A_1179#7 : vector<16xf32> to vector<16xf32>
      tpu.vector_store %arg9[%swap3A_1264], %swap3A_1267 {strides = array<i32>} : memref<272xf32, #tpu.memory_space<vmem>>, vector<16xf32>,
      %swap3A_1268 = arith.constant 240 : index
      %swap3A_1269 = tpu.vector_load %arg9[%swap3A_1268] {strides = array<i32>} : memref<272xf32, #tpu.memory_space<vmem>>, vector<16xf32>,
      %swap3A_1270 = vector.shape_cast %swap3A_1269 : vector<16xf32> to vector<16xf32>
      %swap3A_1271 = vector.shape_cast %parallel_loop3A_1207#7 : vector<16xf32> to vector<16xf32>
      tpu.vector_store %arg9[%swap3A_1268], %swap3A_1271 {strides = array<i32>} : memref<272xf32, #tpu.memory_space<vmem>>, vector<16xf32>,
      %lt3A_1272 = arith.constant 4 : i32
      %lt3A_1273 = arith.cmpi slt, %scan3A_1103, %lt3A_1272 : i32
      %convert_element_type3A = arith.extui %lt3A_1273 : i1 to i32
      %cond3A = arith.constant 0 : i32
      %cond3A_1274 = arith.cmpi ne, %convert_element_type3A, %cond3A : i32
      scf.if %cond3A_1274 {
        %mul3A_1448 = arith.constant 2 : i32
        %mul3A_1449 = arith.muli %mul3A_1448, %scan3A_1103 : i32
        %add3A_1450 = arith.constant 2 : i32
        %add3A_1451 = arith.addi %mul3A_1449, %add3A_1450 : i32
        %mul3A_1452 = arith.constant 344 : i32
        %mul3A_1453 = arith.muli %add3A_1451, %mul3A_1452 : i32
        %add3A_1454 = arith.addi %add3A_6, %mul3A_1453 : i32
        %dma_start3A_1455 = arith.constant 0 : i32
        %dma_start3A_1456 = arith.constant 0 : i32
        %dma_start3A_1457 = tpu.memref_slice %arg5[%dma_start3A_1455, %dma_start3A_1456] : memref<344x128xf32, #tpu.memory_space<vmem>> -> memref<168x128xf32, #tpu.memory_space<vmem>>
        %dma_start3A_1458 = arith.constant 0 : i32
        %dma_start3A_1459 = tpu.memref_slice %arg2[%add3A_1454, %dma_start3A_1458] : memref<100000x128xf32, #tpu.memory_space<hbm>> -> memref<168x128xf32, #tpu.memory_space<hbm>>
        %dma_start3A_1460 = arith.constant 0 : i32
        %dma_start3A_1461 = arith.constant 0 : i32
        %dma_start3A_1462 = tpu.memref_slice %arg5[%dma_start3A_1460, %dma_start3A_1461] : memref<344x128xf32, #tpu.memory_space<vmem>> -> memref<168x128xf32, #tpu.memory_space<vmem>>
        %dma_start3A_1463 = arith.constant 0 : i32
        %dma_start3A_1464 = tpu.memref_slice %arg2[%add3A_1454, %dma_start3A_1463] : memref<100000x128xf32, #tpu.memory_space<hbm>> -> memref<168x128xf32, #tpu.memory_space<hbm>>
        tpu.enqueue_dma source(%dma_start3A_1464 : memref<168x128xf32, #tpu.memory_space<hbm>>) target(%dma_start3A_1462 : memref<168x128xf32, #tpu.memory_space<vmem>>) target_semaphore(%arg14 : memref<!tpu.dma_semaphore, #tpu.memory_space<semaphore_mem>>)
        %add3A_1465 = arith.constant 168 : i32
        %add3A_1466 = arith.addi %add3A_1454, %add3A_1465 : i32
        %dma_start3A_1467 = arith.constant 168 : i32
        %dma_start3A_1468 = arith.constant 0 : i32
        %dma_start3A_1469 = tpu.memref_slice %arg5[%dma_start3A_1467, %dma_start3A_1468] : memref<344x128xf32, #tpu.memory_space<vmem>> -> memref<176x128xf32, #tpu.memory_space<vmem>>
        %dma_start3A_1470 = arith.constant 0 : i32
        %dma_start3A_1471 = tpu.memref_slice %arg2[%add3A_1466, %dma_start3A_1470] : memref<100000x128xf32, #tpu.memory_space<hbm>> -> memref<176x128xf32, #tpu.memory_space<hbm>>
        %dma_start3A_1472 = arith.constant 168 : i32
        %dma_start3A_1473 = arith.constant 0 : i32
        %dma_start3A_1474 = tpu.memref_slice %arg5[%dma_start3A_1472, %dma_start3A_1473] : memref<344x128xf32, #tpu.memory_space<vmem>> -> memref<176x128xf32, #tpu.memory_space<vmem>>
        %dma_start3A_1475 = arith.constant 0 : i32
        %dma_start3A_1476 = tpu.memref_slice %arg2[%add3A_1466, %dma_start3A_1475] : memref<100000x128xf32, #tpu.memory_space<hbm>> -> memref<176x128xf32, #tpu.memory_space<hbm>>
        tpu.enqueue_dma source(%dma_start3A_1476 : memref<176x128xf32, #tpu.memory_space<hbm>>) target(%dma_start3A_1474 : memref<176x128xf32, #tpu.memory_space<vmem>>) target_semaphore(%arg14 : memref<!tpu.dma_semaphore, #tpu.memory_space<semaphore_mem>>)
      } else {
      }
      %dma_wait3A_1275 = arith.constant 0 : i32
      %dma_wait3A_1276 = arith.constant 0 : i32
      %dma_wait3A_1277 = tpu.memref_slice %arg6[%dma_wait3A_1275, %dma_wait3A_1276] : memref<344x128xf32, #tpu.memory_space<vmem>> -> memref<168x128xf32, #tpu.memory_space<vmem>>
      %dma_wait3A_1278 = arith.constant 0 : i32
      %dma_wait3A_1279 = arith.constant 0 : i32
      %dma_wait3A_1280 = tpu.memref_slice %arg2[%dma_wait3A_1278, %dma_wait3A_1279] : memref<100000x128xf32, #tpu.memory_space<hbm>> -> memref<168x128xf32, #tpu.memory_space<hbm>>
      %dma_wait3A_1281 = arith.constant 0 : i32
      %dma_wait3A_1282 = arith.constant 0 : i32
      %dma_wait3A_1283 = tpu.memref_slice %arg6[%dma_wait3A_1281, %dma_wait3A_1282] : memref<344x128xf32, #tpu.memory_space<vmem>> -> memref<168x128xf32, #tpu.memory_space<vmem>>
      %dma_wait3A_1284 = arith.constant 0 : i32
      %dma_wait3A_1285 = arith.constant 0 : i32
      %dma_wait3A_1286 = tpu.memref_slice %arg2[%dma_wait3A_1284, %dma_wait3A_1285] : memref<100000x128xf32, #tpu.memory_space<hbm>> -> memref<168x128xf32, #tpu.memory_space<hbm>>
      tpu.wait_dma2 semaphore(%arg15 : memref<!tpu.dma_semaphore, #tpu.memory_space<semaphore_mem>>) src(%dma_wait3A_1286 : memref<168x128xf32, #tpu.memory_space<hbm>>) dst(%dma_wait3A_1283 : memref<168x128xf32, #tpu.memory_space<vmem>>)
      %dma_wait3A_1287 = arith.constant 168 : i32
      %dma_wait3A_1288 = arith.constant 0 : i32
      %dma_wait3A_1289 = tpu.memref_slice %arg6[%dma_wait3A_1287, %dma_wait3A_1288] : memref<344x128xf32, #tpu.memory_space<vmem>> -> memref<176x128xf32, #tpu.memory_space<vmem>>
      %dma_wait3A_1290 = arith.constant 0 : i32
      %dma_wait3A_1291 = arith.constant 0 : i32
      %dma_wait3A_1292 = tpu.memref_slice %arg2[%dma_wait3A_1290, %dma_wait3A_1291] : memref<100000x128xf32, #tpu.memory_space<hbm>> -> memref<176x128xf32, #tpu.memory_space<hbm>>
      %dma_wait3A_1293 = arith.constant 168 : i32
      %dma_wait3A_1294 = arith.constant 0 : i32
      %dma_wait3A_1295 = tpu.memref_slice %arg6[%dma_wait3A_1293, %dma_wait3A_1294] : memref<344x128xf32, #tpu.memory_space<vmem>> -> memref<176x128xf32, #tpu.memory_space<vmem>>
      %dma_wait3A_1296 = arith.constant 0 : i32
      %dma_wait3A_1297 = arith.constant 0 : i32
      %dma_wait3A_1298 = tpu.memref_slice %arg2[%dma_wait3A_1296, %dma_wait3A_1297] : memref<100000x128xf32, #tpu.memory_space<hbm>> -> memref<176x128xf32, #tpu.memory_space<hbm>>
      tpu.wait_dma2 semaphore(%arg15 : memref<!tpu.dma_semaphore, #tpu.memory_space<semaphore_mem>>) src(%dma_wait3A_1298 : memref<176x128xf32, #tpu.memory_space<hbm>>) dst(%dma_wait3A_1295 : memref<176x128xf32, #tpu.memory_space<vmem>>)
      %get3A_1299 = arith.constant 0 : index
      %get3A_1300 = tpu.vector_load %arg9[%get3A_1299] {strides = array<i32>} : memref<272xf32, #tpu.memory_space<vmem>>, vector<16xf32>,
      %get3A_1301 = vector.shape_cast %get3A_1300 : vector<16xf32> to vector<16xf32>
      %get3A_1302 = arith.constant 16 : index
      %get3A_1303 = tpu.vector_load %arg9[%get3A_1302] {strides = array<i32>} : memref<272xf32, #tpu.memory_space<vmem>>, vector<16xf32>,
      %get3A_1304 = vector.shape_cast %get3A_1303 : vector<16xf32> to vector<16xf32>
      %get3A_1305 = arith.constant 32 : index
      %get3A_1306 = tpu.vector_load %arg9[%get3A_1305] {strides = array<i32>} : memref<272xf32, #tpu.memory_space<vmem>>, vector<16xf32>,
      %get3A_1307 = vector.shape_cast %get3A_1306 : vector<16xf32> to vector<16xf32>
      %get3A_1308 = arith.constant 48 : index
      %get3A_1309 = tpu.vector_load %arg9[%get3A_1308] {strides = array<i32>} : memref<272xf32, #tpu.memory_space<vmem>>, vector<16xf32>,
      %get3A_1310 = vector.shape_cast %get3A_1309 : vector<16xf32> to vector<16xf32>
      %get3A_1311 = arith.constant 64 : index
      %get3A_1312 = tpu.vector_load %arg9[%get3A_1311] {strides = array<i32>} : memref<272xf32, #tpu.memory_space<vmem>>, vector<16xf32>,
      %get3A_1313 = vector.shape_cast %get3A_1312 : vector<16xf32> to vector<16xf32>
      %get3A_1314 = arith.constant 80 : index
      %get3A_1315 = tpu.vector_load %arg9[%get3A_1314] {strides = array<i32>} : memref<272xf32, #tpu.memory_space<vmem>>, vector<16xf32>,
      %get3A_1316 = vector.shape_cast %get3A_1315 : vector<16xf32> to vector<16xf32>
      %get3A_1317 = arith.constant 96 : index
      %get3A_1318 = tpu.vector_load %arg9[%get3A_1317] {strides = array<i32>} : memref<272xf32, #tpu.memory_space<vmem>>, vector<16xf32>,
      %get3A_1319 = vector.shape_cast %get3A_1318 : vector<16xf32> to vector<16xf32>
      %get3A_1320 = arith.constant 112 : index
      %get3A_1321 = tpu.vector_load %arg9[%get3A_1320] {strides = array<i32>} : memref<272xf32, #tpu.memory_space<vmem>>, vector<16xf32>,
      %get3A_1322 = vector.shape_cast %get3A_1321 : vector<16xf32> to vector<16xf32>
      %get3A_1323 = arith.constant 128 : index
      %get3A_1324 = tpu.vector_load %arg9[%get3A_1323] {strides = array<i32>} : memref<272xf32, #tpu.memory_space<vmem>>, vector<16xf32>,
      %get3A_1325 = vector.shape_cast %get3A_1324 : vector<16xf32> to vector<16xf32>
      %get3A_1326 = arith.constant 144 : index
      %get3A_1327 = tpu.vector_load %arg9[%get3A_1326] {strides = array<i32>} : memref<272xf32, #tpu.memory_space<vmem>>, vector<16xf32>,
      %get3A_1328 = vector.shape_cast %get3A_1327 : vector<16xf32> to vector<16xf32>
      %get3A_1329 = arith.constant 160 : index
      %get3A_1330 = tpu.vector_load %arg9[%get3A_1329] {strides = array<i32>} : memref<272xf32, #tpu.memory_space<vmem>>, vector<16xf32>,
      %get3A_1331 = vector.shape_cast %get3A_1330 : vector<16xf32> to vector<16xf32>
      %get3A_1332 = arith.constant 176 : index
      %get3A_1333 = tpu.vector_load %arg9[%get3A_1332] {strides = array<i32>} : memref<272xf32, #tpu.memory_space<vmem>>, vector<16xf32>,
      %get3A_1334 = vector.shape_cast %get3A_1333 : vector<16xf32> to vector<16xf32>
      %get3A_1335 = arith.constant 192 : index
      %get3A_1336 = tpu.vector_load %arg9[%get3A_1335] {strides = array<i32>} : memref<272xf32, #tpu.memory_space<vmem>>, vector<16xf32>,
      %get3A_1337 = vector.shape_cast %get3A_1336 : vector<16xf32> to vector<16xf32>
      %get3A_1338 = arith.constant 208 : index
      %get3A_1339 = tpu.vector_load %arg9[%get3A_1338] {strides = array<i32>} : memref<272xf32, #tpu.memory_space<vmem>>, vector<16xf32>,
      %get3A_1340 = vector.shape_cast %get3A_1339 : vector<16xf32> to vector<16xf32>
      %get3A_1341 = arith.constant 224 : index
      %get3A_1342 = tpu.vector_load %arg9[%get3A_1341] {strides = array<i32>} : memref<272xf32, #tpu.memory_space<vmem>>, vector<16xf32>,
      %get3A_1343 = vector.shape_cast %get3A_1342 : vector<16xf32> to vector<16xf32>
      %get3A_1344 = arith.constant 240 : index
      %get3A_1345 = tpu.vector_load %arg9[%get3A_1344] {strides = array<i32>} : memref<272xf32, #tpu.memory_space<vmem>>, vector<16xf32>,
      %get3A_1346 = vector.shape_cast %get3A_1345 : vector<16xf32> to vector<16xf32>
      %parallel_loop3A_1347 = arith.constant 0 : i32
      %parallel_loop3A_1348 = arith.constant 2752 : i32
      %parallel_loop3A_1349 = arith.constant 16 : i32
      %parallel_loop3A_1350:8 = scf.for %parallel_loop3A_1448 = %parallel_loop3A_1347 to %parallel_loop3A_1348 step %parallel_loop3A_1349 iter_args(%parallel_loop3A_1449 = %get3A_1301, %parallel_loop3A_1450 = %get3A_1304, %parallel_loop3A_1451 = %get3A_1307, %parallel_loop3A_1452 = %get3A_1310, %parallel_loop3A_1453 = %get3A_1313, %parallel_loop3A_1454 = %get3A_1316, %parallel_loop3A_1455 = %get3A_1319, %parallel_loop3A_1456 = %get3A_1322) -> (vector<16xf32>, vector<16xf32>, vector<16xf32>, vector<16xf32>, vector<16xf32>, vector<16xf32>, vector<16xf32>, vector<16xf32>)  : i32 {
        %parallel_loop3A_1457 = arith.constant 8 : i32
        %parallel_loop3A_1458 = arith.divsi %parallel_loop3A_1448, %parallel_loop3A_1457 : i32
        %parallel_loop3A_1459 = arith.constant 0 : i32
        %parallel_loop3A_1460 = arith.cmpi sgt, %parallel_loop3A_1448, %parallel_loop3A_1459 : i32
        %parallel_loop3A_1461 = arith.extui %parallel_loop3A_1460 : i1 to i32
        %parallel_loop3A_1462 = arith.constant 0 : i32
        %parallel_loop3A_1463 = arith.cmpi slt, %parallel_loop3A_1448, %parallel_loop3A_1462 : i32
        %parallel_loop3A_1464 = arith.extui %parallel_loop3A_1463 : i1 to i32
        %parallel_loop3A_1465 = arith.subi %parallel_loop3A_1461, %parallel_loop3A_1464 : i32
        %parallel_loop3A_1466 = arith.constant 0 : i32
        %parallel_loop3A_1467 = arith.cmpi sgt, %parallel_loop3A_1457, %parallel_loop3A_1466 : i32
        %parallel_loop3A_1468 = arith.extui %parallel_loop3A_1467 : i1 to i32
        %parallel_loop3A_1469 = arith.constant 0 : i32
        %parallel_loop3A_1470 = arith.cmpi slt, %parallel_loop3A_1457, %parallel_loop3A_1469 : i32
        %parallel_loop3A_1471 = arith.extui %parallel_loop3A_1470 : i1 to i32
        %parallel_loop3A_1472 = arith.subi %parallel_loop3A_1468, %parallel_loop3A_1471 : i32
        %parallel_loop3A_1473 = arith.cmpi ne, %parallel_loop3A_1465, %parallel_loop3A_1472 : i32
        %parallel_loop3A_1474 = arith.remsi %parallel_loop3A_1448, %parallel_loop3A_1457 : i32
        %parallel_loop3A_1475 = arith.constant 0 : i32
        %parallel_loop3A_1476 = arith.cmpi ne, %parallel_loop3A_1474, %parallel_loop3A_1475 : i32
        %parallel_loop3A_1477 = arith.andi %parallel_loop3A_1473, %parallel_loop3A_1476 : i1
        %parallel_loop3A_1478 = arith.constant 1 : i32
        %parallel_loop3A_1479 = arith.subi %parallel_loop3A_1458, %parallel_loop3A_1478 : i32
        %parallel_loop3A_1480 = arith.select %parallel_loop3A_1477, %parallel_loop3A_1479, %parallel_loop3A_1458 : i32
        %parallel_loop3A_1481 = arith.index_cast %parallel_loop3A_1480 : i32 to index
        %parallel_loop3A_1482 = arith.constant 0 : index
        %parallel_loop3A_1483 = tpu.vector_load %arg6[%parallel_loop3A_1481, %parallel_loop3A_1482] {strides = array<i32>} : memref<344x128xf32, #tpu.memory_space<vmem>>, vector<1x16xf32>,
        %parallel_loop3A_1484 = vector.shape_cast %parallel_loop3A_1483 : vector<1x16xf32> to vector<16xf32>
        %parallel_loop3A_1485 = arith.constant 1 : i32
        %parallel_loop3A_1486 = arith.addi %parallel_loop3A_1480, %parallel_loop3A_1485 : i32
        %parallel_loop3A_1487 = arith.index_cast %parallel_loop3A_1486 : i32 to index
        %parallel_loop3A_1488 = arith.constant 0 : index
        %parallel_loop3A_1489 = tpu.vector_load %arg6[%parallel_loop3A_1487, %parallel_loop3A_1488] {strides = array<i32>} : memref<344x128xf32, #tpu.memory_space<vmem>>, vector<1x16xf32>,
        %parallel_loop3A_1490 = vector.shape_cast %parallel_loop3A_1489 : vector<1x16xf32> to vector<16xf32>
        %parallel_loop3A_1491 = arith.maximumf %parallel_loop3A_1484, %parallel_loop3A_1490 : vector<16xf32>
        %parallel_loop3A_1492 = arith.maximumf %parallel_loop3A_1449, %parallel_loop3A_1491 : vector<16xf32>
        %parallel_loop3A_1493 = arith.index_cast %parallel_loop3A_1480 : i32 to index
        %parallel_loop3A_1494 = arith.constant 16 : index
        %parallel_loop3A_1495 = tpu.vector_load %arg6[%parallel_loop3A_1493, %parallel_loop3A_1494] {strides = array<i32>} : memref<344x128xf32, #tpu.memory_space<vmem>>, vector<1x16xf32>,
        %parallel_loop3A_1496 = vector.shape_cast %parallel_loop3A_1495 : vector<1x16xf32> to vector<16xf32>
        %parallel_loop3A_1497 = arith.constant 1 : i32
        %parallel_loop3A_1498 = arith.addi %parallel_loop3A_1480, %parallel_loop3A_1497 : i32
        %parallel_loop3A_1499 = arith.index_cast %parallel_loop3A_1498 : i32 to index
        %parallel_loop3A_1500 = arith.constant 16 : index
        %parallel_loop3A_1501 = tpu.vector_load %arg6[%parallel_loop3A_1499, %parallel_loop3A_1500] {strides = array<i32>} : memref<344x128xf32, #tpu.memory_space<vmem>>, vector<1x16xf32>,
        %parallel_loop3A_1502 = vector.shape_cast %parallel_loop3A_1501 : vector<1x16xf32> to vector<16xf32>
        %parallel_loop3A_1503 = arith.maximumf %parallel_loop3A_1496, %parallel_loop3A_1502 : vector<16xf32>
        %parallel_loop3A_1504 = arith.maximumf %parallel_loop3A_1450, %parallel_loop3A_1503 : vector<16xf32>
        %parallel_loop3A_1505 = arith.index_cast %parallel_loop3A_1480 : i32 to index
        %parallel_loop3A_1506 = arith.constant 32 : index
        %parallel_loop3A_1507 = tpu.vector_load %arg6[%parallel_loop3A_1505, %parallel_loop3A_1506] {strides = array<i32>} : memref<344x128xf32, #tpu.memory_space<vmem>>, vector<1x16xf32>,
        %parallel_loop3A_1508 = vector.shape_cast %parallel_loop3A_1507 : vector<1x16xf32> to vector<16xf32>
        %parallel_loop3A_1509 = arith.constant 1 : i32
        %parallel_loop3A_1510 = arith.addi %parallel_loop3A_1480, %parallel_loop3A_1509 : i32
        %parallel_loop3A_1511 = arith.index_cast %parallel_loop3A_1510 : i32 to index
        %parallel_loop3A_1512 = arith.constant 32 : index
        %parallel_loop3A_1513 = tpu.vector_load %arg6[%parallel_loop3A_1511, %parallel_loop3A_1512] {strides = array<i32>} : memref<344x128xf32, #tpu.memory_space<vmem>>, vector<1x16xf32>,
        %parallel_loop3A_1514 = vector.shape_cast %parallel_loop3A_1513 : vector<1x16xf32> to vector<16xf32>
        %parallel_loop3A_1515 = arith.maximumf %parallel_loop3A_1508, %parallel_loop3A_1514 : vector<16xf32>
        %parallel_loop3A_1516 = arith.maximumf %parallel_loop3A_1451, %parallel_loop3A_1515 : vector<16xf32>
        %parallel_loop3A_1517 = arith.index_cast %parallel_loop3A_1480 : i32 to index
        %parallel_loop3A_1518 = arith.constant 48 : index
        %parallel_loop3A_1519 = tpu.vector_load %arg6[%parallel_loop3A_1517, %parallel_loop3A_1518] {strides = array<i32>} : memref<344x128xf32, #tpu.memory_space<vmem>>, vector<1x16xf32>,
        %parallel_loop3A_1520 = vector.shape_cast %parallel_loop3A_1519 : vector<1x16xf32> to vector<16xf32>
        %parallel_loop3A_1521 = arith.constant 1 : i32
        %parallel_loop3A_1522 = arith.addi %parallel_loop3A_1480, %parallel_loop3A_1521 : i32
        %parallel_loop3A_1523 = arith.index_cast %parallel_loop3A_1522 : i32 to index
        %parallel_loop3A_1524 = arith.constant 48 : index
        %parallel_loop3A_1525 = tpu.vector_load %arg6[%parallel_loop3A_1523, %parallel_loop3A_1524] {strides = array<i32>} : memref<344x128xf32, #tpu.memory_space<vmem>>, vector<1x16xf32>,
        %parallel_loop3A_1526 = vector.shape_cast %parallel_loop3A_1525 : vector<1x16xf32> to vector<16xf32>
        %parallel_loop3A_1527 = arith.maximumf %parallel_loop3A_1520, %parallel_loop3A_1526 : vector<16xf32>
        %parallel_loop3A_1528 = arith.maximumf %parallel_loop3A_1452, %parallel_loop3A_1527 : vector<16xf32>
        %parallel_loop3A_1529 = arith.index_cast %parallel_loop3A_1480 : i32 to index
        %parallel_loop3A_1530 = arith.constant 64 : index
        %parallel_loop3A_1531 = tpu.vector_load %arg6[%parallel_loop3A_1529, %parallel_loop3A_1530] {strides = array<i32>} : memref<344x128xf32, #tpu.memory_space<vmem>>, vector<1x16xf32>,
        %parallel_loop3A_1532 = vector.shape_cast %parallel_loop3A_1531 : vector<1x16xf32> to vector<16xf32>
        %parallel_loop3A_1533 = arith.constant 1 : i32
        %parallel_loop3A_1534 = arith.addi %parallel_loop3A_1480, %parallel_loop3A_1533 : i32
        %parallel_loop3A_1535 = arith.index_cast %parallel_loop3A_1534 : i32 to index
        %parallel_loop3A_1536 = arith.constant 64 : index
        %parallel_loop3A_1537 = tpu.vector_load %arg6[%parallel_loop3A_1535, %parallel_loop3A_1536] {strides = array<i32>} : memref<344x128xf32, #tpu.memory_space<vmem>>, vector<1x16xf32>,
        %parallel_loop3A_1538 = vector.shape_cast %parallel_loop3A_1537 : vector<1x16xf32> to vector<16xf32>
        %parallel_loop3A_1539 = arith.maximumf %parallel_loop3A_1532, %parallel_loop3A_1538 : vector<16xf32>
        %parallel_loop3A_1540 = arith.maximumf %parallel_loop3A_1453, %parallel_loop3A_1539 : vector<16xf32>
        %parallel_loop3A_1541 = arith.index_cast %parallel_loop3A_1480 : i32 to index
        %parallel_loop3A_1542 = arith.constant 80 : index
        %parallel_loop3A_1543 = tpu.vector_load %arg6[%parallel_loop3A_1541, %parallel_loop3A_1542] {strides = array<i32>} : memref<344x128xf32, #tpu.memory_space<vmem>>, vector<1x16xf32>,
        %parallel_loop3A_1544 = vector.shape_cast %parallel_loop3A_1543 : vector<1x16xf32> to vector<16xf32>
        %parallel_loop3A_1545 = arith.constant 1 : i32
        %parallel_loop3A_1546 = arith.addi %parallel_loop3A_1480, %parallel_loop3A_1545 : i32
        %parallel_loop3A_1547 = arith.index_cast %parallel_loop3A_1546 : i32 to index
        %parallel_loop3A_1548 = arith.constant 80 : index
        %parallel_loop3A_1549 = tpu.vector_load %arg6[%parallel_loop3A_1547, %parallel_loop3A_1548] {strides = array<i32>} : memref<344x128xf32, #tpu.memory_space<vmem>>, vector<1x16xf32>,
        %parallel_loop3A_1550 = vector.shape_cast %parallel_loop3A_1549 : vector<1x16xf32> to vector<16xf32>
        %parallel_loop3A_1551 = arith.maximumf %parallel_loop3A_1544, %parallel_loop3A_1550 : vector<16xf32>
        %parallel_loop3A_1552 = arith.maximumf %parallel_loop3A_1454, %parallel_loop3A_1551 : vector<16xf32>
        %parallel_loop3A_1553 = arith.index_cast %parallel_loop3A_1480 : i32 to index
        %parallel_loop3A_1554 = arith.constant 96 : index
        %parallel_loop3A_1555 = tpu.vector_load %arg6[%parallel_loop3A_1553, %parallel_loop3A_1554] {strides = array<i32>} : memref<344x128xf32, #tpu.memory_space<vmem>>, vector<1x16xf32>,
        %parallel_loop3A_1556 = vector.shape_cast %parallel_loop3A_1555 : vector<1x16xf32> to vector<16xf32>
        %parallel_loop3A_1557 = arith.constant 1 : i32
        %parallel_loop3A_1558 = arith.addi %parallel_loop3A_1480, %parallel_loop3A_1557 : i32
        %parallel_loop3A_1559 = arith.index_cast %parallel_loop3A_1558 : i32 to index
        %parallel_loop3A_1560 = arith.constant 96 : index
        %parallel_loop3A_1561 = tpu.vector_load %arg6[%parallel_loop3A_1559, %parallel_loop3A_1560] {strides = array<i32>} : memref<344x128xf32, #tpu.memory_space<vmem>>, vector<1x16xf32>,
        %parallel_loop3A_1562 = vector.shape_cast %parallel_loop3A_1561 : vector<1x16xf32> to vector<16xf32>
        %parallel_loop3A_1563 = arith.maximumf %parallel_loop3A_1556, %parallel_loop3A_1562 : vector<16xf32>
        %parallel_loop3A_1564 = arith.maximumf %parallel_loop3A_1455, %parallel_loop3A_1563 : vector<16xf32>
        %parallel_loop3A_1565 = arith.index_cast %parallel_loop3A_1480 : i32 to index
        %parallel_loop3A_1566 = arith.constant 112 : index
        %parallel_loop3A_1567 = tpu.vector_load %arg6[%parallel_loop3A_1565, %parallel_loop3A_1566] {strides = array<i32>} : memref<344x128xf32, #tpu.memory_space<vmem>>, vector<1x16xf32>,
        %parallel_loop3A_1568 = vector.shape_cast %parallel_loop3A_1567 : vector<1x16xf32> to vector<16xf32>
        %parallel_loop3A_1569 = arith.constant 1 : i32
        %parallel_loop3A_1570 = arith.addi %parallel_loop3A_1480, %parallel_loop3A_1569 : i32
        %parallel_loop3A_1571 = arith.index_cast %parallel_loop3A_1570 : i32 to index
        %parallel_loop3A_1572 = arith.constant 112 : index
        %parallel_loop3A_1573 = tpu.vector_load %arg6[%parallel_loop3A_1571, %parallel_loop3A_1572] {strides = array<i32>} : memref<344x128xf32, #tpu.memory_space<vmem>>, vector<1x16xf32>,
        %parallel_loop3A_1574 = vector.shape_cast %parallel_loop3A_1573 : vector<1x16xf32> to vector<16xf32>
        %parallel_loop3A_1575 = arith.maximumf %parallel_loop3A_1568, %parallel_loop3A_1574 : vector<16xf32>
        %parallel_loop3A_1576 = arith.maximumf %parallel_loop3A_1456, %parallel_loop3A_1575 : vector<16xf32>
        scf.yield %parallel_loop3A_1492, %parallel_loop3A_1504, %parallel_loop3A_1516, %parallel_loop3A_1528, %parallel_loop3A_1540, %parallel_loop3A_1552, %parallel_loop3A_1564, %parallel_loop3A_1576 : vector<16xf32>, vector<16xf32>, vector<16xf32>, vector<16xf32>, vector<16xf32>, vector<16xf32>, vector<16xf32>, vector<16xf32>
      } {sc.loop_unroll_factor = 1 : i64, sc.parallel_access}
      %sub3A_1351 = arith.subf %get3A_1301, %parallel_loop3A_1350#0 : vector<16xf32>
      %exp3A_1352 = math.exp %sub3A_1351 : vector<16xf32>
      %mul3A_1353 = arith.mulf %get3A_1325, %exp3A_1352 : vector<16xf32>
      %sub3A_1354 = arith.subf %get3A_1304, %parallel_loop3A_1350#1 : vector<16xf32>
      %exp3A_1355 = math.exp %sub3A_1354 : vector<16xf32>
      %mul3A_1356 = arith.mulf %get3A_1328, %exp3A_1355 : vector<16xf32>
      %sub3A_1357 = arith.subf %get3A_1307, %parallel_loop3A_1350#2 : vector<16xf32>
      %exp3A_1358 = math.exp %sub3A_1357 : vector<16xf32>
      %mul3A_1359 = arith.mulf %get3A_1331, %exp3A_1358 : vector<16xf32>
      %sub3A_1360 = arith.subf %get3A_1310, %parallel_loop3A_1350#3 : vector<16xf32>
      %exp3A_1361 = math.exp %sub3A_1360 : vector<16xf32>
      %mul3A_1362 = arith.mulf %get3A_1334, %exp3A_1361 : vector<16xf32>
      %sub3A_1363 = arith.subf %get3A_1313, %parallel_loop3A_1350#4 : vector<16xf32>
      %exp3A_1364 = math.exp %sub3A_1363 : vector<16xf32>
      %mul3A_1365 = arith.mulf %get3A_1337, %exp3A_1364 : vector<16xf32>
      %sub3A_1366 = arith.subf %get3A_1316, %parallel_loop3A_1350#5 : vector<16xf32>
      %exp3A_1367 = math.exp %sub3A_1366 : vector<16xf32>
      %mul3A_1368 = arith.mulf %get3A_1340, %exp3A_1367 : vector<16xf32>
      %sub3A_1369 = arith.subf %get3A_1319, %parallel_loop3A_1350#6 : vector<16xf32>
      %exp3A_1370 = math.exp %sub3A_1369 : vector<16xf32>
      %mul3A_1371 = arith.mulf %get3A_1343, %exp3A_1370 : vector<16xf32>
      %sub3A_1372 = arith.subf %get3A_1322, %parallel_loop3A_1350#7 : vector<16xf32>
      %exp3A_1373 = math.exp %sub3A_1372 : vector<16xf32>
      %mul3A_1374 = arith.mulf %get3A_1346, %exp3A_1373 : vector<16xf32>
      %parallel_loop3A_1375 = arith.constant 0 : i32
      %parallel_loop3A_1376 = arith.constant 2752 : i32
      %parallel_loop3A_1377 = arith.constant 16 : i32
      %parallel_loop3A_1378:8 = scf.for %parallel_loop3A_1448 = %parallel_loop3A_1375 to %parallel_loop3A_1376 step %parallel_loop3A_1377 iter_args(%parallel_loop3A_1449 = %mul3A_1353, %parallel_loop3A_1450 = %mul3A_1356, %parallel_loop3A_1451 = %mul3A_1359, %parallel_loop3A_1452 = %mul3A_1362, %parallel_loop3A_1453 = %mul3A_1365, %parallel_loop3A_1454 = %mul3A_1368, %parallel_loop3A_1455 = %mul3A_1371, %parallel_loop3A_1456 = %mul3A_1374) -> (vector<16xf32>, vector<16xf32>, vector<16xf32>, vector<16xf32>, vector<16xf32>, vector<16xf32>, vector<16xf32>, vector<16xf32>)  : i32 {
        %parallel_loop3A_1457 = arith.constant 8 : i32
        %parallel_loop3A_1458 = arith.divsi %parallel_loop3A_1448, %parallel_loop3A_1457 : i32
        %parallel_loop3A_1459 = arith.constant 0 : i32
        %parallel_loop3A_1460 = arith.cmpi sgt, %parallel_loop3A_1448, %parallel_loop3A_1459 : i32
        %parallel_loop3A_1461 = arith.extui %parallel_loop3A_1460 : i1 to i32
        %parallel_loop3A_1462 = arith.constant 0 : i32
        %parallel_loop3A_1463 = arith.cmpi slt, %parallel_loop3A_1448, %parallel_loop3A_1462 : i32
        %parallel_loop3A_1464 = arith.extui %parallel_loop3A_1463 : i1 to i32
        %parallel_loop3A_1465 = arith.subi %parallel_loop3A_1461, %parallel_loop3A_1464 : i32
        %parallel_loop3A_1466 = arith.constant 0 : i32
        %parallel_loop3A_1467 = arith.cmpi sgt, %parallel_loop3A_1457, %parallel_loop3A_1466 : i32
        %parallel_loop3A_1468 = arith.extui %parallel_loop3A_1467 : i1 to i32
        %parallel_loop3A_1469 = arith.constant 0 : i32
        %parallel_loop3A_1470 = arith.cmpi slt, %parallel_loop3A_1457, %parallel_loop3A_1469 : i32
        %parallel_loop3A_1471 = arith.extui %parallel_loop3A_1470 : i1 to i32
        %parallel_loop3A_1472 = arith.subi %parallel_loop3A_1468, %parallel_loop3A_1471 : i32
        %parallel_loop3A_1473 = arith.cmpi ne, %parallel_loop3A_1465, %parallel_loop3A_1472 : i32
        %parallel_loop3A_1474 = arith.remsi %parallel_loop3A_1448, %parallel_loop3A_1457 : i32
        %parallel_loop3A_1475 = arith.constant 0 : i32
        %parallel_loop3A_1476 = arith.cmpi ne, %parallel_loop3A_1474, %parallel_loop3A_1475 : i32
        %parallel_loop3A_1477 = arith.andi %parallel_loop3A_1473, %parallel_loop3A_1476 : i1
        %parallel_loop3A_1478 = arith.constant 1 : i32
        %parallel_loop3A_1479 = arith.subi %parallel_loop3A_1458, %parallel_loop3A_1478 : i32
        %parallel_loop3A_1480 = arith.select %parallel_loop3A_1477, %parallel_loop3A_1479, %parallel_loop3A_1458 : i32
        %parallel_loop3A_1481 = arith.constant 0 : i32
        %parallel_loop3A_1482 = arith.addi %parallel_loop3A_1480, %parallel_loop3A_1481 : i32
        %parallel_loop3A_1483 = arith.index_cast %parallel_loop3A_1482 : i32 to index
        %parallel_loop3A_1484 = arith.constant 0 : index
        %parallel_loop3A_1485 = tpu.vector_load %arg6[%parallel_loop3A_1483, %parallel_loop3A_1484] {strides = array<i32>} : memref<344x128xf32, #tpu.memory_space<vmem>>, vector<1x16xf32>,
        %parallel_loop3A_1486 = vector.shape_cast %parallel_loop3A_1485 : vector<1x16xf32> to vector<16xf32>
        %parallel_loop3A_1487 = arith.subf %parallel_loop3A_1486, %parallel_loop3A_1350#0 : vector<16xf32>
        %parallel_loop3A_1488 = math.exp %parallel_loop3A_1487 : vector<16xf32>
        %parallel_loop3A_1489 = arith.constant 1 : i32
        %parallel_loop3A_1490 = arith.addi %parallel_loop3A_1480, %parallel_loop3A_1489 : i32
        %parallel_loop3A_1491 = arith.index_cast %parallel_loop3A_1490 : i32 to index
        %parallel_loop3A_1492 = arith.constant 0 : index
        %parallel_loop3A_1493 = tpu.vector_load %arg6[%parallel_loop3A_1491, %parallel_loop3A_1492] {strides = array<i32>} : memref<344x128xf32, #tpu.memory_space<vmem>>, vector<1x16xf32>,
        %parallel_loop3A_1494 = vector.shape_cast %parallel_loop3A_1493 : vector<1x16xf32> to vector<16xf32>
        %parallel_loop3A_1495 = arith.subf %parallel_loop3A_1494, %parallel_loop3A_1350#0 : vector<16xf32>
        %parallel_loop3A_1496 = math.exp %parallel_loop3A_1495 : vector<16xf32>
        %parallel_loop3A_1497 = arith.addf %parallel_loop3A_1488, %parallel_loop3A_1496 : vector<16xf32>
        %parallel_loop3A_1498 = arith.addf %parallel_loop3A_1449, %parallel_loop3A_1497 : vector<16xf32>
        %parallel_loop3A_1499 = arith.constant 0 : i32
        %parallel_loop3A_1500 = arith.addi %parallel_loop3A_1480, %parallel_loop3A_1499 : i32
        %parallel_loop3A_1501 = arith.index_cast %parallel_loop3A_1500 : i32 to index
        %parallel_loop3A_1502 = arith.constant 16 : index
        %parallel_loop3A_1503 = tpu.vector_load %arg6[%parallel_loop3A_1501, %parallel_loop3A_1502] {strides = array<i32>} : memref<344x128xf32, #tpu.memory_space<vmem>>, vector<1x16xf32>,
        %parallel_loop3A_1504 = vector.shape_cast %parallel_loop3A_1503 : vector<1x16xf32> to vector<16xf32>
        %parallel_loop3A_1505 = arith.subf %parallel_loop3A_1504, %parallel_loop3A_1350#1 : vector<16xf32>
        %parallel_loop3A_1506 = math.exp %parallel_loop3A_1505 : vector<16xf32>
        %parallel_loop3A_1507 = arith.constant 1 : i32
        %parallel_loop3A_1508 = arith.addi %parallel_loop3A_1480, %parallel_loop3A_1507 : i32
        %parallel_loop3A_1509 = arith.index_cast %parallel_loop3A_1508 : i32 to index
        %parallel_loop3A_1510 = arith.constant 16 : index
        %parallel_loop3A_1511 = tpu.vector_load %arg6[%parallel_loop3A_1509, %parallel_loop3A_1510] {strides = array<i32>} : memref<344x128xf32, #tpu.memory_space<vmem>>, vector<1x16xf32>,
        %parallel_loop3A_1512 = vector.shape_cast %parallel_loop3A_1511 : vector<1x16xf32> to vector<16xf32>
        %parallel_loop3A_1513 = arith.subf %parallel_loop3A_1512, %parallel_loop3A_1350#1 : vector<16xf32>
        %parallel_loop3A_1514 = math.exp %parallel_loop3A_1513 : vector<16xf32>
        %parallel_loop3A_1515 = arith.addf %parallel_loop3A_1506, %parallel_loop3A_1514 : vector<16xf32>
        %parallel_loop3A_1516 = arith.addf %parallel_loop3A_1450, %parallel_loop3A_1515 : vector<16xf32>
        %parallel_loop3A_1517 = arith.constant 0 : i32
        %parallel_loop3A_1518 = arith.addi %parallel_loop3A_1480, %parallel_loop3A_1517 : i32
        %parallel_loop3A_1519 = arith.index_cast %parallel_loop3A_1518 : i32 to index
        %parallel_loop3A_1520 = arith.constant 32 : index
        %parallel_loop3A_1521 = tpu.vector_load %arg6[%parallel_loop3A_1519, %parallel_loop3A_1520] {strides = array<i32>} : memref<344x128xf32, #tpu.memory_space<vmem>>, vector<1x16xf32>,
        %parallel_loop3A_1522 = vector.shape_cast %parallel_loop3A_1521 : vector<1x16xf32> to vector<16xf32>
        %parallel_loop3A_1523 = arith.subf %parallel_loop3A_1522, %parallel_loop3A_1350#2 : vector<16xf32>
        %parallel_loop3A_1524 = math.exp %parallel_loop3A_1523 : vector<16xf32>
        %parallel_loop3A_1525 = arith.constant 1 : i32
        %parallel_loop3A_1526 = arith.addi %parallel_loop3A_1480, %parallel_loop3A_1525 : i32
        %parallel_loop3A_1527 = arith.index_cast %parallel_loop3A_1526 : i32 to index
        %parallel_loop3A_1528 = arith.constant 32 : index
        %parallel_loop3A_1529 = tpu.vector_load %arg6[%parallel_loop3A_1527, %parallel_loop3A_1528] {strides = array<i32>} : memref<344x128xf32, #tpu.memory_space<vmem>>, vector<1x16xf32>,
        %parallel_loop3A_1530 = vector.shape_cast %parallel_loop3A_1529 : vector<1x16xf32> to vector<16xf32>
        %parallel_loop3A_1531 = arith.subf %parallel_loop3A_1530, %parallel_loop3A_1350#2 : vector<16xf32>
        %parallel_loop3A_1532 = math.exp %parallel_loop3A_1531 : vector<16xf32>
        %parallel_loop3A_1533 = arith.addf %parallel_loop3A_1524, %parallel_loop3A_1532 : vector<16xf32>
        %parallel_loop3A_1534 = arith.addf %parallel_loop3A_1451, %parallel_loop3A_1533 : vector<16xf32>
        %parallel_loop3A_1535 = arith.constant 0 : i32
        %parallel_loop3A_1536 = arith.addi %parallel_loop3A_1480, %parallel_loop3A_1535 : i32
        %parallel_loop3A_1537 = arith.index_cast %parallel_loop3A_1536 : i32 to index
        %parallel_loop3A_1538 = arith.constant 48 : index
        %parallel_loop3A_1539 = tpu.vector_load %arg6[%parallel_loop3A_1537, %parallel_loop3A_1538] {strides = array<i32>} : memref<344x128xf32, #tpu.memory_space<vmem>>, vector<1x16xf32>,
        %parallel_loop3A_1540 = vector.shape_cast %parallel_loop3A_1539 : vector<1x16xf32> to vector<16xf32>
        %parallel_loop3A_1541 = arith.subf %parallel_loop3A_1540, %parallel_loop3A_1350#3 : vector<16xf32>
        %parallel_loop3A_1542 = math.exp %parallel_loop3A_1541 : vector<16xf32>
        %parallel_loop3A_1543 = arith.constant 1 : i32
        %parallel_loop3A_1544 = arith.addi %parallel_loop3A_1480, %parallel_loop3A_1543 : i32
        %parallel_loop3A_1545 = arith.index_cast %parallel_loop3A_1544 : i32 to index
        %parallel_loop3A_1546 = arith.constant 48 : index
        %parallel_loop3A_1547 = tpu.vector_load %arg6[%parallel_loop3A_1545, %parallel_loop3A_1546] {strides = array<i32>} : memref<344x128xf32, #tpu.memory_space<vmem>>, vector<1x16xf32>,
        %parallel_loop3A_1548 = vector.shape_cast %parallel_loop3A_1547 : vector<1x16xf32> to vector<16xf32>
        %parallel_loop3A_1549 = arith.subf %parallel_loop3A_1548, %parallel_loop3A_1350#3 : vector<16xf32>
        %parallel_loop3A_1550 = math.exp %parallel_loop3A_1549 : vector<16xf32>
        %parallel_loop3A_1551 = arith.addf %parallel_loop3A_1542, %parallel_loop3A_1550 : vector<16xf32>
        %parallel_loop3A_1552 = arith.addf %parallel_loop3A_1452, %parallel_loop3A_1551 : vector<16xf32>
        %parallel_loop3A_1553 = arith.constant 0 : i32
        %parallel_loop3A_1554 = arith.addi %parallel_loop3A_1480, %parallel_loop3A_1553 : i32
        %parallel_loop3A_1555 = arith.index_cast %parallel_loop3A_1554 : i32 to index
        %parallel_loop3A_1556 = arith.constant 64 : index
        %parallel_loop3A_1557 = tpu.vector_load %arg6[%parallel_loop3A_1555, %parallel_loop3A_1556] {strides = array<i32>} : memref<344x128xf32, #tpu.memory_space<vmem>>, vector<1x16xf32>,
        %parallel_loop3A_1558 = vector.shape_cast %parallel_loop3A_1557 : vector<1x16xf32> to vector<16xf32>
        %parallel_loop3A_1559 = arith.subf %parallel_loop3A_1558, %parallel_loop3A_1350#4 : vector<16xf32>
        %parallel_loop3A_1560 = math.exp %parallel_loop3A_1559 : vector<16xf32>
        %parallel_loop3A_1561 = arith.constant 1 : i32
        %parallel_loop3A_1562 = arith.addi %parallel_loop3A_1480, %parallel_loop3A_1561 : i32
        %parallel_loop3A_1563 = arith.index_cast %parallel_loop3A_1562 : i32 to index
        %parallel_loop3A_1564 = arith.constant 64 : index
        %parallel_loop3A_1565 = tpu.vector_load %arg6[%parallel_loop3A_1563, %parallel_loop3A_1564] {strides = array<i32>} : memref<344x128xf32, #tpu.memory_space<vmem>>, vector<1x16xf32>,
        %parallel_loop3A_1566 = vector.shape_cast %parallel_loop3A_1565 : vector<1x16xf32> to vector<16xf32>
        %parallel_loop3A_1567 = arith.subf %parallel_loop3A_1566, %parallel_loop3A_1350#4 : vector<16xf32>
        %parallel_loop3A_1568 = math.exp %parallel_loop3A_1567 : vector<16xf32>
        %parallel_loop3A_1569 = arith.addf %parallel_loop3A_1560, %parallel_loop3A_1568 : vector<16xf32>
        %parallel_loop3A_1570 = arith.addf %parallel_loop3A_1453, %parallel_loop3A_1569 : vector<16xf32>
        %parallel_loop3A_1571 = arith.constant 0 : i32
        %parallel_loop3A_1572 = arith.addi %parallel_loop3A_1480, %parallel_loop3A_1571 : i32
        %parallel_loop3A_1573 = arith.index_cast %parallel_loop3A_1572 : i32 to index
        %parallel_loop3A_1574 = arith.constant 80 : index
        %parallel_loop3A_1575 = tpu.vector_load %arg6[%parallel_loop3A_1573, %parallel_loop3A_1574] {strides = array<i32>} : memref<344x128xf32, #tpu.memory_space<vmem>>, vector<1x16xf32>,
        %parallel_loop3A_1576 = vector.shape_cast %parallel_loop3A_1575 : vector<1x16xf32> to vector<16xf32>
        %parallel_loop3A_1577 = arith.subf %parallel_loop3A_1576, %parallel_loop3A_1350#5 : vector<16xf32>
        %parallel_loop3A_1578 = math.exp %parallel_loop3A_1577 : vector<16xf32>
        %parallel_loop3A_1579 = arith.constant 1 : i32
        %parallel_loop3A_1580 = arith.addi %parallel_loop3A_1480, %parallel_loop3A_1579 : i32
        %parallel_loop3A_1581 = arith.index_cast %parallel_loop3A_1580 : i32 to index
        %parallel_loop3A_1582 = arith.constant 80 : index
        %parallel_loop3A_1583 = tpu.vector_load %arg6[%parallel_loop3A_1581, %parallel_loop3A_1582] {strides = array<i32>} : memref<344x128xf32, #tpu.memory_space<vmem>>, vector<1x16xf32>,
        %parallel_loop3A_1584 = vector.shape_cast %parallel_loop3A_1583 : vector<1x16xf32> to vector<16xf32>
        %parallel_loop3A_1585 = arith.subf %parallel_loop3A_1584, %parallel_loop3A_1350#5 : vector<16xf32>
        %parallel_loop3A_1586 = math.exp %parallel_loop3A_1585 : vector<16xf32>
        %parallel_loop3A_1587 = arith.addf %parallel_loop3A_1578, %parallel_loop3A_1586 : vector<16xf32>
        %parallel_loop3A_1588 = arith.addf %parallel_loop3A_1454, %parallel_loop3A_1587 : vector<16xf32>
        %parallel_loop3A_1589 = arith.constant 0 : i32
        %parallel_loop3A_1590 = arith.addi %parallel_loop3A_1480, %parallel_loop3A_1589 : i32
        %parallel_loop3A_1591 = arith.index_cast %parallel_loop3A_1590 : i32 to index
        %parallel_loop3A_1592 = arith.constant 96 : index
        %parallel_loop3A_1593 = tpu.vector_load %arg6[%parallel_loop3A_1591, %parallel_loop3A_1592] {strides = array<i32>} : memref<344x128xf32, #tpu.memory_space<vmem>>, vector<1x16xf32>,
        %parallel_loop3A_1594 = vector.shape_cast %parallel_loop3A_1593 : vector<1x16xf32> to vector<16xf32>
        %parallel_loop3A_1595 = arith.subf %parallel_loop3A_1594, %parallel_loop3A_1350#6 : vector<16xf32>
        %parallel_loop3A_1596 = math.exp %parallel_loop3A_1595 : vector<16xf32>
        %parallel_loop3A_1597 = arith.constant 1 : i32
        %parallel_loop3A_1598 = arith.addi %parallel_loop3A_1480, %parallel_loop3A_1597 : i32
        %parallel_loop3A_1599 = arith.index_cast %parallel_loop3A_1598 : i32 to index
        %parallel_loop3A_1600 = arith.constant 96 : index
        %parallel_loop3A_1601 = tpu.vector_load %arg6[%parallel_loop3A_1599, %parallel_loop3A_1600] {strides = array<i32>} : memref<344x128xf32, #tpu.memory_space<vmem>>, vector<1x16xf32>,
        %parallel_loop3A_1602 = vector.shape_cast %parallel_loop3A_1601 : vector<1x16xf32> to vector<16xf32>
        %parallel_loop3A_1603 = arith.subf %parallel_loop3A_1602, %parallel_loop3A_1350#6 : vector<16xf32>
        %parallel_loop3A_1604 = math.exp %parallel_loop3A_1603 : vector<16xf32>
        %parallel_loop3A_1605 = arith.addf %parallel_loop3A_1596, %parallel_loop3A_1604 : vector<16xf32>
        %parallel_loop3A_1606 = arith.addf %parallel_loop3A_1455, %parallel_loop3A_1605 : vector<16xf32>
        %parallel_loop3A_1607 = arith.constant 0 : i32
        %parallel_loop3A_1608 = arith.addi %parallel_loop3A_1480, %parallel_loop3A_1607 : i32
        %parallel_loop3A_1609 = arith.index_cast %parallel_loop3A_1608 : i32 to index
        %parallel_loop3A_1610 = arith.constant 112 : index
        %parallel_loop3A_1611 = tpu.vector_load %arg6[%parallel_loop3A_1609, %parallel_loop3A_1610] {strides = array<i32>} : memref<344x128xf32, #tpu.memory_space<vmem>>, vector<1x16xf32>,
        %parallel_loop3A_1612 = vector.shape_cast %parallel_loop3A_1611 : vector<1x16xf32> to vector<16xf32>
        %parallel_loop3A_1613 = arith.subf %parallel_loop3A_1612, %parallel_loop3A_1350#7 : vector<16xf32>
        %parallel_loop3A_1614 = math.exp %parallel_loop3A_1613 : vector<16xf32>
        %parallel_loop3A_1615 = arith.constant 1 : i32
        %parallel_loop3A_1616 = arith.addi %parallel_loop3A_1480, %parallel_loop3A_1615 : i32
        %parallel_loop3A_1617 = arith.index_cast %parallel_loop3A_1616 : i32 to index
        %parallel_loop3A_1618 = arith.constant 112 : index
        %parallel_loop3A_1619 = tpu.vector_load %arg6[%parallel_loop3A_1617, %parallel_loop3A_1618] {strides = array<i32>} : memref<344x128xf32, #tpu.memory_space<vmem>>, vector<1x16xf32>,
        %parallel_loop3A_1620 = vector.shape_cast %parallel_loop3A_1619 : vector<1x16xf32> to vector<16xf32>
        %parallel_loop3A_1621 = arith.subf %parallel_loop3A_1620, %parallel_loop3A_1350#7 : vector<16xf32>
        %parallel_loop3A_1622 = math.exp %parallel_loop3A_1621 : vector<16xf32>
        %parallel_loop3A_1623 = arith.addf %parallel_loop3A_1614, %parallel_loop3A_1622 : vector<16xf32>
        %parallel_loop3A_1624 = arith.addf %parallel_loop3A_1456, %parallel_loop3A_1623 : vector<16xf32>
        scf.yield %parallel_loop3A_1498, %parallel_loop3A_1516, %parallel_loop3A_1534, %parallel_loop3A_1552, %parallel_loop3A_1570, %parallel_loop3A_1588, %parallel_loop3A_1606, %parallel_loop3A_1624 : vector<16xf32>, vector<16xf32>, vector<16xf32>, vector<16xf32>, vector<16xf32>, vector<16xf32>, vector<16xf32>, vector<16xf32>
      } {sc.loop_unroll_factor = 1 : i64, sc.parallel_access}
      %swap3A_1379 = arith.constant 0 : index
      %swap3A_1380 = tpu.vector_load %arg9[%swap3A_1379] {strides = array<i32>} : memref<272xf32, #tpu.memory_space<vmem>>, vector<16xf32>,
      %swap3A_1381 = vector.shape_cast %swap3A_1380 : vector<16xf32> to vector<16xf32>
      %swap3A_1382 = vector.shape_cast %parallel_loop3A_1350#0 : vector<16xf32> to vector<16xf32>
      tpu.vector_store %arg9[%swap3A_1379], %swap3A_1382 {strides = array<i32>} : memref<272xf32, #tpu.memory_space<vmem>>, vector<16xf32>,
      %swap3A_1383 = arith.constant 128 : index
      %swap3A_1384 = tpu.vector_load %arg9[%swap3A_1383] {strides = array<i32>} : memref<272xf32, #tpu.memory_space<vmem>>, vector<16xf32>,
      %swap3A_1385 = vector.shape_cast %swap3A_1384 : vector<16xf32> to vector<16xf32>
      %swap3A_1386 = vector.shape_cast %parallel_loop3A_1378#0 : vector<16xf32> to vector<16xf32>
      tpu.vector_store %arg9[%swap3A_1383], %swap3A_1386 {strides = array<i32>} : memref<272xf32, #tpu.memory_space<vmem>>, vector<16xf32>,
      %swap3A_1387 = arith.constant 16 : index
      %swap3A_1388 = tpu.vector_load %arg9[%swap3A_1387] {strides = array<i32>} : memref<272xf32, #tpu.memory_space<vmem>>, vector<16xf32>,
      %swap3A_1389 = vector.shape_cast %swap3A_1388 : vector<16xf32> to vector<16xf32>
      %swap3A_1390 = vector.shape_cast %parallel_loop3A_1350#1 : vector<16xf32> to vector<16xf32>
      tpu.vector_store %arg9[%swap3A_1387], %swap3A_1390 {strides = array<i32>} : memref<272xf32, #tpu.memory_space<vmem>>, vector<16xf32>,
      %swap3A_1391 = arith.constant 144 : index
      %swap3A_1392 = tpu.vector_load %arg9[%swap3A_1391] {strides = array<i32>} : memref<272xf32, #tpu.memory_space<vmem>>, vector<16xf32>,
      %swap3A_1393 = vector.shape_cast %swap3A_1392 : vector<16xf32> to vector<16xf32>
      %swap3A_1394 = vector.shape_cast %parallel_loop3A_1378#1 : vector<16xf32> to vector<16xf32>
      tpu.vector_store %arg9[%swap3A_1391], %swap3A_1394 {strides = array<i32>} : memref<272xf32, #tpu.memory_space<vmem>>, vector<16xf32>,
      %swap3A_1395 = arith.constant 32 : index
      %swap3A_1396 = tpu.vector_load %arg9[%swap3A_1395] {strides = array<i32>} : memref<272xf32, #tpu.memory_space<vmem>>, vector<16xf32>,
      %swap3A_1397 = vector.shape_cast %swap3A_1396 : vector<16xf32> to vector<16xf32>
      %swap3A_1398 = vector.shape_cast %parallel_loop3A_1350#2 : vector<16xf32> to vector<16xf32>
      tpu.vector_store %arg9[%swap3A_1395], %swap3A_1398 {strides = array<i32>} : memref<272xf32, #tpu.memory_space<vmem>>, vector<16xf32>,
      %swap3A_1399 = arith.constant 160 : index
      %swap3A_1400 = tpu.vector_load %arg9[%swap3A_1399] {strides = array<i32>} : memref<272xf32, #tpu.memory_space<vmem>>, vector<16xf32>,
      %swap3A_1401 = vector.shape_cast %swap3A_1400 : vector<16xf32> to vector<16xf32>
      %swap3A_1402 = vector.shape_cast %parallel_loop3A_1378#2 : vector<16xf32> to vector<16xf32>
      tpu.vector_store %arg9[%swap3A_1399], %swap3A_1402 {strides = array<i32>} : memref<272xf32, #tpu.memory_space<vmem>>, vector<16xf32>,
      %swap3A_1403 = arith.constant 48 : index
      %swap3A_1404 = tpu.vector_load %arg9[%swap3A_1403] {strides = array<i32>} : memref<272xf32, #tpu.memory_space<vmem>>, vector<16xf32>,
      %swap3A_1405 = vector.shape_cast %swap3A_1404 : vector<16xf32> to vector<16xf32>
      %swap3A_1406 = vector.shape_cast %parallel_loop3A_1350#3 : vector<16xf32> to vector<16xf32>
      tpu.vector_store %arg9[%swap3A_1403], %swap3A_1406 {strides = array<i32>} : memref<272xf32, #tpu.memory_space<vmem>>, vector<16xf32>,
      %swap3A_1407 = arith.constant 176 : index
      %swap3A_1408 = tpu.vector_load %arg9[%swap3A_1407] {strides = array<i32>} : memref<272xf32, #tpu.memory_space<vmem>>, vector<16xf32>,
      %swap3A_1409 = vector.shape_cast %swap3A_1408 : vector<16xf32> to vector<16xf32>
      %swap3A_1410 = vector.shape_cast %parallel_loop3A_1378#3 : vector<16xf32> to vector<16xf32>
      tpu.vector_store %arg9[%swap3A_1407], %swap3A_1410 {strides = array<i32>} : memref<272xf32, #tpu.memory_space<vmem>>, vector<16xf32>,
      %swap3A_1411 = arith.constant 64 : index
      %swap3A_1412 = tpu.vector_load %arg9[%swap3A_1411] {strides = array<i32>} : memref<272xf32, #tpu.memory_space<vmem>>, vector<16xf32>,
      %swap3A_1413 = vector.shape_cast %swap3A_1412 : vector<16xf32> to vector<16xf32>
      %swap3A_1414 = vector.shape_cast %parallel_loop3A_1350#4 : vector<16xf32> to vector<16xf32>
      tpu.vector_store %arg9[%swap3A_1411], %swap3A_1414 {strides = array<i32>} : memref<272xf32, #tpu.memory_space<vmem>>, vector<16xf32>,
      %swap3A_1415 = arith.constant 192 : index
      %swap3A_1416 = tpu.vector_load %arg9[%swap3A_1415] {strides = array<i32>} : memref<272xf32, #tpu.memory_space<vmem>>, vector<16xf32>,
      %swap3A_1417 = vector.shape_cast %swap3A_1416 : vector<16xf32> to vector<16xf32>
      %swap3A_1418 = vector.shape_cast %parallel_loop3A_1378#4 : vector<16xf32> to vector<16xf32>
      tpu.vector_store %arg9[%swap3A_1415], %swap3A_1418 {strides = array<i32>} : memref<272xf32, #tpu.memory_space<vmem>>, vector<16xf32>,
      %swap3A_1419 = arith.constant 80 : index
      %swap3A_1420 = tpu.vector_load %arg9[%swap3A_1419] {strides = array<i32>} : memref<272xf32, #tpu.memory_space<vmem>>, vector<16xf32>,
      %swap3A_1421 = vector.shape_cast %swap3A_1420 : vector<16xf32> to vector<16xf32>
      %swap3A_1422 = vector.shape_cast %parallel_loop3A_1350#5 : vector<16xf32> to vector<16xf32>
      tpu.vector_store %arg9[%swap3A_1419], %swap3A_1422 {strides = array<i32>} : memref<272xf32, #tpu.memory_space<vmem>>, vector<16xf32>,
      %swap3A_1423 = arith.constant 208 : index
      %swap3A_1424 = tpu.vector_load %arg9[%swap3A_1423] {strides = array<i32>} : memref<272xf32, #tpu.memory_space<vmem>>, vector<16xf32>,
      %swap3A_1425 = vector.shape_cast %swap3A_1424 : vector<16xf32> to vector<16xf32>
      %swap3A_1426 = vector.shape_cast %parallel_loop3A_1378#5 : vector<16xf32> to vector<16xf32>
      tpu.vector_store %arg9[%swap3A_1423], %swap3A_1426 {strides = array<i32>} : memref<272xf32, #tpu.memory_space<vmem>>, vector<16xf32>,
      %swap3A_1427 = arith.constant 96 : index
      %swap3A_1428 = tpu.vector_load %arg9[%swap3A_1427] {strides = array<i32>} : memref<272xf32, #tpu.memory_space<vmem>>, vector<16xf32>,
      %swap3A_1429 = vector.shape_cast %swap3A_1428 : vector<16xf32> to vector<16xf32>
      %swap3A_1430 = vector.shape_cast %parallel_loop3A_1350#6 : vector<16xf32> to vector<16xf32>
      tpu.vector_store %arg9[%swap3A_1427], %swap3A_1430 {strides = array<i32>} : memref<272xf32, #tpu.memory_space<vmem>>, vector<16xf32>,
      %swap3A_1431 = arith.constant 224 : index
      %swap3A_1432 = tpu.vector_load %arg9[%swap3A_1431] {strides = array<i32>} : memref<272xf32, #tpu.memory_space<vmem>>, vector<16xf32>,
      %swap3A_1433 = vector.shape_cast %swap3A_1432 : vector<16xf32> to vector<16xf32>
      %swap3A_1434 = vector.shape_cast %parallel_loop3A_1378#6 : vector<16xf32> to vector<16xf32>
      tpu.vector_store %arg9[%swap3A_1431], %swap3A_1434 {strides = array<i32>} : memref<272xf32, #tpu.memory_space<vmem>>, vector<16xf32>,
      %swap3A_1435 = arith.constant 112 : index
      %swap3A_1436 = tpu.vector_load %arg9[%swap3A_1435] {strides = array<i32>} : memref<272xf32, #tpu.memory_space<vmem>>, vector<16xf32>,
      %swap3A_1437 = vector.shape_cast %swap3A_1436 : vector<16xf32> to vector<16xf32>
      %swap3A_1438 = vector.shape_cast %parallel_loop3A_1350#7 : vector<16xf32> to vector<16xf32>
      tpu.vector_store %arg9[%swap3A_1435], %swap3A_1438 {strides = array<i32>} : memref<272xf32, #tpu.memory_space<vmem>>, vector<16xf32>,
      %swap3A_1439 = arith.constant 240 : index
      %swap3A_1440 = tpu.vector_load %arg9[%swap3A_1439] {strides = array<i32>} : memref<272xf32, #tpu.memory_space<vmem>>, vector<16xf32>,
      %swap3A_1441 = vector.shape_cast %swap3A_1440 : vector<16xf32> to vector<16xf32>
      %swap3A_1442 = vector.shape_cast %parallel_loop3A_1378#7 : vector<16xf32> to vector<16xf32>
      tpu.vector_store %arg9[%swap3A_1439], %swap3A_1442 {strides = array<i32>} : memref<272xf32, #tpu.memory_space<vmem>>, vector<16xf32>,
      %lt3A_1443 = arith.constant 3 : i32
      %lt3A_1444 = arith.cmpi slt, %scan3A_1103, %lt3A_1443 : i32
      %convert_element_type3A_1445 = arith.extui %lt3A_1444 : i1 to i32
      %cond3A_1446 = arith.constant 0 : i32
      %cond3A_1447 = arith.cmpi ne, %convert_element_type3A_1445, %cond3A_1446 : i32
      scf.if %cond3A_1447 {
        %mul3A_1448 = arith.constant 2 : i32
        %mul3A_1449 = arith.muli %mul3A_1448, %scan3A_1103 : i32
        %add3A_1450 = arith.constant 3 : i32
        %add3A_1451 = arith.addi %mul3A_1449, %add3A_1450 : i32
        %mul3A_1452 = arith.constant 344 : i32
        %mul3A_1453 = arith.muli %add3A_1451, %mul3A_1452 : i32
        %add3A_1454 = arith.addi %add3A_6, %mul3A_1453 : i32
        %dma_start3A_1455 = arith.constant 0 : i32
        %dma_start3A_1456 = arith.constant 0 : i32
        %dma_start3A_1457 = tpu.memref_slice %arg6[%dma_start3A_1455, %dma_start3A_1456] : memref<344x128xf32, #tpu.memory_space<vmem>> -> memref<168x128xf32, #tpu.memory_space<vmem>>
        %dma_start3A_1458 = arith.constant 0 : i32
        %dma_start3A_1459 = tpu.memref_slice %arg2[%add3A_1454, %dma_start3A_1458] : memref<100000x128xf32, #tpu.memory_space<hbm>> -> memref<168x128xf32, #tpu.memory_space<hbm>>
        %dma_start3A_1460 = arith.constant 0 : i32
        %dma_start3A_1461 = arith.constant 0 : i32
        %dma_start3A_1462 = tpu.memref_slice %arg6[%dma_start3A_1460, %dma_start3A_1461] : memref<344x128xf32, #tpu.memory_space<vmem>> -> memref<168x128xf32, #tpu.memory_space<vmem>>
        %dma_start3A_1463 = arith.constant 0 : i32
        %dma_start3A_1464 = tpu.memref_slice %arg2[%add3A_1454, %dma_start3A_1463] : memref<100000x128xf32, #tpu.memory_space<hbm>> -> memref<168x128xf32, #tpu.memory_space<hbm>>
        tpu.enqueue_dma source(%dma_start3A_1464 : memref<168x128xf32, #tpu.memory_space<hbm>>) target(%dma_start3A_1462 : memref<168x128xf32, #tpu.memory_space<vmem>>) target_semaphore(%arg15 : memref<!tpu.dma_semaphore, #tpu.memory_space<semaphore_mem>>)
        %add3A_1465 = arith.constant 168 : i32
        %add3A_1466 = arith.addi %add3A_1454, %add3A_1465 : i32
        %dma_start3A_1467 = arith.constant 168 : i32
        %dma_start3A_1468 = arith.constant 0 : i32
        %dma_start3A_1469 = tpu.memref_slice %arg6[%dma_start3A_1467, %dma_start3A_1468] : memref<344x128xf32, #tpu.memory_space<vmem>> -> memref<176x128xf32, #tpu.memory_space<vmem>>
        %dma_start3A_1470 = arith.constant 0 : i32
        %dma_start3A_1471 = tpu.memref_slice %arg2[%add3A_1466, %dma_start3A_1470] : memref<100000x128xf32, #tpu.memory_space<hbm>> -> memref<176x128xf32, #tpu.memory_space<hbm>>
        %dma_start3A_1472 = arith.constant 168 : i32
        %dma_start3A_1473 = arith.constant 0 : i32
        %dma_start3A_1474 = tpu.memref_slice %arg6[%dma_start3A_1472, %dma_start3A_1473] : memref<344x128xf32, #tpu.memory_space<vmem>> -> memref<176x128xf32, #tpu.memory_space<vmem>>
        %dma_start3A_1475 = arith.constant 0 : i32
        %dma_start3A_1476 = tpu.memref_slice %arg2[%add3A_1466, %dma_start3A_1475] : memref<100000x128xf32, #tpu.memory_space<hbm>> -> memref<176x128xf32, #tpu.memory_space<hbm>>
        tpu.enqueue_dma source(%dma_start3A_1476 : memref<176x128xf32, #tpu.memory_space<hbm>>) target(%dma_start3A_1474 : memref<176x128xf32, #tpu.memory_space<vmem>>) target_semaphore(%arg15 : memref<!tpu.dma_semaphore, #tpu.memory_space<semaphore_mem>>)
      } else {
      }
    }
    %scan3A_376 = arith.constant 4 : i32
    %dma_wait3A = arith.constant 0 : i32
    %dma_wait3A_377 = arith.constant 0 : i32
    %dma_wait3A_378 = tpu.memref_slice %arg5[%dma_wait3A, %dma_wait3A_377] : memref<344x128xf32, #tpu.memory_space<vmem>> -> memref<168x128xf32, #tpu.memory_space<vmem>>
    %dma_wait3A_379 = arith.constant 0 : i32
    %dma_wait3A_380 = arith.constant 0 : i32
    %dma_wait3A_381 = tpu.memref_slice %arg2[%dma_wait3A_379, %dma_wait3A_380] : memref<100000x128xf32, #tpu.memory_space<hbm>> -> memref<168x128xf32, #tpu.memory_space<hbm>>
    %dma_wait3A_382 = arith.constant 0 : i32
    %dma_wait3A_383 = arith.constant 0 : i32
    %dma_wait3A_384 = tpu.memref_slice %arg5[%dma_wait3A_382, %dma_wait3A_383] : memref<344x128xf32, #tpu.memory_space<vmem>> -> memref<168x128xf32, #tpu.memory_space<vmem>>
    %dma_wait3A_385 = arith.constant 0 : i32
    %dma_wait3A_386 = arith.constant 0 : i32
    %dma_wait3A_387 = tpu.memref_slice %arg2[%dma_wait3A_385, %dma_wait3A_386] : memref<100000x128xf32, #tpu.memory_space<hbm>> -> memref<168x128xf32, #tpu.memory_space<hbm>>
    tpu.wait_dma2 semaphore(%arg14 : memref<!tpu.dma_semaphore, #tpu.memory_space<semaphore_mem>>) src(%dma_wait3A_387 : memref<168x128xf32, #tpu.memory_space<hbm>>) dst(%dma_wait3A_384 : memref<168x128xf32, #tpu.memory_space<vmem>>)
    %dma_wait3A_388 = arith.constant 168 : i32
    %dma_wait3A_389 = arith.constant 0 : i32
    %dma_wait3A_390 = tpu.memref_slice %arg5[%dma_wait3A_388, %dma_wait3A_389] : memref<344x128xf32, #tpu.memory_space<vmem>> -> memref<176x128xf32, #tpu.memory_space<vmem>>
    %dma_wait3A_391 = arith.constant 0 : i32
    %dma_wait3A_392 = arith.constant 0 : i32
    %dma_wait3A_393 = tpu.memref_slice %arg2[%dma_wait3A_391, %dma_wait3A_392] : memref<100000x128xf32, #tpu.memory_space<hbm>> -> memref<176x128xf32, #tpu.memory_space<hbm>>
    %dma_wait3A_394 = arith.constant 168 : i32
    %dma_wait3A_395 = arith.constant 0 : i32
    %dma_wait3A_396 = tpu.memref_slice %arg5[%dma_wait3A_394, %dma_wait3A_395] : memref<344x128xf32, #tpu.memory_space<vmem>> -> memref<176x128xf32, #tpu.memory_space<vmem>>
    %dma_wait3A_397 = arith.constant 0 : i32
    %dma_wait3A_398 = arith.constant 0 : i32
    %dma_wait3A_399 = tpu.memref_slice %arg2[%dma_wait3A_397, %dma_wait3A_398] : memref<100000x128xf32, #tpu.memory_space<hbm>> -> memref<176x128xf32, #tpu.memory_space<hbm>>
    tpu.wait_dma2 semaphore(%arg14 : memref<!tpu.dma_semaphore, #tpu.memory_space<semaphore_mem>>) src(%dma_wait3A_399 : memref<176x128xf32, #tpu.memory_space<hbm>>) dst(%dma_wait3A_396 : memref<176x128xf32, #tpu.memory_space<vmem>>)
    %get3A_400 = arith.constant 0 : index
    %get3A_401 = tpu.vector_load %arg9[%get3A_400] {strides = array<i32>} : memref<272xf32, #tpu.memory_space<vmem>>, vector<16xf32>,
    %get3A_402 = vector.shape_cast %get3A_401 : vector<16xf32> to vector<16xf32>
    %get3A_403 = arith.constant 16 : index
    %get3A_404 = tpu.vector_load %arg9[%get3A_403] {strides = array<i32>} : memref<272xf32, #tpu.memory_space<vmem>>, vector<16xf32>,
    %get3A_405 = vector.shape_cast %get3A_404 : vector<16xf32> to vector<16xf32>
    %get3A_406 = arith.constant 32 : index
    %get3A_407 = tpu.vector_load %arg9[%get3A_406] {strides = array<i32>} : memref<272xf32, #tpu.memory_space<vmem>>, vector<16xf32>,
    %get3A_408 = vector.shape_cast %get3A_407 : vector<16xf32> to vector<16xf32>
    %get3A_409 = arith.constant 48 : index
    %get3A_410 = tpu.vector_load %arg9[%get3A_409] {strides = array<i32>} : memref<272xf32, #tpu.memory_space<vmem>>, vector<16xf32>,
    %get3A_411 = vector.shape_cast %get3A_410 : vector<16xf32> to vector<16xf32>
    %get3A_412 = arith.constant 64 : index
    %get3A_413 = tpu.vector_load %arg9[%get3A_412] {strides = array<i32>} : memref<272xf32, #tpu.memory_space<vmem>>, vector<16xf32>,
    %get3A_414 = vector.shape_cast %get3A_413 : vector<16xf32> to vector<16xf32>
    %get3A_415 = arith.constant 80 : index
    %get3A_416 = tpu.vector_load %arg9[%get3A_415] {strides = array<i32>} : memref<272xf32, #tpu.memory_space<vmem>>, vector<16xf32>,
    %get3A_417 = vector.shape_cast %get3A_416 : vector<16xf32> to vector<16xf32>
    %get3A_418 = arith.constant 96 : index
    %get3A_419 = tpu.vector_load %arg9[%get3A_418] {strides = array<i32>} : memref<272xf32, #tpu.memory_space<vmem>>, vector<16xf32>,
    %get3A_420 = vector.shape_cast %get3A_419 : vector<16xf32> to vector<16xf32>
    %get3A_421 = arith.constant 112 : index
    %get3A_422 = tpu.vector_load %arg9[%get3A_421] {strides = array<i32>} : memref<272xf32, #tpu.memory_space<vmem>>, vector<16xf32>,
    %get3A_423 = vector.shape_cast %get3A_422 : vector<16xf32> to vector<16xf32>
    %get3A_424 = arith.constant 128 : index
    %get3A_425 = tpu.vector_load %arg9[%get3A_424] {strides = array<i32>} : memref<272xf32, #tpu.memory_space<vmem>>, vector<16xf32>,
    %get3A_426 = vector.shape_cast %get3A_425 : vector<16xf32> to vector<16xf32>
    %get3A_427 = arith.constant 144 : index
    %get3A_428 = tpu.vector_load %arg9[%get3A_427] {strides = array<i32>} : memref<272xf32, #tpu.memory_space<vmem>>, vector<16xf32>,
    %get3A_429 = vector.shape_cast %get3A_428 : vector<16xf32> to vector<16xf32>
    %get3A_430 = arith.constant 160 : index
    %get3A_431 = tpu.vector_load %arg9[%get3A_430] {strides = array<i32>} : memref<272xf32, #tpu.memory_space<vmem>>, vector<16xf32>,
    %get3A_432 = vector.shape_cast %get3A_431 : vector<16xf32> to vector<16xf32>
    %get3A_433 = arith.constant 176 : index
    %get3A_434 = tpu.vector_load %arg9[%get3A_433] {strides = array<i32>} : memref<272xf32, #tpu.memory_space<vmem>>, vector<16xf32>,
    %get3A_435 = vector.shape_cast %get3A_434 : vector<16xf32> to vector<16xf32>
    %get3A_436 = arith.constant 192 : index
    %get3A_437 = tpu.vector_load %arg9[%get3A_436] {strides = array<i32>} : memref<272xf32, #tpu.memory_space<vmem>>, vector<16xf32>,
    %get3A_438 = vector.shape_cast %get3A_437 : vector<16xf32> to vector<16xf32>
    %get3A_439 = arith.constant 208 : index
    %get3A_440 = tpu.vector_load %arg9[%get3A_439] {strides = array<i32>} : memref<272xf32, #tpu.memory_space<vmem>>, vector<16xf32>,
    %get3A_441 = vector.shape_cast %get3A_440 : vector<16xf32> to vector<16xf32>
    %get3A_442 = arith.constant 224 : index
    %get3A_443 = tpu.vector_load %arg9[%get3A_442] {strides = array<i32>} : memref<272xf32, #tpu.memory_space<vmem>>, vector<16xf32>,
    %get3A_444 = vector.shape_cast %get3A_443 : vector<16xf32> to vector<16xf32>
    %get3A_445 = arith.constant 240 : index
    %get3A_446 = tpu.vector_load %arg9[%get3A_445] {strides = array<i32>} : memref<272xf32, #tpu.memory_space<vmem>>, vector<16xf32>,
    %get3A_447 = vector.shape_cast %get3A_446 : vector<16xf32> to vector<16xf32>
    %parallel_loop3A = arith.constant 0 : i32
    %parallel_loop3A_448 = arith.constant 2752 : i32
    %parallel_loop3A_449 = arith.constant 16 : i32
    %parallel_loop3A_450:8 = scf.for %parallel_loop3A_1103 = %parallel_loop3A to %parallel_loop3A_448 step %parallel_loop3A_449 iter_args(%parallel_loop3A_1104 = %get3A_402, %parallel_loop3A_1105 = %get3A_405, %parallel_loop3A_1106 = %get3A_408, %parallel_loop3A_1107 = %get3A_411, %parallel_loop3A_1108 = %get3A_414, %parallel_loop3A_1109 = %get3A_417, %parallel_loop3A_1110 = %get3A_420, %parallel_loop3A_1111 = %get3A_423) -> (vector<16xf32>, vector<16xf32>, vector<16xf32>, vector<16xf32>, vector<16xf32>, vector<16xf32>, vector<16xf32>, vector<16xf32>)  : i32 {
      %parallel_loop3A_1112 = arith.constant 8 : i32
      %parallel_loop3A_1113 = arith.divsi %parallel_loop3A_1103, %parallel_loop3A_1112 : i32
      %parallel_loop3A_1114 = arith.constant 0 : i32
      %parallel_loop3A_1115 = arith.cmpi sgt, %parallel_loop3A_1103, %parallel_loop3A_1114 : i32
      %parallel_loop3A_1116 = arith.extui %parallel_loop3A_1115 : i1 to i32
      %parallel_loop3A_1117 = arith.constant 0 : i32
      %parallel_loop3A_1118 = arith.cmpi slt, %parallel_loop3A_1103, %parallel_loop3A_1117 : i32
      %parallel_loop3A_1119 = arith.extui %parallel_loop3A_1118 : i1 to i32
      %parallel_loop3A_1120 = arith.subi %parallel_loop3A_1116, %parallel_loop3A_1119 : i32
      %parallel_loop3A_1121 = arith.constant 0 : i32
      %parallel_loop3A_1122 = arith.cmpi sgt, %parallel_loop3A_1112, %parallel_loop3A_1121 : i32
      %parallel_loop3A_1123 = arith.extui %parallel_loop3A_1122 : i1 to i32
      %parallel_loop3A_1124 = arith.constant 0 : i32
      %parallel_loop3A_1125 = arith.cmpi slt, %parallel_loop3A_1112, %parallel_loop3A_1124 : i32
      %parallel_loop3A_1126 = arith.extui %parallel_loop3A_1125 : i1 to i32
      %parallel_loop3A_1127 = arith.subi %parallel_loop3A_1123, %parallel_loop3A_1126 : i32
      %parallel_loop3A_1128 = arith.cmpi ne, %parallel_loop3A_1120, %parallel_loop3A_1127 : i32
      %parallel_loop3A_1129 = arith.remsi %parallel_loop3A_1103, %parallel_loop3A_1112 : i32
      %parallel_loop3A_1130 = arith.constant 0 : i32
      %parallel_loop3A_1131 = arith.cmpi ne, %parallel_loop3A_1129, %parallel_loop3A_1130 : i32
      %parallel_loop3A_1132 = arith.andi %parallel_loop3A_1128, %parallel_loop3A_1131 : i1
      %parallel_loop3A_1133 = arith.constant 1 : i32
      %parallel_loop3A_1134 = arith.subi %parallel_loop3A_1113, %parallel_loop3A_1133 : i32
      %parallel_loop3A_1135 = arith.select %parallel_loop3A_1132, %parallel_loop3A_1134, %parallel_loop3A_1113 : i32
      %parallel_loop3A_1136 = arith.index_cast %parallel_loop3A_1135 : i32 to index
      %parallel_loop3A_1137 = arith.constant 0 : index
      %parallel_loop3A_1138 = tpu.vector_load %arg5[%parallel_loop3A_1136, %parallel_loop3A_1137] {strides = array<i32>} : memref<344x128xf32, #tpu.memory_space<vmem>>, vector<1x16xf32>,
      %parallel_loop3A_1139 = vector.shape_cast %parallel_loop3A_1138 : vector<1x16xf32> to vector<16xf32>
      %parallel_loop3A_1140 = arith.constant 1 : i32
      %parallel_loop3A_1141 = arith.addi %parallel_loop3A_1135, %parallel_loop3A_1140 : i32
      %parallel_loop3A_1142 = arith.index_cast %parallel_loop3A_1141 : i32 to index
      %parallel_loop3A_1143 = arith.constant 0 : index
      %parallel_loop3A_1144 = tpu.vector_load %arg5[%parallel_loop3A_1142, %parallel_loop3A_1143] {strides = array<i32>} : memref<344x128xf32, #tpu.memory_space<vmem>>, vector<1x16xf32>,
      %parallel_loop3A_1145 = vector.shape_cast %parallel_loop3A_1144 : vector<1x16xf32> to vector<16xf32>
      %parallel_loop3A_1146 = arith.maximumf %parallel_loop3A_1139, %parallel_loop3A_1145 : vector<16xf32>
      %parallel_loop3A_1147 = arith.maximumf %parallel_loop3A_1104, %parallel_loop3A_1146 : vector<16xf32>
      %parallel_loop3A_1148 = arith.index_cast %parallel_loop3A_1135 : i32 to index
      %parallel_loop3A_1149 = arith.constant 16 : index
      %parallel_loop3A_1150 = tpu.vector_load %arg5[%parallel_loop3A_1148, %parallel_loop3A_1149] {strides = array<i32>} : memref<344x128xf32, #tpu.memory_space<vmem>>, vector<1x16xf32>,
      %parallel_loop3A_1151 = vector.shape_cast %parallel_loop3A_1150 : vector<1x16xf32> to vector<16xf32>
      %parallel_loop3A_1152 = arith.constant 1 : i32
      %parallel_loop3A_1153 = arith.addi %parallel_loop3A_1135, %parallel_loop3A_1152 : i32
      %parallel_loop3A_1154 = arith.index_cast %parallel_loop3A_1153 : i32 to index
      %parallel_loop3A_1155 = arith.constant 16 : index
      %parallel_loop3A_1156 = tpu.vector_load %arg5[%parallel_loop3A_1154, %parallel_loop3A_1155] {strides = array<i32>} : memref<344x128xf32, #tpu.memory_space<vmem>>, vector<1x16xf32>,
      %parallel_loop3A_1157 = vector.shape_cast %parallel_loop3A_1156 : vector<1x16xf32> to vector<16xf32>
      %parallel_loop3A_1158 = arith.maximumf %parallel_loop3A_1151, %parallel_loop3A_1157 : vector<16xf32>
      %parallel_loop3A_1159 = arith.maximumf %parallel_loop3A_1105, %parallel_loop3A_1158 : vector<16xf32>
      %parallel_loop3A_1160 = arith.index_cast %parallel_loop3A_1135 : i32 to index
      %parallel_loop3A_1161 = arith.constant 32 : index
      %parallel_loop3A_1162 = tpu.vector_load %arg5[%parallel_loop3A_1160, %parallel_loop3A_1161] {strides = array<i32>} : memref<344x128xf32, #tpu.memory_space<vmem>>, vector<1x16xf32>,
      %parallel_loop3A_1163 = vector.shape_cast %parallel_loop3A_1162 : vector<1x16xf32> to vector<16xf32>
      %parallel_loop3A_1164 = arith.constant 1 : i32
      %parallel_loop3A_1165 = arith.addi %parallel_loop3A_1135, %parallel_loop3A_1164 : i32
      %parallel_loop3A_1166 = arith.index_cast %parallel_loop3A_1165 : i32 to index
      %parallel_loop3A_1167 = arith.constant 32 : index
      %parallel_loop3A_1168 = tpu.vector_load %arg5[%parallel_loop3A_1166, %parallel_loop3A_1167] {strides = array<i32>} : memref<344x128xf32, #tpu.memory_space<vmem>>, vector<1x16xf32>,
      %parallel_loop3A_1169 = vector.shape_cast %parallel_loop3A_1168 : vector<1x16xf32> to vector<16xf32>
      %parallel_loop3A_1170 = arith.maximumf %parallel_loop3A_1163, %parallel_loop3A_1169 : vector<16xf32>
      %parallel_loop3A_1171 = arith.maximumf %parallel_loop3A_1106, %parallel_loop3A_1170 : vector<16xf32>
      %parallel_loop3A_1172 = arith.index_cast %parallel_loop3A_1135 : i32 to index
      %parallel_loop3A_1173 = arith.constant 48 : index
      %parallel_loop3A_1174 = tpu.vector_load %arg5[%parallel_loop3A_1172, %parallel_loop3A_1173] {strides = array<i32>} : memref<344x128xf32, #tpu.memory_space<vmem>>, vector<1x16xf32>,
      %parallel_loop3A_1175 = vector.shape_cast %parallel_loop3A_1174 : vector<1x16xf32> to vector<16xf32>
      %parallel_loop3A_1176 = arith.constant 1 : i32
      %parallel_loop3A_1177 = arith.addi %parallel_loop3A_1135, %parallel_loop3A_1176 : i32
      %parallel_loop3A_1178 = arith.index_cast %parallel_loop3A_1177 : i32 to index
      %parallel_loop3A_1179 = arith.constant 48 : index
      %parallel_loop3A_1180 = tpu.vector_load %arg5[%parallel_loop3A_1178, %parallel_loop3A_1179] {strides = array<i32>} : memref<344x128xf32, #tpu.memory_space<vmem>>, vector<1x16xf32>,
      %parallel_loop3A_1181 = vector.shape_cast %parallel_loop3A_1180 : vector<1x16xf32> to vector<16xf32>
      %parallel_loop3A_1182 = arith.maximumf %parallel_loop3A_1175, %parallel_loop3A_1181 : vector<16xf32>
      %parallel_loop3A_1183 = arith.maximumf %parallel_loop3A_1107, %parallel_loop3A_1182 : vector<16xf32>
      %parallel_loop3A_1184 = arith.index_cast %parallel_loop3A_1135 : i32 to index
      %parallel_loop3A_1185 = arith.constant 64 : index
      %parallel_loop3A_1186 = tpu.vector_load %arg5[%parallel_loop3A_1184, %parallel_loop3A_1185] {strides = array<i32>} : memref<344x128xf32, #tpu.memory_space<vmem>>, vector<1x16xf32>,
      %parallel_loop3A_1187 = vector.shape_cast %parallel_loop3A_1186 : vector<1x16xf32> to vector<16xf32>
      %parallel_loop3A_1188 = arith.constant 1 : i32
      %parallel_loop3A_1189 = arith.addi %parallel_loop3A_1135, %parallel_loop3A_1188 : i32
      %parallel_loop3A_1190 = arith.index_cast %parallel_loop3A_1189 : i32 to index
      %parallel_loop3A_1191 = arith.constant 64 : index
      %parallel_loop3A_1192 = tpu.vector_load %arg5[%parallel_loop3A_1190, %parallel_loop3A_1191] {strides = array<i32>} : memref<344x128xf32, #tpu.memory_space<vmem>>, vector<1x16xf32>,
      %parallel_loop3A_1193 = vector.shape_cast %parallel_loop3A_1192 : vector<1x16xf32> to vector<16xf32>
      %parallel_loop3A_1194 = arith.maximumf %parallel_loop3A_1187, %parallel_loop3A_1193 : vector<16xf32>
      %parallel_loop3A_1195 = arith.maximumf %parallel_loop3A_1108, %parallel_loop3A_1194 : vector<16xf32>
      %parallel_loop3A_1196 = arith.index_cast %parallel_loop3A_1135 : i32 to index
      %parallel_loop3A_1197 = arith.constant 80 : index
      %parallel_loop3A_1198 = tpu.vector_load %arg5[%parallel_loop3A_1196, %parallel_loop3A_1197] {strides = array<i32>} : memref<344x128xf32, #tpu.memory_space<vmem>>, vector<1x16xf32>,
      %parallel_loop3A_1199 = vector.shape_cast %parallel_loop3A_1198 : vector<1x16xf32> to vector<16xf32>
      %parallel_loop3A_1200 = arith.constant 1 : i32
      %parallel_loop3A_1201 = arith.addi %parallel_loop3A_1135, %parallel_loop3A_1200 : i32
      %parallel_loop3A_1202 = arith.index_cast %parallel_loop3A_1201 : i32 to index
      %parallel_loop3A_1203 = arith.constant 80 : index
      %parallel_loop3A_1204 = tpu.vector_load %arg5[%parallel_loop3A_1202, %parallel_loop3A_1203] {strides = array<i32>} : memref<344x128xf32, #tpu.memory_space<vmem>>, vector<1x16xf32>,
      %parallel_loop3A_1205 = vector.shape_cast %parallel_loop3A_1204 : vector<1x16xf32> to vector<16xf32>
      %parallel_loop3A_1206 = arith.maximumf %parallel_loop3A_1199, %parallel_loop3A_1205 : vector<16xf32>
      %parallel_loop3A_1207 = arith.maximumf %parallel_loop3A_1109, %parallel_loop3A_1206 : vector<16xf32>
      %parallel_loop3A_1208 = arith.index_cast %parallel_loop3A_1135 : i32 to index
      %parallel_loop3A_1209 = arith.constant 96 : index
      %parallel_loop3A_1210 = tpu.vector_load %arg5[%parallel_loop3A_1208, %parallel_loop3A_1209] {strides = array<i32>} : memref<344x128xf32, #tpu.memory_space<vmem>>, vector<1x16xf32>,
      %parallel_loop3A_1211 = vector.shape_cast %parallel_loop3A_1210 : vector<1x16xf32> to vector<16xf32>
      %parallel_loop3A_1212 = arith.constant 1 : i32
      %parallel_loop3A_1213 = arith.addi %parallel_loop3A_1135, %parallel_loop3A_1212 : i32
      %parallel_loop3A_1214 = arith.index_cast %parallel_loop3A_1213 : i32 to index
      %parallel_loop3A_1215 = arith.constant 96 : index
      %parallel_loop3A_1216 = tpu.vector_load %arg5[%parallel_loop3A_1214, %parallel_loop3A_1215] {strides = array<i32>} : memref<344x128xf32, #tpu.memory_space<vmem>>, vector<1x16xf32>,
      %parallel_loop3A_1217 = vector.shape_cast %parallel_loop3A_1216 : vector<1x16xf32> to vector<16xf32>
      %parallel_loop3A_1218 = arith.maximumf %parallel_loop3A_1211, %parallel_loop3A_1217 : vector<16xf32>
      %parallel_loop3A_1219 = arith.maximumf %parallel_loop3A_1110, %parallel_loop3A_1218 : vector<16xf32>
      %parallel_loop3A_1220 = arith.index_cast %parallel_loop3A_1135 : i32 to index
      %parallel_loop3A_1221 = arith.constant 112 : index
      %parallel_loop3A_1222 = tpu.vector_load %arg5[%parallel_loop3A_1220, %parallel_loop3A_1221] {strides = array<i32>} : memref<344x128xf32, #tpu.memory_space<vmem>>, vector<1x16xf32>,
      %parallel_loop3A_1223 = vector.shape_cast %parallel_loop3A_1222 : vector<1x16xf32> to vector<16xf32>
      %parallel_loop3A_1224 = arith.constant 1 : i32
      %parallel_loop3A_1225 = arith.addi %parallel_loop3A_1135, %parallel_loop3A_1224 : i32
      %parallel_loop3A_1226 = arith.index_cast %parallel_loop3A_1225 : i32 to index
      %parallel_loop3A_1227 = arith.constant 112 : index
      %parallel_loop3A_1228 = tpu.vector_load %arg5[%parallel_loop3A_1226, %parallel_loop3A_1227] {strides = array<i32>} : memref<344x128xf32, #tpu.memory_space<vmem>>, vector<1x16xf32>,
      %parallel_loop3A_1229 = vector.shape_cast %parallel_loop3A_1228 : vector<1x16xf32> to vector<16xf32>
      %parallel_loop3A_1230 = arith.maximumf %parallel_loop3A_1223, %parallel_loop3A_1229 : vector<16xf32>
      %parallel_loop3A_1231 = arith.maximumf %parallel_loop3A_1111, %parallel_loop3A_1230 : vector<16xf32>
      scf.yield %parallel_loop3A_1147, %parallel_loop3A_1159, %parallel_loop3A_1171, %parallel_loop3A_1183, %parallel_loop3A_1195, %parallel_loop3A_1207, %parallel_loop3A_1219, %parallel_loop3A_1231 : vector<16xf32>, vector<16xf32>, vector<16xf32>, vector<16xf32>, vector<16xf32>, vector<16xf32>, vector<16xf32>, vector<16xf32>
    } {sc.loop_unroll_factor = 1 : i64, sc.parallel_access}
    %sub3A_451 = arith.subf %get3A_402, %parallel_loop3A_450#0 : vector<16xf32>
    %exp3A = math.exp %sub3A_451 : vector<16xf32>
    %mul3A_452 = arith.mulf %get3A_426, %exp3A : vector<16xf32>
    %sub3A_453 = arith.subf %get3A_405, %parallel_loop3A_450#1 : vector<16xf32>
    %exp3A_454 = math.exp %sub3A_453 : vector<16xf32>
    %mul3A_455 = arith.mulf %get3A_429, %exp3A_454 : vector<16xf32>
    %sub3A_456 = arith.subf %get3A_408, %parallel_loop3A_450#2 : vector<16xf32>
    %exp3A_457 = math.exp %sub3A_456 : vector<16xf32>
    %mul3A_458 = arith.mulf %get3A_432, %exp3A_457 : vector<16xf32>
    %sub3A_459 = arith.subf %get3A_411, %parallel_loop3A_450#3 : vector<16xf32>
    %exp3A_460 = math.exp %sub3A_459 : vector<16xf32>
    %mul3A_461 = arith.mulf %get3A_435, %exp3A_460 : vector<16xf32>
    %sub3A_462 = arith.subf %get3A_414, %parallel_loop3A_450#4 : vector<16xf32>
    %exp3A_463 = math.exp %sub3A_462 : vector<16xf32>
    %mul3A_464 = arith.mulf %get3A_438, %exp3A_463 : vector<16xf32>
    %sub3A_465 = arith.subf %get3A_417, %parallel_loop3A_450#5 : vector<16xf32>
    %exp3A_466 = math.exp %sub3A_465 : vector<16xf32>
    %mul3A_467 = arith.mulf %get3A_441, %exp3A_466 : vector<16xf32>
    %sub3A_468 = arith.subf %get3A_420, %parallel_loop3A_450#6 : vector<16xf32>
    %exp3A_469 = math.exp %sub3A_468 : vector<16xf32>
    %mul3A_470 = arith.mulf %get3A_444, %exp3A_469 : vector<16xf32>
    %sub3A_471 = arith.subf %get3A_423, %parallel_loop3A_450#7 : vector<16xf32>
    %exp3A_472 = math.exp %sub3A_471 : vector<16xf32>
    %mul3A_473 = arith.mulf %get3A_447, %exp3A_472 : vector<16xf32>
    %parallel_loop3A_474 = arith.constant 0 : i32
    %parallel_loop3A_475 = arith.constant 2752 : i32
    %parallel_loop3A_476 = arith.constant 16 : i32
    %parallel_loop3A_477:8 = scf.for %parallel_loop3A_1103 = %parallel_loop3A_474 to %parallel_loop3A_475 step %parallel_loop3A_476 iter_args(%parallel_loop3A_1104 = %mul3A_452, %parallel_loop3A_1105 = %mul3A_455, %parallel_loop3A_1106 = %mul3A_458, %parallel_loop3A_1107 = %mul3A_461, %parallel_loop3A_1108 = %mul3A_464, %parallel_loop3A_1109 = %mul3A_467, %parallel_loop3A_1110 = %mul3A_470, %parallel_loop3A_1111 = %mul3A_473) -> (vector<16xf32>, vector<16xf32>, vector<16xf32>, vector<16xf32>, vector<16xf32>, vector<16xf32>, vector<16xf32>, vector<16xf32>)  : i32 {
      %parallel_loop3A_1112 = arith.constant 8 : i32
      %parallel_loop3A_1113 = arith.divsi %parallel_loop3A_1103, %parallel_loop3A_1112 : i32
      %parallel_loop3A_1114 = arith.constant 0 : i32
      %parallel_loop3A_1115 = arith.cmpi sgt, %parallel_loop3A_1103, %parallel_loop3A_1114 : i32
      %parallel_loop3A_1116 = arith.extui %parallel_loop3A_1115 : i1 to i32
      %parallel_loop3A_1117 = arith.constant 0 : i32
      %parallel_loop3A_1118 = arith.cmpi slt, %parallel_loop3A_1103, %parallel_loop3A_1117 : i32
      %parallel_loop3A_1119 = arith.extui %parallel_loop3A_1118 : i1 to i32
      %parallel_loop3A_1120 = arith.subi %parallel_loop3A_1116, %parallel_loop3A_1119 : i32
      %parallel_loop3A_1121 = arith.constant 0 : i32
      %parallel_loop3A_1122 = arith.cmpi sgt, %parallel_loop3A_1112, %parallel_loop3A_1121 : i32
      %parallel_loop3A_1123 = arith.extui %parallel_loop3A_1122 : i1 to i32
      %parallel_loop3A_1124 = arith.constant 0 : i32
      %parallel_loop3A_1125 = arith.cmpi slt, %parallel_loop3A_1112, %parallel_loop3A_1124 : i32
      %parallel_loop3A_1126 = arith.extui %parallel_loop3A_1125 : i1 to i32
      %parallel_loop3A_1127 = arith.subi %parallel_loop3A_1123, %parallel_loop3A_1126 : i32
      %parallel_loop3A_1128 = arith.cmpi ne, %parallel_loop3A_1120, %parallel_loop3A_1127 : i32
      %parallel_loop3A_1129 = arith.remsi %parallel_loop3A_1103, %parallel_loop3A_1112 : i32
      %parallel_loop3A_1130 = arith.constant 0 : i32
      %parallel_loop3A_1131 = arith.cmpi ne, %parallel_loop3A_1129, %parallel_loop3A_1130 : i32
      %parallel_loop3A_1132 = arith.andi %parallel_loop3A_1128, %parallel_loop3A_1131 : i1
      %parallel_loop3A_1133 = arith.constant 1 : i32
      %parallel_loop3A_1134 = arith.subi %parallel_loop3A_1113, %parallel_loop3A_1133 : i32
      %parallel_loop3A_1135 = arith.select %parallel_loop3A_1132, %parallel_loop3A_1134, %parallel_loop3A_1113 : i32
      %parallel_loop3A_1136 = arith.constant 0 : i32
      %parallel_loop3A_1137 = arith.addi %parallel_loop3A_1135, %parallel_loop3A_1136 : i32
      %parallel_loop3A_1138 = arith.index_cast %parallel_loop3A_1137 : i32 to index
      %parallel_loop3A_1139 = arith.constant 0 : index
      %parallel_loop3A_1140 = tpu.vector_load %arg5[%parallel_loop3A_1138, %parallel_loop3A_1139] {strides = array<i32>} : memref<344x128xf32, #tpu.memory_space<vmem>>, vector<1x16xf32>,
      %parallel_loop3A_1141 = vector.shape_cast %parallel_loop3A_1140 : vector<1x16xf32> to vector<16xf32>
      %parallel_loop3A_1142 = arith.subf %parallel_loop3A_1141, %parallel_loop3A_450#0 : vector<16xf32>
      %parallel_loop3A_1143 = math.exp %parallel_loop3A_1142 : vector<16xf32>
      %parallel_loop3A_1144 = arith.constant 1 : i32
      %parallel_loop3A_1145 = arith.addi %parallel_loop3A_1135, %parallel_loop3A_1144 : i32
      %parallel_loop3A_1146 = arith.index_cast %parallel_loop3A_1145 : i32 to index
      %parallel_loop3A_1147 = arith.constant 0 : index
      %parallel_loop3A_1148 = tpu.vector_load %arg5[%parallel_loop3A_1146, %parallel_loop3A_1147] {strides = array<i32>} : memref<344x128xf32, #tpu.memory_space<vmem>>, vector<1x16xf32>,
      %parallel_loop3A_1149 = vector.shape_cast %parallel_loop3A_1148 : vector<1x16xf32> to vector<16xf32>
      %parallel_loop3A_1150 = arith.subf %parallel_loop3A_1149, %parallel_loop3A_450#0 : vector<16xf32>
      %parallel_loop3A_1151 = math.exp %parallel_loop3A_1150 : vector<16xf32>
      %parallel_loop3A_1152 = arith.addf %parallel_loop3A_1143, %parallel_loop3A_1151 : vector<16xf32>
      %parallel_loop3A_1153 = arith.addf %parallel_loop3A_1104, %parallel_loop3A_1152 : vector<16xf32>
      %parallel_loop3A_1154 = arith.constant 0 : i32
      %parallel_loop3A_1155 = arith.addi %parallel_loop3A_1135, %parallel_loop3A_1154 : i32
      %parallel_loop3A_1156 = arith.index_cast %parallel_loop3A_1155 : i32 to index
      %parallel_loop3A_1157 = arith.constant 16 : index
      %parallel_loop3A_1158 = tpu.vector_load %arg5[%parallel_loop3A_1156, %parallel_loop3A_1157] {strides = array<i32>} : memref<344x128xf32, #tpu.memory_space<vmem>>, vector<1x16xf32>,
      %parallel_loop3A_1159 = vector.shape_cast %parallel_loop3A_1158 : vector<1x16xf32> to vector<16xf32>
      %parallel_loop3A_1160 = arith.subf %parallel_loop3A_1159, %parallel_loop3A_450#1 : vector<16xf32>
      %parallel_loop3A_1161 = math.exp %parallel_loop3A_1160 : vector<16xf32>
      %parallel_loop3A_1162 = arith.constant 1 : i32
      %parallel_loop3A_1163 = arith.addi %parallel_loop3A_1135, %parallel_loop3A_1162 : i32
      %parallel_loop3A_1164 = arith.index_cast %parallel_loop3A_1163 : i32 to index
      %parallel_loop3A_1165 = arith.constant 16 : index
      %parallel_loop3A_1166 = tpu.vector_load %arg5[%parallel_loop3A_1164, %parallel_loop3A_1165] {strides = array<i32>} : memref<344x128xf32, #tpu.memory_space<vmem>>, vector<1x16xf32>,
      %parallel_loop3A_1167 = vector.shape_cast %parallel_loop3A_1166 : vector<1x16xf32> to vector<16xf32>
      %parallel_loop3A_1168 = arith.subf %parallel_loop3A_1167, %parallel_loop3A_450#1 : vector<16xf32>
      %parallel_loop3A_1169 = math.exp %parallel_loop3A_1168 : vector<16xf32>
      %parallel_loop3A_1170 = arith.addf %parallel_loop3A_1161, %parallel_loop3A_1169 : vector<16xf32>
      %parallel_loop3A_1171 = arith.addf %parallel_loop3A_1105, %parallel_loop3A_1170 : vector<16xf32>
      %parallel_loop3A_1172 = arith.constant 0 : i32
      %parallel_loop3A_1173 = arith.addi %parallel_loop3A_1135, %parallel_loop3A_1172 : i32
      %parallel_loop3A_1174 = arith.index_cast %parallel_loop3A_1173 : i32 to index
      %parallel_loop3A_1175 = arith.constant 32 : index
      %parallel_loop3A_1176 = tpu.vector_load %arg5[%parallel_loop3A_1174, %parallel_loop3A_1175] {strides = array<i32>} : memref<344x128xf32, #tpu.memory_space<vmem>>, vector<1x16xf32>,
      %parallel_loop3A_1177 = vector.shape_cast %parallel_loop3A_1176 : vector<1x16xf32> to vector<16xf32>
      %parallel_loop3A_1178 = arith.subf %parallel_loop3A_1177, %parallel_loop3A_450#2 : vector<16xf32>
      %parallel_loop3A_1179 = math.exp %parallel_loop3A_1178 : vector<16xf32>
      %parallel_loop3A_1180 = arith.constant 1 : i32
      %parallel_loop3A_1181 = arith.addi %parallel_loop3A_1135, %parallel_loop3A_1180 : i32
      %parallel_loop3A_1182 = arith.index_cast %parallel_loop3A_1181 : i32 to index
      %parallel_loop3A_1183 = arith.constant 32 : index
      %parallel_loop3A_1184 = tpu.vector_load %arg5[%parallel_loop3A_1182, %parallel_loop3A_1183] {strides = array<i32>} : memref<344x128xf32, #tpu.memory_space<vmem>>, vector<1x16xf32>,
      %parallel_loop3A_1185 = vector.shape_cast %parallel_loop3A_1184 : vector<1x16xf32> to vector<16xf32>
      %parallel_loop3A_1186 = arith.subf %parallel_loop3A_1185, %parallel_loop3A_450#2 : vector<16xf32>
      %parallel_loop3A_1187 = math.exp %parallel_loop3A_1186 : vector<16xf32>
      %parallel_loop3A_1188 = arith.addf %parallel_loop3A_1179, %parallel_loop3A_1187 : vector<16xf32>
      %parallel_loop3A_1189 = arith.addf %parallel_loop3A_1106, %parallel_loop3A_1188 : vector<16xf32>
      %parallel_loop3A_1190 = arith.constant 0 : i32
      %parallel_loop3A_1191 = arith.addi %parallel_loop3A_1135, %parallel_loop3A_1190 : i32
      %parallel_loop3A_1192 = arith.index_cast %parallel_loop3A_1191 : i32 to index
      %parallel_loop3A_1193 = arith.constant 48 : index
      %parallel_loop3A_1194 = tpu.vector_load %arg5[%parallel_loop3A_1192, %parallel_loop3A_1193] {strides = array<i32>} : memref<344x128xf32, #tpu.memory_space<vmem>>, vector<1x16xf32>,
      %parallel_loop3A_1195 = vector.shape_cast %parallel_loop3A_1194 : vector<1x16xf32> to vector<16xf32>
      %parallel_loop3A_1196 = arith.subf %parallel_loop3A_1195, %parallel_loop3A_450#3 : vector<16xf32>
      %parallel_loop3A_1197 = math.exp %parallel_loop3A_1196 : vector<16xf32>
      %parallel_loop3A_1198 = arith.constant 1 : i32
      %parallel_loop3A_1199 = arith.addi %parallel_loop3A_1135, %parallel_loop3A_1198 : i32
      %parallel_loop3A_1200 = arith.index_cast %parallel_loop3A_1199 : i32 to index
      %parallel_loop3A_1201 = arith.constant 48 : index
      %parallel_loop3A_1202 = tpu.vector_load %arg5[%parallel_loop3A_1200, %parallel_loop3A_1201] {strides = array<i32>} : memref<344x128xf32, #tpu.memory_space<vmem>>, vector<1x16xf32>,
      %parallel_loop3A_1203 = vector.shape_cast %parallel_loop3A_1202 : vector<1x16xf32> to vector<16xf32>
      %parallel_loop3A_1204 = arith.subf %parallel_loop3A_1203, %parallel_loop3A_450#3 : vector<16xf32>
      %parallel_loop3A_1205 = math.exp %parallel_loop3A_1204 : vector<16xf32>
      %parallel_loop3A_1206 = arith.addf %parallel_loop3A_1197, %parallel_loop3A_1205 : vector<16xf32>
      %parallel_loop3A_1207 = arith.addf %parallel_loop3A_1107, %parallel_loop3A_1206 : vector<16xf32>
      %parallel_loop3A_1208 = arith.constant 0 : i32
      %parallel_loop3A_1209 = arith.addi %parallel_loop3A_1135, %parallel_loop3A_1208 : i32
      %parallel_loop3A_1210 = arith.index_cast %parallel_loop3A_1209 : i32 to index
      %parallel_loop3A_1211 = arith.constant 64 : index
      %parallel_loop3A_1212 = tpu.vector_load %arg5[%parallel_loop3A_1210, %parallel_loop3A_1211] {strides = array<i32>} : memref<344x128xf32, #tpu.memory_space<vmem>>, vector<1x16xf32>,
      %parallel_loop3A_1213 = vector.shape_cast %parallel_loop3A_1212 : vector<1x16xf32> to vector<16xf32>
      %parallel_loop3A_1214 = arith.subf %parallel_loop3A_1213, %parallel_loop3A_450#4 : vector<16xf32>
      %parallel_loop3A_1215 = math.exp %parallel_loop3A_1214 : vector<16xf32>
      %parallel_loop3A_1216 = arith.constant 1 : i32
      %parallel_loop3A_1217 = arith.addi %parallel_loop3A_1135, %parallel_loop3A_1216 : i32
      %parallel_loop3A_1218 = arith.index_cast %parallel_loop3A_1217 : i32 to index
      %parallel_loop3A_1219 = arith.constant 64 : index
      %parallel_loop3A_1220 = tpu.vector_load %arg5[%parallel_loop3A_1218, %parallel_loop3A_1219] {strides = array<i32>} : memref<344x128xf32, #tpu.memory_space<vmem>>, vector<1x16xf32>,
      %parallel_loop3A_1221 = vector.shape_cast %parallel_loop3A_1220 : vector<1x16xf32> to vector<16xf32>
      %parallel_loop3A_1222 = arith.subf %parallel_loop3A_1221, %parallel_loop3A_450#4 : vector<16xf32>
      %parallel_loop3A_1223 = math.exp %parallel_loop3A_1222 : vector<16xf32>
      %parallel_loop3A_1224 = arith.addf %parallel_loop3A_1215, %parallel_loop3A_1223 : vector<16xf32>
      %parallel_loop3A_1225 = arith.addf %parallel_loop3A_1108, %parallel_loop3A_1224 : vector<16xf32>
      %parallel_loop3A_1226 = arith.constant 0 : i32
      %parallel_loop3A_1227 = arith.addi %parallel_loop3A_1135, %parallel_loop3A_1226 : i32
      %parallel_loop3A_1228 = arith.index_cast %parallel_loop3A_1227 : i32 to index
      %parallel_loop3A_1229 = arith.constant 80 : index
      %parallel_loop3A_1230 = tpu.vector_load %arg5[%parallel_loop3A_1228, %parallel_loop3A_1229] {strides = array<i32>} : memref<344x128xf32, #tpu.memory_space<vmem>>, vector<1x16xf32>,
      %parallel_loop3A_1231 = vector.shape_cast %parallel_loop3A_1230 : vector<1x16xf32> to vector<16xf32>
      %parallel_loop3A_1232 = arith.subf %parallel_loop3A_1231, %parallel_loop3A_450#5 : vector<16xf32>
      %parallel_loop3A_1233 = math.exp %parallel_loop3A_1232 : vector<16xf32>
      %parallel_loop3A_1234 = arith.constant 1 : i32
      %parallel_loop3A_1235 = arith.addi %parallel_loop3A_1135, %parallel_loop3A_1234 : i32
      %parallel_loop3A_1236 = arith.index_cast %parallel_loop3A_1235 : i32 to index
      %parallel_loop3A_1237 = arith.constant 80 : index
      %parallel_loop3A_1238 = tpu.vector_load %arg5[%parallel_loop3A_1236, %parallel_loop3A_1237] {strides = array<i32>} : memref<344x128xf32, #tpu.memory_space<vmem>>, vector<1x16xf32>,
      %parallel_loop3A_1239 = vector.shape_cast %parallel_loop3A_1238 : vector<1x16xf32> to vector<16xf32>
      %parallel_loop3A_1240 = arith.subf %parallel_loop3A_1239, %parallel_loop3A_450#5 : vector<16xf32>
      %parallel_loop3A_1241 = math.exp %parallel_loop3A_1240 : vector<16xf32>
      %parallel_loop3A_1242 = arith.addf %parallel_loop3A_1233, %parallel_loop3A_1241 : vector<16xf32>
      %parallel_loop3A_1243 = arith.addf %parallel_loop3A_1109, %parallel_loop3A_1242 : vector<16xf32>
      %parallel_loop3A_1244 = arith.constant 0 : i32
      %parallel_loop3A_1245 = arith.addi %parallel_loop3A_1135, %parallel_loop3A_1244 : i32
      %parallel_loop3A_1246 = arith.index_cast %parallel_loop3A_1245 : i32 to index
      %parallel_loop3A_1247 = arith.constant 96 : index
      %parallel_loop3A_1248 = tpu.vector_load %arg5[%parallel_loop3A_1246, %parallel_loop3A_1247] {strides = array<i32>} : memref<344x128xf32, #tpu.memory_space<vmem>>, vector<1x16xf32>,
      %parallel_loop3A_1249 = vector.shape_cast %parallel_loop3A_1248 : vector<1x16xf32> to vector<16xf32>
      %parallel_loop3A_1250 = arith.subf %parallel_loop3A_1249, %parallel_loop3A_450#6 : vector<16xf32>
      %parallel_loop3A_1251 = math.exp %parallel_loop3A_1250 : vector<16xf32>
      %parallel_loop3A_1252 = arith.constant 1 : i32
      %parallel_loop3A_1253 = arith.addi %parallel_loop3A_1135, %parallel_loop3A_1252 : i32
      %parallel_loop3A_1254 = arith.index_cast %parallel_loop3A_1253 : i32 to index
      %parallel_loop3A_1255 = arith.constant 96 : index
      %parallel_loop3A_1256 = tpu.vector_load %arg5[%parallel_loop3A_1254, %parallel_loop3A_1255] {strides = array<i32>} : memref<344x128xf32, #tpu.memory_space<vmem>>, vector<1x16xf32>,
      %parallel_loop3A_1257 = vector.shape_cast %parallel_loop3A_1256 : vector<1x16xf32> to vector<16xf32>
      %parallel_loop3A_1258 = arith.subf %parallel_loop3A_1257, %parallel_loop3A_450#6 : vector<16xf32>
      %parallel_loop3A_1259 = math.exp %parallel_loop3A_1258 : vector<16xf32>
      %parallel_loop3A_1260 = arith.addf %parallel_loop3A_1251, %parallel_loop3A_1259 : vector<16xf32>
      %parallel_loop3A_1261 = arith.addf %parallel_loop3A_1110, %parallel_loop3A_1260 : vector<16xf32>
      %parallel_loop3A_1262 = arith.constant 0 : i32
      %parallel_loop3A_1263 = arith.addi %parallel_loop3A_1135, %parallel_loop3A_1262 : i32
      %parallel_loop3A_1264 = arith.index_cast %parallel_loop3A_1263 : i32 to index
      %parallel_loop3A_1265 = arith.constant 112 : index
      %parallel_loop3A_1266 = tpu.vector_load %arg5[%parallel_loop3A_1264, %parallel_loop3A_1265] {strides = array<i32>} : memref<344x128xf32, #tpu.memory_space<vmem>>, vector<1x16xf32>,
      %parallel_loop3A_1267 = vector.shape_cast %parallel_loop3A_1266 : vector<1x16xf32> to vector<16xf32>
      %parallel_loop3A_1268 = arith.subf %parallel_loop3A_1267, %parallel_loop3A_450#7 : vector<16xf32>
      %parallel_loop3A_1269 = math.exp %parallel_loop3A_1268 : vector<16xf32>
      %parallel_loop3A_1270 = arith.constant 1 : i32
      %parallel_loop3A_1271 = arith.addi %parallel_loop3A_1135, %parallel_loop3A_1270 : i32
      %parallel_loop3A_1272 = arith.index_cast %parallel_loop3A_1271 : i32 to index
      %parallel_loop3A_1273 = arith.constant 112 : index
      %parallel_loop3A_1274 = tpu.vector_load %arg5[%parallel_loop3A_1272, %parallel_loop3A_1273] {strides = array<i32>} : memref<344x128xf32, #tpu.memory_space<vmem>>, vector<1x16xf32>,
      %parallel_loop3A_1275 = vector.shape_cast %parallel_loop3A_1274 : vector<1x16xf32> to vector<16xf32>
      %parallel_loop3A_1276 = arith.subf %parallel_loop3A_1275, %parallel_loop3A_450#7 : vector<16xf32>
      %parallel_loop3A_1277 = math.exp %parallel_loop3A_1276 : vector<16xf32>
      %parallel_loop3A_1278 = arith.addf %parallel_loop3A_1269, %parallel_loop3A_1277 : vector<16xf32>
      %parallel_loop3A_1279 = arith.addf %parallel_loop3A_1111, %parallel_loop3A_1278 : vector<16xf32>
      scf.yield %parallel_loop3A_1153, %parallel_loop3A_1171, %parallel_loop3A_1189, %parallel_loop3A_1207, %parallel_loop3A_1225, %parallel_loop3A_1243, %parallel_loop3A_1261, %parallel_loop3A_1279 : vector<16xf32>, vector<16xf32>, vector<16xf32>, vector<16xf32>, vector<16xf32>, vector<16xf32>, vector<16xf32>, vector<16xf32>
    } {sc.loop_unroll_factor = 1 : i64, sc.parallel_access}
    %swap3A_478 = arith.constant 0 : index
    %swap3A_479 = tpu.vector_load %arg9[%swap3A_478] {strides = array<i32>} : memref<272xf32, #tpu.memory_space<vmem>>, vector<16xf32>,
    %swap3A_480 = vector.shape_cast %swap3A_479 : vector<16xf32> to vector<16xf32>
    %swap3A_481 = vector.shape_cast %parallel_loop3A_450#0 : vector<16xf32> to vector<16xf32>
    tpu.vector_store %arg9[%swap3A_478], %swap3A_481 {strides = array<i32>} : memref<272xf32, #tpu.memory_space<vmem>>, vector<16xf32>,
    %swap3A_482 = arith.constant 128 : index
    %swap3A_483 = tpu.vector_load %arg9[%swap3A_482] {strides = array<i32>} : memref<272xf32, #tpu.memory_space<vmem>>, vector<16xf32>,
    %swap3A_484 = vector.shape_cast %swap3A_483 : vector<16xf32> to vector<16xf32>
    %swap3A_485 = vector.shape_cast %parallel_loop3A_477#0 : vector<16xf32> to vector<16xf32>
    tpu.vector_store %arg9[%swap3A_482], %swap3A_485 {strides = array<i32>} : memref<272xf32, #tpu.memory_space<vmem>>, vector<16xf32>,
    %swap3A_486 = arith.constant 16 : index
    %swap3A_487 = tpu.vector_load %arg9[%swap3A_486] {strides = array<i32>} : memref<272xf32, #tpu.memory_space<vmem>>, vector<16xf32>,
    %swap3A_488 = vector.shape_cast %swap3A_487 : vector<16xf32> to vector<16xf32>
    %swap3A_489 = vector.shape_cast %parallel_loop3A_450#1 : vector<16xf32> to vector<16xf32>
    tpu.vector_store %arg9[%swap3A_486], %swap3A_489 {strides = array<i32>} : memref<272xf32, #tpu.memory_space<vmem>>, vector<16xf32>,
    %swap3A_490 = arith.constant 144 : index
    %swap3A_491 = tpu.vector_load %arg9[%swap3A_490] {strides = array<i32>} : memref<272xf32, #tpu.memory_space<vmem>>, vector<16xf32>,
    %swap3A_492 = vector.shape_cast %swap3A_491 : vector<16xf32> to vector<16xf32>
    %swap3A_493 = vector.shape_cast %parallel_loop3A_477#1 : vector<16xf32> to vector<16xf32>
    tpu.vector_store %arg9[%swap3A_490], %swap3A_493 {strides = array<i32>} : memref<272xf32, #tpu.memory_space<vmem>>, vector<16xf32>,
    %swap3A_494 = arith.constant 32 : index
    %swap3A_495 = tpu.vector_load %arg9[%swap3A_494] {strides = array<i32>} : memref<272xf32, #tpu.memory_space<vmem>>, vector<16xf32>,
    %swap3A_496 = vector.shape_cast %swap3A_495 : vector<16xf32> to vector<16xf32>
    %swap3A_497 = vector.shape_cast %parallel_loop3A_450#2 : vector<16xf32> to vector<16xf32>
    tpu.vector_store %arg9[%swap3A_494], %swap3A_497 {strides = array<i32>} : memref<272xf32, #tpu.memory_space<vmem>>, vector<16xf32>,
    %swap3A_498 = arith.constant 160 : index
    %swap3A_499 = tpu.vector_load %arg9[%swap3A_498] {strides = array<i32>} : memref<272xf32, #tpu.memory_space<vmem>>, vector<16xf32>,
    %swap3A_500 = vector.shape_cast %swap3A_499 : vector<16xf32> to vector<16xf32>
    %swap3A_501 = vector.shape_cast %parallel_loop3A_477#2 : vector<16xf32> to vector<16xf32>
    tpu.vector_store %arg9[%swap3A_498], %swap3A_501 {strides = array<i32>} : memref<272xf32, #tpu.memory_space<vmem>>, vector<16xf32>,
    %swap3A_502 = arith.constant 48 : index
    %swap3A_503 = tpu.vector_load %arg9[%swap3A_502] {strides = array<i32>} : memref<272xf32, #tpu.memory_space<vmem>>, vector<16xf32>,
    %swap3A_504 = vector.shape_cast %swap3A_503 : vector<16xf32> to vector<16xf32>
    %swap3A_505 = vector.shape_cast %parallel_loop3A_450#3 : vector<16xf32> to vector<16xf32>
    tpu.vector_store %arg9[%swap3A_502], %swap3A_505 {strides = array<i32>} : memref<272xf32, #tpu.memory_space<vmem>>, vector<16xf32>,
    %swap3A_506 = arith.constant 176 : index
    %swap3A_507 = tpu.vector_load %arg9[%swap3A_506] {strides = array<i32>} : memref<272xf32, #tpu.memory_space<vmem>>, vector<16xf32>,
    %swap3A_508 = vector.shape_cast %swap3A_507 : vector<16xf32> to vector<16xf32>
    %swap3A_509 = vector.shape_cast %parallel_loop3A_477#3 : vector<16xf32> to vector<16xf32>
    tpu.vector_store %arg9[%swap3A_506], %swap3A_509 {strides = array<i32>} : memref<272xf32, #tpu.memory_space<vmem>>, vector<16xf32>,
    %swap3A_510 = arith.constant 64 : index
    %swap3A_511 = tpu.vector_load %arg9[%swap3A_510] {strides = array<i32>} : memref<272xf32, #tpu.memory_space<vmem>>, vector<16xf32>,
    %swap3A_512 = vector.shape_cast %swap3A_511 : vector<16xf32> to vector<16xf32>
    %swap3A_513 = vector.shape_cast %parallel_loop3A_450#4 : vector<16xf32> to vector<16xf32>
    tpu.vector_store %arg9[%swap3A_510], %swap3A_513 {strides = array<i32>} : memref<272xf32, #tpu.memory_space<vmem>>, vector<16xf32>,
    %swap3A_514 = arith.constant 192 : index
    %swap3A_515 = tpu.vector_load %arg9[%swap3A_514] {strides = array<i32>} : memref<272xf32, #tpu.memory_space<vmem>>, vector<16xf32>,
    %swap3A_516 = vector.shape_cast %swap3A_515 : vector<16xf32> to vector<16xf32>
    %swap3A_517 = vector.shape_cast %parallel_loop3A_477#4 : vector<16xf32> to vector<16xf32>
    tpu.vector_store %arg9[%swap3A_514], %swap3A_517 {strides = array<i32>} : memref<272xf32, #tpu.memory_space<vmem>>, vector<16xf32>,
    %swap3A_518 = arith.constant 80 : index
    %swap3A_519 = tpu.vector_load %arg9[%swap3A_518] {strides = array<i32>} : memref<272xf32, #tpu.memory_space<vmem>>, vector<16xf32>,
    %swap3A_520 = vector.shape_cast %swap3A_519 : vector<16xf32> to vector<16xf32>
    %swap3A_521 = vector.shape_cast %parallel_loop3A_450#5 : vector<16xf32> to vector<16xf32>
    tpu.vector_store %arg9[%swap3A_518], %swap3A_521 {strides = array<i32>} : memref<272xf32, #tpu.memory_space<vmem>>, vector<16xf32>,
    %swap3A_522 = arith.constant 208 : index
    %swap3A_523 = tpu.vector_load %arg9[%swap3A_522] {strides = array<i32>} : memref<272xf32, #tpu.memory_space<vmem>>, vector<16xf32>,
    %swap3A_524 = vector.shape_cast %swap3A_523 : vector<16xf32> to vector<16xf32>
    %swap3A_525 = vector.shape_cast %parallel_loop3A_477#5 : vector<16xf32> to vector<16xf32>
    tpu.vector_store %arg9[%swap3A_522], %swap3A_525 {strides = array<i32>} : memref<272xf32, #tpu.memory_space<vmem>>, vector<16xf32>,
    %swap3A_526 = arith.constant 96 : index
    %swap3A_527 = tpu.vector_load %arg9[%swap3A_526] {strides = array<i32>} : memref<272xf32, #tpu.memory_space<vmem>>, vector<16xf32>,
    %swap3A_528 = vector.shape_cast %swap3A_527 : vector<16xf32> to vector<16xf32>
    %swap3A_529 = vector.shape_cast %parallel_loop3A_450#6 : vector<16xf32> to vector<16xf32>
    tpu.vector_store %arg9[%swap3A_526], %swap3A_529 {strides = array<i32>} : memref<272xf32, #tpu.memory_space<vmem>>, vector<16xf32>,
    %swap3A_530 = arith.constant 224 : index
    %swap3A_531 = tpu.vector_load %arg9[%swap3A_530] {strides = array<i32>} : memref<272xf32, #tpu.memory_space<vmem>>, vector<16xf32>,
    %swap3A_532 = vector.shape_cast %swap3A_531 : vector<16xf32> to vector<16xf32>
    %swap3A_533 = vector.shape_cast %parallel_loop3A_477#6 : vector<16xf32> to vector<16xf32>
    tpu.vector_store %arg9[%swap3A_530], %swap3A_533 {strides = array<i32>} : memref<272xf32, #tpu.memory_space<vmem>>, vector<16xf32>,
    %swap3A_534 = arith.constant 112 : index
    %swap3A_535 = tpu.vector_load %arg9[%swap3A_534] {strides = array<i32>} : memref<272xf32, #tpu.memory_space<vmem>>, vector<16xf32>,
    %swap3A_536 = vector.shape_cast %swap3A_535 : vector<16xf32> to vector<16xf32>
    %swap3A_537 = vector.shape_cast %parallel_loop3A_450#7 : vector<16xf32> to vector<16xf32>
    tpu.vector_store %arg9[%swap3A_534], %swap3A_537 {strides = array<i32>} : memref<272xf32, #tpu.memory_space<vmem>>, vector<16xf32>,
    %swap3A_538 = arith.constant 240 : index
    %swap3A_539 = tpu.vector_load %arg9[%swap3A_538] {strides = array<i32>} : memref<272xf32, #tpu.memory_space<vmem>>, vector<16xf32>,
    %swap3A_540 = vector.shape_cast %swap3A_539 : vector<16xf32> to vector<16xf32>
    %swap3A_541 = vector.shape_cast %parallel_loop3A_477#7 : vector<16xf32> to vector<16xf32>
    tpu.vector_store %arg9[%swap3A_538], %swap3A_541 {strides = array<i32>} : memref<272xf32, #tpu.memory_space<vmem>>, vector<16xf32>,
    %dma_wait3A_542 = arith.constant 0 : i32
    %dma_wait3A_543 = arith.constant 0 : i32
    %dma_wait3A_544 = tpu.memref_slice %arg7[%dma_wait3A_542, %dma_wait3A_543] : memref<32x128xf32, #tpu.memory_space<vmem>> -> memref<16x128xf32, #tpu.memory_space<vmem>>
    %dma_wait3A_545 = arith.constant 0 : i32
    %dma_wait3A_546 = arith.constant 0 : i32
    %dma_wait3A_547 = tpu.memref_slice %arg2[%dma_wait3A_545, %dma_wait3A_546] : memref<100000x128xf32, #tpu.memory_space<hbm>> -> memref<16x128xf32, #tpu.memory_space<hbm>>
    %dma_wait3A_548 = arith.constant 0 : i32
    %dma_wait3A_549 = arith.constant 0 : i32
    %dma_wait3A_550 = tpu.memref_slice %arg7[%dma_wait3A_548, %dma_wait3A_549] : memref<32x128xf32, #tpu.memory_space<vmem>> -> memref<16x128xf32, #tpu.memory_space<vmem>>
    %dma_wait3A_551 = arith.constant 0 : i32
    %dma_wait3A_552 = arith.constant 0 : i32
    %dma_wait3A_553 = tpu.memref_slice %arg2[%dma_wait3A_551, %dma_wait3A_552] : memref<100000x128xf32, #tpu.memory_space<hbm>> -> memref<16x128xf32, #tpu.memory_space<hbm>>
    tpu.wait_dma2 semaphore(%arg16 : memref<!tpu.dma_semaphore, #tpu.memory_space<semaphore_mem>>) src(%dma_wait3A_553 : memref<16x128xf32, #tpu.memory_space<hbm>>) dst(%dma_wait3A_550 : memref<16x128xf32, #tpu.memory_space<vmem>>)
    %dma_wait3A_554 = arith.constant 16 : i32
    %dma_wait3A_555 = arith.constant 0 : i32
    %dma_wait3A_556 = tpu.memref_slice %arg7[%dma_wait3A_554, %dma_wait3A_555] : memref<32x128xf32, #tpu.memory_space<vmem>> -> memref<16x128xf32, #tpu.memory_space<vmem>>
    %dma_wait3A_557 = arith.constant 0 : i32
    %dma_wait3A_558 = arith.constant 0 : i32
    %dma_wait3A_559 = tpu.memref_slice %arg2[%dma_wait3A_557, %dma_wait3A_558] : memref<100000x128xf32, #tpu.memory_space<hbm>> -> memref<16x128xf32, #tpu.memory_space<hbm>>
    %dma_wait3A_560 = arith.constant 16 : i32
    %dma_wait3A_561 = arith.constant 0 : i32
    %dma_wait3A_562 = tpu.memref_slice %arg7[%dma_wait3A_560, %dma_wait3A_561] : memref<32x128xf32, #tpu.memory_space<vmem>> -> memref<16x128xf32, #tpu.memory_space<vmem>>
    %dma_wait3A_563 = arith.constant 0 : i32
    %dma_wait3A_564 = arith.constant 0 : i32
    %dma_wait3A_565 = tpu.memref_slice %arg2[%dma_wait3A_563, %dma_wait3A_564] : memref<100000x128xf32, #tpu.memory_space<hbm>> -> memref<16x128xf32, #tpu.memory_space<hbm>>
    tpu.wait_dma2 semaphore(%arg16 : memref<!tpu.dma_semaphore, #tpu.memory_space<semaphore_mem>>) src(%dma_wait3A_565 : memref<16x128xf32, #tpu.memory_space<hbm>>) dst(%dma_wait3A_562 : memref<16x128xf32, #tpu.memory_space<vmem>>)
    %get3A_566 = arith.constant 0 : index
    %get3A_567 = tpu.vector_load %arg9[%get3A_566] {strides = array<i32>} : memref<272xf32, #tpu.memory_space<vmem>>, vector<16xf32>,
    %get3A_568 = vector.shape_cast %get3A_567 : vector<16xf32> to vector<16xf32>
    %get3A_569 = arith.constant 16 : index
    %get3A_570 = tpu.vector_load %arg9[%get3A_569] {strides = array<i32>} : memref<272xf32, #tpu.memory_space<vmem>>, vector<16xf32>,
    %get3A_571 = vector.shape_cast %get3A_570 : vector<16xf32> to vector<16xf32>
    %get3A_572 = arith.constant 32 : index
    %get3A_573 = tpu.vector_load %arg9[%get3A_572] {strides = array<i32>} : memref<272xf32, #tpu.memory_space<vmem>>, vector<16xf32>,
    %get3A_574 = vector.shape_cast %get3A_573 : vector<16xf32> to vector<16xf32>
    %get3A_575 = arith.constant 48 : index
    %get3A_576 = tpu.vector_load %arg9[%get3A_575] {strides = array<i32>} : memref<272xf32, #tpu.memory_space<vmem>>, vector<16xf32>,
    %get3A_577 = vector.shape_cast %get3A_576 : vector<16xf32> to vector<16xf32>
    %get3A_578 = arith.constant 64 : index
    %get3A_579 = tpu.vector_load %arg9[%get3A_578] {strides = array<i32>} : memref<272xf32, #tpu.memory_space<vmem>>, vector<16xf32>,
    %get3A_580 = vector.shape_cast %get3A_579 : vector<16xf32> to vector<16xf32>
    %get3A_581 = arith.constant 80 : index
    %get3A_582 = tpu.vector_load %arg9[%get3A_581] {strides = array<i32>} : memref<272xf32, #tpu.memory_space<vmem>>, vector<16xf32>,
    %get3A_583 = vector.shape_cast %get3A_582 : vector<16xf32> to vector<16xf32>
    %get3A_584 = arith.constant 96 : index
    %get3A_585 = tpu.vector_load %arg9[%get3A_584] {strides = array<i32>} : memref<272xf32, #tpu.memory_space<vmem>>, vector<16xf32>,
    %get3A_586 = vector.shape_cast %get3A_585 : vector<16xf32> to vector<16xf32>
    %get3A_587 = arith.constant 112 : index
    %get3A_588 = tpu.vector_load %arg9[%get3A_587] {strides = array<i32>} : memref<272xf32, #tpu.memory_space<vmem>>, vector<16xf32>,
    %get3A_589 = vector.shape_cast %get3A_588 : vector<16xf32> to vector<16xf32>
    %get3A_590 = arith.constant 128 : index
    %get3A_591 = tpu.vector_load %arg9[%get3A_590] {strides = array<i32>} : memref<272xf32, #tpu.memory_space<vmem>>, vector<16xf32>,
    %get3A_592 = vector.shape_cast %get3A_591 : vector<16xf32> to vector<16xf32>
    %get3A_593 = arith.constant 144 : index
    %get3A_594 = tpu.vector_load %arg9[%get3A_593] {strides = array<i32>} : memref<272xf32, #tpu.memory_space<vmem>>, vector<16xf32>,
    %get3A_595 = vector.shape_cast %get3A_594 : vector<16xf32> to vector<16xf32>
    %get3A_596 = arith.constant 160 : index
    %get3A_597 = tpu.vector_load %arg9[%get3A_596] {strides = array<i32>} : memref<272xf32, #tpu.memory_space<vmem>>, vector<16xf32>,
    %get3A_598 = vector.shape_cast %get3A_597 : vector<16xf32> to vector<16xf32>
    %get3A_599 = arith.constant 176 : index
    %get3A_600 = tpu.vector_load %arg9[%get3A_599] {strides = array<i32>} : memref<272xf32, #tpu.memory_space<vmem>>, vector<16xf32>,
    %get3A_601 = vector.shape_cast %get3A_600 : vector<16xf32> to vector<16xf32>
    %get3A_602 = arith.constant 192 : index
    %get3A_603 = tpu.vector_load %arg9[%get3A_602] {strides = array<i32>} : memref<272xf32, #tpu.memory_space<vmem>>, vector<16xf32>,
    %get3A_604 = vector.shape_cast %get3A_603 : vector<16xf32> to vector<16xf32>
    %get3A_605 = arith.constant 208 : index
    %get3A_606 = tpu.vector_load %arg9[%get3A_605] {strides = array<i32>} : memref<272xf32, #tpu.memory_space<vmem>>, vector<16xf32>,
    %get3A_607 = vector.shape_cast %get3A_606 : vector<16xf32> to vector<16xf32>
    %get3A_608 = arith.constant 224 : index
    %get3A_609 = tpu.vector_load %arg9[%get3A_608] {strides = array<i32>} : memref<272xf32, #tpu.memory_space<vmem>>, vector<16xf32>,
    %get3A_610 = vector.shape_cast %get3A_609 : vector<16xf32> to vector<16xf32>
    %get3A_611 = arith.constant 240 : index
    %get3A_612 = tpu.vector_load %arg9[%get3A_611] {strides = array<i32>} : memref<272xf32, #tpu.memory_space<vmem>>, vector<16xf32>,
    %get3A_613 = vector.shape_cast %get3A_612 : vector<16xf32> to vector<16xf32>
    %parallel_loop3A_614 = arith.constant 16 : i32
    %parallel_loop3A_615:8 = scf.for %parallel_loop3A_1103 = %mul3A_299 to %add3A_304 step %parallel_loop3A_614 iter_args(%parallel_loop3A_1104 = %get3A_568, %parallel_loop3A_1105 = %get3A_571, %parallel_loop3A_1106 = %get3A_574, %parallel_loop3A_1107 = %get3A_577, %parallel_loop3A_1108 = %get3A_580, %parallel_loop3A_1109 = %get3A_583, %parallel_loop3A_1110 = %get3A_586, %parallel_loop3A_1111 = %get3A_589) -> (vector<16xf32>, vector<16xf32>, vector<16xf32>, vector<16xf32>, vector<16xf32>, vector<16xf32>, vector<16xf32>, vector<16xf32>)  : i32 {
      %parallel_loop3A_1112 = arith.constant 8 : i32
      %parallel_loop3A_1113 = arith.divsi %parallel_loop3A_1103, %parallel_loop3A_1112 : i32
      %parallel_loop3A_1114 = arith.constant 0 : i32
      %parallel_loop3A_1115 = arith.cmpi sgt, %parallel_loop3A_1103, %parallel_loop3A_1114 : i32
      %parallel_loop3A_1116 = arith.extui %parallel_loop3A_1115 : i1 to i32
      %parallel_loop3A_1117 = arith.constant 0 : i32
      %parallel_loop3A_1118 = arith.cmpi slt, %parallel_loop3A_1103, %parallel_loop3A_1117 : i32
      %parallel_loop3A_1119 = arith.extui %parallel_loop3A_1118 : i1 to i32
      %parallel_loop3A_1120 = arith.subi %parallel_loop3A_1116, %parallel_loop3A_1119 : i32
      %parallel_loop3A_1121 = arith.constant 0 : i32
      %parallel_loop3A_1122 = arith.cmpi sgt, %parallel_loop3A_1112, %parallel_loop3A_1121 : i32
      %parallel_loop3A_1123 = arith.extui %parallel_loop3A_1122 : i1 to i32
      %parallel_loop3A_1124 = arith.constant 0 : i32
      %parallel_loop3A_1125 = arith.cmpi slt, %parallel_loop3A_1112, %parallel_loop3A_1124 : i32
      %parallel_loop3A_1126 = arith.extui %parallel_loop3A_1125 : i1 to i32
      %parallel_loop3A_1127 = arith.subi %parallel_loop3A_1123, %parallel_loop3A_1126 : i32
      %parallel_loop3A_1128 = arith.cmpi ne, %parallel_loop3A_1120, %parallel_loop3A_1127 : i32
      %parallel_loop3A_1129 = arith.remsi %parallel_loop3A_1103, %parallel_loop3A_1112 : i32
      %parallel_loop3A_1130 = arith.constant 0 : i32
      %parallel_loop3A_1131 = arith.cmpi ne, %parallel_loop3A_1129, %parallel_loop3A_1130 : i32
      %parallel_loop3A_1132 = arith.andi %parallel_loop3A_1128, %parallel_loop3A_1131 : i1
      %parallel_loop3A_1133 = arith.constant 1 : i32
      %parallel_loop3A_1134 = arith.subi %parallel_loop3A_1113, %parallel_loop3A_1133 : i32
      %parallel_loop3A_1135 = arith.select %parallel_loop3A_1132, %parallel_loop3A_1134, %parallel_loop3A_1113 : i32
      %parallel_loop3A_1136 = arith.index_cast %parallel_loop3A_1135 : i32 to index
      %parallel_loop3A_1137 = arith.constant 0 : index
      %parallel_loop3A_1138 = tpu.vector_load %arg7[%parallel_loop3A_1136, %parallel_loop3A_1137] {strides = array<i32>} : memref<32x128xf32, #tpu.memory_space<vmem>>, vector<1x16xf32>,
      %parallel_loop3A_1139 = vector.shape_cast %parallel_loop3A_1138 : vector<1x16xf32> to vector<16xf32>
      %parallel_loop3A_1140 = arith.constant 1 : i32
      %parallel_loop3A_1141 = arith.addi %parallel_loop3A_1135, %parallel_loop3A_1140 : i32
      %parallel_loop3A_1142 = arith.index_cast %parallel_loop3A_1141 : i32 to index
      %parallel_loop3A_1143 = arith.constant 0 : index
      %parallel_loop3A_1144 = tpu.vector_load %arg7[%parallel_loop3A_1142, %parallel_loop3A_1143] {strides = array<i32>} : memref<32x128xf32, #tpu.memory_space<vmem>>, vector<1x16xf32>,
      %parallel_loop3A_1145 = vector.shape_cast %parallel_loop3A_1144 : vector<1x16xf32> to vector<16xf32>
      %parallel_loop3A_1146 = arith.maximumf %parallel_loop3A_1139, %parallel_loop3A_1145 : vector<16xf32>
      %parallel_loop3A_1147 = arith.maximumf %parallel_loop3A_1104, %parallel_loop3A_1146 : vector<16xf32>
      %parallel_loop3A_1148 = arith.index_cast %parallel_loop3A_1135 : i32 to index
      %parallel_loop3A_1149 = arith.constant 16 : index
      %parallel_loop3A_1150 = tpu.vector_load %arg7[%parallel_loop3A_1148, %parallel_loop3A_1149] {strides = array<i32>} : memref<32x128xf32, #tpu.memory_space<vmem>>, vector<1x16xf32>,
      %parallel_loop3A_1151 = vector.shape_cast %parallel_loop3A_1150 : vector<1x16xf32> to vector<16xf32>
      %parallel_loop3A_1152 = arith.constant 1 : i32
      %parallel_loop3A_1153 = arith.addi %parallel_loop3A_1135, %parallel_loop3A_1152 : i32
      %parallel_loop3A_1154 = arith.index_cast %parallel_loop3A_1153 : i32 to index
      %parallel_loop3A_1155 = arith.constant 16 : index
      %parallel_loop3A_1156 = tpu.vector_load %arg7[%parallel_loop3A_1154, %parallel_loop3A_1155] {strides = array<i32>} : memref<32x128xf32, #tpu.memory_space<vmem>>, vector<1x16xf32>,
      %parallel_loop3A_1157 = vector.shape_cast %parallel_loop3A_1156 : vector<1x16xf32> to vector<16xf32>
      %parallel_loop3A_1158 = arith.maximumf %parallel_loop3A_1151, %parallel_loop3A_1157 : vector<16xf32>
      %parallel_loop3A_1159 = arith.maximumf %parallel_loop3A_1105, %parallel_loop3A_1158 : vector<16xf32>
      %parallel_loop3A_1160 = arith.index_cast %parallel_loop3A_1135 : i32 to index
      %parallel_loop3A_1161 = arith.constant 32 : index
      %parallel_loop3A_1162 = tpu.vector_load %arg7[%parallel_loop3A_1160, %parallel_loop3A_1161] {strides = array<i32>} : memref<32x128xf32, #tpu.memory_space<vmem>>, vector<1x16xf32>,
      %parallel_loop3A_1163 = vector.shape_cast %parallel_loop3A_1162 : vector<1x16xf32> to vector<16xf32>
      %parallel_loop3A_1164 = arith.constant 1 : i32
      %parallel_loop3A_1165 = arith.addi %parallel_loop3A_1135, %parallel_loop3A_1164 : i32
      %parallel_loop3A_1166 = arith.index_cast %parallel_loop3A_1165 : i32 to index
      %parallel_loop3A_1167 = arith.constant 32 : index
      %parallel_loop3A_1168 = tpu.vector_load %arg7[%parallel_loop3A_1166, %parallel_loop3A_1167] {strides = array<i32>} : memref<32x128xf32, #tpu.memory_space<vmem>>, vector<1x16xf32>,
      %parallel_loop3A_1169 = vector.shape_cast %parallel_loop3A_1168 : vector<1x16xf32> to vector<16xf32>
      %parallel_loop3A_1170 = arith.maximumf %parallel_loop3A_1163, %parallel_loop3A_1169 : vector<16xf32>
      %parallel_loop3A_1171 = arith.maximumf %parallel_loop3A_1106, %parallel_loop3A_1170 : vector<16xf32>
      %parallel_loop3A_1172 = arith.index_cast %parallel_loop3A_1135 : i32 to index
      %parallel_loop3A_1173 = arith.constant 48 : index
      %parallel_loop3A_1174 = tpu.vector_load %arg7[%parallel_loop3A_1172, %parallel_loop3A_1173] {strides = array<i32>} : memref<32x128xf32, #tpu.memory_space<vmem>>, vector<1x16xf32>,
      %parallel_loop3A_1175 = vector.shape_cast %parallel_loop3A_1174 : vector<1x16xf32> to vector<16xf32>
      %parallel_loop3A_1176 = arith.constant 1 : i32
      %parallel_loop3A_1177 = arith.addi %parallel_loop3A_1135, %parallel_loop3A_1176 : i32
      %parallel_loop3A_1178 = arith.index_cast %parallel_loop3A_1177 : i32 to index
      %parallel_loop3A_1179 = arith.constant 48 : index
      %parallel_loop3A_1180 = tpu.vector_load %arg7[%parallel_loop3A_1178, %parallel_loop3A_1179] {strides = array<i32>} : memref<32x128xf32, #tpu.memory_space<vmem>>, vector<1x16xf32>,
      %parallel_loop3A_1181 = vector.shape_cast %parallel_loop3A_1180 : vector<1x16xf32> to vector<16xf32>
      %parallel_loop3A_1182 = arith.maximumf %parallel_loop3A_1175, %parallel_loop3A_1181 : vector<16xf32>
      %parallel_loop3A_1183 = arith.maximumf %parallel_loop3A_1107, %parallel_loop3A_1182 : vector<16xf32>
      %parallel_loop3A_1184 = arith.index_cast %parallel_loop3A_1135 : i32 to index
      %parallel_loop3A_1185 = arith.constant 64 : index
      %parallel_loop3A_1186 = tpu.vector_load %arg7[%parallel_loop3A_1184, %parallel_loop3A_1185] {strides = array<i32>} : memref<32x128xf32, #tpu.memory_space<vmem>>, vector<1x16xf32>,
      %parallel_loop3A_1187 = vector.shape_cast %parallel_loop3A_1186 : vector<1x16xf32> to vector<16xf32>
      %parallel_loop3A_1188 = arith.constant 1 : i32
      %parallel_loop3A_1189 = arith.addi %parallel_loop3A_1135, %parallel_loop3A_1188 : i32
      %parallel_loop3A_1190 = arith.index_cast %parallel_loop3A_1189 : i32 to index
      %parallel_loop3A_1191 = arith.constant 64 : index
      %parallel_loop3A_1192 = tpu.vector_load %arg7[%parallel_loop3A_1190, %parallel_loop3A_1191] {strides = array<i32>} : memref<32x128xf32, #tpu.memory_space<vmem>>, vector<1x16xf32>,
      %parallel_loop3A_1193 = vector.shape_cast %parallel_loop3A_1192 : vector<1x16xf32> to vector<16xf32>
      %parallel_loop3A_1194 = arith.maximumf %parallel_loop3A_1187, %parallel_loop3A_1193 : vector<16xf32>
      %parallel_loop3A_1195 = arith.maximumf %parallel_loop3A_1108, %parallel_loop3A_1194 : vector<16xf32>
      %parallel_loop3A_1196 = arith.index_cast %parallel_loop3A_1135 : i32 to index
      %parallel_loop3A_1197 = arith.constant 80 : index
      %parallel_loop3A_1198 = tpu.vector_load %arg7[%parallel_loop3A_1196, %parallel_loop3A_1197] {strides = array<i32>} : memref<32x128xf32, #tpu.memory_space<vmem>>, vector<1x16xf32>,
      %parallel_loop3A_1199 = vector.shape_cast %parallel_loop3A_1198 : vector<1x16xf32> to vector<16xf32>
      %parallel_loop3A_1200 = arith.constant 1 : i32
      %parallel_loop3A_1201 = arith.addi %parallel_loop3A_1135, %parallel_loop3A_1200 : i32
      %parallel_loop3A_1202 = arith.index_cast %parallel_loop3A_1201 : i32 to index
      %parallel_loop3A_1203 = arith.constant 80 : index
      %parallel_loop3A_1204 = tpu.vector_load %arg7[%parallel_loop3A_1202, %parallel_loop3A_1203] {strides = array<i32>} : memref<32x128xf32, #tpu.memory_space<vmem>>, vector<1x16xf32>,
      %parallel_loop3A_1205 = vector.shape_cast %parallel_loop3A_1204 : vector<1x16xf32> to vector<16xf32>
      %parallel_loop3A_1206 = arith.maximumf %parallel_loop3A_1199, %parallel_loop3A_1205 : vector<16xf32>
      %parallel_loop3A_1207 = arith.maximumf %parallel_loop3A_1109, %parallel_loop3A_1206 : vector<16xf32>
      %parallel_loop3A_1208 = arith.index_cast %parallel_loop3A_1135 : i32 to index
      %parallel_loop3A_1209 = arith.constant 96 : index
      %parallel_loop3A_1210 = tpu.vector_load %arg7[%parallel_loop3A_1208, %parallel_loop3A_1209] {strides = array<i32>} : memref<32x128xf32, #tpu.memory_space<vmem>>, vector<1x16xf32>,
      %parallel_loop3A_1211 = vector.shape_cast %parallel_loop3A_1210 : vector<1x16xf32> to vector<16xf32>
      %parallel_loop3A_1212 = arith.constant 1 : i32
      %parallel_loop3A_1213 = arith.addi %parallel_loop3A_1135, %parallel_loop3A_1212 : i32
      %parallel_loop3A_1214 = arith.index_cast %parallel_loop3A_1213 : i32 to index
      %parallel_loop3A_1215 = arith.constant 96 : index
      %parallel_loop3A_1216 = tpu.vector_load %arg7[%parallel_loop3A_1214, %parallel_loop3A_1215] {strides = array<i32>} : memref<32x128xf32, #tpu.memory_space<vmem>>, vector<1x16xf32>,
      %parallel_loop3A_1217 = vector.shape_cast %parallel_loop3A_1216 : vector<1x16xf32> to vector<16xf32>
      %parallel_loop3A_1218 = arith.maximumf %parallel_loop3A_1211, %parallel_loop3A_1217 : vector<16xf32>
      %parallel_loop3A_1219 = arith.maximumf %parallel_loop3A_1110, %parallel_loop3A_1218 : vector<16xf32>
      %parallel_loop3A_1220 = arith.index_cast %parallel_loop3A_1135 : i32 to index
      %parallel_loop3A_1221 = arith.constant 112 : index
      %parallel_loop3A_1222 = tpu.vector_load %arg7[%parallel_loop3A_1220, %parallel_loop3A_1221] {strides = array<i32>} : memref<32x128xf32, #tpu.memory_space<vmem>>, vector<1x16xf32>,
      %parallel_loop3A_1223 = vector.shape_cast %parallel_loop3A_1222 : vector<1x16xf32> to vector<16xf32>
      %parallel_loop3A_1224 = arith.constant 1 : i32
      %parallel_loop3A_1225 = arith.addi %parallel_loop3A_1135, %parallel_loop3A_1224 : i32
      %parallel_loop3A_1226 = arith.index_cast %parallel_loop3A_1225 : i32 to index
      %parallel_loop3A_1227 = arith.constant 112 : index
      %parallel_loop3A_1228 = tpu.vector_load %arg7[%parallel_loop3A_1226, %parallel_loop3A_1227] {strides = array<i32>} : memref<32x128xf32, #tpu.memory_space<vmem>>, vector<1x16xf32>,
      %parallel_loop3A_1229 = vector.shape_cast %parallel_loop3A_1228 : vector<1x16xf32> to vector<16xf32>
      %parallel_loop3A_1230 = arith.maximumf %parallel_loop3A_1223, %parallel_loop3A_1229 : vector<16xf32>
      %parallel_loop3A_1231 = arith.maximumf %parallel_loop3A_1111, %parallel_loop3A_1230 : vector<16xf32>
      scf.yield %parallel_loop3A_1147, %parallel_loop3A_1159, %parallel_loop3A_1171, %parallel_loop3A_1183, %parallel_loop3A_1195, %parallel_loop3A_1207, %parallel_loop3A_1219, %parallel_loop3A_1231 : vector<16xf32>, vector<16xf32>, vector<16xf32>, vector<16xf32>, vector<16xf32>, vector<16xf32>, vector<16xf32>, vector<16xf32>
    } {sc.loop_unroll_factor = 1 : i64, sc.parallel_access}
    %sub3A_616 = arith.subf %get3A_568, %parallel_loop3A_615#0 : vector<16xf32>
    %exp3A_617 = math.exp %sub3A_616 : vector<16xf32>
    %mul3A_618 = arith.mulf %get3A_592, %exp3A_617 : vector<16xf32>
    %sub3A_619 = arith.subf %get3A_571, %parallel_loop3A_615#1 : vector<16xf32>
    %exp3A_620 = math.exp %sub3A_619 : vector<16xf32>
    %mul3A_621 = arith.mulf %get3A_595, %exp3A_620 : vector<16xf32>
    %sub3A_622 = arith.subf %get3A_574, %parallel_loop3A_615#2 : vector<16xf32>
    %exp3A_623 = math.exp %sub3A_622 : vector<16xf32>
    %mul3A_624 = arith.mulf %get3A_598, %exp3A_623 : vector<16xf32>
    %sub3A_625 = arith.subf %get3A_577, %parallel_loop3A_615#3 : vector<16xf32>
    %exp3A_626 = math.exp %sub3A_625 : vector<16xf32>
    %mul3A_627 = arith.mulf %get3A_601, %exp3A_626 : vector<16xf32>
    %sub3A_628 = arith.subf %get3A_580, %parallel_loop3A_615#4 : vector<16xf32>
    %exp3A_629 = math.exp %sub3A_628 : vector<16xf32>
    %mul3A_630 = arith.mulf %get3A_604, %exp3A_629 : vector<16xf32>
    %sub3A_631 = arith.subf %get3A_583, %parallel_loop3A_615#5 : vector<16xf32>
    %exp3A_632 = math.exp %sub3A_631 : vector<16xf32>
    %mul3A_633 = arith.mulf %get3A_607, %exp3A_632 : vector<16xf32>
    %sub3A_634 = arith.subf %get3A_586, %parallel_loop3A_615#6 : vector<16xf32>
    %exp3A_635 = math.exp %sub3A_634 : vector<16xf32>
    %mul3A_636 = arith.mulf %get3A_610, %exp3A_635 : vector<16xf32>
    %sub3A_637 = arith.subf %get3A_589, %parallel_loop3A_615#7 : vector<16xf32>
    %exp3A_638 = math.exp %sub3A_637 : vector<16xf32>
    %mul3A_639 = arith.mulf %get3A_613, %exp3A_638 : vector<16xf32>
    %parallel_loop3A_640 = arith.constant 16 : i32
    %parallel_loop3A_641:8 = scf.for %parallel_loop3A_1103 = %mul3A_299 to %add3A_304 step %parallel_loop3A_640 iter_args(%parallel_loop3A_1104 = %mul3A_618, %parallel_loop3A_1105 = %mul3A_621, %parallel_loop3A_1106 = %mul3A_624, %parallel_loop3A_1107 = %mul3A_627, %parallel_loop3A_1108 = %mul3A_630, %parallel_loop3A_1109 = %mul3A_633, %parallel_loop3A_1110 = %mul3A_636, %parallel_loop3A_1111 = %mul3A_639) -> (vector<16xf32>, vector<16xf32>, vector<16xf32>, vector<16xf32>, vector<16xf32>, vector<16xf32>, vector<16xf32>, vector<16xf32>)  : i32 {
      %parallel_loop3A_1112 = arith.constant 8 : i32
      %parallel_loop3A_1113 = arith.divsi %parallel_loop3A_1103, %parallel_loop3A_1112 : i32
      %parallel_loop3A_1114 = arith.constant 0 : i32
      %parallel_loop3A_1115 = arith.cmpi sgt, %parallel_loop3A_1103, %parallel_loop3A_1114 : i32
      %parallel_loop3A_1116 = arith.extui %parallel_loop3A_1115 : i1 to i32
      %parallel_loop3A_1117 = arith.constant 0 : i32
      %parallel_loop3A_1118 = arith.cmpi slt, %parallel_loop3A_1103, %parallel_loop3A_1117 : i32
      %parallel_loop3A_1119 = arith.extui %parallel_loop3A_1118 : i1 to i32
      %parallel_loop3A_1120 = arith.subi %parallel_loop3A_1116, %parallel_loop3A_1119 : i32
      %parallel_loop3A_1121 = arith.constant 0 : i32
      %parallel_loop3A_1122 = arith.cmpi sgt, %parallel_loop3A_1112, %parallel_loop3A_1121 : i32
      %parallel_loop3A_1123 = arith.extui %parallel_loop3A_1122 : i1 to i32
      %parallel_loop3A_1124 = arith.constant 0 : i32
      %parallel_loop3A_1125 = arith.cmpi slt, %parallel_loop3A_1112, %parallel_loop3A_1124 : i32
      %parallel_loop3A_1126 = arith.extui %parallel_loop3A_1125 : i1 to i32
      %parallel_loop3A_1127 = arith.subi %parallel_loop3A_1123, %parallel_loop3A_1126 : i32
      %parallel_loop3A_1128 = arith.cmpi ne, %parallel_loop3A_1120, %parallel_loop3A_1127 : i32
      %parallel_loop3A_1129 = arith.remsi %parallel_loop3A_1103, %parallel_loop3A_1112 : i32
      %parallel_loop3A_1130 = arith.constant 0 : i32
      %parallel_loop3A_1131 = arith.cmpi ne, %parallel_loop3A_1129, %parallel_loop3A_1130 : i32
      %parallel_loop3A_1132 = arith.andi %parallel_loop3A_1128, %parallel_loop3A_1131 : i1
      %parallel_loop3A_1133 = arith.constant 1 : i32
      %parallel_loop3A_1134 = arith.subi %parallel_loop3A_1113, %parallel_loop3A_1133 : i32
      %parallel_loop3A_1135 = arith.select %parallel_loop3A_1132, %parallel_loop3A_1134, %parallel_loop3A_1113 : i32
      %parallel_loop3A_1136 = arith.constant 0 : i32
      %parallel_loop3A_1137 = arith.addi %parallel_loop3A_1135, %parallel_loop3A_1136 : i32
      %parallel_loop3A_1138 = arith.index_cast %parallel_loop3A_1137 : i32 to index
      %parallel_loop3A_1139 = arith.constant 0 : index
      %parallel_loop3A_1140 = tpu.vector_load %arg7[%parallel_loop3A_1138, %parallel_loop3A_1139] {strides = array<i32>} : memref<32x128xf32, #tpu.memory_space<vmem>>, vector<1x16xf32>,
      %parallel_loop3A_1141 = vector.shape_cast %parallel_loop3A_1140 : vector<1x16xf32> to vector<16xf32>
      %parallel_loop3A_1142 = arith.subf %parallel_loop3A_1141, %parallel_loop3A_615#0 : vector<16xf32>
      %parallel_loop3A_1143 = math.exp %parallel_loop3A_1142 : vector<16xf32>
      %parallel_loop3A_1144 = arith.constant 1 : i32
      %parallel_loop3A_1145 = arith.addi %parallel_loop3A_1135, %parallel_loop3A_1144 : i32
      %parallel_loop3A_1146 = arith.index_cast %parallel_loop3A_1145 : i32 to index
      %parallel_loop3A_1147 = arith.constant 0 : index
      %parallel_loop3A_1148 = tpu.vector_load %arg7[%parallel_loop3A_1146, %parallel_loop3A_1147] {strides = array<i32>} : memref<32x128xf32, #tpu.memory_space<vmem>>, vector<1x16xf32>,
      %parallel_loop3A_1149 = vector.shape_cast %parallel_loop3A_1148 : vector<1x16xf32> to vector<16xf32>
      %parallel_loop3A_1150 = arith.subf %parallel_loop3A_1149, %parallel_loop3A_615#0 : vector<16xf32>
      %parallel_loop3A_1151 = math.exp %parallel_loop3A_1150 : vector<16xf32>
      %parallel_loop3A_1152 = arith.addf %parallel_loop3A_1143, %parallel_loop3A_1151 : vector<16xf32>
      %parallel_loop3A_1153 = arith.addf %parallel_loop3A_1104, %parallel_loop3A_1152 : vector<16xf32>
      %parallel_loop3A_1154 = arith.constant 0 : i32
      %parallel_loop3A_1155 = arith.addi %parallel_loop3A_1135, %parallel_loop3A_1154 : i32
      %parallel_loop3A_1156 = arith.index_cast %parallel_loop3A_1155 : i32 to index
      %parallel_loop3A_1157 = arith.constant 16 : index
      %parallel_loop3A_1158 = tpu.vector_load %arg7[%parallel_loop3A_1156, %parallel_loop3A_1157] {strides = array<i32>} : memref<32x128xf32, #tpu.memory_space<vmem>>, vector<1x16xf32>,
      %parallel_loop3A_1159 = vector.shape_cast %parallel_loop3A_1158 : vector<1x16xf32> to vector<16xf32>
      %parallel_loop3A_1160 = arith.subf %parallel_loop3A_1159, %parallel_loop3A_615#1 : vector<16xf32>
      %parallel_loop3A_1161 = math.exp %parallel_loop3A_1160 : vector<16xf32>
      %parallel_loop3A_1162 = arith.constant 1 : i32
      %parallel_loop3A_1163 = arith.addi %parallel_loop3A_1135, %parallel_loop3A_1162 : i32
      %parallel_loop3A_1164 = arith.index_cast %parallel_loop3A_1163 : i32 to index
      %parallel_loop3A_1165 = arith.constant 16 : index
      %parallel_loop3A_1166 = tpu.vector_load %arg7[%parallel_loop3A_1164, %parallel_loop3A_1165] {strides = array<i32>} : memref<32x128xf32, #tpu.memory_space<vmem>>, vector<1x16xf32>,
      %parallel_loop3A_1167 = vector.shape_cast %parallel_loop3A_1166 : vector<1x16xf32> to vector<16xf32>
      %parallel_loop3A_1168 = arith.subf %parallel_loop3A_1167, %parallel_loop3A_615#1 : vector<16xf32>
      %parallel_loop3A_1169 = math.exp %parallel_loop3A_1168 : vector<16xf32>
      %parallel_loop3A_1170 = arith.addf %parallel_loop3A_1161, %parallel_loop3A_1169 : vector<16xf32>
      %parallel_loop3A_1171 = arith.addf %parallel_loop3A_1105, %parallel_loop3A_1170 : vector<16xf32>
      %parallel_loop3A_1172 = arith.constant 0 : i32
      %parallel_loop3A_1173 = arith.addi %parallel_loop3A_1135, %parallel_loop3A_1172 : i32
      %parallel_loop3A_1174 = arith.index_cast %parallel_loop3A_1173 : i32 to index
      %parallel_loop3A_1175 = arith.constant 32 : index
      %parallel_loop3A_1176 = tpu.vector_load %arg7[%parallel_loop3A_1174, %parallel_loop3A_1175] {strides = array<i32>} : memref<32x128xf32, #tpu.memory_space<vmem>>, vector<1x16xf32>,
      %parallel_loop3A_1177 = vector.shape_cast %parallel_loop3A_1176 : vector<1x16xf32> to vector<16xf32>
      %parallel_loop3A_1178 = arith.subf %parallel_loop3A_1177, %parallel_loop3A_615#2 : vector<16xf32>
      %parallel_loop3A_1179 = math.exp %parallel_loop3A_1178 : vector<16xf32>
      %parallel_loop3A_1180 = arith.constant 1 : i32
      %parallel_loop3A_1181 = arith.addi %parallel_loop3A_1135, %parallel_loop3A_1180 : i32
      %parallel_loop3A_1182 = arith.index_cast %parallel_loop3A_1181 : i32 to index
      %parallel_loop3A_1183 = arith.constant 32 : index
      %parallel_loop3A_1184 = tpu.vector_load %arg7[%parallel_loop3A_1182, %parallel_loop3A_1183] {strides = array<i32>} : memref<32x128xf32, #tpu.memory_space<vmem>>, vector<1x16xf32>,
      %parallel_loop3A_1185 = vector.shape_cast %parallel_loop3A_1184 : vector<1x16xf32> to vector<16xf32>
      %parallel_loop3A_1186 = arith.subf %parallel_loop3A_1185, %parallel_loop3A_615#2 : vector<16xf32>
      %parallel_loop3A_1187 = math.exp %parallel_loop3A_1186 : vector<16xf32>
      %parallel_loop3A_1188 = arith.addf %parallel_loop3A_1179, %parallel_loop3A_1187 : vector<16xf32>
      %parallel_loop3A_1189 = arith.addf %parallel_loop3A_1106, %parallel_loop3A_1188 : vector<16xf32>
      %parallel_loop3A_1190 = arith.constant 0 : i32
      %parallel_loop3A_1191 = arith.addi %parallel_loop3A_1135, %parallel_loop3A_1190 : i32
      %parallel_loop3A_1192 = arith.index_cast %parallel_loop3A_1191 : i32 to index
      %parallel_loop3A_1193 = arith.constant 48 : index
      %parallel_loop3A_1194 = tpu.vector_load %arg7[%parallel_loop3A_1192, %parallel_loop3A_1193] {strides = array<i32>} : memref<32x128xf32, #tpu.memory_space<vmem>>, vector<1x16xf32>,
      %parallel_loop3A_1195 = vector.shape_cast %parallel_loop3A_1194 : vector<1x16xf32> to vector<16xf32>
      %parallel_loop3A_1196 = arith.subf %parallel_loop3A_1195, %parallel_loop3A_615#3 : vector<16xf32>
      %parallel_loop3A_1197 = math.exp %parallel_loop3A_1196 : vector<16xf32>
      %parallel_loop3A_1198 = arith.constant 1 : i32
      %parallel_loop3A_1199 = arith.addi %parallel_loop3A_1135, %parallel_loop3A_1198 : i32
      %parallel_loop3A_1200 = arith.index_cast %parallel_loop3A_1199 : i32 to index
      %parallel_loop3A_1201 = arith.constant 48 : index
      %parallel_loop3A_1202 = tpu.vector_load %arg7[%parallel_loop3A_1200, %parallel_loop3A_1201] {strides = array<i32>} : memref<32x128xf32, #tpu.memory_space<vmem>>, vector<1x16xf32>,
      %parallel_loop3A_1203 = vector.shape_cast %parallel_loop3A_1202 : vector<1x16xf32> to vector<16xf32>
      %parallel_loop3A_1204 = arith.subf %parallel_loop3A_1203, %parallel_loop3A_615#3 : vector<16xf32>
      %parallel_loop3A_1205 = math.exp %parallel_loop3A_1204 : vector<16xf32>
      %parallel_loop3A_1206 = arith.addf %parallel_loop3A_1197, %parallel_loop3A_1205 : vector<16xf32>
      %parallel_loop3A_1207 = arith.addf %parallel_loop3A_1107, %parallel_loop3A_1206 : vector<16xf32>
      %parallel_loop3A_1208 = arith.constant 0 : i32
      %parallel_loop3A_1209 = arith.addi %parallel_loop3A_1135, %parallel_loop3A_1208 : i32
      %parallel_loop3A_1210 = arith.index_cast %parallel_loop3A_1209 : i32 to index
      %parallel_loop3A_1211 = arith.constant 64 : index
      %parallel_loop3A_1212 = tpu.vector_load %arg7[%parallel_loop3A_1210, %parallel_loop3A_1211] {strides = array<i32>} : memref<32x128xf32, #tpu.memory_space<vmem>>, vector<1x16xf32>,
      %parallel_loop3A_1213 = vector.shape_cast %parallel_loop3A_1212 : vector<1x16xf32> to vector<16xf32>
      %parallel_loop3A_1214 = arith.subf %parallel_loop3A_1213, %parallel_loop3A_615#4 : vector<16xf32>
      %parallel_loop3A_1215 = math.exp %parallel_loop3A_1214 : vector<16xf32>
      %parallel_loop3A_1216 = arith.constant 1 : i32
      %parallel_loop3A_1217 = arith.addi %parallel_loop3A_1135, %parallel_loop3A_1216 : i32
      %parallel_loop3A_1218 = arith.index_cast %parallel_loop3A_1217 : i32 to index
      %parallel_loop3A_1219 = arith.constant 64 : index
      %parallel_loop3A_1220 = tpu.vector_load %arg7[%parallel_loop3A_1218, %parallel_loop3A_1219] {strides = array<i32>} : memref<32x128xf32, #tpu.memory_space<vmem>>, vector<1x16xf32>,
      %parallel_loop3A_1221 = vector.shape_cast %parallel_loop3A_1220 : vector<1x16xf32> to vector<16xf32>
      %parallel_loop3A_1222 = arith.subf %parallel_loop3A_1221, %parallel_loop3A_615#4 : vector<16xf32>
      %parallel_loop3A_1223 = math.exp %parallel_loop3A_1222 : vector<16xf32>
      %parallel_loop3A_1224 = arith.addf %parallel_loop3A_1215, %parallel_loop3A_1223 : vector<16xf32>
      %parallel_loop3A_1225 = arith.addf %parallel_loop3A_1108, %parallel_loop3A_1224 : vector<16xf32>
      %parallel_loop3A_1226 = arith.constant 0 : i32
      %parallel_loop3A_1227 = arith.addi %parallel_loop3A_1135, %parallel_loop3A_1226 : i32
      %parallel_loop3A_1228 = arith.index_cast %parallel_loop3A_1227 : i32 to index
      %parallel_loop3A_1229 = arith.constant 80 : index
      %parallel_loop3A_1230 = tpu.vector_load %arg7[%parallel_loop3A_1228, %parallel_loop3A_1229] {strides = array<i32>} : memref<32x128xf32, #tpu.memory_space<vmem>>, vector<1x16xf32>,
      %parallel_loop3A_1231 = vector.shape_cast %parallel_loop3A_1230 : vector<1x16xf32> to vector<16xf32>
      %parallel_loop3A_1232 = arith.subf %parallel_loop3A_1231, %parallel_loop3A_615#5 : vector<16xf32>
      %parallel_loop3A_1233 = math.exp %parallel_loop3A_1232 : vector<16xf32>
      %parallel_loop3A_1234 = arith.constant 1 : i32
      %parallel_loop3A_1235 = arith.addi %parallel_loop3A_1135, %parallel_loop3A_1234 : i32
      %parallel_loop3A_1236 = arith.index_cast %parallel_loop3A_1235 : i32 to index
      %parallel_loop3A_1237 = arith.constant 80 : index
      %parallel_loop3A_1238 = tpu.vector_load %arg7[%parallel_loop3A_1236, %parallel_loop3A_1237] {strides = array<i32>} : memref<32x128xf32, #tpu.memory_space<vmem>>, vector<1x16xf32>,
      %parallel_loop3A_1239 = vector.shape_cast %parallel_loop3A_1238 : vector<1x16xf32> to vector<16xf32>
      %parallel_loop3A_1240 = arith.subf %parallel_loop3A_1239, %parallel_loop3A_615#5 : vector<16xf32>
      %parallel_loop3A_1241 = math.exp %parallel_loop3A_1240 : vector<16xf32>
      %parallel_loop3A_1242 = arith.addf %parallel_loop3A_1233, %parallel_loop3A_1241 : vector<16xf32>
      %parallel_loop3A_1243 = arith.addf %parallel_loop3A_1109, %parallel_loop3A_1242 : vector<16xf32>
      %parallel_loop3A_1244 = arith.constant 0 : i32
      %parallel_loop3A_1245 = arith.addi %parallel_loop3A_1135, %parallel_loop3A_1244 : i32
      %parallel_loop3A_1246 = arith.index_cast %parallel_loop3A_1245 : i32 to index
      %parallel_loop3A_1247 = arith.constant 96 : index
      %parallel_loop3A_1248 = tpu.vector_load %arg7[%parallel_loop3A_1246, %parallel_loop3A_1247] {strides = array<i32>} : memref<32x128xf32, #tpu.memory_space<vmem>>, vector<1x16xf32>,
      %parallel_loop3A_1249 = vector.shape_cast %parallel_loop3A_1248 : vector<1x16xf32> to vector<16xf32>
      %parallel_loop3A_1250 = arith.subf %parallel_loop3A_1249, %parallel_loop3A_615#6 : vector<16xf32>
      %parallel_loop3A_1251 = math.exp %parallel_loop3A_1250 : vector<16xf32>
      %parallel_loop3A_1252 = arith.constant 1 : i32
      %parallel_loop3A_1253 = arith.addi %parallel_loop3A_1135, %parallel_loop3A_1252 : i32
      %parallel_loop3A_1254 = arith.index_cast %parallel_loop3A_1253 : i32 to index
      %parallel_loop3A_1255 = arith.constant 96 : index
      %parallel_loop3A_1256 = tpu.vector_load %arg7[%parallel_loop3A_1254, %parallel_loop3A_1255] {strides = array<i32>} : memref<32x128xf32, #tpu.memory_space<vmem>>, vector<1x16xf32>,
      %parallel_loop3A_1257 = vector.shape_cast %parallel_loop3A_1256 : vector<1x16xf32> to vector<16xf32>
      %parallel_loop3A_1258 = arith.subf %parallel_loop3A_1257, %parallel_loop3A_615#6 : vector<16xf32>
      %parallel_loop3A_1259 = math.exp %parallel_loop3A_1258 : vector<16xf32>
      %parallel_loop3A_1260 = arith.addf %parallel_loop3A_1251, %parallel_loop3A_1259 : vector<16xf32>
      %parallel_loop3A_1261 = arith.addf %parallel_loop3A_1110, %parallel_loop3A_1260 : vector<16xf32>
      %parallel_loop3A_1262 = arith.constant 0 : i32
      %parallel_loop3A_1263 = arith.addi %parallel_loop3A_1135, %parallel_loop3A_1262 : i32
      %parallel_loop3A_1264 = arith.index_cast %parallel_loop3A_1263 : i32 to index
      %parallel_loop3A_1265 = arith.constant 112 : index
      %parallel_loop3A_1266 = tpu.vector_load %arg7[%parallel_loop3A_1264, %parallel_loop3A_1265] {strides = array<i32>} : memref<32x128xf32, #tpu.memory_space<vmem>>, vector<1x16xf32>,
      %parallel_loop3A_1267 = vector.shape_cast %parallel_loop3A_1266 : vector<1x16xf32> to vector<16xf32>
      %parallel_loop3A_1268 = arith.subf %parallel_loop3A_1267, %parallel_loop3A_615#7 : vector<16xf32>
      %parallel_loop3A_1269 = math.exp %parallel_loop3A_1268 : vector<16xf32>
      %parallel_loop3A_1270 = arith.constant 1 : i32
      %parallel_loop3A_1271 = arith.addi %parallel_loop3A_1135, %parallel_loop3A_1270 : i32
      %parallel_loop3A_1272 = arith.index_cast %parallel_loop3A_1271 : i32 to index
      %parallel_loop3A_1273 = arith.constant 112 : index
      %parallel_loop3A_1274 = tpu.vector_load %arg7[%parallel_loop3A_1272, %parallel_loop3A_1273] {strides = array<i32>} : memref<32x128xf32, #tpu.memory_space<vmem>>, vector<1x16xf32>,
      %parallel_loop3A_1275 = vector.shape_cast %parallel_loop3A_1274 : vector<1x16xf32> to vector<16xf32>
      %parallel_loop3A_1276 = arith.subf %parallel_loop3A_1275, %parallel_loop3A_615#7 : vector<16xf32>
      %parallel_loop3A_1277 = math.exp %parallel_loop3A_1276 : vector<16xf32>
      %parallel_loop3A_1278 = arith.addf %parallel_loop3A_1269, %parallel_loop3A_1277 : vector<16xf32>
      %parallel_loop3A_1279 = arith.addf %parallel_loop3A_1111, %parallel_loop3A_1278 : vector<16xf32>
      scf.yield %parallel_loop3A_1153, %parallel_loop3A_1171, %parallel_loop3A_1189, %parallel_loop3A_1207, %parallel_loop3A_1225, %parallel_loop3A_1243, %parallel_loop3A_1261, %parallel_loop3A_1279 : vector<16xf32>, vector<16xf32>, vector<16xf32>, vector<16xf32>, vector<16xf32>, vector<16xf32>, vector<16xf32>, vector<16xf32>
    } {sc.loop_unroll_factor = 1 : i64, sc.parallel_access}
    %swap3A_642 = arith.constant 0 : index
    %swap3A_643 = tpu.vector_load %arg9[%swap3A_642] {strides = array<i32>} : memref<272xf32, #tpu.memory_space<vmem>>, vector<16xf32>,
    %swap3A_644 = vector.shape_cast %swap3A_643 : vector<16xf32> to vector<16xf32>
    %swap3A_645 = vector.shape_cast %parallel_loop3A_615#0 : vector<16xf32> to vector<16xf32>
    tpu.vector_store %arg9[%swap3A_642], %swap3A_645 {strides = array<i32>} : memref<272xf32, #tpu.memory_space<vmem>>, vector<16xf32>,
    %swap3A_646 = arith.constant 128 : index
    %swap3A_647 = tpu.vector_load %arg9[%swap3A_646] {strides = array<i32>} : memref<272xf32, #tpu.memory_space<vmem>>, vector<16xf32>,
    %swap3A_648 = vector.shape_cast %swap3A_647 : vector<16xf32> to vector<16xf32>
    %swap3A_649 = vector.shape_cast %parallel_loop3A_641#0 : vector<16xf32> to vector<16xf32>
    tpu.vector_store %arg9[%swap3A_646], %swap3A_649 {strides = array<i32>} : memref<272xf32, #tpu.memory_space<vmem>>, vector<16xf32>,
    %swap3A_650 = arith.constant 16 : index
    %swap3A_651 = tpu.vector_load %arg9[%swap3A_650] {strides = array<i32>} : memref<272xf32, #tpu.memory_space<vmem>>, vector<16xf32>,
    %swap3A_652 = vector.shape_cast %swap3A_651 : vector<16xf32> to vector<16xf32>
    %swap3A_653 = vector.shape_cast %parallel_loop3A_615#1 : vector<16xf32> to vector<16xf32>
    tpu.vector_store %arg9[%swap3A_650], %swap3A_653 {strides = array<i32>} : memref<272xf32, #tpu.memory_space<vmem>>, vector<16xf32>,
    %swap3A_654 = arith.constant 144 : index
    %swap3A_655 = tpu.vector_load %arg9[%swap3A_654] {strides = array<i32>} : memref<272xf32, #tpu.memory_space<vmem>>, vector<16xf32>,
    %swap3A_656 = vector.shape_cast %swap3A_655 : vector<16xf32> to vector<16xf32>
    %swap3A_657 = vector.shape_cast %parallel_loop3A_641#1 : vector<16xf32> to vector<16xf32>
    tpu.vector_store %arg9[%swap3A_654], %swap3A_657 {strides = array<i32>} : memref<272xf32, #tpu.memory_space<vmem>>, vector<16xf32>,
    %swap3A_658 = arith.constant 32 : index
    %swap3A_659 = tpu.vector_load %arg9[%swap3A_658] {strides = array<i32>} : memref<272xf32, #tpu.memory_space<vmem>>, vector<16xf32>,
    %swap3A_660 = vector.shape_cast %swap3A_659 : vector<16xf32> to vector<16xf32>
    %swap3A_661 = vector.shape_cast %parallel_loop3A_615#2 : vector<16xf32> to vector<16xf32>
    tpu.vector_store %arg9[%swap3A_658], %swap3A_661 {strides = array<i32>} : memref<272xf32, #tpu.memory_space<vmem>>, vector<16xf32>,
    %swap3A_662 = arith.constant 160 : index
    %swap3A_663 = tpu.vector_load %arg9[%swap3A_662] {strides = array<i32>} : memref<272xf32, #tpu.memory_space<vmem>>, vector<16xf32>,
    %swap3A_664 = vector.shape_cast %swap3A_663 : vector<16xf32> to vector<16xf32>
    %swap3A_665 = vector.shape_cast %parallel_loop3A_641#2 : vector<16xf32> to vector<16xf32>
    tpu.vector_store %arg9[%swap3A_662], %swap3A_665 {strides = array<i32>} : memref<272xf32, #tpu.memory_space<vmem>>, vector<16xf32>,
    %swap3A_666 = arith.constant 48 : index
    %swap3A_667 = tpu.vector_load %arg9[%swap3A_666] {strides = array<i32>} : memref<272xf32, #tpu.memory_space<vmem>>, vector<16xf32>,
    %swap3A_668 = vector.shape_cast %swap3A_667 : vector<16xf32> to vector<16xf32>
    %swap3A_669 = vector.shape_cast %parallel_loop3A_615#3 : vector<16xf32> to vector<16xf32>
    tpu.vector_store %arg9[%swap3A_666], %swap3A_669 {strides = array<i32>} : memref<272xf32, #tpu.memory_space<vmem>>, vector<16xf32>,
    %swap3A_670 = arith.constant 176 : index
    %swap3A_671 = tpu.vector_load %arg9[%swap3A_670] {strides = array<i32>} : memref<272xf32, #tpu.memory_space<vmem>>, vector<16xf32>,
    %swap3A_672 = vector.shape_cast %swap3A_671 : vector<16xf32> to vector<16xf32>
    %swap3A_673 = vector.shape_cast %parallel_loop3A_641#3 : vector<16xf32> to vector<16xf32>
    tpu.vector_store %arg9[%swap3A_670], %swap3A_673 {strides = array<i32>} : memref<272xf32, #tpu.memory_space<vmem>>, vector<16xf32>,
    %swap3A_674 = arith.constant 64 : index
    %swap3A_675 = tpu.vector_load %arg9[%swap3A_674] {strides = array<i32>} : memref<272xf32, #tpu.memory_space<vmem>>, vector<16xf32>,
    %swap3A_676 = vector.shape_cast %swap3A_675 : vector<16xf32> to vector<16xf32>
    %swap3A_677 = vector.shape_cast %parallel_loop3A_615#4 : vector<16xf32> to vector<16xf32>
    tpu.vector_store %arg9[%swap3A_674], %swap3A_677 {strides = array<i32>} : memref<272xf32, #tpu.memory_space<vmem>>, vector<16xf32>,
    %swap3A_678 = arith.constant 192 : index
    %swap3A_679 = tpu.vector_load %arg9[%swap3A_678] {strides = array<i32>} : memref<272xf32, #tpu.memory_space<vmem>>, vector<16xf32>,
    %swap3A_680 = vector.shape_cast %swap3A_679 : vector<16xf32> to vector<16xf32>
    %swap3A_681 = vector.shape_cast %parallel_loop3A_641#4 : vector<16xf32> to vector<16xf32>
    tpu.vector_store %arg9[%swap3A_678], %swap3A_681 {strides = array<i32>} : memref<272xf32, #tpu.memory_space<vmem>>, vector<16xf32>,
    %swap3A_682 = arith.constant 80 : index
    %swap3A_683 = tpu.vector_load %arg9[%swap3A_682] {strides = array<i32>} : memref<272xf32, #tpu.memory_space<vmem>>, vector<16xf32>,
    %swap3A_684 = vector.shape_cast %swap3A_683 : vector<16xf32> to vector<16xf32>
    %swap3A_685 = vector.shape_cast %parallel_loop3A_615#5 : vector<16xf32> to vector<16xf32>
    tpu.vector_store %arg9[%swap3A_682], %swap3A_685 {strides = array<i32>} : memref<272xf32, #tpu.memory_space<vmem>>, vector<16xf32>,
    %swap3A_686 = arith.constant 208 : index
    %swap3A_687 = tpu.vector_load %arg9[%swap3A_686] {strides = array<i32>} : memref<272xf32, #tpu.memory_space<vmem>>, vector<16xf32>,
    %swap3A_688 = vector.shape_cast %swap3A_687 : vector<16xf32> to vector<16xf32>
    %swap3A_689 = vector.shape_cast %parallel_loop3A_641#5 : vector<16xf32> to vector<16xf32>
    tpu.vector_store %arg9[%swap3A_686], %swap3A_689 {strides = array<i32>} : memref<272xf32, #tpu.memory_space<vmem>>, vector<16xf32>,
    %swap3A_690 = arith.constant 96 : index
    %swap3A_691 = tpu.vector_load %arg9[%swap3A_690] {strides = array<i32>} : memref<272xf32, #tpu.memory_space<vmem>>, vector<16xf32>,
    %swap3A_692 = vector.shape_cast %swap3A_691 : vector<16xf32> to vector<16xf32>
    %swap3A_693 = vector.shape_cast %parallel_loop3A_615#6 : vector<16xf32> to vector<16xf32>
    tpu.vector_store %arg9[%swap3A_690], %swap3A_693 {strides = array<i32>} : memref<272xf32, #tpu.memory_space<vmem>>, vector<16xf32>,
    %swap3A_694 = arith.constant 224 : index
    %swap3A_695 = tpu.vector_load %arg9[%swap3A_694] {strides = array<i32>} : memref<272xf32, #tpu.memory_space<vmem>>, vector<16xf32>,
    %swap3A_696 = vector.shape_cast %swap3A_695 : vector<16xf32> to vector<16xf32>
    %swap3A_697 = vector.shape_cast %parallel_loop3A_641#6 : vector<16xf32> to vector<16xf32>
    tpu.vector_store %arg9[%swap3A_694], %swap3A_697 {strides = array<i32>} : memref<272xf32, #tpu.memory_space<vmem>>, vector<16xf32>,
    %swap3A_698 = arith.constant 112 : index
    %swap3A_699 = tpu.vector_load %arg9[%swap3A_698] {strides = array<i32>} : memref<272xf32, #tpu.memory_space<vmem>>, vector<16xf32>,
    %swap3A_700 = vector.shape_cast %swap3A_699 : vector<16xf32> to vector<16xf32>
    %swap3A_701 = vector.shape_cast %parallel_loop3A_615#7 : vector<16xf32> to vector<16xf32>
    tpu.vector_store %arg9[%swap3A_698], %swap3A_701 {strides = array<i32>} : memref<272xf32, #tpu.memory_space<vmem>>, vector<16xf32>,
    %swap3A_702 = arith.constant 240 : index
    %swap3A_703 = tpu.vector_load %arg9[%swap3A_702] {strides = array<i32>} : memref<272xf32, #tpu.memory_space<vmem>>, vector<16xf32>,
    %swap3A_704 = vector.shape_cast %swap3A_703 : vector<16xf32> to vector<16xf32>
    %swap3A_705 = vector.shape_cast %parallel_loop3A_641#7 : vector<16xf32> to vector<16xf32>
    tpu.vector_store %arg9[%swap3A_702], %swap3A_705 {strides = array<i32>} : memref<272xf32, #tpu.memory_space<vmem>>, vector<16xf32>,
    %dma_wait3A_706 = arith.constant 0 : i32
    %dma_wait3A_707 = arith.constant 0 : i32
    %dma_wait3A_708 = tpu.memref_slice %arg8[%dma_wait3A_706, %dma_wait3A_707] : memref<32x128xf32, #tpu.memory_space<vmem>> -> memref<8x128xf32, #tpu.memory_space<vmem>>
    %dma_wait3A_709 = arith.constant 0 : i32
    %dma_wait3A_710 = arith.constant 0 : i32
    %dma_wait3A_711 = tpu.memref_slice %arg2[%dma_wait3A_709, %dma_wait3A_710] : memref<100000x128xf32, #tpu.memory_space<hbm>> -> memref<8x128xf32, #tpu.memory_space<hbm>>
    %dma_wait3A_712 = arith.constant 0 : i32
    %dma_wait3A_713 = arith.constant 0 : i32
    %dma_wait3A_714 = tpu.memref_slice %arg8[%dma_wait3A_712, %dma_wait3A_713] : memref<32x128xf32, #tpu.memory_space<vmem>> -> memref<8x128xf32, #tpu.memory_space<vmem>>
    %dma_wait3A_715 = arith.constant 0 : i32
    %dma_wait3A_716 = arith.constant 0 : i32
    %dma_wait3A_717 = tpu.memref_slice %arg2[%dma_wait3A_715, %dma_wait3A_716] : memref<100000x128xf32, #tpu.memory_space<hbm>> -> memref<8x128xf32, #tpu.memory_space<hbm>>
    tpu.wait_dma2 semaphore(%arg17 : memref<!tpu.dma_semaphore, #tpu.memory_space<semaphore_mem>>) src(%dma_wait3A_717 : memref<8x128xf32, #tpu.memory_space<hbm>>) dst(%dma_wait3A_714 : memref<8x128xf32, #tpu.memory_space<vmem>>)
    %dma_wait3A_718 = arith.constant 8 : i32
    %dma_wait3A_719 = arith.constant 0 : i32
    %dma_wait3A_720 = tpu.memref_slice %arg8[%dma_wait3A_718, %dma_wait3A_719] : memref<32x128xf32, #tpu.memory_space<vmem>> -> memref<8x128xf32, #tpu.memory_space<vmem>>
    %dma_wait3A_721 = arith.constant 0 : i32
    %dma_wait3A_722 = arith.constant 0 : i32
    %dma_wait3A_723 = tpu.memref_slice %arg2[%dma_wait3A_721, %dma_wait3A_722] : memref<100000x128xf32, #tpu.memory_space<hbm>> -> memref<8x128xf32, #tpu.memory_space<hbm>>
    %dma_wait3A_724 = arith.constant 8 : i32
    %dma_wait3A_725 = arith.constant 0 : i32
    %dma_wait3A_726 = tpu.memref_slice %arg8[%dma_wait3A_724, %dma_wait3A_725] : memref<32x128xf32, #tpu.memory_space<vmem>> -> memref<8x128xf32, #tpu.memory_space<vmem>>
    %dma_wait3A_727 = arith.constant 0 : i32
    %dma_wait3A_728 = arith.constant 0 : i32
    %dma_wait3A_729 = tpu.memref_slice %arg2[%dma_wait3A_727, %dma_wait3A_728] : memref<100000x128xf32, #tpu.memory_space<hbm>> -> memref<8x128xf32, #tpu.memory_space<hbm>>
    tpu.wait_dma2 semaphore(%arg17 : memref<!tpu.dma_semaphore, #tpu.memory_space<semaphore_mem>>) src(%dma_wait3A_729 : memref<8x128xf32, #tpu.memory_space<hbm>>) dst(%dma_wait3A_726 : memref<8x128xf32, #tpu.memory_space<vmem>>)
    %dma_wait3A_730 = arith.constant 16 : i32
    %dma_wait3A_731 = arith.constant 0 : i32
    %dma_wait3A_732 = tpu.memref_slice %arg8[%dma_wait3A_730, %dma_wait3A_731] : memref<32x128xf32, #tpu.memory_space<vmem>> -> memref<8x128xf32, #tpu.memory_space<vmem>>
    %dma_wait3A_733 = arith.constant 0 : i32
    %dma_wait3A_734 = arith.constant 0 : i32
    %dma_wait3A_735 = tpu.memref_slice %arg2[%dma_wait3A_733, %dma_wait3A_734] : memref<100000x128xf32, #tpu.memory_space<hbm>> -> memref<8x128xf32, #tpu.memory_space<hbm>>
    %dma_wait3A_736 = arith.constant 16 : i32
    %dma_wait3A_737 = arith.constant 0 : i32
    %dma_wait3A_738 = tpu.memref_slice %arg8[%dma_wait3A_736, %dma_wait3A_737] : memref<32x128xf32, #tpu.memory_space<vmem>> -> memref<8x128xf32, #tpu.memory_space<vmem>>
    %dma_wait3A_739 = arith.constant 0 : i32
    %dma_wait3A_740 = arith.constant 0 : i32
    %dma_wait3A_741 = tpu.memref_slice %arg2[%dma_wait3A_739, %dma_wait3A_740] : memref<100000x128xf32, #tpu.memory_space<hbm>> -> memref<8x128xf32, #tpu.memory_space<hbm>>
    tpu.wait_dma2 semaphore(%arg17 : memref<!tpu.dma_semaphore, #tpu.memory_space<semaphore_mem>>) src(%dma_wait3A_741 : memref<8x128xf32, #tpu.memory_space<hbm>>) dst(%dma_wait3A_738 : memref<8x128xf32, #tpu.memory_space<vmem>>)
    %dma_wait3A_742 = arith.constant 24 : i32
    %dma_wait3A_743 = arith.constant 0 : i32
    %dma_wait3A_744 = tpu.memref_slice %arg8[%dma_wait3A_742, %dma_wait3A_743] : memref<32x128xf32, #tpu.memory_space<vmem>> -> memref<8x128xf32, #tpu.memory_space<vmem>>
    %dma_wait3A_745 = arith.constant 0 : i32
    %dma_wait3A_746 = arith.constant 0 : i32
    %dma_wait3A_747 = tpu.memref_slice %arg2[%dma_wait3A_745, %dma_wait3A_746] : memref<100000x128xf32, #tpu.memory_space<hbm>> -> memref<8x128xf32, #tpu.memory_space<hbm>>
    %dma_wait3A_748 = arith.constant 24 : i32
    %dma_wait3A_749 = arith.constant 0 : i32
    %dma_wait3A_750 = tpu.memref_slice %arg8[%dma_wait3A_748, %dma_wait3A_749] : memref<32x128xf32, #tpu.memory_space<vmem>> -> memref<8x128xf32, #tpu.memory_space<vmem>>
    %dma_wait3A_751 = arith.constant 0 : i32
    %dma_wait3A_752 = arith.constant 0 : i32
    %dma_wait3A_753 = tpu.memref_slice %arg2[%dma_wait3A_751, %dma_wait3A_752] : memref<100000x128xf32, #tpu.memory_space<hbm>> -> memref<8x128xf32, #tpu.memory_space<hbm>>
    tpu.wait_dma2 semaphore(%arg17 : memref<!tpu.dma_semaphore, #tpu.memory_space<semaphore_mem>>) src(%dma_wait3A_753 : memref<8x128xf32, #tpu.memory_space<hbm>>) dst(%dma_wait3A_750 : memref<8x128xf32, #tpu.memory_space<vmem>>)
    %broadcast_in_dim3A_754 = arith.constant 0.000000e+00 : f32
    %broadcast_in_dim3A_755 = vector.broadcast %broadcast_in_dim3A_754 : f32 to vector<16xf32>
    %mul3A_756 = arith.constant 4 : i32
    %mul3A_757 = arith.muli %mul3A_756, %add3A : i32
    %add3A_758 = arith.constant 0 : i32
    %add3A_759 = arith.addi %mul3A_757, %add3A_758 : i32
    %jit3A_760 = arith.constant 16 : i32
    %eq3A = arith.constant 0 : i32
    %eq3A_761 = arith.cmpi eq, %jit3A_760, %eq3A : i32
    %jit3A_762 = arith.constant 1 : i32
    %select_n3A_763 = arith.select %eq3A_761, %jit3A_762, %jit3A_760 : i32
    %rem3A_764 = arith.remsi %add3A_759, %select_n3A_763 : i32
    %ne3A_765 = arith.constant 0 : i32
    %ne3A_766 = arith.cmpi ne, %rem3A_764, %ne3A_765 : i32
    %lt3A_767 = arith.constant 0 : i32
    %lt3A_768 = arith.cmpi slt, %rem3A_764, %lt3A_767 : i32
    %lt3A_769 = arith.constant 0 : i32
    %lt3A_770 = arith.cmpi slt, %select_n3A_763, %lt3A_769 : i32
    %ne3A_771 = arith.xori %lt3A_768, %lt3A_770 : i1
    %and3A_772 = arith.andi %ne3A_771, %ne3A_766 : i1
    %add3A_773 = arith.addi %rem3A_764, %select_n3A_763 : i32
    %select_n3A_774 = arith.select %and3A_772, %add3A_773, %rem3A_764 : i32
    %sub3A_775 = arith.subi %get3A_35, %mul3A_61 : i32
    %add3A_776 = arith.constant 0 : i32
    %add3A_777 = arith.addi %add3A_776, %sub3A_775 : i32
    %mul3A_778 = arith.constant 16 : i32
    %mul3A_779 = arith.muli %select_n3A_30, %mul3A_778 : i32
    %get3A_780 = arith.index_cast %add3A_777 : i32 to index
    %get3A_781 = arith.index_cast %mul3A_779 : i32 to index
    %get3A_782 = tpu.vector_load %arg8[%get3A_780, %get3A_781] {strides = array<i32>} : memref<32x128xf32, #tpu.memory_space<vmem>>, vector<1x16xf32>,
    %get3A_783 = vector.shape_cast %get3A_782 : vector<1x16xf32> to vector<16xf32>
    %eq3A_784 = vector.broadcast %select_n3A_774 : i32 to vector<16xi32>
    %eq3A_785 = arith.cmpi eq, %iota3A, %eq3A_784 : vector<16xi32>
    %jit3A_786 = arith.constant 0.000000e+00 : f32
    %broadcast_in_dim3A_787 = vector.broadcast %jit3A_786 : f32 to vector<16xf32>
    %select_n3A_788 = arith.select %eq3A_785, %get3A_783, %broadcast_in_dim3A_787 : vector<16xi1>, vector<16xf32>
    %swap3A_789 = arith.constant 0 : index
    %swap3A_790 = tpu.vector_load %arg10[%swap3A_789] {strides = array<i32>} : memref<32xf32, #tpu.memory_space<vmem>>, vector<16xf32>,
    %swap3A_791 = vector.shape_cast %swap3A_790 : vector<16xf32> to vector<16xf32>
    %swap3A_792 = vector.shape_cast %select_n3A_788 : vector<16xf32> to vector<16xf32>
    tpu.vector_store %arg10[%swap3A_789], %swap3A_792 {strides = array<i32>} : memref<32xf32, #tpu.memory_space<vmem>>, vector<16xf32>,
    %swap3A_793 = arith.constant 16 : index
    %swap3A_794 = tpu.vector_load %arg10[%swap3A_793] {strides = array<i32>} : memref<32xf32, #tpu.memory_space<vmem>>, vector<16xf32>,
    %swap3A_795 = vector.shape_cast %swap3A_794 : vector<16xf32> to vector<16xf32>
    %swap3A_796 = vector.shape_cast %select_n3A_788 : vector<16xf32> to vector<16xf32>
    tpu.vector_store %arg10[%swap3A_793], %swap3A_796 {strides = array<i32>} : memref<32xf32, #tpu.memory_space<vmem>>, vector<16xf32>,
    %get3A_797 = arith.constant 8 : index
    %get3A_798 = tpu.vector_load %arg10[%get3A_797] {strides = array<i32>} : memref<32xf32, #tpu.memory_space<vmem>>, vector<16xf32>,
    %get3A_799 = vector.shape_cast %get3A_798 : vector<16xf32> to vector<16xf32>
    %add3A_800 = arith.addf %select_n3A_788, %get3A_799 : vector<16xf32>
    %swap3A_801 = arith.constant 0 : index
    %swap3A_802 = tpu.vector_load %arg10[%swap3A_801] {strides = array<i32>} : memref<32xf32, #tpu.memory_space<vmem>>, vector<16xf32>,
    %swap3A_803 = vector.shape_cast %swap3A_802 : vector<16xf32> to vector<16xf32>
    %swap3A_804 = vector.shape_cast %add3A_800 : vector<16xf32> to vector<16xf32>
    tpu.vector_store %arg10[%swap3A_801], %swap3A_804 {strides = array<i32>} : memref<32xf32, #tpu.memory_space<vmem>>, vector<16xf32>,
    %swap3A_805 = arith.constant 16 : index
    %swap3A_806 = tpu.vector_load %arg10[%swap3A_805] {strides = array<i32>} : memref<32xf32, #tpu.memory_space<vmem>>, vector<16xf32>,
    %swap3A_807 = vector.shape_cast %swap3A_806 : vector<16xf32> to vector<16xf32>
    %swap3A_808 = vector.shape_cast %add3A_800 : vector<16xf32> to vector<16xf32>
    tpu.vector_store %arg10[%swap3A_805], %swap3A_808 {strides = array<i32>} : memref<32xf32, #tpu.memory_space<vmem>>, vector<16xf32>,
    %get3A_809 = arith.constant 4 : index
    %get3A_810 = tpu.vector_load %arg10[%get3A_809] {strides = array<i32>} : memref<32xf32, #tpu.memory_space<vmem>>, vector<16xf32>,
    %get3A_811 = vector.shape_cast %get3A_810 : vector<16xf32> to vector<16xf32>
    %add3A_812 = arith.addf %add3A_800, %get3A_811 : vector<16xf32>
    %swap3A_813 = arith.constant 0 : index
    %swap3A_814 = tpu.vector_load %arg10[%swap3A_813] {strides = array<i32>} : memref<32xf32, #tpu.memory_space<vmem>>, vector<16xf32>,
    %swap3A_815 = vector.shape_cast %swap3A_814 : vector<16xf32> to vector<16xf32>
    %swap3A_816 = vector.shape_cast %add3A_812 : vector<16xf32> to vector<16xf32>
    tpu.vector_store %arg10[%swap3A_813], %swap3A_816 {strides = array<i32>} : memref<32xf32, #tpu.memory_space<vmem>>, vector<16xf32>,
    %swap3A_817 = arith.constant 16 : index
    %swap3A_818 = tpu.vector_load %arg10[%swap3A_817] {strides = array<i32>} : memref<32xf32, #tpu.memory_space<vmem>>, vector<16xf32>,
    %swap3A_819 = vector.shape_cast %swap3A_818 : vector<16xf32> to vector<16xf32>
    %swap3A_820 = vector.shape_cast %add3A_812 : vector<16xf32> to vector<16xf32>
    tpu.vector_store %arg10[%swap3A_817], %swap3A_820 {strides = array<i32>} : memref<32xf32, #tpu.memory_space<vmem>>, vector<16xf32>,
    %get3A_821 = arith.constant 2 : index
    %get3A_822 = tpu.vector_load %arg10[%get3A_821] {strides = array<i32>} : memref<32xf32, #tpu.memory_space<vmem>>, vector<16xf32>,
    %get3A_823 = vector.shape_cast %get3A_822 : vector<16xf32> to vector<16xf32>
    %add3A_824 = arith.addf %add3A_812, %get3A_823 : vector<16xf32>
    %swap3A_825 = arith.constant 0 : index
    %swap3A_826 = tpu.vector_load %arg10[%swap3A_825] {strides = array<i32>} : memref<32xf32, #tpu.memory_space<vmem>>, vector<16xf32>,
    %swap3A_827 = vector.shape_cast %swap3A_826 : vector<16xf32> to vector<16xf32>
    %swap3A_828 = vector.shape_cast %add3A_824 : vector<16xf32> to vector<16xf32>
    tpu.vector_store %arg10[%swap3A_825], %swap3A_828 {strides = array<i32>} : memref<32xf32, #tpu.memory_space<vmem>>, vector<16xf32>,
    %swap3A_829 = arith.constant 16 : index
    %swap3A_830 = tpu.vector_load %arg10[%swap3A_829] {strides = array<i32>} : memref<32xf32, #tpu.memory_space<vmem>>, vector<16xf32>,
    %swap3A_831 = vector.shape_cast %swap3A_830 : vector<16xf32> to vector<16xf32>
    %swap3A_832 = vector.shape_cast %add3A_824 : vector<16xf32> to vector<16xf32>
    tpu.vector_store %arg10[%swap3A_829], %swap3A_832 {strides = array<i32>} : memref<32xf32, #tpu.memory_space<vmem>>, vector<16xf32>,
    %get3A_833 = arith.constant 1 : index
    %get3A_834 = tpu.vector_load %arg10[%get3A_833] {strides = array<i32>} : memref<32xf32, #tpu.memory_space<vmem>>, vector<16xf32>,
    %get3A_835 = vector.shape_cast %get3A_834 : vector<16xf32> to vector<16xf32>
    %add3A_836 = arith.addf %add3A_824, %get3A_835 : vector<16xf32>
    %eq3A_837 = arith.constant 0 : i32
    %eq3A_838 = vector.broadcast %eq3A_837 : i32 to vector<16xi32>
    %eq3A_839 = arith.cmpi eq, %iota3A, %eq3A_838 : vector<16xi32>
    %select_n3A_840 = arith.select %eq3A_839, %add3A_836, %broadcast_in_dim3A_755 : vector<16xi1>, vector<16xf32>
    %mul3A_841 = arith.constant 4 : i32
    %mul3A_842 = arith.muli %mul3A_841, %add3A : i32
    %add3A_843 = arith.constant 1 : i32
    %add3A_844 = arith.addi %mul3A_842, %add3A_843 : i32
    %jit3A_845 = arith.constant 16 : i32
    %eq3A_846 = arith.constant 0 : i32
    %eq3A_847 = arith.cmpi eq, %jit3A_845, %eq3A_846 : i32
    %jit3A_848 = arith.constant 1 : i32
    %select_n3A_849 = arith.select %eq3A_847, %jit3A_848, %jit3A_845 : i32
    %rem3A_850 = arith.remsi %add3A_844, %select_n3A_849 : i32
    %ne3A_851 = arith.constant 0 : i32
    %ne3A_852 = arith.cmpi ne, %rem3A_850, %ne3A_851 : i32
    %lt3A_853 = arith.constant 0 : i32
    %lt3A_854 = arith.cmpi slt, %rem3A_850, %lt3A_853 : i32
    %lt3A_855 = arith.constant 0 : i32
    %lt3A_856 = arith.cmpi slt, %select_n3A_849, %lt3A_855 : i32
    %ne3A_857 = arith.xori %lt3A_854, %lt3A_856 : i1
    %and3A_858 = arith.andi %ne3A_857, %ne3A_852 : i1
    %add3A_859 = arith.addi %rem3A_850, %select_n3A_849 : i32
    %select_n3A_860 = arith.select %and3A_858, %add3A_859, %rem3A_850 : i32
    %sub3A_861 = arith.subi %get3A_76, %mul3A_102 : i32
    %add3A_862 = arith.constant 8 : i32
    %add3A_863 = arith.addi %add3A_862, %sub3A_861 : i32
    %mul3A_864 = arith.constant 16 : i32
    %mul3A_865 = arith.muli %select_n3A_30, %mul3A_864 : i32
    %get3A_866 = arith.index_cast %add3A_863 : i32 to index
    %get3A_867 = arith.index_cast %mul3A_865 : i32 to index
    %get3A_868 = tpu.vector_load %arg8[%get3A_866, %get3A_867] {strides = array<i32>} : memref<32x128xf32, #tpu.memory_space<vmem>>, vector<1x16xf32>,
    %get3A_869 = vector.shape_cast %get3A_868 : vector<1x16xf32> to vector<16xf32>
    %eq3A_870 = vector.broadcast %select_n3A_860 : i32 to vector<16xi32>
    %eq3A_871 = arith.cmpi eq, %iota3A, %eq3A_870 : vector<16xi32>
    %jit3A_872 = arith.constant 0.000000e+00 : f32
    %broadcast_in_dim3A_873 = vector.broadcast %jit3A_872 : f32 to vector<16xf32>
    %select_n3A_874 = arith.select %eq3A_871, %get3A_869, %broadcast_in_dim3A_873 : vector<16xi1>, vector<16xf32>
    %swap3A_875 = arith.constant 0 : index
    %swap3A_876 = tpu.vector_load %arg10[%swap3A_875] {strides = array<i32>} : memref<32xf32, #tpu.memory_space<vmem>>, vector<16xf32>,
    %swap3A_877 = vector.shape_cast %swap3A_876 : vector<16xf32> to vector<16xf32>
    %swap3A_878 = vector.shape_cast %select_n3A_874 : vector<16xf32> to vector<16xf32>
    tpu.vector_store %arg10[%swap3A_875], %swap3A_878 {strides = array<i32>} : memref<32xf32, #tpu.memory_space<vmem>>, vector<16xf32>,
    %swap3A_879 = arith.constant 16 : index
    %swap3A_880 = tpu.vector_load %arg10[%swap3A_879] {strides = array<i32>} : memref<32xf32, #tpu.memory_space<vmem>>, vector<16xf32>,
    %swap3A_881 = vector.shape_cast %swap3A_880 : vector<16xf32> to vector<16xf32>
    %swap3A_882 = vector.shape_cast %select_n3A_874 : vector<16xf32> to vector<16xf32>
    tpu.vector_store %arg10[%swap3A_879], %swap3A_882 {strides = array<i32>} : memref<32xf32, #tpu.memory_space<vmem>>, vector<16xf32>,
    %get3A_883 = arith.constant 8 : index
    %get3A_884 = tpu.vector_load %arg10[%get3A_883] {strides = array<i32>} : memref<32xf32, #tpu.memory_space<vmem>>, vector<16xf32>,
    %get3A_885 = vector.shape_cast %get3A_884 : vector<16xf32> to vector<16xf32>
    %add3A_886 = arith.addf %select_n3A_874, %get3A_885 : vector<16xf32>
    %swap3A_887 = arith.constant 0 : index
    %swap3A_888 = tpu.vector_load %arg10[%swap3A_887] {strides = array<i32>} : memref<32xf32, #tpu.memory_space<vmem>>, vector<16xf32>,
    %swap3A_889 = vector.shape_cast %swap3A_888 : vector<16xf32> to vector<16xf32>
    %swap3A_890 = vector.shape_cast %add3A_886 : vector<16xf32> to vector<16xf32>
    tpu.vector_store %arg10[%swap3A_887], %swap3A_890 {strides = array<i32>} : memref<32xf32, #tpu.memory_space<vmem>>, vector<16xf32>,
    %swap3A_891 = arith.constant 16 : index
    %swap3A_892 = tpu.vector_load %arg10[%swap3A_891] {strides = array<i32>} : memref<32xf32, #tpu.memory_space<vmem>>, vector<16xf32>,
    %swap3A_893 = vector.shape_cast %swap3A_892 : vector<16xf32> to vector<16xf32>
    %swap3A_894 = vector.shape_cast %add3A_886 : vector<16xf32> to vector<16xf32>
    tpu.vector_store %arg10[%swap3A_891], %swap3A_894 {strides = array<i32>} : memref<32xf32, #tpu.memory_space<vmem>>, vector<16xf32>,
    %get3A_895 = arith.constant 4 : index
    %get3A_896 = tpu.vector_load %arg10[%get3A_895] {strides = array<i32>} : memref<32xf32, #tpu.memory_space<vmem>>, vector<16xf32>,
    %get3A_897 = vector.shape_cast %get3A_896 : vector<16xf32> to vector<16xf32>
    %add3A_898 = arith.addf %add3A_886, %get3A_897 : vector<16xf32>
    %swap3A_899 = arith.constant 0 : index
    %swap3A_900 = tpu.vector_load %arg10[%swap3A_899] {strides = array<i32>} : memref<32xf32, #tpu.memory_space<vmem>>, vector<16xf32>,
    %swap3A_901 = vector.shape_cast %swap3A_900 : vector<16xf32> to vector<16xf32>
    %swap3A_902 = vector.shape_cast %add3A_898 : vector<16xf32> to vector<16xf32>
    tpu.vector_store %arg10[%swap3A_899], %swap3A_902 {strides = array<i32>} : memref<32xf32, #tpu.memory_space<vmem>>, vector<16xf32>,
    %swap3A_903 = arith.constant 16 : index
    %swap3A_904 = tpu.vector_load %arg10[%swap3A_903] {strides = array<i32>} : memref<32xf32, #tpu.memory_space<vmem>>, vector<16xf32>,
    %swap3A_905 = vector.shape_cast %swap3A_904 : vector<16xf32> to vector<16xf32>
    %swap3A_906 = vector.shape_cast %add3A_898 : vector<16xf32> to vector<16xf32>
    tpu.vector_store %arg10[%swap3A_903], %swap3A_906 {strides = array<i32>} : memref<32xf32, #tpu.memory_space<vmem>>, vector<16xf32>,
    %get3A_907 = arith.constant 2 : index
    %get3A_908 = tpu.vector_load %arg10[%get3A_907] {strides = array<i32>} : memref<32xf32, #tpu.memory_space<vmem>>, vector<16xf32>,
    %get3A_909 = vector.shape_cast %get3A_908 : vector<16xf32> to vector<16xf32>
    %add3A_910 = arith.addf %add3A_898, %get3A_909 : vector<16xf32>
    %swap3A_911 = arith.constant 0 : index
    %swap3A_912 = tpu.vector_load %arg10[%swap3A_911] {strides = array<i32>} : memref<32xf32, #tpu.memory_space<vmem>>, vector<16xf32>,
    %swap3A_913 = vector.shape_cast %swap3A_912 : vector<16xf32> to vector<16xf32>
    %swap3A_914 = vector.shape_cast %add3A_910 : vector<16xf32> to vector<16xf32>
    tpu.vector_store %arg10[%swap3A_911], %swap3A_914 {strides = array<i32>} : memref<32xf32, #tpu.memory_space<vmem>>, vector<16xf32>,
    %swap3A_915 = arith.constant 16 : index
    %swap3A_916 = tpu.vector_load %arg10[%swap3A_915] {strides = array<i32>} : memref<32xf32, #tpu.memory_space<vmem>>, vector<16xf32>,
    %swap3A_917 = vector.shape_cast %swap3A_916 : vector<16xf32> to vector<16xf32>
    %swap3A_918 = vector.shape_cast %add3A_910 : vector<16xf32> to vector<16xf32>
    tpu.vector_store %arg10[%swap3A_915], %swap3A_918 {strides = array<i32>} : memref<32xf32, #tpu.memory_space<vmem>>, vector<16xf32>,
    %get3A_919 = arith.constant 1 : index
    %get3A_920 = tpu.vector_load %arg10[%get3A_919] {strides = array<i32>} : memref<32xf32, #tpu.memory_space<vmem>>, vector<16xf32>,
    %get3A_921 = vector.shape_cast %get3A_920 : vector<16xf32> to vector<16xf32>
    %add3A_922 = arith.addf %add3A_910, %get3A_921 : vector<16xf32>
    %eq3A_923 = arith.constant 1 : i32
    %eq3A_924 = vector.broadcast %eq3A_923 : i32 to vector<16xi32>
    %eq3A_925 = arith.cmpi eq, %iota3A, %eq3A_924 : vector<16xi32>
    %select_n3A_926 = arith.select %eq3A_925, %add3A_922, %select_n3A_840 : vector<16xi1>, vector<16xf32>
    %mul3A_927 = arith.constant 4 : i32
    %mul3A_928 = arith.muli %mul3A_927, %add3A : i32
    %add3A_929 = arith.constant 2 : i32
    %add3A_930 = arith.addi %mul3A_928, %add3A_929 : i32
    %jit3A_931 = arith.constant 16 : i32
    %eq3A_932 = arith.constant 0 : i32
    %eq3A_933 = arith.cmpi eq, %jit3A_931, %eq3A_932 : i32
    %jit3A_934 = arith.constant 1 : i32
    %select_n3A_935 = arith.select %eq3A_933, %jit3A_934, %jit3A_931 : i32
    %rem3A_936 = arith.remsi %add3A_930, %select_n3A_935 : i32
    %ne3A_937 = arith.constant 0 : i32
    %ne3A_938 = arith.cmpi ne, %rem3A_936, %ne3A_937 : i32
    %lt3A_939 = arith.constant 0 : i32
    %lt3A_940 = arith.cmpi slt, %rem3A_936, %lt3A_939 : i32
    %lt3A_941 = arith.constant 0 : i32
    %lt3A_942 = arith.cmpi slt, %select_n3A_935, %lt3A_941 : i32
    %ne3A_943 = arith.xori %lt3A_940, %lt3A_942 : i1
    %and3A_944 = arith.andi %ne3A_943, %ne3A_938 : i1
    %add3A_945 = arith.addi %rem3A_936, %select_n3A_935 : i32
    %select_n3A_946 = arith.select %and3A_944, %add3A_945, %rem3A_936 : i32
    %sub3A_947 = arith.subi %get3A_118, %mul3A_144 : i32
    %add3A_948 = arith.constant 16 : i32
    %add3A_949 = arith.addi %add3A_948, %sub3A_947 : i32
    %mul3A_950 = arith.constant 16 : i32
    %mul3A_951 = arith.muli %select_n3A_30, %mul3A_950 : i32
    %get3A_952 = arith.index_cast %add3A_949 : i32 to index
    %get3A_953 = arith.index_cast %mul3A_951 : i32 to index
    %get3A_954 = tpu.vector_load %arg8[%get3A_952, %get3A_953] {strides = array<i32>} : memref<32x128xf32, #tpu.memory_space<vmem>>, vector<1x16xf32>,
    %get3A_955 = vector.shape_cast %get3A_954 : vector<1x16xf32> to vector<16xf32>
    %eq3A_956 = vector.broadcast %select_n3A_946 : i32 to vector<16xi32>
    %eq3A_957 = arith.cmpi eq, %iota3A, %eq3A_956 : vector<16xi32>
    %jit3A_958 = arith.constant 0.000000e+00 : f32
    %broadcast_in_dim3A_959 = vector.broadcast %jit3A_958 : f32 to vector<16xf32>
    %select_n3A_960 = arith.select %eq3A_957, %get3A_955, %broadcast_in_dim3A_959 : vector<16xi1>, vector<16xf32>
    %swap3A_961 = arith.constant 0 : index
    %swap3A_962 = tpu.vector_load %arg10[%swap3A_961] {strides = array<i32>} : memref<32xf32, #tpu.memory_space<vmem>>, vector<16xf32>,
    %swap3A_963 = vector.shape_cast %swap3A_962 : vector<16xf32> to vector<16xf32>
    %swap3A_964 = vector.shape_cast %select_n3A_960 : vector<16xf32> to vector<16xf32>
    tpu.vector_store %arg10[%swap3A_961], %swap3A_964 {strides = array<i32>} : memref<32xf32, #tpu.memory_space<vmem>>, vector<16xf32>,
    %swap3A_965 = arith.constant 16 : index
    %swap3A_966 = tpu.vector_load %arg10[%swap3A_965] {strides = array<i32>} : memref<32xf32, #tpu.memory_space<vmem>>, vector<16xf32>,
    %swap3A_967 = vector.shape_cast %swap3A_966 : vector<16xf32> to vector<16xf32>
    %swap3A_968 = vector.shape_cast %select_n3A_960 : vector<16xf32> to vector<16xf32>
    tpu.vector_store %arg10[%swap3A_965], %swap3A_968 {strides = array<i32>} : memref<32xf32, #tpu.memory_space<vmem>>, vector<16xf32>,
    %get3A_969 = arith.constant 8 : index
    %get3A_970 = tpu.vector_load %arg10[%get3A_969] {strides = array<i32>} : memref<32xf32, #tpu.memory_space<vmem>>, vector<16xf32>,
    %get3A_971 = vector.shape_cast %get3A_970 : vector<16xf32> to vector<16xf32>
    %add3A_972 = arith.addf %select_n3A_960, %get3A_971 : vector<16xf32>
    %swap3A_973 = arith.constant 0 : index
    %swap3A_974 = tpu.vector_load %arg10[%swap3A_973] {strides = array<i32>} : memref<32xf32, #tpu.memory_space<vmem>>, vector<16xf32>,
    %swap3A_975 = vector.shape_cast %swap3A_974 : vector<16xf32> to vector<16xf32>
    %swap3A_976 = vector.shape_cast %add3A_972 : vector<16xf32> to vector<16xf32>
    tpu.vector_store %arg10[%swap3A_973], %swap3A_976 {strides = array<i32>} : memref<32xf32, #tpu.memory_space<vmem>>, vector<16xf32>,
    %swap3A_977 = arith.constant 16 : index
    %swap3A_978 = tpu.vector_load %arg10[%swap3A_977] {strides = array<i32>} : memref<32xf32, #tpu.memory_space<vmem>>, vector<16xf32>,
    %swap3A_979 = vector.shape_cast %swap3A_978 : vector<16xf32> to vector<16xf32>
    %swap3A_980 = vector.shape_cast %add3A_972 : vector<16xf32> to vector<16xf32>
    tpu.vector_store %arg10[%swap3A_977], %swap3A_980 {strides = array<i32>} : memref<32xf32, #tpu.memory_space<vmem>>, vector<16xf32>,
    %get3A_981 = arith.constant 4 : index
    %get3A_982 = tpu.vector_load %arg10[%get3A_981] {strides = array<i32>} : memref<32xf32, #tpu.memory_space<vmem>>, vector<16xf32>,
    %get3A_983 = vector.shape_cast %get3A_982 : vector<16xf32> to vector<16xf32>
    %add3A_984 = arith.addf %add3A_972, %get3A_983 : vector<16xf32>
    %swap3A_985 = arith.constant 0 : index
    %swap3A_986 = tpu.vector_load %arg10[%swap3A_985] {strides = array<i32>} : memref<32xf32, #tpu.memory_space<vmem>>, vector<16xf32>,
    %swap3A_987 = vector.shape_cast %swap3A_986 : vector<16xf32> to vector<16xf32>
    %swap3A_988 = vector.shape_cast %add3A_984 : vector<16xf32> to vector<16xf32>
    tpu.vector_store %arg10[%swap3A_985], %swap3A_988 {strides = array<i32>} : memref<32xf32, #tpu.memory_space<vmem>>, vector<16xf32>,
    %swap3A_989 = arith.constant 16 : index
    %swap3A_990 = tpu.vector_load %arg10[%swap3A_989] {strides = array<i32>} : memref<32xf32, #tpu.memory_space<vmem>>, vector<16xf32>,
    %swap3A_991 = vector.shape_cast %swap3A_990 : vector<16xf32> to vector<16xf32>
    %swap3A_992 = vector.shape_cast %add3A_984 : vector<16xf32> to vector<16xf32>
    tpu.vector_store %arg10[%swap3A_989], %swap3A_992 {strides = array<i32>} : memref<32xf32, #tpu.memory_space<vmem>>, vector<16xf32>,
    %get3A_993 = arith.constant 2 : index
    %get3A_994 = tpu.vector_load %arg10[%get3A_993] {strides = array<i32>} : memref<32xf32, #tpu.memory_space<vmem>>, vector<16xf32>,
    %get3A_995 = vector.shape_cast %get3A_994 : vector<16xf32> to vector<16xf32>
    %add3A_996 = arith.addf %add3A_984, %get3A_995 : vector<16xf32>
    %swap3A_997 = arith.constant 0 : index
    %swap3A_998 = tpu.vector_load %arg10[%swap3A_997] {strides = array<i32>} : memref<32xf32, #tpu.memory_space<vmem>>, vector<16xf32>,
    %swap3A_999 = vector.shape_cast %swap3A_998 : vector<16xf32> to vector<16xf32>
    %swap3A_1000 = vector.shape_cast %add3A_996 : vector<16xf32> to vector<16xf32>
    tpu.vector_store %arg10[%swap3A_997], %swap3A_1000 {strides = array<i32>} : memref<32xf32, #tpu.memory_space<vmem>>, vector<16xf32>,
    %swap3A_1001 = arith.constant 16 : index
    %swap3A_1002 = tpu.vector_load %arg10[%swap3A_1001] {strides = array<i32>} : memref<32xf32, #tpu.memory_space<vmem>>, vector<16xf32>,
    %swap3A_1003 = vector.shape_cast %swap3A_1002 : vector<16xf32> to vector<16xf32>
    %swap3A_1004 = vector.shape_cast %add3A_996 : vector<16xf32> to vector<16xf32>
    tpu.vector_store %arg10[%swap3A_1001], %swap3A_1004 {strides = array<i32>} : memref<32xf32, #tpu.memory_space<vmem>>, vector<16xf32>,
    %get3A_1005 = arith.constant 1 : index
    %get3A_1006 = tpu.vector_load %arg10[%get3A_1005] {strides = array<i32>} : memref<32xf32, #tpu.memory_space<vmem>>, vector<16xf32>,
    %get3A_1007 = vector.shape_cast %get3A_1006 : vector<16xf32> to vector<16xf32>
    %add3A_1008 = arith.addf %add3A_996, %get3A_1007 : vector<16xf32>
    %eq3A_1009 = arith.constant 2 : i32
    %eq3A_1010 = vector.broadcast %eq3A_1009 : i32 to vector<16xi32>
    %eq3A_1011 = arith.cmpi eq, %iota3A, %eq3A_1010 : vector<16xi32>
    %select_n3A_1012 = arith.select %eq3A_1011, %add3A_1008, %select_n3A_926 : vector<16xi1>, vector<16xf32>
    %mul3A_1013 = arith.constant 4 : i32
    %mul3A_1014 = arith.muli %mul3A_1013, %add3A : i32
    %add3A_1015 = arith.constant 3 : i32
    %add3A_1016 = arith.addi %mul3A_1014, %add3A_1015 : i32
    %jit3A_1017 = arith.constant 16 : i32
    %eq3A_1018 = arith.constant 0 : i32
    %eq3A_1019 = arith.cmpi eq, %jit3A_1017, %eq3A_1018 : i32
    %jit3A_1020 = arith.constant 1 : i32
    %select_n3A_1021 = arith.select %eq3A_1019, %jit3A_1020, %jit3A_1017 : i32
    %rem3A_1022 = arith.remsi %add3A_1016, %select_n3A_1021 : i32
    %ne3A_1023 = arith.constant 0 : i32
    %ne3A_1024 = arith.cmpi ne, %rem3A_1022, %ne3A_1023 : i32
    %lt3A_1025 = arith.constant 0 : i32
    %lt3A_1026 = arith.cmpi slt, %rem3A_1022, %lt3A_1025 : i32
    %lt3A_1027 = arith.constant 0 : i32
    %lt3A_1028 = arith.cmpi slt, %select_n3A_1021, %lt3A_1027 : i32
    %ne3A_1029 = arith.xori %lt3A_1026, %lt3A_1028 : i1
    %and3A_1030 = arith.andi %ne3A_1029, %ne3A_1024 : i1
    %add3A_1031 = arith.addi %rem3A_1022, %select_n3A_1021 : i32
    %select_n3A_1032 = arith.select %and3A_1030, %add3A_1031, %rem3A_1022 : i32
    %sub3A_1033 = arith.subi %get3A_160, %mul3A_186 : i32
    %add3A_1034 = arith.constant 24 : i32
    %add3A_1035 = arith.addi %add3A_1034, %sub3A_1033 : i32
    %mul3A_1036 = arith.constant 16 : i32
    %mul3A_1037 = arith.muli %select_n3A_30, %mul3A_1036 : i32
    %get3A_1038 = arith.index_cast %add3A_1035 : i32 to index
    %get3A_1039 = arith.index_cast %mul3A_1037 : i32 to index
    %get3A_1040 = tpu.vector_load %arg8[%get3A_1038, %get3A_1039] {strides = array<i32>} : memref<32x128xf32, #tpu.memory_space<vmem>>, vector<1x16xf32>,
    %get3A_1041 = vector.shape_cast %get3A_1040 : vector<1x16xf32> to vector<16xf32>
    %eq3A_1042 = vector.broadcast %select_n3A_1032 : i32 to vector<16xi32>
    %eq3A_1043 = arith.cmpi eq, %iota3A, %eq3A_1042 : vector<16xi32>
    %jit3A_1044 = arith.constant 0.000000e+00 : f32
    %broadcast_in_dim3A_1045 = vector.broadcast %jit3A_1044 : f32 to vector<16xf32>
    %select_n3A_1046 = arith.select %eq3A_1043, %get3A_1041, %broadcast_in_dim3A_1045 : vector<16xi1>, vector<16xf32>
    %swap3A_1047 = arith.constant 0 : index
    %swap3A_1048 = tpu.vector_load %arg10[%swap3A_1047] {strides = array<i32>} : memref<32xf32, #tpu.memory_space<vmem>>, vector<16xf32>,
    %swap3A_1049 = vector.shape_cast %swap3A_1048 : vector<16xf32> to vector<16xf32>
    %swap3A_1050 = vector.shape_cast %select_n3A_1046 : vector<16xf32> to vector<16xf32>
    tpu.vector_store %arg10[%swap3A_1047], %swap3A_1050 {strides = array<i32>} : memref<32xf32, #tpu.memory_space<vmem>>, vector<16xf32>,
    %swap3A_1051 = arith.constant 16 : index
    %swap3A_1052 = tpu.vector_load %arg10[%swap3A_1051] {strides = array<i32>} : memref<32xf32, #tpu.memory_space<vmem>>, vector<16xf32>,
    %swap3A_1053 = vector.shape_cast %swap3A_1052 : vector<16xf32> to vector<16xf32>
    %swap3A_1054 = vector.shape_cast %select_n3A_1046 : vector<16xf32> to vector<16xf32>
    tpu.vector_store %arg10[%swap3A_1051], %swap3A_1054 {strides = array<i32>} : memref<32xf32, #tpu.memory_space<vmem>>, vector<16xf32>,
    %get3A_1055 = arith.constant 8 : index
    %get3A_1056 = tpu.vector_load %arg10[%get3A_1055] {strides = array<i32>} : memref<32xf32, #tpu.memory_space<vmem>>, vector<16xf32>,
    %get3A_1057 = vector.shape_cast %get3A_1056 : vector<16xf32> to vector<16xf32>
    %add3A_1058 = arith.addf %select_n3A_1046, %get3A_1057 : vector<16xf32>
    %swap3A_1059 = arith.constant 0 : index
    %swap3A_1060 = tpu.vector_load %arg10[%swap3A_1059] {strides = array<i32>} : memref<32xf32, #tpu.memory_space<vmem>>, vector<16xf32>,
    %swap3A_1061 = vector.shape_cast %swap3A_1060 : vector<16xf32> to vector<16xf32>
    %swap3A_1062 = vector.shape_cast %add3A_1058 : vector<16xf32> to vector<16xf32>
    tpu.vector_store %arg10[%swap3A_1059], %swap3A_1062 {strides = array<i32>} : memref<32xf32, #tpu.memory_space<vmem>>, vector<16xf32>,
    %swap3A_1063 = arith.constant 16 : index
    %swap3A_1064 = tpu.vector_load %arg10[%swap3A_1063] {strides = array<i32>} : memref<32xf32, #tpu.memory_space<vmem>>, vector<16xf32>,
    %swap3A_1065 = vector.shape_cast %swap3A_1064 : vector<16xf32> to vector<16xf32>
    %swap3A_1066 = vector.shape_cast %add3A_1058 : vector<16xf32> to vector<16xf32>
    tpu.vector_store %arg10[%swap3A_1063], %swap3A_1066 {strides = array<i32>} : memref<32xf32, #tpu.memory_space<vmem>>, vector<16xf32>,
    %get3A_1067 = arith.constant 4 : index
    %get3A_1068 = tpu.vector_load %arg10[%get3A_1067] {strides = array<i32>} : memref<32xf32, #tpu.memory_space<vmem>>, vector<16xf32>,
    %get3A_1069 = vector.shape_cast %get3A_1068 : vector<16xf32> to vector<16xf32>
    %add3A_1070 = arith.addf %add3A_1058, %get3A_1069 : vector<16xf32>
    %swap3A_1071 = arith.constant 0 : index
    %swap3A_1072 = tpu.vector_load %arg10[%swap3A_1071] {strides = array<i32>} : memref<32xf32, #tpu.memory_space<vmem>>, vector<16xf32>,
    %swap3A_1073 = vector.shape_cast %swap3A_1072 : vector<16xf32> to vector<16xf32>
    %swap3A_1074 = vector.shape_cast %add3A_1070 : vector<16xf32> to vector<16xf32>
    tpu.vector_store %arg10[%swap3A_1071], %swap3A_1074 {strides = array<i32>} : memref<32xf32, #tpu.memory_space<vmem>>, vector<16xf32>,
    %swap3A_1075 = arith.constant 16 : index
    %swap3A_1076 = tpu.vector_load %arg10[%swap3A_1075] {strides = array<i32>} : memref<32xf32, #tpu.memory_space<vmem>>, vector<16xf32>,
    %swap3A_1077 = vector.shape_cast %swap3A_1076 : vector<16xf32> to vector<16xf32>
    %swap3A_1078 = vector.shape_cast %add3A_1070 : vector<16xf32> to vector<16xf32>
    tpu.vector_store %arg10[%swap3A_1075], %swap3A_1078 {strides = array<i32>} : memref<32xf32, #tpu.memory_space<vmem>>, vector<16xf32>,
    %get3A_1079 = arith.constant 2 : index
    %get3A_1080 = tpu.vector_load %arg10[%get3A_1079] {strides = array<i32>} : memref<32xf32, #tpu.memory_space<vmem>>, vector<16xf32>,
    %get3A_1081 = vector.shape_cast %get3A_1080 : vector<16xf32> to vector<16xf32>
    %add3A_1082 = arith.addf %add3A_1070, %get3A_1081 : vector<16xf32>
    %swap3A_1083 = arith.constant 0 : index
    %swap3A_1084 = tpu.vector_load %arg10[%swap3A_1083] {strides = array<i32>} : memref<32xf32, #tpu.memory_space<vmem>>, vector<16xf32>,
    %swap3A_1085 = vector.shape_cast %swap3A_1084 : vector<16xf32> to vector<16xf32>
    %swap3A_1086 = vector.shape_cast %add3A_1082 : vector<16xf32> to vector<16xf32>
    tpu.vector_store %arg10[%swap3A_1083], %swap3A_1086 {strides = array<i32>} : memref<32xf32, #tpu.memory_space<vmem>>, vector<16xf32>,
    %swap3A_1087 = arith.constant 16 : index
    %swap3A_1088 = tpu.vector_load %arg10[%swap3A_1087] {strides = array<i32>} : memref<32xf32, #tpu.memory_space<vmem>>, vector<16xf32>,
    %swap3A_1089 = vector.shape_cast %swap3A_1088 : vector<16xf32> to vector<16xf32>
    %swap3A_1090 = vector.shape_cast %add3A_1082 : vector<16xf32> to vector<16xf32>
    tpu.vector_store %arg10[%swap3A_1087], %swap3A_1090 {strides = array<i32>} : memref<32xf32, #tpu.memory_space<vmem>>, vector<16xf32>,
    %get3A_1091 = arith.constant 1 : index
    %get3A_1092 = tpu.vector_load %arg10[%get3A_1091] {strides = array<i32>} : memref<32xf32, #tpu.memory_space<vmem>>, vector<16xf32>,
    %get3A_1093 = vector.shape_cast %get3A_1092 : vector<16xf32> to vector<16xf32>
    %add3A_1094 = arith.addf %add3A_1082, %get3A_1093 : vector<16xf32>
    %eq3A_1095 = arith.constant 3 : i32
    %eq3A_1096 = vector.broadcast %eq3A_1095 : i32 to vector<16xi32>
    %eq3A_1097 = arith.cmpi eq, %iota3A, %eq3A_1096 : vector<16xi32>
    %select_n3A_1098 = arith.select %eq3A_1097, %add3A_1094, %select_n3A_1012 : vector<16xi1>, vector<16xf32>
    %swap3A_1099 = arith.constant 256 : index
    %swap3A_1100 = tpu.vector_load %arg9[%swap3A_1099] {strides = array<i32>} : memref<272xf32, #tpu.memory_space<vmem>>, vector<16xf32>,
    %swap3A_1101 = vector.shape_cast %swap3A_1100 : vector<16xf32> to vector<16xf32>
    %swap3A_1102 = vector.shape_cast %select_n3A_1098 : vector<16xf32> to vector<16xf32>
    tpu.vector_store %arg9[%swap3A_1099], %swap3A_1102 {strides = array<i32>} : memref<272xf32, #tpu.memory_space<vmem>>, vector<16xf32>,
    "tpu.region"() ({
      %run_scoped3A = tpu.sem_alloc : memref<!tpu.dma_semaphore, #tpu.memory_space<semaphore_mem>>
      %dma_start3A_1103 = arith.constant 0 : i32
      %dma_start3A_1104 = tpu.memref_slice %arg4[%add3A, %dma_start3A_1103] : memref<32x272xf32, #tpu.memory_space<hbm>> -> memref<1x272xf32, #tpu.memory_space<hbm>>
      %dma_start3A_1105 = tpu.memref_squeeze %dma_start3A_1104 : memref<1x272xf32, #tpu.memory_space<hbm>> -> memref<272xf32, #tpu.memory_space<hbm>>
      %dma_start3A_1106 = arith.constant 0 : i32
      %dma_start3A_1107 = tpu.memref_slice %arg4[%add3A, %dma_start3A_1106] : memref<32x272xf32, #tpu.memory_space<hbm>> -> memref<1x272xf32, #tpu.memory_space<hbm>>
      %dma_start3A_1108 = tpu.memref_squeeze %dma_start3A_1107 : memref<1x272xf32, #tpu.memory_space<hbm>> -> memref<272xf32, #tpu.memory_space<hbm>>
      tpu.enqueue_dma source(%arg9 : memref<272xf32, #tpu.memory_space<vmem>>) target(%dma_start3A_1108 : memref<272xf32, #tpu.memory_space<hbm>>) target_semaphore(%run_scoped3A : memref<!tpu.dma_semaphore, #tpu.memory_space<semaphore_mem>>)
      %dma_wait3A_1109 = arith.constant 0 : i32
      %dma_wait3A_1110 = tpu.memref_slice %arg4[%add3A, %dma_wait3A_1109] : memref<32x272xf32, #tpu.memory_space<hbm>> -> memref<1x272xf32, #tpu.memory_space<hbm>>
      %dma_wait3A_1111 = tpu.memref_squeeze %dma_wait3A_1110 : memref<1x272xf32, #tpu.memory_space<hbm>> -> memref<272xf32, #tpu.memory_space<hbm>>
      %dma_wait3A_1112 = arith.constant 0 : i32
      %dma_wait3A_1113 = tpu.memref_slice %arg4[%add3A, %dma_wait3A_1112] : memref<32x272xf32, #tpu.memory_space<hbm>> -> memref<1x272xf32, #tpu.memory_space<hbm>>
      %dma_wait3A_1114 = tpu.memref_squeeze %dma_wait3A_1113 : memref<1x272xf32, #tpu.memory_space<hbm>> -> memref<272xf32, #tpu.memory_space<hbm>>
      tpu.wait_dma2 semaphore(%run_scoped3A : memref<!tpu.dma_semaphore, #tpu.memory_space<semaphore_mem>>) src(%arg9 : memref<272xf32, #tpu.memory_space<vmem>>) dst(%dma_wait3A_1114 : memref<272xf32, #tpu.memory_space<hbm>>)
      tpu.yield
    }) : () -> ()
    return
  }
}

</mosaic_0001>

<sc_bundles>
// kernel: kernel.4.cloned.1.call-start
scs
__scs_entry_jumppad:
0x0: {  	(pc) =	sbr.rel $0x88, $3  }
0x1: {  	(tag) =	ssettag $0x0;
	lr =	simm.s32 $0x1  }
0x2: {  	[smem:$0x3F9F] =	sst lr;
	_ =	strace $0xD0000000  }
0x3: {  	_ = 	snop  }
0x4: {  	_ = 	snop  }
0x5: {  	_ = 	snop  }
0x6: {  	_ = 	snop  }
0x7: {  	_ = 	snop  }
__scs_overlays_trampoline_lowered:
0x8: {  	[smem:$0x3FAE] =	sst s0  }
0x9: {  	[smem:$0x3FAF] =	sst s1  }
0xa: {  	[smem:$0x3FB0] =	sst s2  }
0xb: {  	[smem:$0x3FB1] =	sst s3  }
0xc: {  	[smem:$0x3FB2] =	sst s4  }
0xd: {  	[smem:$0x3FB3] =	sst s5  }
0xe: {  	[smem:$0x3FB4] =	sst s6  }
0xf: {  	[smem:$0x3FB5] =	sst s7  }
0x10: {  	[smem:$0x3FB6] =	sst s8  }
0x11: {  	[smem:$0x3FB7] =	sst s9;
	s0 =	simm.s32 @!p0 $0x0  }
0x12: {  	s1 =	sld [smem:$0x3F9D];
	s0 =	simm.s32 @p0 $0x1  }
0x13: {  	[smem:$0x3FB8] =	sst s0;
	s0 =	simm.s32 @!p1 $0x0  }
0x14: {  	s2 =	sld [smem:$0x3F9C];
	s0 =	simm.s32 @p1 $0x1  }
0x15: {  	[smem:$0x3FB9] =	sst s0;
	s0 =	simm.s32 @!p2 $0x0  }
0x16: {  	s3 =	sld [smem:$0x3FDB];
	s0 =	simm.s32 @p2 $0x1  }
0x17: {  	s4 =	simm.s32 $0x1BF5;
	[smem:$0x3FBB] =	sst s0  }
0x18: {  	s0 =	sld [smem:$0x3F9E];
	_ =	swait.ge [sflag:s4], $0x0  }
0x19: {  	s7 =	sld [smem:$0x3F9F]  }
0x1a: {  	s8 =	sadd.s32 $0xFFFFE003, lr  }
0x1b: {  	s9 =	sadd.s32 $0xFFFFFEF7, lr;
	s5 =	simm.s32 $0xFFFFFFFF;
	p2 =	slt.u32 s8, $0xFFFFF086  }
0x1c: {  	p1 =	slt.u32 s9, $0xF7A;
	s5 =	simm.s32 @!p2 $0x0  }
0x1d: {  	s5 =	simm.s32 @p1 $0x1;
	p0 =	seq.s32 s7, s2  }
0x1e: {  	s7 =	smul.u32 @!p0 $0xF7A, s2;
	p2 =	seq.s32 @!p0 s5, $0x0  }
0x1f: {  	s9 =	smul.u32 $0xF7A, s1;
	s8 =	simm.s32 @!p0 $0x1BF5;
	p2 =	por !p2, p0  }
0x20: {  	[sflag:s8] =	ssyncset.s32 @!p0 $0xFFFFF086;
	s6 =	sadd.s32 @!p0 s3, s7;
	s7 =	simm.s32 @!p0 $0x108  }
0x21: {  	s3 =	sadd.s32 s3, s9;
	s6 =	sadd.s32 @!p0 $0x88, s6;
	s7 =	simm.s32 @p2 $0x1082  }
0x22: {  	[simem:s7], [sflag:s8] =	dma.local @!p0 [hbm:s6], $0xF7A  }
0x23: {  	s9 =	sor.u32 $0xD0000000, s2;
	s6 =	simm.s32 $0x108;
	_ =	swait.ge @!p0 [sflag:s8], $0x0  }
0x24: {  	s3 =	sadd.s32 $0x88, s3;
	s6 =	simm.s32 @!p1 $0x1082;
	[sflag:s4] =	ssyncset.s32 $0xFFFFF086  }
0x25: {  	[simem:s6], [sflag:s4] =	dma.local [hbm:s3], $0xF7A  }
0x26: {  	[smem:$0x3F9F] =	sst s1;
	(tag) =	ssettag s2;
	_ =	strace s9  }
0x27: {  	s1 =	sld [smem:$0x3FAF]  }
0x28: {  	s2 =	sld [smem:$0x3FB0]  }
0x29: {  	s4 =	sld [smem:$0x3FB2]  }
0x2a: {  	p0 =	seq.s32 s5, $0x0;
	s5 =	sld [smem:$0x3FB3]  }
0x2b: {  	s6 =	sld [smem:$0x3FB4]  }
0x2c: {  	s7 =	sld [smem:$0x3FB5]  }
0x2d: {  	s3 =	simm.s32 $0x108;
	s8 =	sld [smem:$0x3FB6]  }
0x2e: {  	s3 =	simm.s32 @!p0 $0x1082;
	s9 =	sld [smem:$0x3FB7]  }
0x2f: {  	lr =	sadd.s32 s0, s3;
	s0 =	sld [smem:$0x3FAE]  }
0x30: {  	s3 =	sld [smem:$0x3FB1]  }
0x31: {  	[smem:$0x3FBA] =	sst s10  }
0x32: {  	s10 =	sld [smem:$0x3FB8];
	_ =	sdelay $0x3  }
0x33: {  	p0 =	seq.s32 s10, $0x1;
	s10 =	sld [smem:$0x3FBA];
	_ =	sdelay $0x3  }
0x34: {  	[smem:$0x3FBA] =	sst s10  }
0x35: {  	s10 =	sld [smem:$0x3FB9];
	_ =	sdelay $0x3  }
0x36: {  	p1 =	seq.s32 s10, $0x1;
	s10 =	sld [smem:$0x3FBA];
	_ =	sdelay $0x3  }
0x37: {  	[smem:$0x3FBA] =	sst s10  }
0x38: {  	s10 =	sld [smem:$0x3FBB]  }
0x39: {  	_ = 	snop;
	(pc) =	sbr.ind lr, $3  }
0x3a: {  	_ = 	snop  }
0x3b: {  	_ = 	snop  }
0x3c: {  	p2 =	seq.s32 s10, $0x1;
	s10 =	sld [smem:$0x3FBA]  }
0x3d: {  	_ =	shalt  }
0x3e: {  	_ =	shalt  }
0x3f: {  	_ =	shalt  }
0x40: {  	_ =	shalt  }
0x41: {  	_ =	shalt  }
0x42: {  	_ =	shalt  }
0x43: {  	_ =	shalt  }
0x44: {  	_ =	shalt  }
0x45: {  	_ =	shalt  }
0x46: {  	_ =	shalt  }
0x47: {  	_ =	shalt  }
0x48: {  	_ =	shalt  }
0x49: {  	_ =	shalt  }
0x4a: {  	_ =	shalt  }
0x4b: {  	_ =	shalt  }
0x4c: {  	_ =	shalt  }
0x4d: {  	_ =	shalt  }
0x4e: {  	_ =	shalt  }
0x4f: {  	_ =	shalt  }
0x50: {  	_ =	shalt  }
0x51: {  	_ =	shalt  }
0x52: {  	_ =	shalt  }
0x53: {  	_ =	shalt  }
0x54: {  	_ =	shalt  }
0x55: {  	_ =	shalt  }
0x56: {  	_ =	shalt  }
0x57: {  	_ =	shalt  }
0x58: {  	_ =	shalt  }
0x59: {  	_ =	shalt  }
0x5a: {  	_ =	shalt  }
0x5b: {  	_ =	shalt  }
0x5c: {  	_ =	shalt  }
0x5d: {  	_ =	shalt  }
0x5e: {  	_ =	shalt  }
0x5f: {  	_ =	shalt  }
0x60: {  	_ =	shalt  }
0x61: {  	_ =	shalt  }
0x62: {  	_ =	shalt  }
0x63: {  	_ =	shalt  }
0x64: {  	_ =	shalt  }
0x65: {  	_ =	shalt  }
0x66: {  	_ =	shalt  }
0x67: {  	_ =	shalt  }
0x68: {  	_ =	shalt  }
0x69: {  	_ =	shalt  }
0x6a: {  	_ =	shalt  }
0x6b: {  	_ =	shalt  }
0x6c: {  	_ =	shalt  }
0x6d: {  	_ =	shalt  }
0x6e: {  	_ =	shalt  }
0x6f: {  	_ =	shalt  }
0x70: {  	_ =	shalt  }
0x71: {  	_ =	shalt  }
0x72: {  	_ =	shalt  }
0x73: {  	_ =	shalt  }
0x74: {  	_ =	shalt  }
0x75: {  	_ =	shalt  }
0x76: {  	_ =	shalt  }
0x77: {  	_ =	shalt  }
0x78: {  	_ =	shalt  }
0x79: {  	_ =	shalt  }
0x7a: {  	_ =	shalt  }
0x7b: {  	_ =	shalt  }
0x7c: {  	_ =	shalt  }
0x7d: {  	_ =	shalt  }
0x7e: {  	_ =	shalt  }
0x7f: {  	_ =	shalt  }
0x80: {  	_ =	shalt  }
0x81: {  	_ =	shalt  }
0x82: {  	_ =	shalt  }
0x83: {  	_ =	shalt  }
0x84: {  	_ =	shalt  }
0x85: {  	_ =	shalt  }
0x86: {  	_ =	shalt  }
0x87: {  	_ =	shalt  }
.Lfunc_end0:
.L_simem_size_0:
called_computation_lowered:
.L_overlay_start_0:
0x88: {  	s2 =	sld [smem:$0x3FD9]  }
0x89: {  	s3 =	sld [smem:$0x3FFE];
	_ =	sdelay $0x1  }
0x8a: {  	s1 =	srdreg.scid  }
0x8b: {  	s0 =	sand.u32 $0x1, s1  }
0x8c: {  	s17 =	sshll.u32 s0, $0xA;
	s2 =	sadd.s32 s3, s2  }
0x8d: {  	s2 =	sadd.s32 s2, s17  }
0x8e: {  	[smem:$0x3FC6] =	sst s2  }
0x8f: {  	_ = 	snop  }
0x90: {  	s2 =	sld [smem:$0x3FC9]  }
0x91: {  	s18 =	sld [smem:$0x3FC8];
	(tm) =	ssettm $0x1  }
0x92: {  	s4 =	sld [smem:$0x3FFB];
	_ =	sdelay $0x3  }
0x93: {  	_ =	strace s4  }
0x94: {  	s4 =	sld [smem:$0x3FFC];
	_ =	sdelay $0x3  }
0x95: {  	_ =	strace s4  }
0x96: {  	s4 =	sld [smem:$0x3FFD];
	_ =	sdelay $0x3  }
0x97: {  	_ =	strace s4  }
0x98: {  	_ =	strace $0x8FFFFFFF  }
0x99: {  	s19 =	sld [smem:$0x3FDB];
	_ =	sdelay $0x1  }
0x9a: {  	s5 =	simm.s32 $_scs_section_size  }
0x9b: {  	s6 =	simm.s32 $_size__tile_overlayer_lowered;
	s7 =	simm.s32 $_tile_overlayer_lowered  }
0x9c: {  	s22 =	simm.s32 $0x1BFF;
	s21 =	sshll.u32 s7, $0x1;
	s4 =	sadd.s32 s5, s19  }
0x9d: {  	s8 =	simm.s32 $0x0;
	s20 =	sshll.u32 s6, $0x1;
	s6 =	sadd.s32 s21, s4  }
0x9e: {  	[timem:s8], [sflag:s22] =	dma.local [hbm:s6], s20  }
0x9f: {  	_ =	swait.ge [sflag:s22], s20  }
0xa0: {  	s5 =	ssub.s32 $0x0, s20;
	[sflag:s22] =	ssyncset.done $0x0  }
0xa1: {  	[sflag:s22] =	ssyncadd.s32 s5;
	_ =	sdelay $0x1  }
0xa2: {  	s23 =	simm.s32 $0x1B8B  }
0xa3: {  	_ =	swait.ge [sflag:s23], $0x1  }
0xa4: {  	[sflag:s23] =	ssyncset.done $0x0  }
0xa5: {  	s25 =	simm.s32 $0x1B8E;
	s24 =	sld [smem:$0x3FFE];
	[sflag:s23] =	ssyncadd.s32 $0xFFFFFFFF  }
0xa6: {  	s26 =	simm.s32 $execute0_lowered;
	[smem:$0x3FD2] =	sst s25  }
0xa7: {  	s6 =	sshll.u32 s26, $0x1;
	_ =	strace $0x80000046;
	[dreg:$0x1] =	wrdreg $0xFFFFFFFF  }
0xa8: {  	s28 =	simm.s32 $_size_execute0_lowered;
	s4 =	sadd.s32 s4, s6;
	[dreg:$0x0] =	wrdreg $0x0  }
0xa9: {  	s6 =	sshll.u32 s28, $0x1;
	[dreg:$0x2] =	wrdreg s4  }
0xaa: {  	[dreg:$0x3] =	wrdreg s6  }
0xab: {  	[dreg:$0x4] =	wrdreg $0xC0  }
0xac: {  	_ =	task [dreg:s8], $0x5FFFF  }
0xad: {  	[dreg:$0x1] =	wrdreg $0xFFFFFFFF  }
0xae: {  	[dreg:$0x0] =	wrdreg $0x60  }
0xaf: {  	[dreg:$0x2] =	wrdreg s2  }
0xb0: {  	[dreg:$0x3] =	wrdreg s18  }
0xb1: {  	[dreg:$0x4] =	wrdreg s24  }
0xb2: {  	[dreg:$0x5] =	wrdreg $0x17A800  }
0xb3: {  	[dreg:$0x6] =	wrdreg $0x9  }
0xb4: {  	_ =	task.clear_ibuf [dreg:s8], $0x7FFFF;
	_ =	strace $0x90000046  }
0xb5: {  	s29 =	simm.s32 $0x9;
	_ =	strace $0x80000048  }
0xb6: {  	_ =	swait.ge [sflag:s29], $0x1  }
0xb7: {  	[sflag:s29] =	ssyncadd.s32 $0xFFFFFFFF  }
0xb8: {  	_ =	strace $0x90000048  }
0xb9: {  	_ =	sfence  }
0xba: {  	s30 =	sld [smem:$0x0];
	_ =	sdelay $0x2  }
0xbb: {  	s31 =	sshll.u32 s1, $0xD;
	s1 =	sshrl.u32 s1, $0x2  }
0xbc: {  	s3 =	sand.u32 $0x4000, s31;
	s1 =	sadd.s32 s1, s30  }
0xbd: {  	s0 =	sor.u32 s3, s0;
	s1 =	sshll.u32 s1, $0x11  }
0xbe: {  	s0 =	sor.u32 s1, s0  }
0xbf: {  	s0 =	sadd.s32 $0x8F2B, s0  }
0xc0: {  	[sflag:s0] =	ssyncadd.remote.s32 $0x1  }
0xc1: {  	_ =	sfence.sel $0xFFFF  }
0xc2: {  	[dreg:$0x0] =	wrdreg $0xFFFFFFFF;
	(pc) =	sbr.abs _section_cstart, $3  }
0xc3: {  	[dreg:$0x1] =	wrdreg $0xFFFFFFFF  }
0xc4: {  	_ =	task.clear_ibuf [dreg:s8], $0x2FFFF;
	_ =	strace $0x9FFFFFFF  }
0xc5: {  	(tm) =	ssettm $0x7FFFFFFF  }
tec
execute0_lowered:
.L_overlay_start_1:
0x0: {  	(tag) =	ssettag $0x1  }
0x1: {  	s1 =	rddreg [dreg:$0x0]  }
0x2: {  	s0 =	rddreg [dreg:$0x2]  }
0x3: {  	s2 =	srdreg.scid;
	s14 =	stileid.u32;
	s5 =	simm.s32 $0x0  }
0x4: {  	s9 =	simm.s32 $0x100;
	s30 =	simm.s32 $0x2;
	s31 =	simm.s32 $0x3  }
0x5: {  	s28 =	simm.s32 $0x4;
	s29 =	simm.s32 $0x0;
	s2 =	sand.u32 $0x1, s2  }
0x6: {  	s3 =	sshll.u32 s14, $0x1;
	s4 =	sshrl.u32 s14, $0x2;
	s12 =	smul.u32 $0xC300, s14  }
0x7: {  	[smem:$0x7FF] =	sst s5;
	p0 =	slt.u32 s14, $0xA;
	s26 =	smul.u32 $0x1860, s14  }
0x8: {  	s3 =	sor.u32 s2, s3;
	s4 =	smul.u32 $0xC00, s4;
	_ =	strace $0x80000047  }
0x9: {  	s8 =	ssub.s32 $0x2, s2;
	s9 =	simm.s32 @!p0 $0xC0;
	s13 =	smul.u32 $0x6180, s2  }
0xa: {  	s6 =	sshll.u32 s3, $0x7;
	s20 =	smul.u32 $0xC30, s3;
	s7 =	smin.u32 s3, $0x14  }
0xb: {  	s21 =	sshrl.u32 s8, $0x1;
	s6 =	sand.u32 $0x380, s6;
	s10 =	sshll.u32 s7, $0x3  }
0xc: {  	s12 =	sadd.s32 s13, s12;
	s4 =	sor.u32 s4, s6;
	s11 =	sadd.s32 s20, s10  }
0xd: {  	s6 =	sshll.u32 s3, $0x2;
	s4 =	sshrl.u32 s4, $0x3;
	s22 =	sadd.s32 $0xC18, s11  }
0xe: {  	s15 =	sor.u32 $0x1, s6;
	s20 =	sor.u32 $0x2, s6;
	s24 =	sshll.u32 s11, $0x4  }
0xf: {  	s0 =	sadd.s32 s4, s0;
	s4 =	ssub.s32 s8, s21;
	s21 =	smul.u32 $0xC30, s2  }
0x10: {  	s23 =	smin.u32 s22, $0x18680;
	s16 =	sadd.s32 s1, s24;
	s2 =	smul.u32 $0x186000, s2  }
0x11: {  	s24 =	sshll.u32 s7, $0xC;
	s7 =	sshll.u32 s7, $0x6;
	[dreg:$0x5] =	wrdreg s15  }
0x12: {  	s15 =	sand.u32 $0xD, s15;
	[dreg:$0x6] =	wrdreg s20;
	s3 =	ssub.s32 s22, s23  }
0x13: {  	s25 =	sshll.u32 s23, $0x4;
	s17 =	sadd.s32 $0xA80, s16;
	s18 =	sadd.s32 $0x1580, s16  }
0x14: {  	[dreg:$0x7] =	wrdreg s16;
	s16 =	sadd.s32 $0x2000, s16;
	s23 =	smul.u32 $0x30C000, s14  }
0x15: {  	s7 =	sadd.s32 s7, s12;
	s0 =	sadd.s32 $0x800, s0;
	[dreg:$0x8] =	wrdreg s17  }
0x16: {  	s13 =	smax.u32 s4, $0x1;
	s3 =	sshll.u32 s3, $0x3;
	[dreg:$0xa] =	wrdreg s18  }
0x17: {  	s19 =	sadd.s32 s1, s25;
	[dreg:$0xb] =	wrdreg s16;
	s16 =	sadd.s32 $0x2B0, s11  }
0x18: {  	s17 =	sadd.s32 $0xA80, s1;
	s18 =	sadd.s32 $0x408, s11;
	[dreg:$0xd] =	wrdreg s0  }
0x19: {  	s11 =	sand.u32 $0xC, s6;
	[dreg:$0xe] =	wrdreg s13;
	s0 =	simm.s32 $0x5400  }
0x1a: {  	s9 =	sadd.s32 s9, s3;
	[dreg:$0x9] =	wrdreg s19;
	s3 =	sadd.s32 s21, s26  }
0x1b: {  	s22 =	sadd.s32 $0x100, s19;
	s2 =	sadd.s32 s2, s23;
	s3 =	sadd.s32 s10, s3  }
0x1c: {  	s26 =	sshll.u32 s14, $0x3;
	s21 =	sand.u32 $0xE, s20;
	s3 =	sadd.s32 $0xC18, s3  }
0x1d: {  	v6 =	vlaneseq.u32;
	[dreg:$0xc] =	wrdreg s22;
	s2 =	sadd.s32 s24, s2;
	s3 =	smin.u32 s3, $0x18680  }
0x1e: {  	v1 =	vimm.f32 $-3.000000010e+38;
	vm4 =	vcmask $0x310;
	vm5 =	vcmask $0x710;
	s19 =	sand.u32 $0x70, s26;
	s24 =	sor.u32 $0x3, s11;
	s25 =	sshll.u32 s3, $0x9  }
0x1f: {  	vm6 =	vcmask $0xB10;
	vm7 =	vmmov $0x1;
	v4 =	vmov s15;
	s26 =	simm.s32 $0x1;
	s3 =	sshll.u32 s3, $0x3;
	s2 =	ssub.s32 s2, s25  }
0x20: {  	vm2 =	veq.s32 v4, v6;
	v3 =	vmov s11;
	v5 =	vmov s21;
	s12 =	sor.u32 $0x16800, s19;
	s3 =	ssub.s32 s7, s3;
	s2 =	sadd.s32 $0x183200, s2  }
0x21: {  	vm3 =	veq.s32 v3, v6;
	v2 =	vmov s24;
	vm1 =	veq.s32 v5, v6;
	s25 =	simm.s32 $0x5;
	s22 =	sadd.s32 $0x60C0, s3;
	s14 =	sshra.s32 s2, $0x2  }
0x22: {  	v0 =	vmov s12;
	vm0 =	veq.s32 v2, v6;
	v2 =	vimm.f32 $0.0e+00;
	s3 =	simm.s32 $0x10000;
	s2 =	simm.s32 $0xAC00;
	s23 =	sadd.s32 $0x15800, s14  }
.LBB2_1:
0x23: {  	s4 =	rddreg [dreg:$0x1];
	s7 =	simm.s32 $0x17A00  }
0x24: {  	[tilespmem:s7], [sflag:$0x5] =	stream.linear.gather [hbm4b:s4+s5], $0x80, $0x38;
	[tilespmem:$0x17A88] =	vst v63  }
0x25: {  	_ =	swait.ge [sflag:s25], $0x80  }
0x26: {  	[sflag:s25] =	ssyncset.done $0x0  }
0x27: {  	[sflag:s25] =	ssyncadd.s32 $0xFFFFFF80  }
0x28: {  	s10 =	rddreg [dreg:$0x3]  }
0x29: {  	[spmem:s10] =	stream.linear.scatter [tilespmem:s7], [sflag:$0x5], $0x80, $0x38;
	[tilespmem:$0x17A88] =	vst v63  }
0x2a: {  	_ =	swait.ge [sflag:s25], $0x80  }
0x2b: {  	[sflag:s25] =	ssyncset.done $0x0  }
0x2c: {  	[sflag:s25] =	ssyncadd.s32 $0xFFFFFF80  }
0x2d: {  	[smem:s5], [sflag:$0x5] =	stream.linear.gather [spmem:s10], $0x80, $0x38;
	[tilespmem:$0x17A88] =	vst v63  }
0x2e: {  	_ =	swait.ge [sflag:s25], $0x80  }
0x2f: {  	[sflag:s25] =	ssyncset.done $0x0  }
0x30: {  	[sflag:s25] =	ssyncadd.s32 $0xFFFFFF80  }
0x31: {  	s13 =	sld [smem:s6+$0x0];
	_ =	sdelay $0x1  }
0x32: {  	s15 =	rddreg [dreg:$0x5]  }
0x33: {  	s24 =	sld [smem:s15+$0x0];
	s11 =	sand.u32 $0x7, s13  }
0x34: {  	s12 =	sshra.s32 s13, $0x1F;
	p0 =	slt.s32 s13, $0x1;
	p1 =	sne.s32 s11, $0x0  }
0x35: {  	s14 =	sshrl.u32 s12, $0x1D;
	p0 =	por !p0, !p1  }
0x36: {  	s7 =	simm.s32 $0x1;
	s4 =	sadd.s32 s14, s13;
	p0 =	por !p0, !p0  }
0x37: {  	s8 =	sshra.s32 s24, $0x1F;
	s4 =	sshra.s32 s4, $0x3;
	s7 =	simm.s32 @!p0 $0x0  }
0x38: {  	s20 =	simm.s32 $0x16800;
	s10 =	sshrl.u32 s8, $0x1D;
	s21 =	ssub.s32 s4, s7  }
0x39: {  	s11 =	rddreg [dreg:$0x6];
	s7 =	sand.u32 $0x7, s24;
	s4 =	sshll.u32 s21, $0x7  }
0x3a: {  	p1 =	slt.s32 s24, $0x1;
	p2 =	sne.s32 s7, $0x0;
	s4 =	sand.u32 $0x1FFFFF80, s4  }
0x3b: {  	s11 =	sld [smem:s11+$0x0];
	p0 =	por !p1, !p2;
	s4 =	sadd.s32 s1, s4  }
0x3c: {  	[tilespmem:s20], [sflag:$0x4] =	stream.linear.gather [hbm4b:s4+s5], $0x400, $0x38;
	[tilespmem:$0x17A88] =	vst v63  }
0x3d: {  	s7 =	simm.s32 $0x1;
	p0 =	por !p0, !p0;
	s4 =	sadd.s32 s10, s24  }
0x3e: {  	s7 =	simm.s32 @!p0 $0x0;
	s4 =	sshra.s32 s4, $0x3  }
0x3f: {  	s12 =	simm.s32 $0x16C00;
	s20 =	ssub.s32 s4, s7  }
0x40: {  	s14 =	sand.u32 $0x7, s11;
	s15 =	sshra.s32 s11, $0x1F;
	s4 =	sshll.u32 s20, $0x7  }
0x41: {  	p3 =	slt.s32 s11, $0x1;
	p4 =	sne.s32 s14, $0x0;
	s4 =	sand.u32 $0x1FFFFF80, s4  }
0x42: {  	s8 =	sshrl.u32 s15, $0x1D;
	p0 =	por !p3, !p4;
	s4 =	sadd.s32 s1, s4  }
0x43: {  	[tilespmem:s12], [sflag:$0x4] =	stream.linear.gather [hbm4b:s4+s5], $0x400, $0x38;
	[tilespmem:$0x17A88] =	vst v63  }
0x44: {  	p0 =	por !p0, !p0;
	s7 =	simm.s32 $0x1;
	s4 =	sadd.s32 s8, s11  }
0x45: {  	s7 =	simm.s32 @!p0 $0x0;
	s4 =	sshra.s32 s4, $0x3  }
0x46: {  	s15 =	ssub.s32 s4, s7  }
0x47: {  	s4 =	sshll.u32 s15, $0x7  }
0x48: {  	s10 =	sand.u32 $0x1FFFFF80, s4;
	s4 =	sld [smem:s6+$0x3]  }
0x49: {  	s8 =	simm.s32 $0x17000;
	s7 =	sadd.s32 s1, s10  }
0x4a: {  	[tilespmem:s8], [sflag:$0x4] =	stream.linear.gather [hbm4b:s7+s5], $0x400, $0x38;
	[tilespmem:$0x17A88] =	vst v63  }
0x4b: {  	s12 =	sand.u32 $0x7, s4  }
0x4c: {  	s14 =	sshra.s32 s4, $0x1F;
	p5 =	slt.s32 s4, $0x1;
	p6 =	sne.s32 s12, $0x0  }
0x4d: {  	s10 =	sshrl.u32 s14, $0x1D;
	p0 =	por !p5, !p6  }
0x4e: {  	s8 =	simm.s32 $0x1;
	s7 =	sadd.s32 s10, s4;
	p0 =	por !p0, !p0  }
0x4f: {  	s7 =	sshra.s32 s7, $0x3;
	s8 =	simm.s32 @!p0 $0x0  }
0x50: {  	s14 =	ssub.s32 s7, s8  }
0x51: {  	s7 =	sshll.u32 s14, $0x7  }
0x52: {  	s7 =	sand.u32 $0x1FFFFF80, s7  }
0x53: {  	s12 =	simm.s32 $0x17400;
	s7 =	sadd.s32 s1, s7  }
0x54: {  	[tilespmem:s12], [sflag:$0x4] =	stream.linear.gather [hbm4b:s7+s5], $0x400, $0x38;
	[tilespmem:$0x17A88] =	vst v63  }
0x55: {  	[tilespmem:$0x17800] =	vst v1  }
0x56: {  	[tilespmem:$0x17880] =	vst v2  }
0x57: {  	[tilespmem:$0x17810] =	vst v1  }
0x58: {  	[tilespmem:$0x17890] =	vst v2  }
0x59: {  	[tilespmem:$0x17820] =	vst v1  }
0x5a: {  	[tilespmem:$0x178A0] =	vst v2  }
0x5b: {  	[tilespmem:$0x17830] =	vst v1  }
0x5c: {  	[tilespmem:$0x178B0] =	vst v2  }
0x5d: {  	[tilespmem:$0x17840] =	vst v1  }
0x5e: {  	[tilespmem:$0x178C0] =	vst v2  }
0x5f: {  	[tilespmem:$0x17850] =	vst v1  }
0x60: {  	[tilespmem:$0x178D0] =	vst v2  }
0x61: {  	[tilespmem:$0x17860] =	vst v1  }
0x62: {  	[tilespmem:$0x178E0] =	vst v2  }
0x63: {  	[tilespmem:$0x17870] =	vst v1  }
0x64: {  	s8 =	rddreg [dreg:$0x7];
	[tilespmem:$0x178F0] =	vst v2  }
0x65: {  	[tilespmem:s5], [sflag:$0x1] =	stream.linear.gather [hbm4b:s8+s5], $0x5400, $0x38;
	[tilespmem:$0x17A88] =	vst v63  }
0x66: {  	s10 =	rddreg [dreg:$0x8]  }
0x67: {  	[tilespmem:s0], [sflag:$0x1] =	stream.linear.gather [hbm4b:s10+s5], $0x5800, $0x38;
	[tilespmem:$0x17A88] =	vst v63  }
0x68: {  	s12 =	rddreg [dreg:$0xa]  }
0x69: {  	[tilespmem:s2], [sflag:$0x2] =	stream.linear.gather [hbm4b:s12+s5], $0x5400, $0x38;
	[tilespmem:$0x17A88] =	vst v63  }
0x6a: {  	s8 =	rddreg [dreg:$0xb]  }
0x6b: {  	[tilespmem:s3], [sflag:$0x2] =	stream.linear.gather [hbm4b:s8+s5], $0x5800, $0x38;
	[tilespmem:$0x17A88] =	vst v63  }
0x6c: {  	s10 =	rddreg [dreg:$0x9];
	s12 =	simm.s32 $0x15800  }
0x6d: {  	[tilespmem:s12], [sflag:$0x3] =	stream.linear.gather [hbm4b:s10+s5], $0x800, $0x38;
	[tilespmem:$0x17A88] =	vst v63  }
0x6e: {  	s7 =	simm.s32 $0x0;
	s10 =	rddreg [dreg:$0xc];
	s12 =	simm.s32 $0x16000  }
0x6f: {  	[tilespmem:s12], [sflag:$0x3] =	stream.linear.gather [hbm4b:s10+s5], $0x800, $0x38;
	[tilespmem:$0x17A88] =	vst v63  }
.LBB2_2:
0x70: {  	_ =	swait.ge [sflag:s26], $0x5400  }
0x71: {  	[sflag:s26] =	ssyncset.done $0x0  }
0x72: {  	[sflag:s26] =	ssyncadd.s32 $0xFFFFAC00  }
0x73: {  	_ =	swait.ge [sflag:s26], $0x5800  }
0x74: {  	[sflag:s26] =	ssyncset.done $0x0  }
0x75: {  	[sflag:s26] =	ssyncadd.s32 $0xFFFFA800  }
0x76: {  	v7 =	vld [tilespmem:$0x17800]  }
0x77: {  	v24 =	vld [tilespmem:$0x17810]  }
0x78: {  	v8 =	vld [tilespmem:$0x17820]  }
0x79: {  	v23 =	vld [tilespmem:$0x17830]  }
0x7a: {  	v22 =	vld [tilespmem:$0x17840]  }
0x7b: {  	v21 =	vld [tilespmem:$0x17850]  }
0x7c: {  	v20 =	vld [tilespmem:$0x17860]  }
0x7d: {  	v17 =	vld [tilespmem:$0x17870]  }
0x7e: {  	v15 =	vld [tilespmem:$0x17880]  }
0x7f: {  	v16 =	vld [tilespmem:$0x17890]  }
0x80: {  	v14 =	vld [tilespmem:$0x178A0]  }
0x81: {  	v19 =	vld [tilespmem:$0x178B0]  }
0x82: {  	v13 =	vld [tilespmem:$0x178C0]  }
0x83: {  	v18 =	vld [tilespmem:$0x178D0]  }
0x84: {  	v12 =	vld [tilespmem:$0x178E0]  }
0x85: {  	s10 =	simm.s32 $0x80;
	v11 =	vld [tilespmem:$0x178F0]  }
0x86: {  	v3 =	vld [tilespmem:s10+$0xFFFFFFF0]  }
0x87: {  	v4 =	vld [tilespmem:s10+$0x70]  }
0x88: {  	v5 =	vld [tilespmem:s10+$0xFFFFFF90]  }
0x89: {  	v6 =	vld [tilespmem:s10+$0x10]  }
0x8a: {  	v10 =	vld [tilespmem:s10+$0xFFFFFFA0]  }
0x8b: {  	v25 =	vld [tilespmem:s10+$0x20]  }
0x8c: {  	v26 =	vld [tilespmem:s10+$0xFFFFFFB0]  }
0x8d: {  	v27 =	vld [tilespmem:s10+$0x30]  }
0x8e: {  	v33 =	vld [tilespmem:s10+$0xFFFFFFC0]  }
0x8f: {  	v34 =	vld [tilespmem:s10+$0x40]  }
0x90: {  	v9 =	vld [tilespmem:s10+$0x0]  }
0x91: {  	v29 =	vld [tilespmem:s10+$0xFFFFFFD0];
	v3 =	vmax.f32 v3, v4;
	v4 =	vmax.f32 v5, v6  }
0x92: {  	v30 =	vld [tilespmem:s10+$0x50];
	v5 =	vmax.f32 v24, v4;
	v4 =	vmax.f32 v10, v25;
	v10 =	vmax.f32 v26, v27  }
0x93: {  	v28 =	vld [tilespmem:s10+$0xFFFFFFE0]  }
0x94: {  	v31 =	vld [tilespmem:s10+$0x60];
	v33 =	vmax.f32 v33, v34;
	v3 =	vmax.f32 v17, v3;
	v26 =	vmov v22  }
0x95: {  	s8 =	simm.s32 $0x0;
	v32 =	vld [tilespmem:s10+$0xFFFFFF80];
	s10 =	simm.s32 $0x180;
	v27 =	vmovc v21;
	v25 =	vmovc v20;
	v6 =	vmax.f32 v8, v4;
	v4 =	vmax.f32 v23, v10;
	v10 =	vmov v7  }
.LBB2_3:
0x96: {  	v34 =	vld [tilespmem:s10+$0xFFFFFFF0];
	v26 =	vmax.f32 v26, v33  }
0x97: {  	s8 =	sadd.s32 $0x10, s8;
	v33 =	vld [tilespmem:s10+$0x70];
	v29 =	vmax.f32 v29, v30  }
0x98: {  	p0 =	slt.u32 s8, $0xAB0;
	v30 =	vld [tilespmem:s10+$0x0];
	v27 =	vmax.f32 v27, v29  }
0x99: {  	v29 =	vld [tilespmem:s10+$0xFFFFFF90];
	v28 =	vmax.f32 v28, v31  }
0x9a: {  	v31 =	vld [tilespmem:s10+$0x10];
	v9 =	vmax.f32 v32, v9;
	v25 =	vmax.f32 v25, v28  }
0x9b: {  	v28 =	vld [tilespmem:s10+$0xFFFFFFA0];
	v10 =	vmax.f32 v10, v9  }
0x9c: {  	v32 =	vld [tilespmem:s10+$0x20];
	v34 =	vmax.f32 v34, v33  }
0x9d: {  	v33 =	vld [tilespmem:s10+$0xFFFFFFB0];
	v3 =	vmax.f32 v3, v34;
	v9 =	vmov v30  }
0x9e: {  	v34 =	vld [tilespmem:s10+$0x30]  }
0x9f: {  	v29 =	vmax.f32 v29, v31;
	v35 =	vld [tilespmem:s10+$0xFFFFFFC0]  }
0xa0: {  	v5 =	vmax.f32 v5, v29;
	v36 =	vld [tilespmem:s10+$0x40]  }
.Ltmp0:
0xa1: {  	v28 =	vmax.f32 v28, v32;
	v29 =	vld [tilespmem:s10+$0xFFFFFFD0];
	(pc) =	sbr.rel @p0 .LBB2_3-.Ltmp0, $4  }
0xa2: {  	v6 =	vmax.f32 v6, v28;
	v30 =	vld [tilespmem:s10+$0x50]  }
0xa3: {  	v31 =	vmax.f32 v33, v34;
	v28 =	vld [tilespmem:s10+$0xFFFFFFE0]  }
0xa4: {  	v4 =	vmax.f32 v4, v31;
	v31 =	vld [tilespmem:s10+$0x60]  }
0xa5: {  	v32 =	vld [tilespmem:s10+$0xFFFFFF80];
	v33 =	vmax.f32 v35, v36;
	s10 =	sadd.s32 $0x100, s10  }
0xa6: {  	_ =	sdelay $0x3  }
0xa7: {  	v9 =	vmax.f32 v32, v9  }
0xa8: {  	v10 =	vmax.f32 v10, v9  }
0xa9: {  	v29 =	vmax.f32 v29, v30;
	v30 =	vsub.f32 v7, v10  }
0xaa: {  	v24 =	vsub.f32 v24, v5;
	v9 =	vmax.f32 v26, v33;
	v26 =	vmax.f32 v28, v31  }
0xab: {  	v28 =	vsub.f32 v8, v6;
	v7 =	vmax.f32 v27, v29;
	v27 =	vmul.f32 $1.442695020e+00, v30  }
0xac: {  	v23 =	vsub.f32 v23, v4;
	v24 =	vmul.f32 $1.442695020e+00, v24;
	v8 =	vmax.f32 v25, v26  }
0xad: {  	v22 =	vsub.f32 v22, v9;
	v25 =	vmul.f32 $1.442695020e+00, v28;
	(erf) = vpow2.f32 v27  }
0xae: {  	v23 =	vmul.f32 $1.442695020e+00, v23;
	v21 =	vsub.f32 v21, v7;
	(erf) = vpow2.f32 v24  }
0xaf: {  	v20 =	vsub.f32 v20, v8;
	v22 =	vmul.f32 $1.442695020e+00, v22;
	(erf) = vpow2.f32 v25  }
0xb0: {  	v17 =	vsub.f32 v17, v3;
	v21 =	vmul.f32 $1.442695020e+00, v21;
	(erf) = vpow2.f32 v23  }
0xb1: {  	s8 =	simm.s32 $0x80;
	v20 =	vmul.f32 $1.442695020e+00, v20;
	(erf) = vpow2.f32 v22  }
0xb2: {  	v17 =	vmul.f32 $1.442695020e+00, v17;
	v24 =	vld [tilespmem:s8+$0xFFFFFFB0];
	(erf) = vpow2.f32 v21  }
0xb3: {  	(erf) = vpow2.f32 v20  }
0xb4: {  	(erf) = vpow2.f32 v17  }
0xb5: {  	v26 =	vld [tilespmem:s8+$0xFFFFFFE0]  }
0xb6: {  	v20 =	vld [tilespmem:s8+$0x0];
	v17 =	vpop (erf)  }
0xb7: {  	v21 =	vld [tilespmem:s8+$0xFFFFFF90];
	v24 =	vsub.f32 v24, v4;
	v23 =	vpop (erf)  }
0xb8: {  	v28 =	vld [tilespmem:s8+$0x20];
	v25 =	vpop (erf)  }
0xb9: {  	v29 =	vld [tilespmem:s8+$0x50];
	v24 =	vmul.f32 $1.442695020e+00, v24;
	v27 =	vpop (erf)  }
0xba: {  	v26 =	vsub.f32 v26, v8;
	v22 =	vld [tilespmem:s8+$0xFFFFFFF0];
	v17 =	vmul.f32 v17, v15;
	v16 =	vmul.f32 v23, v16;
	v23 =	vpop (erf)  }
0xbb: {  	v20 =	vsub.f32 v20, v10;
	v15 =	vmul.f32 v25, v14;
	v25 =	vld [tilespmem:s8+$0x70];
	v14 =	vmul.f32 v27, v19;
	v19 =	vpop (erf)  }
0xbc: {  	v30 =	vmul.f32 v23, v13;
	v23 =	vld [tilespmem:s8+$0x40];
	v13 =	vmul.f32 v19, v18;
	v18 =	vpop (erf);
	v19 =	vsub.f32 v21, v5  }
0xbd: {  	v20 =	vmul.f32 $1.442695020e+00, v20;
	v27 =	vsub.f32 v28, v6;
	v28 =	vld [tilespmem:s8+$0xFFFFFFC0];
	v12 =	vmul.f32 v18, v12;
	v18 =	vpop (erf)  }
0xbe: {  	v11 =	vmul.f32 v18, v11;
	v18 =	vmul.f32 $1.442695020e+00, v19;
	v19 =	vld [tilespmem:s8+$0x30]  }
0xbf: {  	v22 =	vsub.f32 v22, v3;
	v21 =	vld [tilespmem:s8+$0x60];
	(erf) = vpow2.f32 v20;
	v20 =	vmul.f32 $1.442695020e+00, v26  }
0xc0: {  	s10 =	simm.s32 $0x180;
	v26 =	vld [tilespmem:s8+$0xFFFFFFD0];
	v25 =	vsub.f32 v25, v3;
	(erf) = vpow2.f32 v18;
	v18 =	vmul.f32 $1.442695020e+00, v27  }
0xc1: {  	v59 =	vld [tilespmem:s10+$0xFFFFFFE0];
	v22 =	vmul.f32 $1.442695020e+00, v22;
	v23 =	vsub.f32 v23, v9;
	(erf) = vpow2.f32 v20  }
0xc2: {  	v20 =	vld [tilespmem:s8+$0xFFFFFFA0];
	(erf) = vpow2.f32 v18;
	v18 =	vmul.f32 $1.442695020e+00, v25;
	v25 =	vsub.f32 v29, v7  }
0xc3: {  	v27 =	vld [tilespmem:s8+$0xFFFFFF80];
	(erf) = vpow2.f32 v22;
	v19 =	vsub.f32 v19, v4;
	v22 =	vmul.f32 $1.442695020e+00, v23  }
0xc4: {  	v60 =	vld [tilespmem:s10+$0x30];
	v21 =	vsub.f32 v21, v8;
	(erf) = vpow2.f32 v18;
	v18 =	vmul.f32 $1.442695020e+00, v25  }
0xc5: {  	v23 =	vld [tilespmem:s10+$0x0];
	v25 =	vsub.f32 v28, v9;
	v31 =	vmul.f32 $1.442695020e+00, v19;
	v19 =	vsub.f32 v26, v7  }
0xc6: {  	v29 =	vld [tilespmem:s8+$0x10];
	v34 =	vmul.f32 $1.442695020e+00, v21;
	(erf) = vpow2.f32 v22  }
0xc7: {  	v28 =	vld [tilespmem:s10+$0xFFFFFF90];
	v26 =	vsub.f32 v20, v6;
	v25 =	vmul.f32 $1.442695020e+00, v25;
	(erf) = vpow2.f32 v24  }
0xc8: {  	v35 =	vld [tilespmem:s10+$0x40];
	v27 =	vsub.f32 v27, v10;
	v58 =	vmul.f32 $1.442695020e+00, v19;
	(erf) = vpow2.f32 v18  }
0xc9: {  	v22 =	vld [tilespmem:s10+$0xFFFFFFF0];
	v26 =	vmul.f32 $1.442695020e+00, v26;
	v19 =	vpop (erf);
	(erf) = vpow2.f32 v25  }
0xca: {  	v27 =	vmul.f32 $1.442695020e+00, v27;
	v21 =	vsub.f32 v23, v10;
	v25 =	vld [tilespmem:s10+$0x50];
	v20 =	vpop (erf);
	(erf) = vpow2.f32 v58  }
0xcb: {  	v29 =	vsub.f32 v29, v5;
	v23 =	vld [tilespmem:s10+$0x20];
	v18 =	vpop (erf);
	(erf) = vpow2.f32 v26  }
0xcc: {  	v36 =	vld [tilespmem:s10+$0xFFFFFFC0];
	v28 =	vsub.f32 v28, v5;
	v21 =	vmul.f32 $1.442695020e+00, v21;
	v37 =	vpop (erf);
	(erf) = vpow2.f32 v31  }
0xcd: {  	v38 =	vld [tilespmem:s10+$0xFFFFFFD0];
	v41 =	vsub.f32 v35, v9;
	v29 =	vmul.f32 $1.442695020e+00, v29;
	v31 =	vpop (erf);
	(erf) = vpow2.f32 v27  }
0xce: {  	v33 =	vsub.f32 v59, v8;
	v26 =	vld [tilespmem:s10+$0x60];
	v28 =	vmul.f32 $1.442695020e+00, v28;
	v27 =	vpop (erf);
	(erf) = vpow2.f32 v21  }
0xcf: {  	v61 =	vld [tilespmem:s10+$0x70];
	v25 =	vsub.f32 v25, v7;
	v21 =	vadd.f32 v27, v31;
	v31 =	vpop (erf);
	(erf) = vpow2.f32 v29  }
0xd0: {  	v24 =	vld [tilespmem:s10+$0xFFFFFFB0];
	v22 =	vsub.f32 v22, v3;
	v39 =	vsub.f32 v23, v6;
	v42 =	vpop (erf);
	(erf) = vpow2.f32 v28  }
0xd1: {  	v33 =	vmul.f32 $1.442695020e+00, v33;
	v29 =	vld [tilespmem:s10+$0xFFFFFF80];
	v28 =	vsub.f32 v60, v4;
	v23 =	vpop (erf);
	(erf) = vpow2.f32 v34  }
0xd2: {  	v40 =	vld [tilespmem:s10+$0xFFFFFFA0];
	v63 =	vsub.f32 v36, v9;
	v43 =	vmul.f32 $1.442695020e+00, v22;
	v22 =	vmul.f32 $1.442695020e+00, v39;
	v62 =	vpop (erf)  }
0xd3: {  	v27 =	vmul.f32 $1.442695020e+00, v25;
	v44 =	vsub.f32 v26, v8;
	v26 =	vmul.f32 $1.442695020e+00, v28;
	v25 =	vpop (erf)  }
0xd4: {  	v28 =	vsub.f32 v38, v7;
	(erf) = vpow2.f32 v33;
	v31 =	vadd.f32 v31, v62;
	v45 =	vpop (erf)  }
0xd5: {  	v41 =	vmul.f32 $1.442695020e+00, v41;
	v24 =	vsub.f32 v24, v4;
	(erf) = vpow2.f32 v22;
	v46 =	vpop (erf)  }
0xd6: {  	v34 =	vsub.f32 v29, v10;
	v29 =	vmul.f32 $1.442695020e+00, v28;
	v28 =	vsub.f32 v61, v3;
	v36 =	vpop (erf)  }
0xd7: {  	v35 =	vmul.f32 $1.442695020e+00, v24;
	v39 =	vsub.f32 v40, v6;
	v24 =	vmul.f32 $1.442695020e+00, v44;
	v32 =	vpop (erf)  }
0xd8: {  	v38 =	vmul.f32 $1.442695020e+00, v63;
	v22 =	vadd.f32 v31, v30;
	v40 =	vmul.f32 $1.442695020e+00, v28;
	v31 =	vpop (erf)  }
0xd9: {  	s12 =	simm.s32 $0x280;
	s8 =	simm.s32 $0x10;
	v33 =	vld [tilespmem:s10+$0x10];
	(erf) = vpow2.f32 v43;
	v28 =	vadd.f32 v37, v45;
	v37 =	vadd.f32 v46, v42;
	v30 =	vpop (erf)  }
.LBB2_5:
0xda: {  	v42 =	vld [tilespmem:s12+$0x0];
	s8 =	sadd.s32 $0x10, s8;
	v39 =	vmul.f32 $1.442695020e+00, v39;
	(erf) = vpow2.f32 v40;
	v36 =	vadd.f32 v19, v36;
	v40 =	vpop (erf)  }
0xdb: {  	v34 =	vmul.f32 $1.442695020e+00, v34;
	v19 =	vmovc v32;
	v43 =	vld [tilespmem:s12+$0xFFFFFF90];
	p0 =	slt.u32 s8, $0xAB0;
	(erf) = vpow2.f32 v41;
	v14 =	vadd.f32 v37, v14  }
0xdc: {  	v23 =	vadd.f32 v23, v25;
	v32 =	vld [tilespmem:s12+$0xFFFFFFF0];
	(erf) = vpow2.f32 v35;
	v17 =	vadd.f32 v36, v17  }
0xdd: {  	v11 =	vadd.f32 v21, v11;
	v25 =	vld [tilespmem:s12+$0xFFFFFFB0];
	(erf) = vpow2.f32 v27;
	v27 =	vadd.f32 v40, v18;
	v18 =	vpop (erf)  }
0xde: {  	v31 =	vadd.f32 v31, v20;
	v13 =	vadd.f32 v23, v13;
	v21 =	vld [tilespmem:s12+$0xFFFFFFE0];
	v37 =	vpop (erf);
	(erf) = vpow2.f32 v38  }
0xdf: {  	v20 =	vmovc v30;
	v23 =	vsub.f32 v42, v10;
	v35 =	vld [tilespmem:s12+$0x50];
	(erf) = vpow2.f32 v29;
	v12 =	vadd.f32 v27, v12  }
0xe0: {  	v16 =	vadd.f32 v31, v16;
	v27 =	vsub.f32 v43, v5;
	v29 =	vld [tilespmem:s12+$0x20];
	(erf) = vpow2.f32 v39  }
0xe1: {  	v15 =	vadd.f32 v28, v15;
	v31 =	vsub.f32 v33, v5;
	v23 =	vmul.f32 $1.442695020e+00, v23;
	v30 =	vld [tilespmem:s12+$0x60]  }
0xe2: {  	v27 =	vmul.f32 $1.442695020e+00, v27;
	v28 =	vld [tilespmem:s12+$0x30];
	(erf) = vpow2.f32 v26;
	v26 =	vpop (erf)  }
0xe3: {  	v31 =	vmul.f32 $1.442695020e+00, v31;
	v33 =	vld [tilespmem:s12+$0x40];
	v36 =	vsub.f32 v21, v8;
	(erf) = vpow2.f32 v34;
	v21 =	vpop (erf)  }
0xe4: {  	v38 =	vld [tilespmem:s12+$0xFFFFFFC0];
	(erf) = vpow2.f32 v23;
	v21 =	vadd.f32 v21, v26;
	v26 =	vpop (erf)  }
0xe5: {  	v40 =	vsub.f32 v35, v7;
	v34 =	vld [tilespmem:s12+$0xFFFFFFD0];
	v36 =	vmul.f32 $1.442695020e+00, v36;
	(erf) = vpow2.f32 v31;
	v42 =	vpop (erf)  }
0xe6: {  	v32 =	vsub.f32 v32, v3;
	v29 =	vsub.f32 v29, v6;
	v31 =	vld [tilespmem:s12+$0xFFFFFF80];
	(erf) = vpow2.f32 v27;
	v23 =	vpop (erf)  }
0xe7: {  	v27 =	vmul.f32 $1.442695020e+00, v40;
	v28 =	vsub.f32 v28, v4;
	v39 =	vld [tilespmem:s12+$0x70];
	v35 =	vpop (erf);
	(erf) = vpow2.f32 v24  }
0xe8: {  	v43 =	vmul.f32 $1.442695020e+00, v32;
	v40 =	vsub.f32 v25, v4;
	v24 =	vld [tilespmem:s12+$0xFFFFFFA0];
	v41 =	vsub.f32 v33, v9;
	v25 =	vpop (erf)  }
0xe9: {  	v30 =	vsub.f32 v30, v8;
	v29 =	vmul.f32 $1.442695020e+00, v29;
	v33 =	vadd.f32 v26, v35;
	v44 =	vpop (erf)  }
0xea: {  	v26 =	vmul.f32 $1.442695020e+00, v28;
	v28 =	vsub.f32 v34, v7;
	(erf) = vpow2.f32 v36  }
.Ltmp1:
0xeb: {  	v35 =	vmul.f32 $1.442695020e+00, v40;
	v34 =	vsub.f32 v31, v10;
	(erf) = vpow2.f32 v29;
	v45 =	vpop (erf);
	(pc) =	sbr.rel @p0 .LBB2_5-.Ltmp1, $4  }
0xec: {  	v46 =	vsub.f32 v38, v9;
	v29 =	vmul.f32 $1.442695020e+00, v28;
	v28 =	vsub.f32 v39, v3;
	v36 =	vpop (erf)  }
0xed: {  	v22 =	vadd.f32 v33, v22;
	v39 =	vsub.f32 v24, v6;
	v24 =	vmul.f32 $1.442695020e+00, v30;
	v32 =	vpop (erf)  }
0xee: {  	v38 =	vmul.f32 $1.442695020e+00, v46;
	v40 =	vmul.f32 $1.442695020e+00, v28;
	v28 =	vadd.f32 v37, v44;
	v31 =	vpop (erf)  }
0xef: {  	v41 =	vmul.f32 $1.442695020e+00, v41;
	v37 =	vadd.f32 v45, v42;
	v33 =	vld [tilespmem:s12+$0x10];
	s12 =	sadd.s32 $0x100, s12;
	v30 =	vpop (erf);
	(erf) = vpow2.f32 v43  }
0xf0: {  	(erf) = vpow2.f32 v40  }
0xf1: {  	(erf) = vpow2.f32 v41  }
0xf2: {  	(erf) = vpow2.f32 v35  }
0xf3: {  	(erf) = vpow2.f32 v27  }
0xf4: {  	v27 =	vmul.f32 $1.442695020e+00, v39;
	(erf) = vpow2.f32 v38  }
0xf5: {  	v54 =	vpop (erf);
	(erf) = vpow2.f32 v29  }
0xf6: {  	v55 =	vpop (erf);
	v29 =	vmul.f32 $1.442695020e+00, v34;
	(erf) = vpow2.f32 v27;
	v27 =	vsub.f32 v33, v5;
	_ =	sdelay $0x1  }
0xf7: {  	v56 =	vpop (erf);
	v27 =	vmul.f32 $1.442695020e+00, v27  }
0xf8: {  	(erf) = vpow2.f32 v26;
	v26 =	vpop (erf)  }
0xf9: {  	(erf) = vpow2.f32 v29;
	v29 =	vpop (erf)  }
0xfa: {  	v57 =	vpop (erf)  }
0xfb: {  	(erf) = vpow2.f32 v27;
	v27 =	vpop (erf)  }
0xfc: {  	v58 =	vpop (erf)  }
0xfd: {  	v19 =	vadd.f32 v19, v36;
	v59 =	vpop (erf)  }
0xfe: {  	v20 =	vadd.f32 v31, v20;
	v15 =	vadd.f32 v28, v15;
	[tilespmem:$0x17800] =	vst v10;
	v60 =	vpop (erf)  }
0xff: {  	[tilespmem:$0x17810] =	vst v5;
	v14 =	vadd.f32 v37, v14;
	v17 =	vadd.f32 v19, v17;
	(erf) = vpow2.f32 v24;
	v42 =	vpop (erf)  }
0x100: {  	[tilespmem:$0x17820] =	vst v6;
	v6 =	vadd.f32 v57, v59;
	v10 =	vadd.f32 v56, v42  }
0x101: {  	[tilespmem:$0x17850] =	vst v7;
	v16 =	vadd.f32 v20, v16;
	v7 =	vadd.f32 v29, v26  }
0x102: {  	[tilespmem:$0x17830] =	vst v4;
	v61 =	vpop (erf);
	v4 =	vadd.f32 v6, v22;
	v10 =	vadd.f32 v10, v15  }
0x103: {  	[tilespmem:$0x17840] =	vst v9;
	v6 =	vadd.f32 v58, v60;
	v31 =	vpop (erf);
	v5 =	vadd.f32 v61, v27  }
0x104: {  	v19 =	vadd.f32 v32, v31;
	[tilespmem:$0x178A0] =	vst v10;
	v10 =	vadd.f32 v54, v18  }
0x105: {  	v15 =	vadd.f32 v23, v25;
	[tilespmem:$0x178C0] =	vst v4;
	v4 =	vadd.f32 v21, v11  }
0x106: {  	[tilespmem:$0x17860] =	vst v8;
	v20 =	vpop (erf);
	v5 =	vadd.f32 v5, v14;
	v17 =	vadd.f32 v19, v17  }
0x107: {  	[tilespmem:$0x17870] =	vst v3;
	v19 =	vadd.f32 v20, v30;
	v13 =	vadd.f32 v15, v13  }
0x108: {  	v4 =	vadd.f32 v7, v4;
	[tilespmem:$0x178B0] =	vst v5;
	v5 =	vadd.f32 v10, v12;
	v10 =	vpop (erf)  }
0x109: {  	s8 =	smul.u32 $0x2B0, s7;
	v16 =	vadd.f32 v19, v16;
	[tilespmem:$0x17880] =	vst v17;
	v9 =	vadd.f32 v10, v55  }
0x10a: {  	v6 =	vadd.f32 v6, v13;
	[tilespmem:$0x178F0] =	vst v4  }
0x10b: {  	s10 =	sadd.s32 s8, s16;
	[tilespmem:$0x17890] =	vst v16;
	v5 =	vadd.f32 v9, v5  }
0x10c: {  	s10 =	sshll.u32 s10, $0x4;
	[tilespmem:$0x178D0] =	vst v6  }
0x10d: {  	s12 =	sadd.s32 s1, s10;
	[tilespmem:$0x178E0] =	vst v5  }
0x10e: {  	[tilespmem:s5], [sflag:$0x1] =	stream.linear.gather [hbm4b:s12+s5], $0x5400, $0x38;
	[tilespmem:$0x17A88] =	vst v63  }
0x10f: {  	s10 =	sadd.s32 s10, s17  }
0x110: {  	[tilespmem:s0], [sflag:$0x1] =	stream.linear.gather [hbm4b:s10+s5], $0x5800, $0x38;
	[tilespmem:$0x17A88] =	vst v63  }
0x111: {  	_ =	swait.ge [sflag:s30], $0x5400  }
0x112: {  	[sflag:s30] =	ssyncset.done $0x0  }
0x113: {  	[sflag:s30] =	ssyncadd.s32 $0xFFFFAC00  }
0x114: {  	_ =	swait.ge [sflag:s30], $0x5800  }
0x115: {  	[sflag:s30] =	ssyncset.done $0x0  }
0x116: {  	[sflag:s30] =	ssyncadd.s32 $0xFFFFA800  }
0x117: {  	v7 =	vld [tilespmem:$0x17800]  }
0x118: {  	v24 =	vld [tilespmem:$0x17810]  }
0x119: {  	v8 =	vld [tilespmem:$0x17820]  }
0x11a: {  	v23 =	vld [tilespmem:$0x17830]  }
0x11b: {  	v22 =	vld [tilespmem:$0x17840]  }
0x11c: {  	v21 =	vld [tilespmem:$0x17850]  }
0x11d: {  	v20 =	vld [tilespmem:$0x17860]  }
0x11e: {  	v17 =	vld [tilespmem:$0x17870]  }
0x11f: {  	v15 =	vld [tilespmem:$0x17880]  }
0x120: {  	v16 =	vld [tilespmem:$0x17890]  }
0x121: {  	v14 =	vld [tilespmem:$0x178A0]  }
0x122: {  	v19 =	vld [tilespmem:$0x178B0]  }
0x123: {  	v13 =	vld [tilespmem:$0x178C0]  }
0x124: {  	v18 =	vld [tilespmem:$0x178D0]  }
0x125: {  	v12 =	vld [tilespmem:$0x178E0]  }
0x126: {  	s12 =	simm.s32 $0xAC80;
	v11 =	vld [tilespmem:$0x178F0]  }
0x127: {  	v3 =	vld [tilespmem:s12+$0xFFFFFFF0]  }
0x128: {  	v4 =	vld [tilespmem:s12+$0x70]  }
0x129: {  	v5 =	vld [tilespmem:s12+$0xFFFFFF90]  }
0x12a: {  	v6 =	vld [tilespmem:s12+$0x10]  }
0x12b: {  	v10 =	vld [tilespmem:s12+$0xFFFFFFA0]  }
0x12c: {  	v25 =	vld [tilespmem:s12+$0x20]  }
0x12d: {  	v26 =	vld [tilespmem:s12+$0xFFFFFFB0]  }
0x12e: {  	v27 =	vld [tilespmem:s12+$0x30]  }
0x12f: {  	v62 =	vld [tilespmem:s12+$0xFFFFFFC0]  }
0x130: {  	v63 =	vld [tilespmem:s12+$0x40]  }
0x131: {  	v9 =	vld [tilespmem:s12+$0x0]  }
0x132: {  	v29 =	vld [tilespmem:s12+$0xFFFFFFD0];
	v3 =	vmax.f32 v3, v4;
	v4 =	vmax.f32 v5, v6  }
0x133: {  	v30 =	vld [tilespmem:s12+$0x50];
	v5 =	vmax.f32 v24, v4;
	v4 =	vmax.f32 v10, v25;
	v10 =	vmax.f32 v26, v27  }
0x134: {  	v28 =	vld [tilespmem:s12+$0xFFFFFFE0]  }
0x135: {  	v31 =	vld [tilespmem:s12+$0x60];
	v33 =	vmax.f32 v62, v63;
	v3 =	vmax.f32 v17, v3;
	v26 =	vmov v22  }
0x136: {  	s10 =	simm.s32 $0x0;
	v32 =	vld [tilespmem:s12+$0xFFFFFF80];
	s12 =	simm.s32 $0xAD80;
	v27 =	vmovc v21;
	v25 =	vmovc v20;
	v6 =	vmax.f32 v8, v4;
	v4 =	vmax.f32 v23, v10;
	v10 =	vmov v7  }
.LBB2_7:
0x137: {  	v34 =	vld [tilespmem:s12+$0xFFFFFFF0];
	v26 =	vmax.f32 v26, v33  }
0x138: {  	s10 =	sadd.s32 $0x10, s10;
	v33 =	vld [tilespmem:s12+$0x70];
	v29 =	vmax.f32 v29, v30  }
0x139: {  	p0 =	slt.u32 s10, $0xAB0;
	v30 =	vld [tilespmem:s12+$0x0];
	v27 =	vmax.f32 v27, v29  }
0x13a: {  	v29 =	vld [tilespmem:s12+$0xFFFFFF90];
	v28 =	vmax.f32 v28, v31  }
0x13b: {  	v31 =	vld [tilespmem:s12+$0x10];
	v9 =	vmax.f32 v32, v9;
	v25 =	vmax.f32 v25, v28  }
0x13c: {  	v28 =	vld [tilespmem:s12+$0xFFFFFFA0];
	v10 =	vmax.f32 v10, v9  }
0x13d: {  	v32 =	vld [tilespmem:s12+$0x20];
	v34 =	vmax.f32 v34, v33  }
0x13e: {  	v33 =	vld [tilespmem:s12+$0xFFFFFFB0];
	v3 =	vmax.f32 v3, v34;
	v9 =	vmov v30  }
0x13f: {  	v34 =	vld [tilespmem:s12+$0x30]  }
0x140: {  	v29 =	vmax.f32 v29, v31;
	v35 =	vld [tilespmem:s12+$0xFFFFFFC0]  }
0x141: {  	v5 =	vmax.f32 v5, v29;
	v36 =	vld [tilespmem:s12+$0x40]  }
.Ltmp2:
0x142: {  	v28 =	vmax.f32 v28, v32;
	v29 =	vld [tilespmem:s12+$0xFFFFFFD0];
	(pc) =	sbr.rel @p0 .LBB2_7-.Ltmp2, $4  }
0x143: {  	v6 =	vmax.f32 v6, v28;
	v30 =	vld [tilespmem:s12+$0x50]  }
0x144: {  	v31 =	vmax.f32 v33, v34;
	v28 =	vld [tilespmem:s12+$0xFFFFFFE0]  }
0x145: {  	v4 =	vmax.f32 v4, v31;
	v31 =	vld [tilespmem:s12+$0x60]  }
0x146: {  	v32 =	vld [tilespmem:s12+$0xFFFFFF80];
	v33 =	vmax.f32 v35, v36;
	s12 =	sadd.s32 $0x100, s12  }
0x147: {  	_ =	sdelay $0x3  }
0x148: {  	v9 =	vmax.f32 v32, v9  }
0x149: {  	v10 =	vmax.f32 v10, v9  }
0x14a: {  	v29 =	vmax.f32 v29, v30;
	v30 =	vsub.f32 v7, v10  }
0x14b: {  	v24 =	vsub.f32 v24, v5;
	v9 =	vmax.f32 v26, v33;
	v26 =	vmax.f32 v28, v31  }
0x14c: {  	v28 =	vsub.f32 v8, v6;
	v7 =	vmax.f32 v27, v29;
	v27 =	vmul.f32 $1.442695020e+00, v30  }
0x14d: {  	v23 =	vsub.f32 v23, v4;
	v24 =	vmul.f32 $1.442695020e+00, v24;
	v8 =	vmax.f32 v25, v26  }
0x14e: {  	v22 =	vsub.f32 v22, v9;
	v25 =	vmul.f32 $1.442695020e+00, v28;
	(erf) = vpow2.f32 v27  }
0x14f: {  	v23 =	vmul.f32 $1.442695020e+00, v23;
	v21 =	vsub.f32 v21, v7;
	(erf) = vpow2.f32 v24  }
0x150: {  	v20 =	vsub.f32 v20, v8;
	v22 =	vmul.f32 $1.442695020e+00, v22;
	(erf) = vpow2.f32 v25  }
0x151: {  	v17 =	vsub.f32 v17, v3;
	v21 =	vmul.f32 $1.442695020e+00, v21;
	(erf) = vpow2.f32 v23  }
0x152: {  	s10 =	simm.s32 $0xAC80;
	v20 =	vmul.f32 $1.442695020e+00, v20;
	(erf) = vpow2.f32 v22  }
0x153: {  	v17 =	vmul.f32 $1.442695020e+00, v17;
	v24 =	vld [tilespmem:s10+$0xFFFFFFB0];
	(erf) = vpow2.f32 v21  }
0x154: {  	(erf) = vpow2.f32 v20  }
0x155: {  	(erf) = vpow2.f32 v17  }
0x156: {  	v26 =	vld [tilespmem:s10+$0xFFFFFFE0]  }
0x157: {  	v20 =	vld [tilespmem:s10+$0x0];
	v17 =	vpop (erf)  }
0x158: {  	v21 =	vld [tilespmem:s10+$0xFFFFFF90];
	v24 =	vsub.f32 v24, v4;
	v23 =	vpop (erf)  }
0x159: {  	v28 =	vld [tilespmem:s10+$0x20];
	v25 =	vpop (erf)  }
0x15a: {  	v29 =	vld [tilespmem:s10+$0x50];
	v24 =	vmul.f32 $1.442695020e+00, v24;
	v27 =	vpop (erf)  }
0x15b: {  	v26 =	vsub.f32 v26, v8;
	v22 =	vld [tilespmem:s10+$0xFFFFFFF0];
	v17 =	vmul.f32 v17, v15;
	v16 =	vmul.f32 v23, v16;
	v23 =	vpop (erf)  }
0x15c: {  	v20 =	vsub.f32 v20, v10;
	v15 =	vmul.f32 v25, v14;
	v25 =	vld [tilespmem:s10+$0x70];
	v14 =	vmul.f32 v27, v19;
	v19 =	vpop (erf)  }
0x15d: {  	v30 =	vmul.f32 v23, v13;
	v23 =	vld [tilespmem:s10+$0x40];
	v13 =	vmul.f32 v19, v18;
	v18 =	vpop (erf);
	v19 =	vsub.f32 v21, v5  }
0x15e: {  	v20 =	vmul.f32 $1.442695020e+00, v20;
	v27 =	vsub.f32 v28, v6;
	v28 =	vld [tilespmem:s10+$0xFFFFFFC0];
	v12 =	vmul.f32 v18, v12;
	v18 =	vpop (erf)  }
0x15f: {  	v11 =	vmul.f32 v18, v11;
	v18 =	vmul.f32 $1.442695020e+00, v19;
	v19 =	vld [tilespmem:s10+$0x30]  }
0x160: {  	v22 =	vsub.f32 v22, v3;
	v21 =	vld [tilespmem:s10+$0x60];
	(erf) = vpow2.f32 v20;
	v20 =	vmul.f32 $1.442695020e+00, v26  }
0x161: {  	v26 =	vld [tilespmem:s10+$0xFFFFFFD0];
	v25 =	vsub.f32 v25, v3;
	(erf) = vpow2.f32 v18;
	v18 =	vmul.f32 $1.442695020e+00, v27  }
0x162: {  	v22 =	vmul.f32 $1.442695020e+00, v22;
	v27 =	vld [tilespmem:s10+$0xFFFFFF80];
	v23 =	vsub.f32 v23, v9;
	(erf) = vpow2.f32 v20  }
0x163: {  	v20 =	vld [tilespmem:s10+$0xFFFFFFA0];
	(erf) = vpow2.f32 v18;
	v18 =	vmul.f32 $1.442695020e+00, v25;
	v25 =	vsub.f32 v29, v7  }
0x164: {  	v29 =	vld [tilespmem:s10+$0x10];
	s10 =	simm.s32 $0xAD80;
	(erf) = vpow2.f32 v22;
	v19 =	vsub.f32 v19, v4;
	v22 =	vmul.f32 $1.442695020e+00, v23  }
0x165: {  	v21 =	vsub.f32 v21, v8;
	v23 =	vld [tilespmem:s10+$0x0];
	(erf) = vpow2.f32 v18;
	v18 =	vmul.f32 $1.442695020e+00, v25  }
0x166: {  	v59 =	vld [tilespmem:s10+$0xFFFFFFE0];
	v25 =	vsub.f32 v28, v9;
	v31 =	vmul.f32 $1.442695020e+00, v19;
	v19 =	vsub.f32 v26, v7  }
0x167: {  	v34 =	vmul.f32 $1.442695020e+00, v21;
	v60 =	vld [tilespmem:s10+$0x30];
	(erf) = vpow2.f32 v22  }
0x168: {  	v28 =	vld [tilespmem:s10+$0xFFFFFF90];
	v26 =	vsub.f32 v20, v6;
	v25 =	vmul.f32 $1.442695020e+00, v25;
	(erf) = vpow2.f32 v24  }
0x169: {  	v35 =	vld [tilespmem:s10+$0x40];
	v27 =	vsub.f32 v27, v10;
	v58 =	vmul.f32 $1.442695020e+00, v19;
	(erf) = vpow2.f32 v18  }
0x16a: {  	v22 =	vld [tilespmem:s10+$0xFFFFFFF0];
	v26 =	vmul.f32 $1.442695020e+00, v26;
	v19 =	vpop (erf);
	(erf) = vpow2.f32 v25  }
0x16b: {  	v27 =	vmul.f32 $1.442695020e+00, v27;
	v21 =	vsub.f32 v23, v10;
	v25 =	vld [tilespmem:s10+$0x50];
	v20 =	vpop (erf);
	(erf) = vpow2.f32 v58  }
0x16c: {  	v29 =	vsub.f32 v29, v5;
	v23 =	vld [tilespmem:s10+$0x20];
	v18 =	vpop (erf);
	(erf) = vpow2.f32 v26  }
0x16d: {  	v36 =	vld [tilespmem:s10+$0xFFFFFFC0];
	v28 =	vsub.f32 v28, v5;
	v21 =	vmul.f32 $1.442695020e+00, v21;
	v37 =	vpop (erf);
	(erf) = vpow2.f32 v31  }
0x16e: {  	v38 =	vld [tilespmem:s10+$0xFFFFFFD0];
	v33 =	vsub.f32 v59, v8;
	v29 =	vmul.f32 $1.442695020e+00, v29;
	v31 =	vpop (erf);
	(erf) = vpow2.f32 v27  }
0x16f: {  	v41 =	vsub.f32 v35, v9;
	v26 =	vld [tilespmem:s10+$0x60];
	v28 =	vmul.f32 $1.442695020e+00, v28;
	v27 =	vpop (erf);
	(erf) = vpow2.f32 v21  }
0x170: {  	v61 =	vld [tilespmem:s10+$0x70];
	v25 =	vsub.f32 v25, v7;
	v21 =	vadd.f32 v27, v31;
	v31 =	vpop (erf);
	(erf) = vpow2.f32 v29  }
0x171: {  	v24 =	vld [tilespmem:s10+$0xFFFFFFB0];
	v22 =	vsub.f32 v22, v3;
	v39 =	vsub.f32 v23, v6;
	v42 =	vpop (erf);
	(erf) = vpow2.f32 v28  }
0x172: {  	v33 =	vmul.f32 $1.442695020e+00, v33;
	v29 =	vld [tilespmem:s10+$0xFFFFFF80];
	v28 =	vsub.f32 v60, v4;
	v23 =	vpop (erf);
	(erf) = vpow2.f32 v34  }
0x173: {  	v40 =	vld [tilespmem:s10+$0xFFFFFFA0];
	v63 =	vsub.f32 v36, v9;
	v43 =	vmul.f32 $1.442695020e+00, v22;
	v22 =	vmul.f32 $1.442695020e+00, v39;
	v62 =	vpop (erf)  }
0x174: {  	v27 =	vmul.f32 $1.442695020e+00, v25;
	v44 =	vsub.f32 v26, v8;
	v26 =	vmul.f32 $1.442695020e+00, v28;
	v25 =	vpop (erf)  }
0x175: {  	v28 =	vsub.f32 v38, v7;
	(erf) = vpow2.f32 v33;
	v31 =	vadd.f32 v31, v62;
	v45 =	vpop (erf)  }
0x176: {  	v41 =	vmul.f32 $1.442695020e+00, v41;
	v24 =	vsub.f32 v24, v4;
	(erf) = vpow2.f32 v22;
	v46 =	vpop (erf)  }
0x177: {  	v34 =	vsub.f32 v29, v10;
	v29 =	vmul.f32 $1.442695020e+00, v28;
	v28 =	vsub.f32 v61, v3;
	v36 =	vpop (erf)  }
0x178: {  	v35 =	vmul.f32 $1.442695020e+00, v24;
	v39 =	vsub.f32 v40, v6;
	v24 =	vmul.f32 $1.442695020e+00, v44;
	v32 =	vpop (erf)  }
0x179: {  	v38 =	vmul.f32 $1.442695020e+00, v63;
	v22 =	vadd.f32 v31, v30;
	v40 =	vmul.f32 $1.442695020e+00, v28;
	v31 =	vpop (erf)  }
0x17a: {  	s12 =	simm.s32 $0x10;
	v33 =	vld [tilespmem:s10+$0x10];
	s10 =	simm.s32 $0xAE80;
	(erf) = vpow2.f32 v43;
	v28 =	vadd.f32 v37, v45;
	v37 =	vadd.f32 v46, v42;
	v30 =	vpop (erf)  }
.LBB2_9:
0x17b: {  	v42 =	vld [tilespmem:s10+$0x0];
	s12 =	sadd.s32 $0x10, s12;
	v39 =	vmul.f32 $1.442695020e+00, v39;
	(erf) = vpow2.f32 v40;
	v36 =	vadd.f32 v19, v36;
	v40 =	vpop (erf)  }
0x17c: {  	v34 =	vmul.f32 $1.442695020e+00, v34;
	v19 =	vmovc v32;
	v43 =	vld [tilespmem:s10+$0xFFFFFF90];
	p0 =	slt.u32 s12, $0xAB0;
	(erf) = vpow2.f32 v41;
	v14 =	vadd.f32 v37, v14  }
0x17d: {  	v23 =	vadd.f32 v23, v25;
	v32 =	vld [tilespmem:s10+$0xFFFFFFF0];
	(erf) = vpow2.f32 v35;
	v17 =	vadd.f32 v36, v17  }
0x17e: {  	v11 =	vadd.f32 v21, v11;
	v25 =	vld [tilespmem:s10+$0xFFFFFFB0];
	(erf) = vpow2.f32 v27;
	v27 =	vadd.f32 v40, v18;
	v18 =	vpop (erf)  }
0x17f: {  	v31 =	vadd.f32 v31, v20;
	v13 =	vadd.f32 v23, v13;
	v21 =	vld [tilespmem:s10+$0xFFFFFFE0];
	v37 =	vpop (erf);
	(erf) = vpow2.f32 v38  }
0x180: {  	v20 =	vmovc v30;
	v23 =	vsub.f32 v42, v10;
	v35 =	vld [tilespmem:s10+$0x50];
	(erf) = vpow2.f32 v29;
	v12 =	vadd.f32 v27, v12  }
0x181: {  	v16 =	vadd.f32 v31, v16;
	v27 =	vsub.f32 v43, v5;
	v29 =	vld [tilespmem:s10+$0x20];
	(erf) = vpow2.f32 v39  }
0x182: {  	v15 =	vadd.f32 v28, v15;
	v31 =	vsub.f32 v33, v5;
	v23 =	vmul.f32 $1.442695020e+00, v23;
	v30 =	vld [tilespmem:s10+$0x60]  }
0x183: {  	v27 =	vmul.f32 $1.442695020e+00, v27;
	v28 =	vld [tilespmem:s10+$0x30];
	(erf) = vpow2.f32 v26;
	v26 =	vpop (erf)  }
0x184: {  	v31 =	vmul.f32 $1.442695020e+00, v31;
	v33 =	vld [tilespmem:s10+$0x40];
	v36 =	vsub.f32 v21, v8;
	(erf) = vpow2.f32 v34;
	v21 =	vpop (erf)  }
0x185: {  	v38 =	vld [tilespmem:s10+$0xFFFFFFC0];
	(erf) = vpow2.f32 v23;
	v21 =	vadd.f32 v21, v26;
	v26 =	vpop (erf)  }
0x186: {  	v40 =	vsub.f32 v35, v7;
	v34 =	vld [tilespmem:s10+$0xFFFFFFD0];
	v36 =	vmul.f32 $1.442695020e+00, v36;
	(erf) = vpow2.f32 v31;
	v42 =	vpop (erf)  }
0x187: {  	v32 =	vsub.f32 v32, v3;
	v29 =	vsub.f32 v29, v6;
	v31 =	vld [tilespmem:s10+$0xFFFFFF80];
	(erf) = vpow2.f32 v27;
	v23 =	vpop (erf)  }
0x188: {  	v27 =	vmul.f32 $1.442695020e+00, v40;
	v28 =	vsub.f32 v28, v4;
	v39 =	vld [tilespmem:s10+$0x70];
	v35 =	vpop (erf);
	(erf) = vpow2.f32 v24  }
0x189: {  	v43 =	vmul.f32 $1.442695020e+00, v32;
	v40 =	vsub.f32 v25, v4;
	v24 =	vld [tilespmem:s10+$0xFFFFFFA0];
	v41 =	vsub.f32 v33, v9;
	v25 =	vpop (erf)  }
0x18a: {  	v30 =	vsub.f32 v30, v8;
	v29 =	vmul.f32 $1.442695020e+00, v29;
	v33 =	vadd.f32 v26, v35;
	v44 =	vpop (erf)  }
0x18b: {  	v26 =	vmul.f32 $1.442695020e+00, v28;
	v28 =	vsub.f32 v34, v7;
	(erf) = vpow2.f32 v36  }
.Ltmp3:
0x18c: {  	v35 =	vmul.f32 $1.442695020e+00, v40;
	v34 =	vsub.f32 v31, v10;
	(erf) = vpow2.f32 v29;
	v45 =	vpop (erf);
	(pc) =	sbr.rel @p0 .LBB2_9-.Ltmp3, $4  }
0x18d: {  	v46 =	vsub.f32 v38, v9;
	v29 =	vmul.f32 $1.442695020e+00, v28;
	v28 =	vsub.f32 v39, v3;
	v36 =	vpop (erf)  }
0x18e: {  	v22 =	vadd.f32 v33, v22;
	v39 =	vsub.f32 v24, v6;
	v24 =	vmul.f32 $1.442695020e+00, v30;
	v32 =	vpop (erf)  }
0x18f: {  	v38 =	vmul.f32 $1.442695020e+00, v46;
	v40 =	vmul.f32 $1.442695020e+00, v28;
	v28 =	vadd.f32 v37, v44;
	v31 =	vpop (erf)  }
0x190: {  	v41 =	vmul.f32 $1.442695020e+00, v41;
	v37 =	vadd.f32 v45, v42;
	v33 =	vld [tilespmem:s10+$0x10];
	s10 =	sadd.s32 $0x100, s10;
	v30 =	vpop (erf);
	(erf) = vpow2.f32 v43  }
0x191: {  	(erf) = vpow2.f32 v40  }
0x192: {  	(erf) = vpow2.f32 v41  }
0x193: {  	(erf) = vpow2.f32 v35  }
0x194: {  	(erf) = vpow2.f32 v27  }
0x195: {  	(erf) = vpow2.f32 v38  }
0x196: {  	v56 =	vmul.f32 $1.442695020e+00, v39;
	v57 =	vpop (erf);
	(erf) = vpow2.f32 v29  }
0x197: {  	v58 =	vmul.f32 $1.442695020e+00, v34;
	v34 =	vpop (erf)  }
0x198: {  	v60 =	vpop (erf);
	(erf) = vpow2.f32 v56  }
0x199: {  	(erf) = vpow2.f32 v26;
	v26 =	vpop (erf)  }
0x19a: {  	v59 =	vsub.f32 v33, v5;
	v29 =	vpop (erf)  }
0x19b: {  	v61 =	vpop (erf)  }
0x19c: {  	v27 =	vmul.f32 $1.442695020e+00, v59;
	v62 =	vpop (erf)  }
0x19d: {  	v19 =	vadd.f32 v19, v36;
	(erf) = vpow2.f32 v58;
	v63 =	vpop (erf)  }
0x19e: {  	v20 =	vadd.f32 v31, v20;
	v15 =	vadd.f32 v28, v15;
	[tilespmem:$0x17800] =	vst v10;
	(erf) = vpow2.f32 v27;
	v45 =	vpop (erf)  }
0x19f: {  	[tilespmem:$0x17810] =	vst v5;
	v54 =	vadd.f32 v23, v25;
	v14 =	vadd.f32 v37, v14;
	v46 =	vpop (erf);
	(erf) = vpow2.f32 v24  }
0x1a0: {  	[tilespmem:$0x17820] =	vst v6;
	v17 =	vadd.f32 v19, v17;
	v56 =	vadd.f32 v57, v18  }
0x1a1: {  	[tilespmem:$0x17830] =	vst v4;
	v16 =	vadd.f32 v20, v16;
	v13 =	vadd.f32 v54, v13  }
0x1a2: {  	[tilespmem:$0x17840] =	vst v9;
	v59 =	vadd.f32 v56, v12;
	v55 =	vadd.f32 v61, v45  }
0x1a3: {  	[tilespmem:$0x17850] =	vst v7;
	v42 =	vpop (erf);
	v58 =	vadd.f32 v63, v46;
	v63 =	vadd.f32 v29, v26  }
0x1a4: {  	[tilespmem:$0x17860] =	vst v8;
	v47 =	vpop (erf);
	v52 =	vadd.f32 v60, v42;
	v57 =	vadd.f32 v55, v22  }
0x1a5: {  	[tilespmem:$0x17870] =	vst v3;
	v53 =	vadd.f32 v47, v62;
	v6 =	vadd.f32 v58, v13  }
0x1a6: {  	v48 =	vpop (erf);
	v62 =	vadd.f32 v21, v11;
	v10 =	vadd.f32 v52, v15;
	[tilespmem:$0x178C0] =	vst v57  }
0x1a7: {  	v49 =	vadd.f32 v32, v48;
	v50 =	vpop (erf);
	v5 =	vadd.f32 v53, v14;
	[tilespmem:$0x178D0] =	vst v6  }
0x1a8: {  	p0 =	seq.s32 s7, $0x3;
	v51 =	vadd.f32 v50, v30;
	v4 =	vadd.f32 v63, v62;
	[tilespmem:$0x178A0] =	vst v10;
	v60 =	vpop (erf)  }
.Ltmp4:
0x1a9: {  	v17 =	vadd.f32 v49, v17;
	[tilespmem:$0x178B0] =	vst v5;
	v61 =	vadd.f32 v60, v34;
	(pc) =	sbr.rel @p0 .LBB2_12-.Ltmp4, $4  }
0x1aa: {  	v16 =	vadd.f32 v51, v16;
	[tilespmem:$0x178F0] =	vst v4  }
0x1ab: {  	[tilespmem:$0x17880] =	vst v17;
	v5 =	vadd.f32 v61, v59  }
0x1ac: {  	[tilespmem:$0x17890] =	vst v16  }
0x1ad: {  	[tilespmem:$0x178E0] =	vst v5  }
0x1ae: {  	s8 =	sadd.s32 s8, s18  }
.Ltmp5:
0x1af: {  	s8 =	sshll.u32 s8, $0x4;
	(pc) =	sbr.rel .LBB2_2-.Ltmp5, $4  }
0x1b0: {  	s10 =	sadd.s32 s1, s8  }
0x1b1: {  	[tilespmem:s2], [sflag:$0x2] =	stream.linear.gather [hbm4b:s10+s5], $0x5400, $0x38;
	[tilespmem:$0x17A88] =	vst v63  }
0x1b2: {  	s7 =	sadd.s32 $0x1, s7;
	s8 =	sadd.s32 s8, s17  }
0x1b3: {  	[tilespmem:s3], [sflag:$0x2] =	stream.linear.gather [hbm4b:s8+s5], $0x5800, $0x38;
	[tilespmem:$0x17A88] =	vst v63  }
.LBB2_12:
0x1b4: {  	_ =	swait.ge [sflag:s26], $0x5400  }
0x1b5: {  	[sflag:s26] =	ssyncset.done $0x0  }
0x1b6: {  	[sflag:s26] =	ssyncadd.s32 $0xFFFFAC00  }
0x1b7: {  	_ =	swait.ge [sflag:s26], $0x5800  }
0x1b8: {  	[sflag:s26] =	ssyncset.done $0x0  }
0x1b9: {  	[sflag:s26] =	ssyncadd.s32 $0xFFFFA800  }
0x1ba: {  	v9 =	vld [tilespmem:$0x17800]  }
0x1bb: {  	v24 =	vld [tilespmem:$0x17810]  }
0x1bc: {  	v14 =	vld [tilespmem:$0x17820]  }
0x1bd: {  	v23 =	vld [tilespmem:$0x17830]  }
0x1be: {  	v22 =	vld [tilespmem:$0x17840]  }
0x1bf: {  	v21 =	vld [tilespmem:$0x17850]  }
0x1c0: {  	v20 =	vld [tilespmem:$0x17860]  }
0x1c1: {  	v17 =	vld [tilespmem:$0x17870]  }
0x1c2: {  	v15 =	vld [tilespmem:$0x17880]  }
0x1c3: {  	v16 =	vld [tilespmem:$0x17890]  }
0x1c4: {  	v13 =	vld [tilespmem:$0x178A0]  }
0x1c5: {  	v19 =	vld [tilespmem:$0x178B0]  }
0x1c6: {  	v12 =	vld [tilespmem:$0x178C0]  }
0x1c7: {  	v18 =	vld [tilespmem:$0x178D0]  }
0x1c8: {  	v10 =	vld [tilespmem:$0x178E0]  }
0x1c9: {  	s8 =	simm.s32 $0x80;
	v7 =	vld [tilespmem:$0x178F0]  }
0x1ca: {  	v3 =	vld [tilespmem:s8+$0xFFFFFFF0]  }
0x1cb: {  	v4 =	vld [tilespmem:s8+$0x70]  }
0x1cc: {  	v5 =	vld [tilespmem:s8+$0xFFFFFF90]  }
0x1cd: {  	v11 =	vld [tilespmem:s8+$0x10]  }
0x1ce: {  	v25 =	vld [tilespmem:s8+$0xFFFFFFA0]  }
0x1cf: {  	v26 =	vld [tilespmem:s8+$0x20]  }
0x1d0: {  	v27 =	vld [tilespmem:s8+$0xFFFFFFB0]  }
0x1d1: {  	v33 =	vld [tilespmem:s8+$0xFFFFFFC0]  }
0x1d2: {  	v34 =	vld [tilespmem:s8+$0x40]  }
0x1d3: {  	v31 =	vld [tilespmem:s8+$0x30]  }
0x1d4: {  	v8 =	vld [tilespmem:s8+$0x0]  }
0x1d5: {  	v29 =	vld [tilespmem:s8+$0xFFFFFFD0]  }
0x1d6: {  	v30 =	vld [tilespmem:s8+$0x50];
	v3 =	vmax.f32 v3, v4  }
0x1d7: {  	v28 =	vld [tilespmem:s8+$0xFFFFFFE0];
	v4 =	vmax.f32 v25, v26;
	v33 =	vmax.f32 v33, v34;
	v6 =	vmax.f32 v17, v3  }
0x1d8: {  	v26 =	vmovc v21;
	v3 =	vmax.f32 v5, v11;
	v5 =	vmax.f32 v27, v31;
	v31 =	vld [tilespmem:s8+$0x60];
	v4 =	vmax.f32 v14, v4  }
0x1d9: {  	s7 =	simm.s32 $0x0;
	v32 =	vld [tilespmem:s8+$0xFFFFFF80];
	v25 =	vmovc v20;
	s8 =	simm.s32 $0x180;
	v11 =	vmovc v22;
	v27 =	vmov v9;
	v3 =	vmax.f32 v24, v3;
	v5 =	vmax.f32 v23, v5  }
.LBB2_13:
0x1da: {  	v34 =	vld [tilespmem:s8+$0xFFFFFFF0];
	v11 =	vmax.f32 v11, v33  }
0x1db: {  	s7 =	sadd.s32 $0x10, s7;
	v33 =	vld [tilespmem:s8+$0x70];
	v29 =	vmax.f32 v29, v30  }
0x1dc: {  	p0 =	slt.u32 s7, $0xAB0;
	v30 =	vld [tilespmem:s8+$0x0];
	v26 =	vmax.f32 v26, v29  }
0x1dd: {  	v29 =	vld [tilespmem:s8+$0xFFFFFF90];
	v28 =	vmax.f32 v28, v31  }
0x1de: {  	v31 =	vld [tilespmem:s8+$0x10];
	v8 =	vmax.f32 v32, v8;
	v25 =	vmax.f32 v25, v28  }
0x1df: {  	v28 =	vld [tilespmem:s8+$0xFFFFFFA0];
	v27 =	vmax.f32 v27, v8  }
0x1e0: {  	v32 =	vld [tilespmem:s8+$0x20];
	v34 =	vmax.f32 v34, v33  }
0x1e1: {  	v33 =	vld [tilespmem:s8+$0xFFFFFFB0];
	v6 =	vmax.f32 v6, v34;
	v8 =	vmov v30  }
0x1e2: {  	v34 =	vld [tilespmem:s8+$0x30]  }
0x1e3: {  	v29 =	vmax.f32 v29, v31;
	v35 =	vld [tilespmem:s8+$0xFFFFFFC0]  }
0x1e4: {  	v3 =	vmax.f32 v3, v29;
	v36 =	vld [tilespmem:s8+$0x40]  }
.Ltmp6:
0x1e5: {  	v28 =	vmax.f32 v28, v32;
	v29 =	vld [tilespmem:s8+$0xFFFFFFD0];
	(pc) =	sbr.rel @p0 .LBB2_13-.Ltmp6, $4  }
0x1e6: {  	v4 =	vmax.f32 v4, v28;
	v30 =	vld [tilespmem:s8+$0x50]  }
0x1e7: {  	v31 =	vmax.f32 v33, v34;
	v28 =	vld [tilespmem:s8+$0xFFFFFFE0]  }
0x1e8: {  	v5 =	vmax.f32 v5, v31;
	v31 =	vld [tilespmem:s8+$0x60]  }
0x1e9: {  	v32 =	vld [tilespmem:s8+$0xFFFFFF80];
	v33 =	vmax.f32 v35, v36;
	s8 =	sadd.s32 $0x100, s8  }
0x1ea: {  	_ =	sdelay $0x3  }
0x1eb: {  	v8 =	vmax.f32 v32, v8  }
0x1ec: {  	v8 =	vmax.f32 v27, v8  }
0x1ed: {  	v27 =	vmax.f32 v29, v30;
	v29 =	vsub.f32 v9, v8  }
0x1ee: {  	v24 =	vsub.f32 v24, v3;
	v9 =	vmax.f32 v11, v33;
	v11 =	vmax.f32 v26, v27  }
0x1ef: {  	v26 =	vmax.f32 v28, v31;
	v28 =	vsub.f32 v14, v4;
	v27 =	vmul.f32 $1.442695020e+00, v29  }
0x1f0: {  	v23 =	vsub.f32 v23, v5;
	v24 =	vmul.f32 $1.442695020e+00, v24;
	v14 =	vmax.f32 v25, v26  }
0x1f1: {  	v22 =	vsub.f32 v22, v9;
	v25 =	vmul.f32 $1.442695020e+00, v28;
	(erf) = vpow2.f32 v27  }
0x1f2: {  	v23 =	vmul.f32 $1.442695020e+00, v23;
	v21 =	vsub.f32 v21, v11;
	(erf) = vpow2.f32 v24  }
0x1f3: {  	v20 =	vsub.f32 v20, v14;
	v22 =	vmul.f32 $1.442695020e+00, v22;
	(erf) = vpow2.f32 v25  }
0x1f4: {  	v17 =	vsub.f32 v17, v6;
	v21 =	vmul.f32 $1.442695020e+00, v21;
	(erf) = vpow2.f32 v23  }
0x1f5: {  	s7 =	simm.s32 $0x80;
	v20 =	vmul.f32 $1.442695020e+00, v20;
	(erf) = vpow2.f32 v22  }
0x1f6: {  	v17 =	vmul.f32 $1.442695020e+00, v17;
	v24 =	vld [tilespmem:s7+$0xFFFFFFB0];
	(erf) = vpow2.f32 v21  }
0x1f7: {  	(erf) = vpow2.f32 v20  }
0x1f8: {  	(erf) = vpow2.f32 v17  }
0x1f9: {  	v26 =	vld [tilespmem:s7+$0xFFFFFFE0]  }
0x1fa: {  	v20 =	vld [tilespmem:s7+$0x0];
	v17 =	vpop (erf)  }
0x1fb: {  	v21 =	vld [tilespmem:s7+$0xFFFFFF90];
	v24 =	vsub.f32 v24, v5;
	v23 =	vpop (erf)  }
0x1fc: {  	v28 =	vld [tilespmem:s7+$0x20];
	v25 =	vpop (erf)  }
0x1fd: {  	v29 =	vld [tilespmem:s7+$0x50];
	v24 =	vmul.f32 $1.442695020e+00, v24;
	v27 =	vpop (erf)  }
0x1fe: {  	v26 =	vsub.f32 v26, v14;
	v22 =	vld [tilespmem:s7+$0xFFFFFFF0];
	v17 =	vmul.f32 v17, v15;
	v16 =	vmul.f32 v23, v16;
	v23 =	vpop (erf)  }
0x1ff: {  	v20 =	vsub.f32 v20, v8;
	v15 =	vmul.f32 v25, v13;
	v25 =	vld [tilespmem:s7+$0x70];
	v13 =	vmul.f32 v27, v19;
	v19 =	vpop (erf)  }
0x200: {  	v30 =	vmul.f32 v23, v12;
	v23 =	vld [tilespmem:s7+$0x40];
	v12 =	vmul.f32 v19, v18;
	v18 =	vpop (erf);
	v19 =	vsub.f32 v21, v3  }
0x201: {  	v20 =	vmul.f32 $1.442695020e+00, v20;
	v27 =	vsub.f32 v28, v4;
	v28 =	vld [tilespmem:s7+$0xFFFFFFC0];
	v10 =	vmul.f32 v18, v10;
	v18 =	vpop (erf)  }
0x202: {  	v7 =	vmul.f32 v18, v7;
	v18 =	vmul.f32 $1.442695020e+00, v19;
	v19 =	vld [tilespmem:s7+$0x30]  }
0x203: {  	v22 =	vsub.f32 v22, v6;
	v21 =	vld [tilespmem:s7+$0x60];
	(erf) = vpow2.f32 v20;
	v20 =	vmul.f32 $1.442695020e+00, v26  }
0x204: {  	s8 =	simm.s32 $0x180;
	v26 =	vld [tilespmem:s7+$0xFFFFFFD0];
	v25 =	vsub.f32 v25, v6;
	(erf) = vpow2.f32 v18;
	v18 =	vmul.f32 $1.442695020e+00, v27  }
0x205: {  	v59 =	vld [tilespmem:s8+$0xFFFFFFE0];
	v22 =	vmul.f32 $1.442695020e+00, v22;
	v23 =	vsub.f32 v23, v9;
	(erf) = vpow2.f32 v20  }
0x206: {  	v20 =	vld [tilespmem:s7+$0xFFFFFFA0];
	(erf) = vpow2.f32 v18;
	v18 =	vmul.f32 $1.442695020e+00, v25;
	v25 =	vsub.f32 v29, v11  }
0x207: {  	v27 =	vld [tilespmem:s7+$0xFFFFFF80];
	(erf) = vpow2.f32 v22;
	v19 =	vsub.f32 v19, v5;
	v22 =	vmul.f32 $1.442695020e+00, v23  }
0x208: {  	v60 =	vld [tilespmem:s8+$0x30];
	v21 =	vsub.f32 v21, v14;
	(erf) = vpow2.f32 v18;
	v18 =	vmul.f32 $1.442695020e+00, v25  }
0x209: {  	v23 =	vld [tilespmem:s8+$0x0];
	v25 =	vsub.f32 v28, v9;
	v31 =	vmul.f32 $1.442695020e+00, v19;
	v19 =	vsub.f32 v26, v11  }
0x20a: {  	v29 =	vld [tilespmem:s7+$0x10];
	v34 =	vmul.f32 $1.442695020e+00, v21;
	(erf) = vpow2.f32 v22  }
0x20b: {  	v28 =	vld [tilespmem:s8+$0xFFFFFF90];
	v26 =	vsub.f32 v20, v4;
	v25 =	vmul.f32 $1.442695020e+00, v25;
	(erf) = vpow2.f32 v24  }
0x20c: {  	v35 =	vld [tilespmem:s8+$0x40];
	v27 =	vsub.f32 v27, v8;
	v58 =	vmul.f32 $1.442695020e+00, v19;
	(erf) = vpow2.f32 v18  }
0x20d: {  	v22 =	vld [tilespmem:s8+$0xFFFFFFF0];
	v26 =	vmul.f32 $1.442695020e+00, v26;
	v19 =	vpop (erf);
	(erf) = vpow2.f32 v25  }
0x20e: {  	v27 =	vmul.f32 $1.442695020e+00, v27;
	v21 =	vsub.f32 v23, v8;
	v25 =	vld [tilespmem:s8+$0x50];
	v20 =	vpop (erf);
	(erf) = vpow2.f32 v58  }
0x20f: {  	v29 =	vsub.f32 v29, v3;
	v23 =	vld [tilespmem:s8+$0x20];
	v18 =	vpop (erf);
	(erf) = vpow2.f32 v26  }
0x210: {  	v36 =	vld [tilespmem:s8+$0xFFFFFFC0];
	v28 =	vsub.f32 v28, v3;
	v21 =	vmul.f32 $1.442695020e+00, v21;
	v37 =	vpop (erf);
	(erf) = vpow2.f32 v31  }
0x211: {  	v38 =	vld [tilespmem:s8+$0xFFFFFFD0];
	v41 =	vsub.f32 v35, v9;
	v29 =	vmul.f32 $1.442695020e+00, v29;
	v31 =	vpop (erf);
	(erf) = vpow2.f32 v27  }
0x212: {  	v33 =	vsub.f32 v59, v14;
	v26 =	vld [tilespmem:s8+$0x60];
	v28 =	vmul.f32 $1.442695020e+00, v28;
	v27 =	vpop (erf);
	(erf) = vpow2.f32 v21  }
0x213: {  	v61 =	vld [tilespmem:s8+$0x70];
	v25 =	vsub.f32 v25, v11;
	v21 =	vadd.f32 v27, v31;
	v31 =	vpop (erf);
	(erf) = vpow2.f32 v29  }
0x214: {  	v24 =	vld [tilespmem:s8+$0xFFFFFFB0];
	v22 =	vsub.f32 v22, v6;
	v39 =	vsub.f32 v23, v4;
	v42 =	vpop (erf);
	(erf) = vpow2.f32 v28  }
0x215: {  	v33 =	vmul.f32 $1.442695020e+00, v33;
	v29 =	vld [tilespmem:s8+$0xFFFFFF80];
	v28 =	vsub.f32 v60, v5;
	v23 =	vpop (erf);
	(erf) = vpow2.f32 v34  }
0x216: {  	v40 =	vld [tilespmem:s8+$0xFFFFFFA0];
	v63 =	vsub.f32 v36, v9;
	v43 =	vmul.f32 $1.442695020e+00, v22;
	v22 =	vmul.f32 $1.442695020e+00, v39;
	v62 =	vpop (erf)  }
0x217: {  	v27 =	vmul.f32 $1.442695020e+00, v25;
	v44 =	vsub.f32 v26, v14;
	v26 =	vmul.f32 $1.442695020e+00, v28;
	v25 =	vpop (erf)  }
0x218: {  	v28 =	vsub.f32 v38, v11;
	(erf) = vpow2.f32 v33;
	v31 =	vadd.f32 v31, v62;
	v45 =	vpop (erf)  }
0x219: {  	v41 =	vmul.f32 $1.442695020e+00, v41;
	v24 =	vsub.f32 v24, v5;
	(erf) = vpow2.f32 v22;
	v46 =	vpop (erf)  }
0x21a: {  	v34 =	vsub.f32 v29, v8;
	v29 =	vmul.f32 $1.442695020e+00, v28;
	v28 =	vsub.f32 v61, v6;
	v36 =	vpop (erf)  }
0x21b: {  	v35 =	vmul.f32 $1.442695020e+00, v24;
	v39 =	vsub.f32 v40, v4;
	v24 =	vmul.f32 $1.442695020e+00, v44;
	v32 =	vpop (erf)  }
0x21c: {  	v38 =	vmul.f32 $1.442695020e+00, v63;
	v22 =	vadd.f32 v31, v30;
	v40 =	vmul.f32 $1.442695020e+00, v28;
	v31 =	vpop (erf)  }
0x21d: {  	s7 =	simm.s32 $0x10;
	v33 =	vld [tilespmem:s8+$0x10];
	s8 =	simm.s32 $0x280;
	(erf) = vpow2.f32 v43;
	v28 =	vadd.f32 v37, v45;
	v37 =	vadd.f32 v46, v42;
	v30 =	vpop (erf)  }
.LBB2_15:
0x21e: {  	v42 =	vld [tilespmem:s8+$0x0];
	s7 =	sadd.s32 $0x10, s7;
	v39 =	vmul.f32 $1.442695020e+00, v39;
	(erf) = vpow2.f32 v40;
	v36 =	vadd.f32 v19, v36;
	v40 =	vpop (erf)  }
0x21f: {  	v34 =	vmul.f32 $1.442695020e+00, v34;
	v19 =	vmovc v32;
	v43 =	vld [tilespmem:s8+$0xFFFFFF90];
	p0 =	slt.u32 s7, $0xAB0;
	(erf) = vpow2.f32 v41;
	v13 =	vadd.f32 v37, v13  }
0x220: {  	v23 =	vadd.f32 v23, v25;
	v32 =	vld [tilespmem:s8+$0xFFFFFFF0];
	(erf) = vpow2.f32 v35;
	v17 =	vadd.f32 v36, v17  }
0x221: {  	v7 =	vadd.f32 v21, v7;
	v25 =	vld [tilespmem:s8+$0xFFFFFFB0];
	(erf) = vpow2.f32 v27;
	v27 =	vadd.f32 v40, v18;
	v18 =	vpop (erf)  }
0x222: {  	v31 =	vadd.f32 v31, v20;
	v12 =	vadd.f32 v23, v12;
	v21 =	vld [tilespmem:s8+$0xFFFFFFE0];
	v37 =	vpop (erf);
	(erf) = vpow2.f32 v38  }
0x223: {  	v20 =	vmovc v30;
	v23 =	vsub.f32 v42, v8;
	v35 =	vld [tilespmem:s8+$0x50];
	(erf) = vpow2.f32 v29;
	v10 =	vadd.f32 v27, v10  }
0x224: {  	v16 =	vadd.f32 v31, v16;
	v27 =	vsub.f32 v43, v3;
	v29 =	vld [tilespmem:s8+$0x20];
	(erf) = vpow2.f32 v39  }
0x225: {  	v15 =	vadd.f32 v28, v15;
	v31 =	vsub.f32 v33, v3;
	v23 =	vmul.f32 $1.442695020e+00, v23;
	v30 =	vld [tilespmem:s8+$0x60]  }
0x226: {  	v27 =	vmul.f32 $1.442695020e+00, v27;
	v28 =	vld [tilespmem:s8+$0x30];
	(erf) = vpow2.f32 v26;
	v26 =	vpop (erf)  }
0x227: {  	v31 =	vmul.f32 $1.442695020e+00, v31;
	v33 =	vld [tilespmem:s8+$0x40];
	v36 =	vsub.f32 v21, v14;
	(erf) = vpow2.f32 v34;
	v21 =	vpop (erf)  }
0x228: {  	v38 =	vld [tilespmem:s8+$0xFFFFFFC0];
	(erf) = vpow2.f32 v23;
	v21 =	vadd.f32 v21, v26;
	v26 =	vpop (erf)  }
0x229: {  	v40 =	vsub.f32 v35, v11;
	v34 =	vld [tilespmem:s8+$0xFFFFFFD0];
	v36 =	vmul.f32 $1.442695020e+00, v36;
	(erf) = vpow2.f32 v31;
	v42 =	vpop (erf)  }
0x22a: {  	v32 =	vsub.f32 v32, v6;
	v29 =	vsub.f32 v29, v4;
	v31 =	vld [tilespmem:s8+$0xFFFFFF80];
	(erf) = vpow2.f32 v27;
	v23 =	vpop (erf)  }
0x22b: {  	v27 =	vmul.f32 $1.442695020e+00, v40;
	v28 =	vsub.f32 v28, v5;
	v39 =	vld [tilespmem:s8+$0x70];
	v35 =	vpop (erf);
	(erf) = vpow2.f32 v24  }
0x22c: {  	v43 =	vmul.f32 $1.442695020e+00, v32;
	v40 =	vsub.f32 v25, v5;
	v24 =	vld [tilespmem:s8+$0xFFFFFFA0];
	v41 =	vsub.f32 v33, v9;
	v25 =	vpop (erf)  }
0x22d: {  	v30 =	vsub.f32 v30, v14;
	v29 =	vmul.f32 $1.442695020e+00, v29;
	v33 =	vadd.f32 v26, v35;
	v44 =	vpop (erf)  }
0x22e: {  	v26 =	vmul.f32 $1.442695020e+00, v28;
	v28 =	vsub.f32 v34, v11;
	(erf) = vpow2.f32 v36  }
.Ltmp7:
0x22f: {  	v35 =	vmul.f32 $1.442695020e+00, v40;
	v34 =	vsub.f32 v31, v8;
	(erf) = vpow2.f32 v29;
	v45 =	vpop (erf);
	(pc) =	sbr.rel @p0 .LBB2_15-.Ltmp7, $4  }
0x230: {  	v46 =	vsub.f32 v38, v9;
	v29 =	vmul.f32 $1.442695020e+00, v28;
	v28 =	vsub.f32 v39, v6;
	v36 =	vpop (erf)  }
0x231: {  	v22 =	vadd.f32 v33, v22;
	v39 =	vsub.f32 v24, v4;
	v24 =	vmul.f32 $1.442695020e+00, v30;
	v32 =	vpop (erf)  }
0x232: {  	v38 =	vmul.f32 $1.442695020e+00, v46;
	v40 =	vmul.f32 $1.442695020e+00, v28;
	v28 =	vadd.f32 v37, v44;
	v31 =	vpop (erf)  }
0x233: {  	v41 =	vmul.f32 $1.442695020e+00, v41;
	v37 =	vadd.f32 v45, v42;
	v33 =	vld [tilespmem:s8+$0x10];
	s8 =	sadd.s32 $0x100, s8;
	v30 =	vpop (erf);
	(erf) = vpow2.f32 v43  }
0x234: {  	(erf) = vpow2.f32 v40  }
0x235: {  	(erf) = vpow2.f32 v41  }
0x236: {  	(erf) = vpow2.f32 v35  }
0x237: {  	(erf) = vpow2.f32 v27  }
0x238: {  	v27 =	vmul.f32 $1.442695020e+00, v39;
	(erf) = vpow2.f32 v38  }
0x239: {  	v54 =	vpop (erf);
	(erf) = vpow2.f32 v29  }
0x23a: {  	v55 =	vpop (erf);
	v29 =	vmul.f32 $1.442695020e+00, v34;
	(erf) = vpow2.f32 v27;
	v27 =	vsub.f32 v33, v3;
	_ =	sdelay $0x1  }
0x23b: {  	v56 =	vpop (erf);
	(erf) = vpow2.f32 v26;
	v27 =	vmul.f32 $1.442695020e+00, v27  }
0x23c: {  	v26 =	vpop (erf);
	(erf) = vpow2.f32 v29  }
0x23d: {  	v29 =	vpop (erf)  }
0x23e: {  	v57 =	vpop (erf);
	(erf) = vpow2.f32 v27  }
0x23f: {  	v27 =	vpop (erf)  }
0x240: {  	v58 =	vpop (erf)  }
0x241: {  	v59 =	vpop (erf)  }
0x242: {  	v60 =	vpop (erf)  }
0x243: {  	v20 =	vadd.f32 v31, v20;
	v42 =	vpop (erf)  }
0x244: {  	v19 =	vadd.f32 v19, v36;
	v61 =	vpop (erf)  }
0x245: {  	v31 =	vpop (erf)  }
0x246: {  	[tilespmem:$0x17800] =	vst v8;
	v17 =	vadd.f32 v19, v17;
	v19 =	vadd.f32 v32, v31  }
0x247: {  	v15 =	vadd.f32 v28, v15;
	[tilespmem:$0x17810] =	vst v3;
	v16 =	vadd.f32 v20, v16;
	(erf) = vpow2.f32 v24;
	v20 =	vpop (erf)  }
0x248: {  	[tilespmem:$0x17820] =	vst v4;
	v19 =	vadd.f32 v19, v17;
	v17 =	vadd.f32 v20, v30  }
0x249: {  	[tilespmem:$0x17830] =	vst v5;
	v13 =	vadd.f32 v37, v13;
	v20 =	vadd.f32 v56, v42  }
0x24a: {  	[tilespmem:$0x17840] =	vst v9;
	v17 =	vadd.f32 v17, v16;
	v16 =	vadd.f32 v61, v27  }
0x24b: {  	[tilespmem:$0x17850] =	vst v11;
	v20 =	vadd.f32 v20, v15;
	v15 =	vadd.f32 v23, v25  }
0x24c: {  	[tilespmem:$0x17860] =	vst v14;
	v23 =	vadd.f32 v16, v13;
	v13 =	vadd.f32 v54, v18  }
0x24d: {  	v7 =	vadd.f32 v21, v7;
	[tilespmem:$0x17870] =	vst v6;
	v24 =	vadd.f32 v57, v59  }
0x24e: {  	[tilespmem:$0x17880] =	vst v19;
	v12 =	vadd.f32 v15, v12;
	v15 =	vadd.f32 v58, v60  }
0x24f: {  	[tilespmem:$0x17890] =	vst v17;
	v18 =	vadd.f32 v24, v22;
	v10 =	vadd.f32 v13, v10  }
0x250: {  	[tilespmem:$0x178A0] =	vst v20;
	v22 =	vadd.f32 v15, v12;
	v12 =	vadd.f32 v29, v26;
	v13 =	vpop (erf)  }
0x251: {  	[tilespmem:$0x178B0] =	vst v23;
	v13 =	vadd.f32 v13, v55  }
0x252: {  	[tilespmem:$0x178C0] =	vst v18;
	v24 =	vadd.f32 v12, v7  }
0x253: {  	[tilespmem:$0x178D0] =	vst v22;
	v21 =	vadd.f32 v13, v10  }
0x254: {  	[tilespmem:$0x178F0] =	vst v24  }
0x255: {  	[tilespmem:$0x178E0] =	vst v21  }
0x256: {  	_ =	swait.ge [sflag:s31], $0x800  }
0x257: {  	[sflag:s31] =	ssyncset.done $0x0  }
0x258: {  	[sflag:s31] =	ssyncadd.s32 $0xFFFFF800  }
0x259: {  	_ =	swait.ge [sflag:s31], $0x800  }
0x25a: {  	[sflag:s31] =	ssyncset.done $0x0  }
0x25b: {  	[sflag:s31] =	ssyncadd.s32 $0xFFFFF800  }
0x25c: {  	v7 =	vld [tilespmem:s23+$0xFFFFFFF0]  }
0x25d: {  	v10 =	vld [tilespmem:s23+$0x70]  }
0x25e: {  	v12 =	vld [tilespmem:s23+$0xFFFFFF90]  }
0x25f: {  	v13 =	vld [tilespmem:s23+$0x10]  }
0x260: {  	v15 =	vld [tilespmem:s23+$0xFFFFFFA0]  }
0x261: {  	v16 =	vld [tilespmem:s23+$0x20]  }
0x262: {  	v26 =	vld [tilespmem:s23+$0xFFFFFFB0]  }
0x263: {  	v27 =	vld [tilespmem:s23+$0x30]  }
0x264: {  	v62 =	vld [tilespmem:s23+$0xFFFFFFC0]  }
0x265: {  	s7 =	sadd.s32 $0x10, s22;
	v63 =	vld [tilespmem:s23+$0x40]  }
0x266: {  	p0 =	slt.u32 s7, s9;
	v25 =	vld [tilespmem:s23+$0x0]  }
.Ltmp8:
0x267: {  	v28 =	vld [tilespmem:s23+$0xFFFFFFD0];
	v7 =	vmax.f32 v7, v10;
	v10 =	vmax.f32 v12, v13;
	(pc) =	sbr.rel @!p0 .LBB2_18-.Ltmp8, $4  }
0x268: {  	v29 =	vld [tilespmem:s23+$0x50];
	v13 =	vmax.f32 v3, v10;
	v10 =	vmax.f32 v15, v16;
	v15 =	vmax.f32 v26, v27  }
0x269: {  	v30 =	vld [tilespmem:s23+$0xFFFFFFE0]  }
0x26a: {  	v32 =	vld [tilespmem:s23+$0x60];
	v33 =	vmax.f32 v62, v63;
	v7 =	vmax.f32 v6, v7;
	v16 =	vmov v9  }
0x26b: {  	s8 =	sadd.s32 $0x100, s23;
	v31 =	vld [tilespmem:s23+$0xFFFFFF80];
	v27 =	vmovc v11;
	v26 =	vmovc v8;
	v12 =	vmax.f32 v4, v10;
	v10 =	vmax.f32 v5, v15;
	v15 =	vmov v14  }
.LBB2_17:
0x26c: {  	v34 =	vld [tilespmem:s8+$0xFFFFFFF0];
	v16 =	vmax.f32 v16, v33  }
0x26d: {  	s7 =	sadd.s32 $0x10, s7;
	v33 =	vld [tilespmem:s8+$0x70];
	v28 =	vmax.f32 v28, v29  }
0x26e: {  	p0 =	slt.u32 s7, s9;
	v29 =	vld [tilespmem:s8+$0x0];
	v27 =	vmax.f32 v27, v28  }
0x26f: {  	v28 =	vld [tilespmem:s8+$0xFFFFFF90];
	v30 =	vmax.f32 v30, v32  }
0x270: {  	v32 =	vld [tilespmem:s8+$0x10];
	v25 =	vmax.f32 v31, v25;
	v15 =	vmax.f32 v15, v30  }
0x271: {  	v30 =	vld [tilespmem:s8+$0xFFFFFFA0];
	v26 =	vmax.f32 v26, v25  }
0x272: {  	v31 =	vld [tilespmem:s8+$0x20];
	v34 =	vmax.f32 v34, v33  }
0x273: {  	v33 =	vld [tilespmem:s8+$0xFFFFFFB0];
	v7 =	vmax.f32 v7, v34;
	v25 =	vmov v29  }
0x274: {  	v34 =	vld [tilespmem:s8+$0x30]  }
0x275: {  	v28 =	vmax.f32 v28, v32;
	v35 =	vld [tilespmem:s8+$0xFFFFFFC0]  }
0x276: {  	v13 =	vmax.f32 v13, v28;
	v36 =	vld [tilespmem:s8+$0x40]  }
.Ltmp9:
0x277: {  	v29 =	vmax.f32 v30, v31;
	v28 =	vld [tilespmem:s8+$0xFFFFFFD0];
	(pc) =	sbr.rel @p0 .LBB2_17-.Ltmp9, $4  }
0x278: {  	v12 =	vmax.f32 v12, v29;
	v29 =	vld [tilespmem:s8+$0x50]  }
0x279: {  	v31 =	vmax.f32 v33, v34;
	v30 =	vld [tilespmem:s8+$0xFFFFFFE0]  }
0x27a: {  	v10 =	vmax.f32 v10, v31;
	v32 =	vld [tilespmem:s8+$0x60]  }
0x27b: {  	v31 =	vld [tilespmem:s8+$0xFFFFFF80];
	v33 =	vmax.f32 v35, v36;
	s8 =	sadd.s32 $0x100, s8  }
.LBB2_18:
0x27c: {  	_ =	sdelay $0x2  }
0x27d: {  	v30 =	vmax.f32 v30, v32  }
0x27e: {  	v28 =	vmax.f32 v28, v29;
	v29 =	vsub.f32 v6, v7;
	v15 =	vmax.f32 v15, v30  }
0x27f: {  	v6 =	vmax.f32 v27, v28;
	v14 =	vsub.f32 v14, v15  }
0x280: {  	v16 =	vmax.f32 v16, v33;
	v27 =	vmul.f32 $1.442695020e+00, v29;
	v28 =	vsub.f32 v11, v6  }
0x281: {  	v9 =	vsub.f32 v9, v16;
	v25 =	vmax.f32 v31, v25;
	v14 =	vmul.f32 $1.442695020e+00, v14  }
0x282: {  	v11 =	vmax.f32 v26, v25;
	(erf) = vpow2.f32 v27;
	v25 =	vmul.f32 $1.442695020e+00, v28  }
0x283: {  	v5 =	vsub.f32 v5, v10;
	v9 =	vmul.f32 $1.442695020e+00, v9;
	(erf) = vpow2.f32 v14  }
0x284: {  	v4 =	vsub.f32 v4, v12;
	(erf) = vpow2.f32 v25  }
0x285: {  	v3 =	vsub.f32 v3, v13;
	v5 =	vmul.f32 $1.442695020e+00, v5;
	(erf) = vpow2.f32 v9  }
0x286: {  	v4 =	vmul.f32 $1.442695020e+00, v4;
	v8 =	vsub.f32 v8, v11  }
0x287: {  	v3 =	vmul.f32 $1.442695020e+00, v3;
	(erf) = vpow2.f32 v5  }
0x288: {  	v5 =	vld [tilespmem:s23+$0x0];
	(erf) = vpow2.f32 v4;
	v4 =	vmul.f32 $1.442695020e+00, v8  }
0x289: {  	(erf) = vpow2.f32 v3  }
0x28a: {  	v8 =	vld [tilespmem:s23+$0xFFFFFF90];
	(erf) = vpow2.f32 v4  }
0x28b: {  	v29 =	vld [tilespmem:s23+$0xFFFFFFC0];
	v3 =	vpop (erf)  }
0x28c: {  	v27 =	vld [tilespmem:s23+$0xFFFFFFE0];
	v4 =	vpop (erf)  }
0x28d: {  	v25 =	vld [tilespmem:s23+$0xFFFFFFF0];
	v3 =	vmul.f32 v3, v24;
	v14 =	vsub.f32 v5, v11;
	v9 =	vpop (erf)  }
0x28e: {  	v24 =	vld [tilespmem:s23+$0x50];
	v4 =	vmul.f32 v4, v21;
	v28 =	vpop (erf);
	v5 =	vmul.f32 v9, v22  }
0x28f: {  	v21 =	vsub.f32 v8, v13;
	v22 =	vld [tilespmem:s23+$0x20];
	v8 =	vmul.f32 v28, v18;
	v18 =	vmul.f32 $1.442695020e+00, v14  }
0x290: {  	v9 =	vpop (erf);
	v28 =	vld [tilespmem:s23+$0x30]  }
0x291: {  	v21 =	vmul.f32 $1.442695020e+00, v21;
	v9 =	vmul.f32 v9, v23;
	v14 =	vpop (erf);
	v23 =	vld [tilespmem:s23+$0x60]  }
0x292: {  	v26 =	vld [tilespmem:s23+$0xFFFFFFB0];
	v14 =	vmul.f32 v14, v20;
	v20 =	vpop (erf);
	(erf) = vpow2.f32 v18  }
0x293: {  	v17 =	vmul.f32 v20, v17;
	v20 =	vsub.f32 v27, v15;
	v27 =	vld [tilespmem:s23+$0xFFFFFFD0];
	(erf) = vpow2.f32 v21;
	v18 =	vpop (erf)  }
0x294: {  	v31 =	vld [tilespmem:s23+$0x40];
	v22 =	vsub.f32 v22, v12;
	v18 =	vmul.f32 v18, v19;
	v19 =	vsub.f32 v24, v6  }
0x295: {  	v21 =	vsub.f32 v25, v7;
	v24 =	vld [tilespmem:s23+$0x70];
	v20 =	vmul.f32 $1.442695020e+00, v20;
	v25 =	vsub.f32 v28, v10  }
0x296: {  	s7 =	sadd.s32 $0x10, s22;
	v28 =	vld [tilespmem:s23+$0xFFFFFF80];
	v22 =	vmul.f32 $1.442695020e+00, v22;
	v23 =	vsub.f32 v23, v15;
	v30 =	vmul.f32 $1.442695020e+00, v19  }
0x297: {  	p1 =	slt.u32 s7, s9;
	v19 =	vsub.f32 v26, v10;
	v26 =	vmul.f32 $1.442695020e+00, v21;
	v21 =	vld [tilespmem:s23+$0xFFFFFFA0];
	(erf) = vpow2.f32 v20  }
.Ltmp10:
0x298: {  	v25 =	vmul.f32 $1.442695020e+00, v25;
	v27 =	vsub.f32 v27, v6;
	(erf) = vpow2.f32 v22;
	(pc) =	sbr.rel @!p1 .LBB2_19-.Ltmp10, $4  }
0x299: {  	v38 =	vmul.f32 $1.442695020e+00, v19;
	v19 =	vsub.f32 v29, v16;
	v29 =	vsub.f32 v31, v16  }
0x29a: {  	v22 =	vmul.f32 $1.442695020e+00, v23;
	v24 =	vsub.f32 v24, v7;
	v35 =	vmul.f32 $1.442695020e+00, v27  }
0x29b: {  	v36 =	vsub.f32 v28, v11;
	v20 =	vpop (erf);
	v40 =	vmul.f32 $1.442695020e+00, v19;
	v46 =	vmul.f32 $1.442695020e+00, v29  }
0x29c: {  	v37 =	vld [tilespmem:s23+$0x10];
	s8 =	sadd.s32 $0x100, s23;
	p0 =	por $0x0, $0x0;
	(erf) = vpow2.f32 v26;
	v45 =	vmul.f32 $1.442695020e+00, v24;
	v43 =	vsub.f32 v21, v12;
	v21 =	vpop (erf)  }
0x29d: {  	v23 =	vld [tilespmem:s8+$0x0]  }
0x29e: {  	v24 =	vld [tilespmem:s8+$0xFFFFFF90]  }
0x29f: {  	v28 =	vld [tilespmem:s8+$0xFFFFFFE0]  }
0x2a0: {  	v31 =	vld [tilespmem:s8+$0x20];
	(erf) = vpow2.f32 v45  }
0x2a1: {  	v26 =	vld [tilespmem:s8+$0xFFFFFFF0];
	(erf) = vpow2.f32 v46  }
0x2a2: {  	v27 =	vld [tilespmem:s8+$0xFFFFFFB0];
	v32 =	vmul.f32 $1.442695020e+00, v36;
	(erf) = vpow2.f32 v38  }
0x2a3: {  	v34 =	vld [tilespmem:s8+$0x60];
	v29 =	vmul.f32 $1.442695020e+00, v43;
	(erf) = vpow2.f32 v30  }
0x2a4: {  	v57 =	vld [tilespmem:s8+$0x40];
	(erf) = vpow2.f32 v40;
	v23 =	vsub.f32 v23, v11;
	v24 =	vsub.f32 v24, v13  }
0x2a5: {  	v56 =	vld [tilespmem:s8+$0x30];
	v19 =	vpop (erf);
	v28 =	vsub.f32 v28, v15;
	v31 =	vsub.f32 v31, v12;
	(erf) = vpow2.f32 v35  }
0x2a6: {  	v59 =	vld [tilespmem:s8+$0xFFFFFFC0];
	v33 =	vpop (erf);
	v26 =	vsub.f32 v26, v7;
	(erf) = vpow2.f32 v29;
	v23 =	vmul.f32 $1.442695020e+00, v23  }
0x2a7: {  	v39 =	vld [tilespmem:s8+$0xFFFFFF80];
	v29 =	vsub.f32 v37, v13;
	v24 =	vmul.f32 $1.442695020e+00, v24;
	v28 =	vmul.f32 $1.442695020e+00, v28  }
0x2a8: {  	v30 =	vld [tilespmem:s8+$0x50];
	v27 =	vsub.f32 v27, v10;
	v26 =	vmul.f32 $1.442695020e+00, v26;
	(erf) = vpow2.f32 v25  }
0x2a9: {  	v42 =	vld [tilespmem:s8+$0xFFFFFFA0];
	v62 =	vsub.f32 v57, v16;
	v25 =	vpop (erf);
	v29 =	vmul.f32 $1.442695020e+00, v29;
	(erf) = vpow2.f32 v32  }
0x2aa: {  	v34 =	vsub.f32 v34, v15;
	v38 =	vmul.f32 $1.442695020e+00, v27;
	v58 =	vpop (erf);
	(erf) = vpow2.f32 v23  }
0x2ab: {  	v60 =	vld [tilespmem:s8+$0xFFFFFFD0];
	v27 =	vsub.f32 v59, v16;
	v23 =	vadd.f32 v58, v25;
	v25 =	vpop (erf);
	(erf) = vpow2.f32 v29  }
0x2ac: {  	v61 =	vld [tilespmem:s8+$0x70];
	v36 =	vsub.f32 v39, v11;
	v31 =	vmul.f32 $1.442695020e+00, v31;
	v44 =	vpop (erf);
	(erf) = vpow2.f32 v24  }
0x2ad: {  	v30 =	vsub.f32 v30, v6;
	v24 =	vsub.f32 v56, v10;
	v29 =	vpop (erf);
	(erf) = vpow2.f32 v22  }
0x2ae: {  	v43 =	vsub.f32 v42, v12;
	v46 =	vmul.f32 $1.442695020e+00, v62;
	v40 =	vmul.f32 $1.442695020e+00, v27;
	v22 =	vpop (erf)  }
0x2af: {  	s7 =	sadd.s32 $0x10, s7;
	v30 =	vmul.f32 $1.442695020e+00, v30;
	v27 =	vmov v4;
	v32 =	vpop (erf);
	v63 =	vadd.f32 v25, v22  }
0x2b0: {  	p1 =	slt.u32 s7, s9;
	v25 =	vmul.f32 $1.442695020e+00, v24;
	v22 =	vsub.f32 v60, v6;
	(erf) = vpow2.f32 v28;
	v47 =	vpop (erf)  }
.Ltmp11:
0x2b1: {  	v28 =	vsub.f32 v61, v7;
	(erf) = vpow2.f32 v31;
	v31 =	vmov v18;
	v24 =	vpop (erf);
	(pc) =	sbr.rel @!p1 .LBB2_21-.Ltmp11, $4  }
0x2b2: {  	v35 =	vmul.f32 $1.442695020e+00, v22;
	v22 =	vmul.f32 $1.442695020e+00, v34;
	v8 =	vadd.f32 v63, v8;
	v41 =	vpop (erf)  }
0x2b3: {  	v45 =	vmul.f32 $1.442695020e+00, v28;
	v39 =	vadd.f32 v33, v47;
	v34 =	vmov v17;
	v49 =	vpop (erf)  }
0x2b4: {  	v33 =	vmov v14;
	(erf) = vpow2.f32 v26;
	v44 =	vadd.f32 v24, v44;
	v42 =	vpop (erf)  }
0x2b5: {  	p0 =	por $0x1, $0x1;
	v37 =	vld [tilespmem:s8+$0x10];
	s8 =	sadd.s32 $0x100, s8;
	v26 =	vmov v9;
	v24 =	vmov v3;
	v28 =	vmov v5;
	v47 =	vpop (erf)  }
.LBB2_22:
0x2b6: {  	v48 =	vld [tilespmem:s8+$0x0];
	s7 =	sadd.s32 $0x10, s7;
	v43 =	vmul.f32 $1.442695020e+00, v43;
	(erf) = vpow2.f32 v45;
	v41 =	vadd.f32 v20, v41;
	v45 =	vpop (erf)  }
0x2b7: {  	v36 =	vmul.f32 $1.442695020e+00, v36;
	v20 =	vmovc v49;
	v50 =	vld [tilespmem:s8+$0xFFFFFF90];
	p1 =	slt.u32 s7, s9;
	(erf) = vpow2.f32 v46;
	v26 =	vadd.f32 v44, v26  }
0x2b8: {  	v29 =	vadd.f32 v29, v32;
	v44 =	vld [tilespmem:s8+$0xFFFFFFF0];
	(erf) = vpow2.f32 v38;
	v31 =	vadd.f32 v41, v31  }
0x2b9: {  	v24 =	vadd.f32 v23, v24;
	v32 =	vld [tilespmem:s8+$0xFFFFFFB0];
	(erf) = vpow2.f32 v30;
	v30 =	vadd.f32 v45, v19;
	v19 =	vpop (erf)  }
0x2ba: {  	v38 =	vadd.f32 v42, v21;
	v28 =	vadd.f32 v29, v28;
	v23 =	vld [tilespmem:s8+$0xFFFFFFE0];
	v46 =	vpop (erf);
	(erf) = vpow2.f32 v40  }
0x2bb: {  	v21 =	vmovc v47;
	v29 =	vsub.f32 v48, v11;
	v40 =	vld [tilespmem:s8+$0x50];
	(erf) = vpow2.f32 v35;
	v27 =	vadd.f32 v30, v27  }
0x2bc: {  	v34 =	vadd.f32 v38, v34;
	v30 =	vsub.f32 v50, v13;
	v35 =	vld [tilespmem:s8+$0x20];
	(erf) = vpow2.f32 v43  }
0x2bd: {  	v33 =	vadd.f32 v39, v33;
	v37 =	vsub.f32 v37, v13;
	v29 =	vmul.f32 $1.442695020e+00, v29;
	v38 =	vld [tilespmem:s8+$0x60]  }
0x2be: {  	v30 =	vmul.f32 $1.442695020e+00, v30;
	v39 =	vld [tilespmem:s8+$0x30];
	(erf) = vpow2.f32 v25;
	v25 =	vpop (erf)  }
0x2bf: {  	v37 =	vmul.f32 $1.442695020e+00, v37;
	v41 =	vld [tilespmem:s8+$0x40];
	v42 =	vsub.f32 v23, v15;
	(erf) = vpow2.f32 v36;
	v23 =	vpop (erf)  }
0x2c0: {  	v43 =	vld [tilespmem:s8+$0xFFFFFFC0];
	(erf) = vpow2.f32 v29;
	v23 =	vadd.f32 v23, v25;
	v25 =	vpop (erf)  }
0x2c1: {  	v40 =	vsub.f32 v40, v6;
	v36 =	vld [tilespmem:s8+$0xFFFFFFD0];
	v42 =	vmul.f32 $1.442695020e+00, v42;
	(erf) = vpow2.f32 v37;
	v48 =	vpop (erf)  }
0x2c2: {  	v44 =	vsub.f32 v44, v7;
	v35 =	vsub.f32 v35, v12;
	v37 =	vld [tilespmem:s8+$0xFFFFFF80];
	(erf) = vpow2.f32 v30;
	v29 =	vpop (erf)  }
0x2c3: {  	v30 =	vmul.f32 $1.442695020e+00, v40;
	v39 =	vsub.f32 v39, v10;
	v40 =	vld [tilespmem:s8+$0x70];
	v45 =	vpop (erf);
	(erf) = vpow2.f32 v22  }
0x2c4: {  	v47 =	vsub.f32 v32, v10;
	v44 =	vmul.f32 $1.442695020e+00, v44;
	v22 =	vld [tilespmem:s8+$0xFFFFFFA0];
	v50 =	vsub.f32 v41, v16;
	v32 =	vpop (erf)  }
0x2c5: {  	v49 =	vsub.f32 v38, v15;
	v35 =	vmul.f32 $1.442695020e+00, v35;
	v45 =	vadd.f32 v25, v45;
	v51 =	vpop (erf)  }
0x2c6: {  	v25 =	vmul.f32 $1.442695020e+00, v39;
	v39 =	vsub.f32 v36, v6;
	(erf) = vpow2.f32 v42  }
.Ltmp12:
0x2c7: {  	v38 =	vmul.f32 $1.442695020e+00, v47;
	v36 =	vsub.f32 v37, v11;
	(erf) = vpow2.f32 v35;
	v52 =	vpop (erf);
	(pc) =	sbr.rel @p1 .LBB2_22-.Ltmp12, $4  }
0x2c8: {  	v37 =	vsub.f32 v43, v16;
	v35 =	vmul.f32 $1.442695020e+00, v39;
	v39 =	vsub.f32 v40, v7;
	v41 =	vpop (erf)  }
0x2c9: {  	v8 =	vadd.f32 v45, v8;
	v43 =	vsub.f32 v22, v12;
	v22 =	vmul.f32 $1.442695020e+00, v49;
	v49 =	vpop (erf)  }
0x2ca: {  	v40 =	vmul.f32 $1.442695020e+00, v37;
	v45 =	vmul.f32 $1.442695020e+00, v39;
	v39 =	vadd.f32 v46, v51;
	v42 =	vpop (erf)  }
0x2cb: {  	v46 =	vmul.f32 $1.442695020e+00, v50;
	v37 =	vld [tilespmem:s8+$0x10];
	s8 =	sadd.s32 $0x100, s8;
	v47 =	vpop (erf);
	(erf) = vpow2.f32 v44;
	v44 =	vadd.f32 v52, v48  }
0x2cc: {  	v48 =	vmovc v20;
	v50 =	vmov v21;
	v20 =	vmov v49;
	v21 =	vmov v47  }
.LBB2_24:
0x2cd: {  	(erf) = vpow2.f32 v45  }
0x2ce: {  	(erf) = vpow2.f32 v46  }
0x2cf: {  	(erf) = vpow2.f32 v38  }
0x2d0: {  	(erf) = vpow2.f32 v30  }
0x2d1: {  	v49 =	vmul.f32 $1.442695020e+00, v43;
	(erf) = vpow2.f32 v40  }
0x2d2: {  	v38 =	vpop @p0 (erf);
	v52 =	vsub.f32 v37, v13;
	(erf) = vpow2.f32 v35  }
0x2d3: {  	v51 =	vmul.f32 $1.442695020e+00, v36;
	v36 =	vpop (erf);
	(erf) = vpow2.f32 v49  }
0x2d4: {  	v53 =	vpop (erf);
	v30 =	vmul.f32 $1.442695020e+00, v52;
	(erf) = vpow2.f32 v25  }
0x2d5: {  	v54 =	vpop (erf);
	(erf) = vpow2.f32 v51  }
0x2d6: {  	v55 =	vpop (erf);
	(erf) = vpow2.f32 v30  }
0x2d7: {  	v56 =	vpop (erf)  }
0x2d8: {  	v57 =	vpop (erf)  }
0x2d9: {  	v58 =	vpop (erf)  }
0x2da: {  	v59 =	vpop (erf)  }
0x2db: {  	v41 =	vadd.f32 @p0 v48, v41;
	v60 =	vpop (erf)  }
0x2dc: {  	v47 =	vpop (erf)  }
0x2dd: {  	v31 =	vadd.f32 @p0 v41, v31;
	v41 =	vadd.f32 @p0 v42, v50;
	v61 =	vpop (erf)  }
0x2de: {  	[tilespmem:$0x17800] =	vst v11;
	v62 =	vpop (erf)  }
0x2df: {  	[tilespmem:$0x17810] =	vst v13;
	v34 =	vadd.f32 @p0 v41, v34;
	(erf) = vpow2.f32 v22;
	v20 =	vadd.f32 v20, v62;
	v63 =	vpop (erf)  }
0x2e0: {  	[tilespmem:$0x17820] =	vst v12;
	v18 =	vpsel p0, v31, v18;
	v31 =	vadd.f32 v63, v21;
	v21 =	vadd.f32 @p0 v39, v33  }
0x2e1: {  	[tilespmem:$0x17830] =	vst v10;
	v39 =	vadd.f32 v56, v59;
	v18 =	vadd.f32 v20, v18  }
0x2e2: {  	[tilespmem:$0x17840] =	vst v16;
	v17 =	vpsel p0, v34, v17;
	v42 =	vadd.f32 v55, v54;
	v34 =	vadd.f32 v53, v47  }
0x2e3: {  	v14 =	vpsel p0, v21, v14;
	v8 =	vadd.f32 v39, v8;
	[tilespmem:$0x17880] =	vst v18;
	v18 =	vadd.f32 @p0 v44, v26  }
0x2e4: {  	[tilespmem:$0x17850] =	vst v6;
	v37 =	vadd.f32 v61, v57;
	v11 =	vadd.f32 v34, v14  }
0x2e5: {  	v14 =	vadd.f32 @p0 v29, v32;
	[tilespmem:$0x178C0] =	vst v8;
	v8 =	vadd.f32 @p0 v23, v24;
	v9 =	vpsel p0, v18, v9  }
0x2e6: {  	[tilespmem:$0x178A0] =	vst v11;
	v11 =	vadd.f32 @p0 v38, v19;
	v9 =	vadd.f32 v37, v9  }
0x2e7: {  	[tilespmem:$0x17860] =	vst v15;
	v40 =	vadd.f32 v58, v60;
	v13 =	vadd.f32 @p0 v14, v28  }
0x2e8: {  	v17 =	vadd.f32 v31, v17;
	v41 =	vpop (erf);
	v3 =	vpsel p0, v8, v3;
	[tilespmem:$0x178B0] =	vst v9;
	v9 =	vadd.f32 @p0 v11, v27  }
0x2e9: {  	[tilespmem:$0x17870] =	vst v7;
	v5 =	vpsel p0, v13, v5;
	v3 =	vadd.f32 v42, v3;
	v11 =	vadd.f32 v41, v36  }
0x2ea: {  	[tilespmem:$0x17890] =	vst v17;
	v5 =	vadd.f32 v40, v5;
	v4 =	vpsel p0, v9, v4  }
0x2eb: {  	[tilespmem:$0x178F0] =	vst v3;
	v4 =	vadd.f32 v11, v4  }
0x2ec: {  	[tilespmem:$0x178D0] =	vst v5  }
0x2ed: {  	[tilespmem:$0x178E0] =	vst v4  }
0x2ee: {  	_ =	swait.ge [sflag:s28], $0x400  }
0x2ef: {  	[sflag:s28] =	ssyncset.done $0x0  }
0x2f0: {  	[sflag:s28] =	ssyncadd.s32 $0xFFFFFC00  }
0x2f1: {  	_ =	swait.ge [sflag:s28], $0x400  }
0x2f2: {  	[sflag:s28] =	ssyncset.done $0x0  }
0x2f3: {  	[sflag:s28] =	ssyncadd.s32 $0xFFFFFC00  }
0x2f4: {  	_ =	swait.ge [sflag:s28], $0x400  }
0x2f5: {  	[sflag:s28] =	ssyncset.done $0x0  }
0x2f6: {  	[sflag:s28] =	ssyncadd.s32 $0xFFFFFC00  }
0x2f7: {  	_ =	swait.ge [sflag:s28], $0x400  }
0x2f8: {  	s7 =	sshll.u32 s21, $0xA;
	s8 =	sshll.u32 s13, $0x7;
	[sflag:s28] =	ssyncset.done $0x0  }
0x2f9: {  	s7 =	ssub.s32 s8, s7;
	[sflag:s28] =	ssyncadd.s32 $0xFFFFFC00  }
0x2fa: {  	v3 =	vld.idx.msk [tilespmem:v0+s7+$0x0 ss:$0x1], $0xffff;
	_ =	sdelay $0x4  }
0x2fb: {  	v3 =	vnsel vm3, $0x0, v3  }
0x2fc: {  	[tilespmem:$0x17980] =	vst v3  }
0x2fd: {  	[tilespmem:$0x17990] =	vst v3  }
0x2fe: {  	v43 =	vld [tilespmem:$0x17988];
	_ =	sdelay $0x4  }
0x2ff: {  	v3 =	vadd.f32 v43, v3;
	_ =	sdelay $0x1  }
0x300: {  	[tilespmem:$0x17980] =	vst v3  }
0x301: {  	[tilespmem:$0x17990] =	vst v3  }
0x302: {  	v44 =	vld [tilespmem:$0x17984];
	_ =	sdelay $0x4  }
0x303: {  	v3 =	vadd.f32 v44, v3;
	_ =	sdelay $0x1  }
0x304: {  	[tilespmem:$0x17980] =	vst v3  }
0x305: {  	[tilespmem:$0x17990] =	vst v3  }
0x306: {  	v45 =	vld [tilespmem:$0x17982];
	_ =	sdelay $0x4  }
0x307: {  	v3 =	vadd.f32 v45, v3  }
0x308: {  	s10 =	sshll.u32 s24, $0x7;
	s8 =	sshll.u32 s20, $0xA  }
0x309: {  	s7 =	ssub.s32 s10, s8;
	[tilespmem:$0x17980] =	vst v3  }
0x30a: {  	s7 =	sor.u32 s19, s7;
	[tilespmem:$0x17990] =	vst v3  }
0x30b: {  	v46 =	vld [tilespmem:s7+$0x16C00];
	_ =	sdelay $0x4  }
0x30c: {  	v4 =	vnsel vm2, $0x0, v46  }
0x30d: {  	v47 =	vld [tilespmem:$0x17981];
	[tilespmem:$0x17980] =	vst v4  }
0x30e: {  	[tilespmem:$0x17990] =	vst v4  }
0x30f: {  	v48 =	vld [tilespmem:$0x17988];
	_ =	sdelay $0x4  }
0x310: {  	v4 =	vadd.f32 v48, v4;
	_ =	sdelay $0x1  }
0x311: {  	[tilespmem:$0x17980] =	vst v4  }
0x312: {  	[tilespmem:$0x17990] =	vst v4  }
0x313: {  	v49 =	vld [tilespmem:$0x17984];
	_ =	sdelay $0x4  }
0x314: {  	v4 =	vadd.f32 v49, v4;
	_ =	sdelay $0x1  }
0x315: {  	[tilespmem:$0x17980] =	vst v4  }
0x316: {  	[tilespmem:$0x17990] =	vst v4  }
0x317: {  	v50 =	vld [tilespmem:$0x17982];
	_ =	sdelay $0x4  }
0x318: {  	v4 =	vadd.f32 v50, v4  }
0x319: {  	s12 =	sshll.u32 s15, $0xA;
	s13 =	sshll.u32 s11, $0x7  }
0x31a: {  	s7 =	ssub.s32 s13, s12;
	[tilespmem:$0x17980] =	vst v4  }
0x31b: {  	s7 =	sor.u32 s19, s7;
	[tilespmem:$0x17990] =	vst v4  }
0x31c: {  	v51 =	vld [tilespmem:s7+$0x17000];
	_ =	sdelay $0x4  }
0x31d: {  	v6 =	vnsel vm1, $0x0, v51  }
0x31e: {  	v52 =	vld [tilespmem:$0x17981];
	[tilespmem:$0x17980] =	vst v6  }
0x31f: {  	[tilespmem:$0x17990] =	vst v6  }
0x320: {  	v53 =	vld [tilespmem:$0x17988];
	_ =	sdelay $0x4  }
0x321: {  	v6 =	vadd.f32 v53, v6;
	_ =	sdelay $0x1  }
0x322: {  	[tilespmem:$0x17980] =	vst v6  }
0x323: {  	[tilespmem:$0x17990] =	vst v6  }
0x324: {  	v54 =	vld [tilespmem:$0x17984];
	_ =	sdelay $0x4  }
0x325: {  	v6 =	vadd.f32 v54, v6;
	_ =	sdelay $0x1  }
0x326: {  	[tilespmem:$0x17980] =	vst v6  }
0x327: {  	[tilespmem:$0x17990] =	vst v6  }
0x328: {  	v55 =	vld [tilespmem:$0x17982];
	_ =	sdelay $0x4  }
0x329: {  	v6 =	vadd.f32 v55, v6  }
0x32a: {  	s14 =	sshll.u32 s14, $0xA;
	s4 =	sshll.u32 s4, $0x7  }
0x32b: {  	s4 =	ssub.s32 s4, s14;
	[tilespmem:$0x17980] =	vst v6  }
0x32c: {  	s4 =	sor.u32 s19, s4;
	[tilespmem:$0x17990] =	vst v6  }
0x32d: {  	v56 =	vld [tilespmem:s4+$0x17400];
	_ =	sdelay $0x4  }
0x32e: {  	v8 =	vnsel vm0, $0x0, v56  }
0x32f: {  	v57 =	vld [tilespmem:$0x17981];
	[tilespmem:$0x17980] =	vst v8  }
0x330: {  	[tilespmem:$0x17990] =	vst v8  }
0x331: {  	v58 =	vld [tilespmem:$0x17988];
	_ =	sdelay $0x4  }
0x332: {  	v8 =	vadd.f32 v58, v8;
	_ =	sdelay $0x1  }
0x333: {  	[tilespmem:$0x17980] =	vst v8  }
0x334: {  	[tilespmem:$0x17990] =	vst v8  }
0x335: {  	v59 =	vld [tilespmem:$0x17984];
	_ =	sdelay $0x4  }
0x336: {  	v8 =	vadd.f32 v59, v8;
	_ =	sdelay $0x1  }
0x337: {  	[tilespmem:$0x17980] =	vst v8  }
0x338: {  	[tilespmem:$0x17990] =	vst v8  }
0x339: {  	v60 =	vld [tilespmem:$0x17982];
	_ =	sdelay $0x4  }
0x33a: {  	v8 =	vadd.f32 v60, v8;
	_ =	sdelay $0x1  }
0x33b: {  	[tilespmem:$0x17980] =	vst v8  }
0x33c: {  	[tilespmem:$0x17990] =	vst v8  }
0x33d: {  	v61 =	vld [tilespmem:$0x17981];
	_ =	sdelay $0x1  }
0x33e: {  	v3 =	vadd.f32 v47, v3  }
0x33f: {  	v4 =	vadd.f32 v52, v4  }
0x340: {  	v3 =	vnsel vm7, $0x0, v3;
	v62 =	vadd.f32 v57, v6  }
0x341: {  	v3 =	vsel vm4, v3, v4;
	v63 =	vadd.f32 v61, v8  }
0x342: {  	v3 =	vsel vm5, v3, v62  }
0x343: {  	s21 =	simm.s32 $0x400;
	v3 =	vsel vm6, v3, v63  }
0x344: {  	s20 =	simm.s32 $0x80;
	s15 =	rddreg [dreg:$0xd];
	s10 =	simm.s32 $0x17800;
	[tilespmem:$0x17900] =	vst v3  }
0x345: {  	[hbm4b:s15+s20] =	stream.strided.scatter [tilespmem:s10], [sflag:$0x5], $0x180, s21, s20, $0x38;
	[tilespmem:$0x17A88] =	vst v63  }
0x346: {  	_ =	swait.ge [sflag:s25], $0x180  }
0x347: {  	s29 =	sadd.s32 $0x1, s29;
	s24 =	rddreg [dreg:$0xe]  }
0x348: {  	p0 =	sne.s32 s29, s24  }
.Ltmp13:
0x349: {  	_ = 	snop;
	(pc) =	sbr.rel @p0 .LBB2_1-.Ltmp13, $4  }
.Ltmp14:
0x34a: {  	_ = 	snop;
	(pc) =	sbr.rel @!p0 .LBB2_25-.Ltmp14, $4  }
0x34b: {  	_ = 	snop  }
0x34c: {  	[sflag:s25] =	ssyncset.done $0x0  }
0x34d: {  	[sflag:s25] =	ssyncadd.s32 $0xFFFFFE80  }
0x34e: {  	_ = 	snop  }
.LBB2_19:
.Ltmp15:
0x34f: {  	(pc) =	sbr.rel .LBB2_24-.Ltmp15, $3  }
0x350: {  	_ =	sdelay $0x1  }
0x351: {  	v26 =	vmov v9;
	v31 =	vmov v18  }
0x352: {  	v24 =	vmovc v3;
	v28 =	vmovc v5;
	v27 =	vmov v4;
	v34 =	vmov v17;
	v33 =	vmov v14  }
.LBB2_21:
.Ltmp16:
0x353: {  	(pc) =	sbr.rel .LBB2_24-.Ltmp16, $4  }
0x354: {  	_ = 	snop  }
0x355: {  	v48 =	vmov v20  }
0x356: {  	v50 =	vmovc v21;
	v26 =	vmovc v9;
	v20 =	vmov v49;
	v31 =	vmov v18;
	v24 =	vmov v3  }
0x357: {  	v28 =	vmovc v5;
	v27 =	vmovc v4;
	v21 =	vmov v47;
	v34 =	vmov v17;
	v33 =	vmov v14  }
.LBB2_25:
0x358: {  	_ =	sfence.sel $0x180000  }
0x359: {  	[bflag:$0x0] =	sbarrier.arrive $0xFFFF  }
0x35a: {  	_ =	strace $0x90000047  }
0x35b: {  	s0 =	stileid.u32;
	[bflag:$0x2] =	sbarrier.arrive $0xFFFF  }
0x35c: {  	p0 =	sne.s32 s0, $0x0;
	s0 =	rddreg [dreg:$0x4]  }
0x35d: {  	s0 =	sadd.s32 @!p0 $0x100000, s0  }
0x35e: {  	[sflag:s0] =	ssyncadd.tile.s32 @!p0 $0x1;
	_ =	shalt  }
.Lfunc_end2:
_tile_overlayer_lowered:
.L_overlay_start_2:
0x35f: {  	(tag) =	ssettag $0x2  }
0x360: {  	s0 =	rddreg [dreg:$0x0];
	s2 =	stileid.u32  }
0x361: {  	s1 =	rddreg [dreg:$0x1];
	p0 =	sne.s32 s2, $0x0  }
0x362: {  	s3 =	rddreg [dreg:$0x2];
	[bflag:$0x3] =	sbarrier.arrive $0xFFFF;
	s2 =	simm.s32 @!p0 $0x1C05  }
0x363: {  	[timem:s3], [sflag:s2] =	dma.local @!p0 [hbm:s0], s1  }
0x364: {  	s0 =	simm.s32 @!p0 $0x5  }
0x365: {  	_ =	swait.ge @!p0 [sflag:s0], s1  }
0x366: {  	s1 =	ssub.s32 @!p0 $0x0, s1;
	[sflag:s0] =	ssyncset.done @!p0 $0x0  }
0x367: {  	[sflag:s0] =	ssyncadd.s32 @!p0 s1  }
0x368: {  	[bflag:$0x3] =	sbarrier.arrive $0xFFFF  }
0x369: {  	_ =	shalt  }

// kernel: kernel.7.cloned.1.call-start
scs
__scs_entry_jumppad:
0x0: {  	(pc) =	sbr.rel $0x88, $3  }
0x1: {  	(tag) =	ssettag $0x0;
	lr =	simm.s32 $0x1  }
0x2: {  	[smem:$0x3F9F] =	sst lr;
	_ =	strace $0xD0000000  }
0x3: {  	_ = 	snop  }
0x4: {  	_ = 	snop  }
0x5: {  	_ = 	snop  }
0x6: {  	_ = 	snop  }
0x7: {  	_ = 	snop  }
__scs_overlays_trampoline_lowered:
0x8: {  	[smem:$0x3FAE] =	sst s0  }
0x9: {  	[smem:$0x3FAF] =	sst s1  }
0xa: {  	[smem:$0x3FB0] =	sst s2  }
0xb: {  	[smem:$0x3FB1] =	sst s3  }
0xc: {  	[smem:$0x3FB2] =	sst s4  }
0xd: {  	[smem:$0x3FB3] =	sst s5  }
0xe: {  	[smem:$0x3FB4] =	sst s6  }
0xf: {  	[smem:$0x3FB5] =	sst s7  }
0x10: {  	[smem:$0x3FB6] =	sst s8  }
0x11: {  	[smem:$0x3FB7] =	sst s9;
	s0 =	simm.s32 @!p0 $0x0  }
0x12: {  	s1 =	sld [smem:$0x3F9D];
	s0 =	simm.s32 @p0 $0x1  }
0x13: {  	[smem:$0x3FB8] =	sst s0;
	s0 =	simm.s32 @!p1 $0x0  }
0x14: {  	s2 =	sld [smem:$0x3F9C];
	s0 =	simm.s32 @p1 $0x1  }
0x15: {  	[smem:$0x3FB9] =	sst s0;
	s0 =	simm.s32 @!p2 $0x0  }
0x16: {  	s3 =	sld [smem:$0x3FDB];
	s0 =	simm.s32 @p2 $0x1  }
0x17: {  	s4 =	simm.s32 $0x1BF5;
	[smem:$0x3FBB] =	sst s0  }
0x18: {  	s0 =	sld [smem:$0x3F9E];
	_ =	swait.ge [sflag:s4], $0x0  }
0x19: {  	s7 =	sld [smem:$0x3F9F]  }
0x1a: {  	s8 =	sadd.s32 $0xFFFFE003, lr  }
0x1b: {  	s9 =	sadd.s32 $0xFFFFFEF7, lr;
	s5 =	simm.s32 $0xFFFFFFFF;
	p2 =	slt.u32 s8, $0xFFFFF086  }
0x1c: {  	p1 =	slt.u32 s9, $0xF7A;
	s5 =	simm.s32 @!p2 $0x0  }
0x1d: {  	s5 =	simm.s32 @p1 $0x1;
	p0 =	seq.s32 s7, s2  }
0x1e: {  	s7 =	smul.u32 @!p0 $0xF7A, s2;
	p2 =	seq.s32 @!p0 s5, $0x0  }
0x1f: {  	s9 =	smul.u32 $0xF7A, s1;
	s8 =	simm.s32 @!p0 $0x1BF5;
	p2 =	por !p2, p0  }
0x20: {  	[sflag:s8] =	ssyncset.s32 @!p0 $0xFFFFF086;
	s6 =	sadd.s32 @!p0 s3, s7;
	s7 =	simm.s32 @!p0 $0x108  }
0x21: {  	s3 =	sadd.s32 s3, s9;
	s6 =	sadd.s32 @!p0 $0x88, s6;
	s7 =	simm.s32 @p2 $0x1082  }
0x22: {  	[simem:s7], [sflag:s8] =	dma.local @!p0 [hbm:s6], $0xF7A  }
0x23: {  	s9 =	sor.u32 $0xD0000000, s2;
	s6 =	simm.s32 $0x108;
	_ =	swait.ge @!p0 [sflag:s8], $0x0  }
0x24: {  	s3 =	sadd.s32 $0x88, s3;
	s6 =	simm.s32 @!p1 $0x1082;
	[sflag:s4] =	ssyncset.s32 $0xFFFFF086  }
0x25: {  	[simem:s6], [sflag:s4] =	dma.local [hbm:s3], $0xF7A  }
0x26: {  	[smem:$0x3F9F] =	sst s1;
	(tag) =	ssettag s2;
	_ =	strace s9  }
0x27: {  	s1 =	sld [smem:$0x3FAF]  }
0x28: {  	s2 =	sld [smem:$0x3FB0]  }
0x29: {  	s4 =	sld [smem:$0x3FB2]  }
0x2a: {  	p0 =	seq.s32 s5, $0x0;
	s5 =	sld [smem:$0x3FB3]  }
0x2b: {  	s6 =	sld [smem:$0x3FB4]  }
0x2c: {  	s7 =	sld [smem:$0x3FB5]  }
0x2d: {  	s3 =	simm.s32 $0x108;
	s8 =	sld [smem:$0x3FB6]  }
0x2e: {  	s3 =	simm.s32 @!p0 $0x1082;
	s9 =	sld [smem:$0x3FB7]  }
0x2f: {  	lr =	sadd.s32 s0, s3;
	s0 =	sld [smem:$0x3FAE]  }
0x30: {  	s3 =	sld [smem:$0x3FB1]  }
0x31: {  	[smem:$0x3FBA] =	sst s10  }
0x32: {  	s10 =	sld [smem:$0x3FB8];
	_ =	sdelay $0x3  }
0x33: {  	p0 =	seq.s32 s10, $0x1;
	s10 =	sld [smem:$0x3FBA];
	_ =	sdelay $0x3  }
0x34: {  	[smem:$0x3FBA] =	sst s10  }
0x35: {  	s10 =	sld [smem:$0x3FB9];
	_ =	sdelay $0x3  }
0x36: {  	p1 =	seq.s32 s10, $0x1;
	s10 =	sld [smem:$0x3FBA];
	_ =	sdelay $0x3  }
0x37: {  	[smem:$0x3FBA] =	sst s10  }
0x38: {  	s10 =	sld [smem:$0x3FBB]  }
0x39: {  	_ = 	snop;
	(pc) =	sbr.ind lr, $3  }
0x3a: {  	_ = 	snop  }
0x3b: {  	_ = 	snop  }
0x3c: {  	p2 =	seq.s32 s10, $0x1;
	s10 =	sld [smem:$0x3FBA]  }
0x3d: {  	_ =	shalt  }
0x3e: {  	_ =	shalt  }
0x3f: {  	_ =	shalt  }
0x40: {  	_ =	shalt  }
0x41: {  	_ =	shalt  }
0x42: {  	_ =	shalt  }
0x43: {  	_ =	shalt  }
0x44: {  	_ =	shalt  }
0x45: {  	_ =	shalt  }
0x46: {  	_ =	shalt  }
0x47: {  	_ =	shalt  }
0x48: {  	_ =	shalt  }
0x49: {  	_ =	shalt  }
0x4a: {  	_ =	shalt  }
0x4b: {  	_ =	shalt  }
0x4c: {  	_ =	shalt  }
0x4d: {  	_ =	shalt  }
0x4e: {  	_ =	shalt  }
0x4f: {  	_ =	shalt  }
0x50: {  	_ =	shalt  }
0x51: {  	_ =	shalt  }
0x52: {  	_ =	shalt  }
0x53: {  	_ =	shalt  }
0x54: {  	_ =	shalt  }
0x55: {  	_ =	shalt  }
0x56: {  	_ =	shalt  }
0x57: {  	_ =	shalt  }
0x58: {  	_ =	shalt  }
0x59: {  	_ =	shalt  }
0x5a: {  	_ =	shalt  }
0x5b: {  	_ =	shalt  }
0x5c: {  	_ =	shalt  }
0x5d: {  	_ =	shalt  }
0x5e: {  	_ =	shalt  }
0x5f: {  	_ =	shalt  }
0x60: {  	_ =	shalt  }
0x61: {  	_ =	shalt  }
0x62: {  	_ =	shalt  }
0x63: {  	_ =	shalt  }
0x64: {  	_ =	shalt  }
0x65: {  	_ =	shalt  }
0x66: {  	_ =	shalt  }
0x67: {  	_ =	shalt  }
0x68: {  	_ =	shalt  }
0x69: {  	_ =	shalt  }
0x6a: {  	_ =	shalt  }
0x6b: {  	_ =	shalt  }
0x6c: {  	_ =	shalt  }
0x6d: {  	_ =	shalt  }
0x6e: {  	_ =	shalt  }
0x6f: {  	_ =	shalt  }
0x70: {  	_ =	shalt  }
0x71: {  	_ =	shalt  }
0x72: {  	_ =	shalt  }
0x73: {  	_ =	shalt  }
0x74: {  	_ =	shalt  }
0x75: {  	_ =	shalt  }
0x76: {  	_ =	shalt  }
0x77: {  	_ =	shalt  }
0x78: {  	_ =	shalt  }
0x79: {  	_ =	shalt  }
0x7a: {  	_ =	shalt  }
0x7b: {  	_ =	shalt  }
0x7c: {  	_ =	shalt  }
0x7d: {  	_ =	shalt  }
0x7e: {  	_ =	shalt  }
0x7f: {  	_ =	shalt  }
0x80: {  	_ =	shalt  }
0x81: {  	_ =	shalt  }
0x82: {  	_ =	shalt  }
0x83: {  	_ =	shalt  }
0x84: {  	_ =	shalt  }
0x85: {  	_ =	shalt  }
0x86: {  	_ =	shalt  }
0x87: {  	_ =	shalt  }
.Lfunc_end0:
.L_simem_size_0:
called_computation.1_lowered:
.L_overlay_start_0:
0x88: {  	s2 =	sld [smem:$0x3FD9]  }
0x89: {  	s3 =	sld [smem:$0x3FFE];
	_ =	sdelay $0x1  }
0x8a: {  	s1 =	srdreg.scid  }
0x8b: {  	s0 =	sand.u32 $0x1, s1  }
0x8c: {  	s16 =	sshll.u32 s0, $0xA;
	s2 =	sadd.s32 s3, s2  }
0x8d: {  	s2 =	sadd.s32 s2, s16  }
0x8e: {  	[smem:$0x3FC6] =	sst s2  }
0x8f: {  	_ = 	snop  }
0x90: {  	(tm) =	ssettm $0x1  }
0x91: {  	s17 =	sld [smem:$0x3FFB];
	_ =	sdelay $0x3  }
0x92: {  	_ =	strace s17  }
0x93: {  	s2 =	sld [smem:$0x3FFC];
	_ =	sdelay $0x3  }
0x94: {  	_ =	strace s2  }
0x95: {  	s2 =	sld [smem:$0x3FFD];
	_ =	sdelay $0x3  }
0x96: {  	_ =	strace s2  }
0x97: {  	_ =	strace $0x8FFFFFFF  }
0x98: {  	s18 =	sld [smem:$0x3FDB];
	_ =	sdelay $0x1  }
0x99: {  	s19 =	simm.s32 $_scs_section_size  }
0x9a: {  	s4 =	simm.s32 $_size__tile_overlayer_lowered;
	s5 =	simm.s32 $_tile_overlayer_lowered  }
0x9b: {  	s22 =	simm.s32 $0x1BFF;
	s21 =	sshll.u32 s5, $0x1;
	s2 =	sadd.s32 s19, s18  }
0x9c: {  	s6 =	simm.s32 $0x0;
	s20 =	sshll.u32 s4, $0x1;
	s4 =	sadd.s32 s21, s2  }
0x9d: {  	[timem:s6], [sflag:s22] =	dma.local [hbm:s4], s20  }
0x9e: {  	_ =	swait.ge [sflag:s22], s20  }
0x9f: {  	s3 =	ssub.s32 $0x0, s20;
	[sflag:s22] =	ssyncset.done $0x0  }
0xa0: {  	[sflag:s22] =	ssyncadd.s32 s3;
	_ =	sdelay $0x1  }
0xa1: {  	s23 =	simm.s32 $0x1B8B  }
0xa2: {  	_ =	swait.ge [sflag:s23], $0x1  }
0xa3: {  	[sflag:s23] =	ssyncset.done $0x0  }
0xa4: {  	s25 =	simm.s32 $0x1B8E;
	s24 =	sld [smem:$0x3FFE];
	[sflag:s23] =	ssyncadd.s32 $0xFFFFFFFF  }
0xa5: {  	s26 =	simm.s32 $execute0_lowered;
	[smem:$0x3FD2] =	sst s25  }
0xa6: {  	s4 =	sshll.u32 s26, $0x1;
	_ =	strace $0x80000049;
	[dreg:$0x1] =	wrdreg $0xFFFFFFFF  }
0xa7: {  	s28 =	simm.s32 $_size_execute0_lowered;
	s2 =	sadd.s32 s2, s4;
	[dreg:$0x0] =	wrdreg $0x0  }
0xa8: {  	s4 =	sshll.u32 s28, $0x1;
	[dreg:$0x2] =	wrdreg s2  }
0xa9: {  	[dreg:$0x3] =	wrdreg s4  }
0xaa: {  	[dreg:$0x4] =	wrdreg $0xC0  }
0xab: {  	_ =	task [dreg:s6], $0x5FFFF  }
0xac: {  	[dreg:$0x1] =	wrdreg $0xFFFFFFFF  }
0xad: {  	[dreg:$0x0] =	wrdreg $0x60  }
0xae: {  	[dreg:$0x2] =	wrdreg s24  }
0xaf: {  	[dreg:$0x3] =	wrdreg $0x9  }
0xb0: {  	_ =	task.clear_ibuf [dreg:s6], $0x4FFFF;
	_ =	strace $0x90000049  }
0xb1: {  	s29 =	simm.s32 $0x9;
	_ =	strace $0x8000004B  }
0xb2: {  	_ =	swait.ge [sflag:s29], $0x1  }
0xb3: {  	[sflag:s29] =	ssyncadd.s32 $0xFFFFFFFF  }
0xb4: {  	_ =	strace $0x9000004B  }
0xb5: {  	_ =	sfence  }
0xb6: {  	s30 =	sld [smem:$0x0];
	_ =	sdelay $0x2  }
0xb7: {  	s31 =	sshll.u32 s1, $0xD;
	s1 =	sshrl.u32 s1, $0x2  }
0xb8: {  	s3 =	sand.u32 $0x4000, s31;
	s1 =	sadd.s32 s1, s30  }
0xb9: {  	s0 =	sor.u32 s3, s0;
	s1 =	sshll.u32 s1, $0x11  }
0xba: {  	s0 =	sor.u32 s1, s0  }
0xbb: {  	s0 =	sadd.s32 $0x8F2B, s0  }
0xbc: {  	[sflag:s0] =	ssyncadd.remote.s32 $0x1  }
0xbd: {  	_ =	sfence.sel $0xFFFF  }
0xbe: {  	[dreg:$0x0] =	wrdreg $0xFFFFFFFF;
	(pc) =	sbr.abs _section_cstart, $3  }
0xbf: {  	[dreg:$0x1] =	wrdreg $0xFFFFFFFF  }
0xc0: {  	_ =	task.clear_ibuf [dreg:s6], $0x2FFFF;
	_ =	strace $0x9FFFFFFF  }
0xc1: {  	(tm) =	ssettm $0x7FFFFFFF  }
tec
execute0_lowered:
.L_overlay_start_1:
0x0: {  	(tag) =	ssettag $0x1  }
0x1: {  	s1 =	srdreg.scid;
	s0 =	stileid.u32  }
0x2: {  	s5 =	rddreg [dreg:$0x0];
	s3 =	sand.u32 $0x1, s1;
	s26 =	sshll.u32 s0, $0x1  }
0x3: {  	s6 =	sshrl.u32 s0, $0x2;
	s1 =	rddreg [dreg:$0x1];
	s31 =	sshll.u32 s0, $0x3  }
0x4: {  	s4 =	sor.u32 s3, s26;
	s8 =	sshll.u32 s6, $0xA;
	s10 =	ssub.s32 $0x2, s3  }
0x5: {  	s6 =	smul.u32 $0x3000, s6;
	s3 =	sadd.s32 $0x800, s5;
	s2 =	sshll.u32 s4, $0x7  }
0x6: {  	s4 =	sshll.u32 s4, $0x2;
	s29 =	sshrl.u32 s10, $0x1;
	s7 =	sand.u32 $0x380, s2  }
0x7: {  	s2 =	simm.s32 $0x0;
	s4 =	sand.u32 $0xC, s4;
	s30 =	ssub.s32 s10, s29  }
0x8: {  	v3 =	vlaneseq.u32;
	s6 =	sshrl.u32 s6, $0x2;
	s8 =	sor.u32 s8, s7;
	[smem:$0x7FF] =	sst s2  }
0x9: {  	vm4 =	vmmov $0x1;
	vm5 =	vcmask $0x310;
	s9 =	sor.u32 $0x2, s4;
	s28 =	sor.u32 $0x3, s4;
	v2 =	vmov s4;
	s4 =	sor.u32 $0x1, s4  }
0xa: {  	vm6 =	vcmask $0x710;
	vm7 =	vcmask $0xB10;
	s8 =	sshrl.u32 s8, $0x3;
	_ =	strace $0x8000004A;
	v4 =	vmov s4;
	s4 =	sand.u32 $0x70, s31  }
0xb: {  	v0 =	vmov s9;
	v1 =	vmov s28;
	vm3 =	veq.s32 v2, v3;
	s9 =	simm.s32 $0x3000;
	s8 =	sadd.s32 s8, s5;
	s5 =	sor.u32 s7, s6  }
0xc: {  	vm0 =	veq.s32 v1, v3;
	vm1 =	veq.s32 v0, v3;
	vm2 =	veq.s32 v4, v3;
	s7 =	smax.u32 s30, $0x1;
	s6 =	sadd.s32 $0xE00, s8;
	s8 =	simm.s32 $0x1  }
.LBB2_1:
0xd: {  	[tilespmem:s2], [sflag:$0x1] =	stream.linear.gather [hbm4b:s3+s2], $0x3000, $0x38;
	[tilespmem:$0x3100] =	vst v63  }
0xe: {  	_ =	swait.ge [sflag:s8], $0x3000  }
0xf: {  	[sflag:s8] =	ssyncset.done $0x0  }
0x10: {  	[sflag:s8] =	ssyncadd.s32 $0xFFFFD000  }
0x11: {  	v16 =	vld [tilespmem:s4+$0x0]  }
0x12: {  	v17 =	vld [tilespmem:s4+$0x80]  }
0x13: {  	v18 =	vld [tilespmem:s4+$0x100]  }
0x14: {  	v19 =	vld [tilespmem:s4+$0x180]  }
0x15: {  	v20 =	vld [tilespmem:s4+$0x200]  }
0x16: {  	v21 =	vld [tilespmem:s4+$0x280]  }
0x17: {  	v22 =	vld [tilespmem:s4+$0x300];
	v0 =	vmax.f32 v16, v17  }
0x18: {  	v23 =	vld [tilespmem:s4+$0x380];
	v0 =	vmax.f32 v0, v18  }
0x19: {  	v24 =	vld [tilespmem:s4+$0xC00];
	v0 =	vmax.f32 v0, v19  }
0x1a: {  	v25 =	vld [tilespmem:s4+$0xC80];
	v0 =	vmax.f32 v0, v20  }
0x1b: {  	v26 =	vld [tilespmem:s4+$0xD00];
	v0 =	vmax.f32 v0, v21  }
0x1c: {  	v27 =	vld [tilespmem:s4+$0xD80];
	v0 =	vmax.f32 v0, v22  }
0x1d: {  	v28 =	vld [tilespmem:s4+$0xE00];
	v0 =	vmax.f32 v0, v23  }
0x1e: {  	v29 =	vld [tilespmem:s4+$0xE80];
	v0 =	vmax.f32 v0, v24  }
0x1f: {  	v30 =	vld [tilespmem:s4+$0xF00];
	v0 =	vmax.f32 v0, v25  }
0x20: {  	v31 =	vld [tilespmem:s4+$0xF80];
	v0 =	vmax.f32 v0, v26  }
0x21: {  	v32 =	vld [tilespmem:s4+$0x1800];
	v0 =	vmax.f32 v0, v27  }
0x22: {  	v15 =	vld [tilespmem:s4+$0x1880];
	v0 =	vmax.f32 v0, v28  }
0x23: {  	v14 =	vld [tilespmem:s4+$0x1900];
	v0 =	vmax.f32 v0, v29  }
0x24: {  	v13 =	vld [tilespmem:s4+$0x1980];
	v0 =	vmax.f32 v0, v30  }
0x25: {  	v12 =	vld [tilespmem:s4+$0x1A00];
	v0 =	vmax.f32 v0, v31  }
0x26: {  	v11 =	vld [tilespmem:s4+$0x1A80];
	v0 =	vmax.f32 v0, v32  }
0x27: {  	v10 =	vld [tilespmem:s4+$0x1B00];
	v0 =	vmax.f32 v0, v15  }
0x28: {  	v9 =	vld [tilespmem:s4+$0x1B80];
	v0 =	vmax.f32 v0, v14  }
0x29: {  	v8 =	vld [tilespmem:s4+$0x2400];
	v0 =	vmax.f32 v0, v13  }
0x2a: {  	v1 =	vld [tilespmem:s4+$0x2480];
	v0 =	vmax.f32 v0, v12  }
0x2b: {  	v7 =	vld [tilespmem:s4+$0x2500];
	v0 =	vmax.f32 v0, v11  }
0x2c: {  	v6 =	vld [tilespmem:s4+$0x2580];
	v0 =	vmax.f32 v0, v10  }
0x2d: {  	v5 =	vld [tilespmem:s4+$0x2600];
	v0 =	vmax.f32 v0, v9  }
0x2e: {  	v4 =	vld [tilespmem:s4+$0x2680];
	v0 =	vmax.f32 v0, v8  }
0x2f: {  	v3 =	vld [tilespmem:s4+$0x2700];
	v0 =	vmax.f32 v0, v1  }
0x30: {  	v2 =	vld [tilespmem:s4+$0x2780];
	v0 =	vmax.f32 v0, v7  }
0x31: {  	v0 =	vmax.f32 v0, v6  }
0x32: {  	v0 =	vmax.f32 v0, v5  }
0x33: {  	v0 =	vmax.f32 v0, v4  }
0x34: {  	v0 =	vmax.f32 v0, v3  }
0x35: {  	v0 =	vmax.f32 v0, v2  }
0x36: {  	v16 =	vsub.f32 v16, v0;
	_ =	sdelay $0x1  }
0x37: {  	v16 =	vmul.f32 $1.442695020e+00, v16  }
0x38: {  	v17 =	vsub.f32 v17, v0  }
0x39: {  	(erf) = vpow2.f32 v16  }
0x3a: {  	v49 =	vmul.f32 $1.442695020e+00, v17  }
0x3b: {  	v50 =	vsub.f32 v18, v0  }
0x3c: {  	(erf) = vpow2.f32 v49  }
0x3d: {  	v52 =	vsub.f32 v19, v0;
	v51 =	vmul.f32 $1.442695020e+00, v50  }
0x3e: {  	v55 =	vsub.f32 v20, v0  }
0x3f: {  	v54 =	vmul.f32 $1.442695020e+00, v52;
	(erf) = vpow2.f32 v51  }
0x40: {  	v57 =	vmul.f32 $1.442695020e+00, v55  }
0x41: {  	v53 =	vld [tilespmem:s4+$0x400];
	v58 =	vsub.f32 v21, v0;
	(erf) = vpow2.f32 v54  }
0x42: {  	v59 =	vpop (erf);
	(erf) = vpow2.f32 v57  }
0x43: {  	v56 =	vld [tilespmem:s4+$0x480];
	v61 =	vsub.f32 v22, v0;
	v60 =	vmul.f32 $1.442695020e+00, v58  }
0x44: {  	v34 =	vsub.f32 v23, v0  }
0x45: {  	v62 =	vld [tilespmem:s4+$0x500];
	v33 =	vmul.f32 $1.442695020e+00, v61;
	v63 =	vpop (erf);
	(erf) = vpow2.f32 v60  }
0x46: {  	v36 =	vmul.f32 $1.442695020e+00, v34;
	v18 =	vmul.f32 v59, v53  }
0x47: {  	v35 =	vld [tilespmem:s4+$0x580];
	v39 =	vsub.f32 v24, v0;
	(erf) = vpow2.f32 v33  }
0x48: {  	v19 =	vmul.f32 v63, v56;
	v37 =	vpop (erf);
	v18 =	vadd.f32 $0.0e+00, v18;
	(erf) = vpow2.f32 v36  }
0x49: {  	v38 =	vld [tilespmem:s4+$0x600];
	v42 =	vmul.f32 $1.442695020e+00, v39  }
0x4a: {  	v43 =	vsub.f32 v25, v0;
	v17 =	vmul.f32 v37, v62;
	v40 =	vpop (erf);
	v18 =	vadd.f32 v18, v19  }
0x4b: {  	v41 =	vld [tilespmem:s4+$0x680];
	v47 =	vsub.f32 v26, v0;
	v44 =	vpop (erf);
	(erf) = vpow2.f32 v42  }
0x4c: {  	v46 =	vmul.f32 $1.442695020e+00, v43;
	v16 =	vmul.f32 v40, v35;
	v17 =	vadd.f32 v18, v17  }
0x4d: {  	v45 =	vld [tilespmem:s4+$0x700];
	v52 =	vsub.f32 v27, v0;
	v51 =	vmul.f32 $1.442695020e+00, v47  }
0x4e: {  	v16 =	vadd.f32 v17, v16;
	v48 =	vmul.f32 v38, v44;
	v49 =	vpop (erf);
	(erf) = vpow2.f32 v46  }
0x4f: {  	v50 =	vld [tilespmem:s4+$0x780];
	v61 =	vsub.f32 v29, v0;
	v55 =	vmul.f32 $1.442695020e+00, v52;
	v56 =	vsub.f32 v28, v0  }
0x50: {  	v53 =	vmul.f32 v41, v49;
	v54 =	vpop (erf);
	(erf) = vpow2.f32 v51;
	v16 =	vadd.f32 v16, v48  }
0x51: {  	v58 =	vld [tilespmem:s4+$0x1000];
	v60 =	vmul.f32 $1.442695020e+00, v56;
	v59 =	vpop (erf);
	(erf) = vpow2.f32 v55  }
0x52: {  	v63 =	vmul.f32 $1.442695020e+00, v61;
	v57 =	vmul.f32 v45, v54;
	v16 =	vadd.f32 v16, v53  }
0x53: {  	v26 =	vsub.f32 v30, v0;
	v62 =	vld [tilespmem:s4+$0x1080];
	(erf) = vpow2.f32 v60  }
0x54: {  	v21 =	vmul.f32 v50, v59;
	v16 =	vadd.f32 v16, v57;
	v24 =	vpop (erf);
	(erf) = vpow2.f32 v63  }
0x55: {  	v25 =	vld [tilespmem:s4+$0x1100];
	v30 =	vsub.f32 v31, v0  }
0x56: {  	v29 =	vmul.f32 $1.442695020e+00, v26;
	v16 =	vadd.f32 v16, v21;
	v18 =	vmul.f32 v58, v24  }
0x57: {  	v34 =	vmul.f32 $1.442695020e+00, v30;
	v28 =	vld [tilespmem:s4+$0x1180];
	v35 =	vsub.f32 v32, v0;
	v27 =	vpop (erf)  }
0x58: {  	v39 =	vld [tilespmem:s4+$0x1300];
	(erf) = vpow2.f32 v29;
	v17 =	vmul.f32 v62, v27;
	v16 =	vadd.f32 v16, v18  }
0x59: {  	v15 =	vsub.f32 v15, v0;
	v33 =	vld [tilespmem:s4+$0x1200];
	v40 =	vmul.f32 $1.442695020e+00, v35;
	v31 =	vpop (erf)  }
0x5a: {  	v52 =	vld [tilespmem:s4+$0x1E80];
	v36 =	vmul.f32 v25, v31;
	v38 =	vpop (erf);
	(erf) = vpow2.f32 v34;
	v16 =	vadd.f32 v16, v17  }
0x5b: {  	v14 =	vsub.f32 v14, v0;
	v15 =	vmul.f32 $1.442695020e+00, v15;
	v37 =	vld [tilespmem:s4+$0x1280]  }
0x5c: {  	v61 =	vld [tilespmem:s4+$0x2900];
	v41 =	vmul.f32 v28, v38;
	v43 =	vpop (erf);
	(erf) = vpow2.f32 v40;
	v16 =	vadd.f32 v16, v36  }
0x5d: {  	v13 =	vsub.f32 v13, v0;
	v32 =	vld [tilespmem:s4+$0x2B00];
	v47 =	vpop (erf);
	(erf) = vpow2.f32 v15  }
0x5e: {  	v14 =	vmul.f32 $1.442695020e+00, v14;
	v35 =	vld [tilespmem:s4+$0x2B80];
	v45 =	vmul.f32 v33, v43;
	v16 =	vadd.f32 v16, v41  }
0x5f: {  	v12 =	vsub.f32 v12, v0;
	v13 =	vmul.f32 $1.442695020e+00, v13;
	v42 =	vld [tilespmem:s4+$0x1380]  }
0x60: {  	v44 =	vld [tilespmem:s4+$0x1C00];
	v18 =	vmul.f32 v37, v47;
	(erf) = vpow2.f32 v14;
	v16 =	vadd.f32 v16, v45  }
0x61: {  	v11 =	vsub.f32 v11, v0;
	v46 =	vld [tilespmem:s4+$0x1C80];
	v51 =	vpop (erf);
	(erf) = vpow2.f32 v13  }
0x62: {  	v12 =	vmul.f32 $1.442695020e+00, v12;
	v49 =	vld [tilespmem:s4+$0x1D80];
	v17 =	vmul.f32 v39, v51;
	v16 =	vadd.f32 v16, v18  }
0x63: {  	v10 =	vsub.f32 v10, v0;
	v11 =	vmul.f32 $1.442695020e+00, v11;
	v48 =	vld [tilespmem:s4+$0x1D00];
	v54 =	vpop (erf)  }
0x64: {  	v55 =	vld [tilespmem:s4+$0x1F80];
	(erf) = vpow2.f32 v12;
	v56 =	vmul.f32 v42, v54;
	v16 =	vadd.f32 v16, v17  }
0x65: {  	v9 =	vsub.f32 v9, v0;
	v10 =	vmul.f32 $1.442695020e+00, v10;
	v50 =	vld [tilespmem:s4+$0x1E00];
	v58 =	vpop (erf)  }
0x66: {  	v59 =	vld [tilespmem:s4+$0x2880];
	v60 =	vmul.f32 v44, v58;
	v16 =	vadd.f32 v16, v56;
	v62 =	vpop (erf);
	(erf) = vpow2.f32 v11  }
0x67: {  	v8 =	vsub.f32 v8, v0;
	v9 =	vmul.f32 $1.442695020e+00, v9;
	v53 =	vld [tilespmem:s4+$0x1F00]  }
0x68: {  	v57 =	vld [tilespmem:s4+$0x2800];
	v16 =	vadd.f32 v16, v60;
	v28 =	vmul.f32 v46, v62;
	(erf) = vpow2.f32 v10  }
0x69: {  	v8 =	vmul.f32 $1.442695020e+00, v8;
	v63 =	vld [tilespmem:s4+$0x2980];
	v34 =	vsub.f32 v1, v0;
	v30 =	vpop (erf)  }
0x6a: {  	v29 =	vld [tilespmem:s4+$0x2A00];
	v15 =	vmul.f32 v48, v30;
	v33 =	vpop (erf);
	(erf) = vpow2.f32 v9;
	v16 =	vadd.f32 v16, v28  }
0x6b: {  	v7 =	vsub.f32 v7, v0;
	v31 =	vld [tilespmem:s4+$0x2A80];
	v38 =	vmul.f32 $1.442695020e+00, v34;
	v37 =	vnsel vm3, $0x0, v0  }
0x6c: {  	v1 =	vld [tilespmem:s5+$0x800];
	[tilespmem:$0x3080] =	vst v37;
	v36 =	vmul.f32 v49, v33;
	(erf) = vpow2.f32 v8;
	v15 =	vadd.f32 v16, v15  }
0x6d: {  	v6 =	vsub.f32 v6, v0;
	[tilespmem:$0x3090] =	vst v37;
	v40 =	vpop (erf);
	(erf) = vpow2.f32 v38  }
0x6e: {  	v7 =	vmul.f32 $1.442695020e+00, v7;
	v41 =	vld [tilespmem:$0x3088];
	v14 =	vmul.f32 v50, v40;
	v39 =	vadd.f32 v15, v36  }
0x6f: {  	v5 =	vsub.f32 v5, v0;
	v6 =	vmul.f32 $1.442695020e+00, v6;
	v42 =	vpop (erf)  }
0x70: {  	v9 =	vadd.f32 v39, v14;
	(erf) = vpow2.f32 v7;
	v43 =	vmul.f32 v52, v42  }
0x71: {  	v4 =	vsub.f32 v4, v0;
	v5 =	vmul.f32 $1.442695020e+00, v5;
	v44 =	vpop (erf)  }
0x72: {  	(erf) = vpow2.f32 v6;
	v46 =	vmul.f32 v53, v44;
	v45 =	vadd.f32 v9, v43  }
0x73: {  	v3 =	vsub.f32 v3, v0;
	v4 =	vmul.f32 $1.442695020e+00, v4;
	v8 =	vadd.f32 v41, v37;
	v47 =	vpop (erf)  }
0x74: {  	(erf) = vpow2.f32 v5;
	v6 =	vmul.f32 v55, v47;
	v7 =	vadd.f32 v45, v46  }
0x75: {  	v2 =	vsub.f32 v2, v0;
	v3 =	vmul.f32 $1.442695020e+00, v3;
	[tilespmem:$0x3080] =	vst v8;
	v48 =	vpop (erf)  }
0x76: {  	[tilespmem:$0x3090] =	vst v8;
	v50 =	vmul.f32 v57, v48;
	v51 =	vpop (erf);
	(erf) = vpow2.f32 v4;
	v49 =	vadd.f32 v7, v6  }
0x77: {  	v2 =	vmul.f32 $1.442695020e+00, v2;
	v52 =	vld [tilespmem:$0x3084]  }
0x78: {  	(erf) = vpow2.f32 v3;
	v7 =	vmul.f32 v59, v51;
	v5 =	vadd.f32 v49, v50  }
0x79: {  	v53 =	vpop (erf)  }
0x7a: {  	(erf) = vpow2.f32 v2;
	v3 =	vmul.f32 v61, v53;
	v5 =	vadd.f32 v5, v7  }
0x7b: {  	v54 =	vpop (erf)  }
0x7c: {  	v4 =	vadd.f32 v52, v8;
	v2 =	vmul.f32 v63, v54;
	v3 =	vadd.f32 v5, v3  }
0x7d: {  	v55 =	vpop (erf)  }
0x7e: {  	[tilespmem:$0x3080] =	vst v4;
	v56 =	vmul.f32 v29, v55;
	v2 =	vadd.f32 v3, v2  }
0x7f: {  	[tilespmem:$0x3090] =	vst v4;
	v57 =	vpop (erf)  }
0x80: {  	v58 =	vld [tilespmem:$0x3082];
	v59 =	vmul.f32 v31, v57;
	v2 =	vadd.f32 v2, v56  }
0x81: {  	v60 =	vpop (erf)  }
0x82: {  	v61 =	vmul.f32 v32, v60;
	v2 =	vadd.f32 v2, v59  }
0x83: {  	v62 =	vpop (erf)  }
0x84: {  	v5 =	vmul.f32 v35, v62;
	v3 =	vadd.f32 v2, v61  }
0x85: {  	v63 =	vadd.f32 v58, v4  }
0x86: {  	v20 =	vadd.f32 v3, v5  }
0x87: {  	[tilespmem:$0x3080] =	vst v63  }
0x88: {  	[tilespmem:$0x3090] =	vst v63;
	v5 =	vnsel vm3, $0x0, v20  }
0x89: {  	v21 =	vld [tilespmem:$0x3081];
	[tilespmem:$0x3080] =	vst v5  }
0x8a: {  	[tilespmem:$0x3090] =	vst v5  }
0x8b: {  	v22 =	vld [tilespmem:$0x3088];
	_ =	sdelay $0x4  }
0x8c: {  	v5 =	vadd.f32 v22, v5;
	_ =	sdelay $0x1  }
0x8d: {  	[tilespmem:$0x3080] =	vst v5  }
0x8e: {  	[tilespmem:$0x3090] =	vst v5  }
0x8f: {  	v23 =	vld [tilespmem:$0x3084];
	_ =	sdelay $0x4  }
0x90: {  	v5 =	vadd.f32 v23, v5;
	_ =	sdelay $0x1  }
0x91: {  	[tilespmem:$0x3080] =	vst v5  }
0x92: {  	[tilespmem:$0x3090] =	vst v5  }
0x93: {  	v24 =	vld [tilespmem:$0x3082];
	_ =	sdelay $0x4  }
0x94: {  	v5 =	vadd.f32 v24, v5;
	_ =	sdelay $0x1  }
0x95: {  	[tilespmem:$0x3080] =	vst v5  }
0x96: {  	v26 =	vnsel vm2, $0x0, v0;
	[tilespmem:$0x3090] =	vst v5  }
0x97: {  	v25 =	vld [tilespmem:$0x3081];
	[tilespmem:$0x3080] =	vst v26  }
0x98: {  	[tilespmem:$0x3090] =	vst v26  }
0x99: {  	v27 =	vld [tilespmem:$0x3088];
	_ =	sdelay $0x4  }
0x9a: {  	v7 =	vadd.f32 v27, v26;
	_ =	sdelay $0x1  }
0x9b: {  	[tilespmem:$0x3080] =	vst v7  }
0x9c: {  	[tilespmem:$0x3090] =	vst v7  }
0x9d: {  	v28 =	vld [tilespmem:$0x3084];
	_ =	sdelay $0x4  }
0x9e: {  	v7 =	vadd.f32 v28, v7;
	_ =	sdelay $0x1  }
0x9f: {  	[tilespmem:$0x3080] =	vst v7  }
0xa0: {  	[tilespmem:$0x3090] =	vst v7  }
0xa1: {  	v29 =	vld [tilespmem:$0x3082];
	_ =	sdelay $0x4  }
0xa2: {  	v7 =	vadd.f32 v29, v7;
	_ =	sdelay $0x1  }
0xa3: {  	[tilespmem:$0x3080] =	vst v7  }
0xa4: {  	v31 =	vnsel vm2, $0x0, v20;
	[tilespmem:$0x3090] =	vst v7  }
0xa5: {  	v30 =	vld [tilespmem:$0x3081];
	[tilespmem:$0x3080] =	vst v31  }
0xa6: {  	[tilespmem:$0x3090] =	vst v31  }
0xa7: {  	v32 =	vld [tilespmem:$0x3088];
	_ =	sdelay $0x4  }
0xa8: {  	v9 =	vadd.f32 v32, v31;
	_ =	sdelay $0x1  }
0xa9: {  	[tilespmem:$0x3080] =	vst v9  }
0xaa: {  	[tilespmem:$0x3090] =	vst v9  }
0xab: {  	v33 =	vld [tilespmem:$0x3084];
	_ =	sdelay $0x4  }
0xac: {  	v9 =	vadd.f32 v33, v9;
	_ =	sdelay $0x1  }
0xad: {  	[tilespmem:$0x3080] =	vst v9  }
0xae: {  	[tilespmem:$0x3090] =	vst v9  }
0xaf: {  	v34 =	vld [tilespmem:$0x3082];
	_ =	sdelay $0x4  }
0xb0: {  	v9 =	vadd.f32 v34, v9;
	_ =	sdelay $0x1  }
0xb1: {  	[tilespmem:$0x3080] =	vst v9  }
0xb2: {  	v36 =	vnsel vm1, $0x0, v0;
	[tilespmem:$0x3090] =	vst v9  }
0xb3: {  	v35 =	vld [tilespmem:$0x3081];
	[tilespmem:$0x3080] =	vst v36  }
0xb4: {  	[tilespmem:$0x3090] =	vst v36  }
0xb5: {  	v37 =	vld [tilespmem:$0x3088];
	_ =	sdelay $0x4  }
0xb6: {  	v11 =	vadd.f32 v37, v36;
	_ =	sdelay $0x1  }
0xb7: {  	[tilespmem:$0x3080] =	vst v11  }
0xb8: {  	[tilespmem:$0x3090] =	vst v11  }
0xb9: {  	v38 =	vld [tilespmem:$0x3084];
	_ =	sdelay $0x4  }
0xba: {  	v11 =	vadd.f32 v38, v11;
	_ =	sdelay $0x1  }
0xbb: {  	[tilespmem:$0x3080] =	vst v11  }
0xbc: {  	[tilespmem:$0x3090] =	vst v11  }
0xbd: {  	v39 =	vld [tilespmem:$0x3082];
	_ =	sdelay $0x4  }
0xbe: {  	v11 =	vadd.f32 v39, v11;
	_ =	sdelay $0x1  }
0xbf: {  	[tilespmem:$0x3080] =	vst v11  }
0xc0: {  	v41 =	vnsel vm1, $0x0, v20;
	[tilespmem:$0x3090] =	vst v11  }
0xc1: {  	v40 =	vld [tilespmem:$0x3081];
	[tilespmem:$0x3080] =	vst v41  }
0xc2: {  	[tilespmem:$0x3090] =	vst v41  }
0xc3: {  	v42 =	vld [tilespmem:$0x3088];
	_ =	sdelay $0x4  }
0xc4: {  	v13 =	vadd.f32 v42, v41;
	_ =	sdelay $0x1  }
0xc5: {  	[tilespmem:$0x3080] =	vst v13  }
0xc6: {  	[tilespmem:$0x3090] =	vst v13  }
0xc7: {  	v43 =	vld [tilespmem:$0x3084];
	_ =	sdelay $0x4  }
0xc8: {  	v13 =	vadd.f32 v43, v13;
	_ =	sdelay $0x1  }
0xc9: {  	[tilespmem:$0x3080] =	vst v13  }
0xca: {  	[tilespmem:$0x3090] =	vst v13  }
0xcb: {  	v44 =	vld [tilespmem:$0x3082];
	_ =	sdelay $0x4  }
0xcc: {  	v13 =	vadd.f32 v44, v13;
	_ =	sdelay $0x1  }
0xcd: {  	[tilespmem:$0x3080] =	vst v13  }
0xce: {  	v0 =	vnsel vm0, $0x0, v0;
	[tilespmem:$0x3090] =	vst v13  }
0xcf: {  	v45 =	vld [tilespmem:$0x3081];
	[tilespmem:$0x3080] =	vst v0  }
0xd0: {  	[tilespmem:$0x3090] =	vst v0  }
0xd1: {  	v46 =	vld [tilespmem:$0x3088];
	_ =	sdelay $0x4  }
0xd2: {  	v0 =	vadd.f32 v46, v0;
	_ =	sdelay $0x1  }
0xd3: {  	[tilespmem:$0x3080] =	vst v0  }
0xd4: {  	[tilespmem:$0x3090] =	vst v0  }
0xd5: {  	v47 =	vld [tilespmem:$0x3084];
	_ =	sdelay $0x4  }
0xd6: {  	v0 =	vadd.f32 v47, v0;
	_ =	sdelay $0x1  }
0xd7: {  	[tilespmem:$0x3080] =	vst v0  }
0xd8: {  	[tilespmem:$0x3090] =	vst v0  }
0xd9: {  	v48 =	vld [tilespmem:$0x3082];
	_ =	sdelay $0x4  }
0xda: {  	v0 =	vadd.f32 v48, v0;
	_ =	sdelay $0x1  }
0xdb: {  	[tilespmem:$0x3080] =	vst v0  }
0xdc: {  	v4 =	vnsel vm0, $0x0, v20;
	[tilespmem:$0x3090] =	vst v0  }
0xdd: {  	v49 =	vld [tilespmem:$0x3081];
	[tilespmem:$0x3080] =	vst v4  }
0xde: {  	[tilespmem:$0x3090] =	vst v4  }
0xdf: {  	v50 =	vld [tilespmem:$0x3088];
	_ =	sdelay $0x4  }
0xe0: {  	v4 =	vadd.f32 v50, v4;
	_ =	sdelay $0x1  }
0xe1: {  	[tilespmem:$0x3080] =	vst v4  }
0xe2: {  	[tilespmem:$0x3090] =	vst v4  }
0xe3: {  	v51 =	vld [tilespmem:$0x3084];
	_ =	sdelay $0x4  }
0xe4: {  	v4 =	vadd.f32 v51, v4;
	_ =	sdelay $0x1  }
0xe5: {  	[tilespmem:$0x3080] =	vst v4  }
0xe6: {  	[tilespmem:$0x3090] =	vst v4  }
0xe7: {  	v52 =	vld [tilespmem:$0x3082];
	_ =	sdelay $0x4  }
0xe8: {  	v4 =	vadd.f32 v52, v4;
	_ =	sdelay $0x1  }
0xe9: {  	[tilespmem:$0x3080] =	vst v4  }
0xea: {  	[tilespmem:$0x3090] =	vst v4  }
0xeb: {  	v53 =	vld [tilespmem:$0x3081];
	_ =	sdelay $0x1  }
0xec: {  	v5 =	vadd.f32 v25, v5  }
0xed: {  	v54 =	vadd.f32 v35, v9  }
0xee: {  	v5 =	vnsel vm4, $0x3F800000, v5;
	v55 =	vadd.f32 v45, v13  }
0xef: {  	v5 =	vsel vm5, v5, v54;
	v4 =	vadd.f32 v53, v4  }
0xf0: {  	v5 =	vsel vm6, v5, v55  }
0xf1: {  	v4 =	vsel vm7, v5, v4  }
0xf2: {  	v5 =	vand.u32 $0x7FFFFF, v4  }
0xf3: {  	v5 =	vor.u32 $0x3F800000, v5  }
0xf4: {  	v5 =	vadd.f32 $-1.000000000e+00, v5  }
0xf5: {  	v56 =	vshrl.u32 v4, $0x17  }
0xf6: {  	v6 =	vand.u32 $0xFF, v56;
	v57 =	vmul.f32 $-5.000000000e-01, v5  }
0xf7: {  	v6 =	vadd.s32 $0xFFFFFF81, v6  }
0xf8: {  	v6 =	vcvt.s32.f32 v6;
	v9 =	vadd.f32 $1.000000000e+00, v57;
	_ =	sdelay $0x1  }
0xf9: {  	v6 =	vmul.f32 $6.931471820e-01, v6;
	v5 =	vmul.f32 v9, v5;
	_ =	sdelay $0x1  }
0xfa: {  	v5 =	vadd.f32 v5, v6;
	_ =	sdelay $0x1  }
0xfb: {  	v6 =	vsub.f32 $0.0e+00, v5;
	_ =	sdelay $0x1  }
0xfc: {  	v6 =	vmul.f32 $1.442695020e+00, v6;
	_ =	sdelay $0x1  }
0xfd: {  	(erf) = vpow2.f32 v6;
	_ =	sdelay $0x8  }
0xfe: {  	v6 =	vpop (erf)  }
0xff: {  	v6 =	vmul.f32 v6, v4;
	_ =	sdelay $0x1  }
0x100: {  	v5 =	vadd.f32 v6, v5;
	_ =	sdelay $0x1  }
0x101: {  	v5 =	vadd.f32 $-1.000000000e+00, v5;
	_ =	sdelay $0x1  }
0x102: {  	v58 =	vsub.f32 $0.0e+00, v5;
	_ =	sdelay $0x1  }
0x103: {  	v6 =	vmul.f32 $1.442695020e+00, v58;
	_ =	sdelay $0x1  }
0x104: {  	(erf) = vpow2.f32 v6;
	_ =	sdelay $0x8  }
0x105: {  	v6 =	vpop (erf)  }
0x106: {  	v6 =	vmul.f32 v6, v4;
	_ =	sdelay $0x1  }
0x107: {  	v5 =	vadd.f32 v6, v5;
	_ =	sdelay $0x1  }
0x108: {  	v5 =	vadd.f32 $-1.000000000e+00, v5;
	_ =	sdelay $0x1  }
0x109: {  	v59 =	vsub.f32 $0.0e+00, v5;
	_ =	sdelay $0x1  }
0x10a: {  	v6 =	vmul.f32 $1.442695020e+00, v59;
	_ =	sdelay $0x1  }
0x10b: {  	(erf) = vpow2.f32 v6;
	_ =	sdelay $0x7  }
0x10c: {  	v2 =	vadd.f32 v21, v63  }
0x10d: {  	v60 =	vadd.f32 v30, v7;
	v6 =	vpop (erf)  }
0x10e: {  	v2 =	vnsel vm4, $0x0, v2;
	v61 =	vadd.f32 v40, v11;
	v4 =	vmul.f32 v6, v4  }
0x10f: {  	v2 =	vsel vm5, v2, v60;
	v0 =	vadd.f32 v49, v0  }
0x110: {  	v2 =	vsel vm6, v2, v61;
	v62 =	vadd.f32 v4, v5  }
0x111: {  	v0 =	vsel vm7, v2, v0  }
0x112: {  	v0 =	vsub.f32 v1, v0;
	v63 =	vadd.f32 $-1.000000000e+00, v62;
	_ =	sdelay $0x1  }
0x113: {  	v0 =	vsub.f32 v0, v63  }
0x114: {  	p0 =	sne.s32 s7, $0x1  }
.Ltmp0:
0x115: {  	[tilespmem:$0x3000] =	vst v0;
	(pc) =	sbr.rel @p0 .LBB2_1-.Ltmp0, $4  }
0x116: {  	[hbm4b:s6+s2] =	stream.linear.scatter [tilespmem:s9], [sflag:$0x1], $0x80, $0x38;
	[tilespmem:$0x3100] =	vst v63  }
0x117: {  	_ =	swait.ge [sflag:s8], $0x80  }
0x118: {  	[sflag:s8] =	ssyncset.done $0x0  }
0x119: {  	s7 =	sadd.s32 $0xFFFFFFFF, s7;
	[sflag:s8] =	ssyncadd.s32 $0xFFFFFF80  }
0x11a: {  	_ =	sfence.sel $0x180000  }
0x11b: {  	[bflag:$0x0] =	sbarrier.arrive $0xFFFF  }
0x11c: {  	p0 =	sne.s32 s0, $0x0;
	_ =	strace $0x9000004A  }
0x11d: {  	s0 =	sadd.s32 @!p0 $0x100000, s1;
	[bflag:$0x2] =	sbarrier.arrive $0xFFFF  }
0x11e: {  	[sflag:s0] =	ssyncadd.tile.s32 @!p0 $0x1;
	_ =	shalt  }
.Lfunc_end2:
_tile_overlayer_lowered:
.L_overlay_start_2:
0x11f: {  	(tag) =	ssettag $0x2  }
0x120: {  	s0 =	rddreg [dreg:$0x0];
	s2 =	stileid.u32  }
0x121: {  	s1 =	rddreg [dreg:$0x1];
	p0 =	sne.s32 s2, $0x0  }
0x122: {  	s3 =	rddreg [dreg:$0x2];
	[bflag:$0x3] =	sbarrier.arrive $0xFFFF;
	s2 =	simm.s32 @!p0 $0x1C01  }
0x123: {  	[timem:s3], [sflag:s2] =	dma.local @!p0 [hbm:s0], s1  }
0x124: {  	s0 =	simm.s32 @!p0 $0x1  }
0x125: {  	_ =	swait.ge @!p0 [sflag:s0], s1  }
0x126: {  	s1 =	ssub.s32 @!p0 $0x0, s1;
	[sflag:s0] =	ssyncset.done @!p0 $0x0  }
0x127: {  	[sflag:s0] =	ssyncadd.s32 @!p0 s1  }
0x128: {  	[bflag:$0x3] =	sbarrier.arrive $0xFFFF  }
0x129: {  	_ =	shalt  }

</sc_bundles>
